<compile_context>
chip_gen: v7x
topology: tpu7x:2x2x1
jax: 0.10.2.dev20260603
libtpu: 0.0.44.dev20260713+nightly
codegen_flags: <defaults>
</compile_context>

<pallas_src>
import functools

import jax
import jax.numpy as jnp
from jax import lax
from jax.experimental import pallas as pl
from jax.experimental.pallas import tpu as pltpu
from jax.experimental.pallas import tpu_sc as plsc


def kernel(x, pe):
    B, L, E = x.shape
    NW = 32
    RPW = L // NW
    CR = 16
    NCHUNK = RPW // CR
    NPAIR = NCHUNK // 2

    mesh = plsc.VectorSubcoreMesh(core_axis_name="c", subcore_axis_name="s")

    @functools.partial(
        pl.kernel,
        out_type=jax.ShapeDtypeStruct((B, L, E), jnp.float32),
        mesh=mesh,
        scratch_types=[
            pltpu.VMEM((B, CR, E), jnp.float32),
            pltpu.VMEM((B, CR, E), jnp.float32),
            pltpu.VMEM((CR, E), jnp.float32),
            pltpu.VMEM((CR, E), jnp.float32),
            pltpu.VMEM((CR,), jnp.int32),
            pltpu.VMEM((CR,), jnp.int32),
            pltpu.SemaphoreType.DMA,
            pltpu.SemaphoreType.DMA,
            pltpu.SemaphoreType.DMA,
            pltpu.SemaphoreType.DMA,
            pltpu.SemaphoreType.DMA,
            pltpu.SemaphoreType.DMA,
        ],
    )
    def run(x_hbm, pe_hbm, out_hbm, xb0, xb1, peb0, peb1, idx0, idx1,
            in_s0, in_s1, out_s0, out_s1, pe_s0, pe_s1):
        xbufs = (xb0, xb1)
        pebufs = (peb0, peb1)
        idxs = (idx0, idx1)
        in_sems = (in_s0, in_s1)
        out_sems = (out_s0, out_s1)
        pe_sems = (pe_s0, pe_s1)

        wid = lax.axis_index("s") * 2 + lax.axis_index("c")
        base = wid * RPW
        lanes = lax.iota(jnp.int32, 16)

        def row0(t):
            return pl.multiple_of(base + t * CR, CR)

        def start_in(t, p):
            pltpu.async_copy(x_hbm.at[:, pl.ds(row0(t), CR)], xbufs[p],
                             in_sems[p])

        def wait_in(t, p):
            pltpu.make_async_copy(x_hbm.at[:, pl.ds(row0(t), CR)], xbufs[p],
                                  in_sems[p]).wait()

        def start_out(t, p):
            pltpu.async_copy(xbufs[p], out_hbm.at[:, pl.ds(row0(t), CR)],
                             out_sems[p])

        def wait_out(t, p):
            pltpu.make_async_copy(xbufs[p], out_hbm.at[:, pl.ds(row0(t), CR)],
                                  out_sems[p]).wait()

        def start_pe(t, p):
            idxs[p][pl.ds(0, 16)] = lanes + (row0(t) + 1)
            return pltpu.async_copy(pe_hbm.at[idxs[p]], pebufs[p], pe_sems[p])

        def compute(p):
            xb = xbufs[p]
            peb = pebufs[p]

            def row_body(r, carry):
                for cc in range(E // 16):
                    sl = pl.ds(cc * 16, 16)
                    pv = peb[r, sl]
                    for b in range(B):
                        plsc.addupdate(xb.at[b, r, sl], pv)
                return carry

            lax.fori_loop(0, CR, row_body, 0)

        start_in(0, 0)

        def pair_body(i, carry):
            t = i * 2

            pe_cp0 = start_pe(t, 0)
            pe_cp1 = start_pe(t + 1, 1)
            wait_in(t, 0)

            @pl.when(i > 0)
            def _():
                wait_out(t - 1, 1)

            start_in(t + 1, 1)
            pe_cp0.wait()
            compute(0)
            start_out(t, 0)

            wait_in(t + 1, 1)
            wait_out(t, 0)

            @pl.when(i + 1 < NPAIR)
            def _():
                start_in(t + 2, 0)

            pe_cp1.wait()
            compute(1)
            start_out(t + 1, 1)
            return carry

        lax.fori_loop(0, NPAIR, pair_body, 0)
        wait_out(NCHUNK - 1, 1)

    return run(x, pe)

# --- scband reference (transcript-rebuilt; emitter-appended) ---
"""Pipeline reference for scband-positional-encoding-28217935135404 (READ-ONLY COPY).

The authoritative reference and input builder live on the scoring server;
editing this copy changes nothing except your own understanding.
"""

import jax, jax.numpy as jnp
import numpy as np
import math


def _build_pe(d_model, max_len):
    # tensor2tensor-style sinusoidal table, matching the torch __init__
    max_len = max_len + 2
    half_dim = d_model // 2
    e = math.log(10000) / (half_dim - 1)
    e = np.exp(np.arange(half_dim, dtype=np.float32) * -e)
    e = np.arange(max_len, dtype=np.float32)[:, None] * e[None, :]
    pe = np.concatenate([np.sin(e), np.cos(e)], axis=1).reshape(max_len, -1)
    if d_model % 2 == 1:
        pe = np.concatenate([pe, np.zeros((max_len, 1), dtype=np.float32)], axis=1)
    pe[0, :] = 0.0
    return jnp.asarray(pe, dtype=jnp.float32)


def setup_inputs(seed: int = 0) -> dict:
    key = jax.random.key(seed)
    x = jax.random.normal(key, (4, 8192, 768), dtype=jnp.float32)
    pe = _build_pe(768, 8192)  # frozen embedding table [8194, 768]
    return {"x": x, "pe": pe}


def reference(x, pe):
    # forward with input_lens=None, residual=True, dropout p=0.0 (identity)
    B, L, _ = x.shape
    input_pos = jnp.broadcast_to(jnp.arange(1, L + 1, dtype=jnp.int32)[None, :], (B, L))
    pos_emb = jnp.take(pe, input_pos, axis=0)  # embedding lookup: [B, L, E]
    out = pos_emb + x
    return out

if __name__ == "__main__":
    import jax
    _d = setup_inputs()
    print(jax.jit(kernel)(*tuple(_d.values())))

</pallas_src>

<mosaic_0001>
#map = affine_map<(d0, d1) -> (0, 0, 0)>
#map1 = affine_map<(d0, d1) -> (0, 0)>
module attributes {stable_mosaic.version = 14 : i64} {
  func.func @run(%arg0: i32, %arg1: i32, %arg2: memref<4x8192x768xf32, #tpu.memory_space<hbm>>, %arg3: memref<8194x768xf32, #tpu.memory_space<hbm>>, %arg4: memref<4x8192x768xf32, #tpu.memory_space<hbm>>, %arg5: memref<4x16x768xf32, #tpu.memory_space<vmem>>, %arg6: memref<4x16x768xf32, #tpu.memory_space<vmem>>, %arg7: memref<16x768xf32, #tpu.memory_space<vmem>>, %arg8: memref<16x768xf32, #tpu.memory_space<vmem>>, %arg9: memref<16xi32, #tpu.memory_space<vmem>>, %arg10: memref<16xi32, #tpu.memory_space<vmem>>, %arg11: memref<!tpu.dma_semaphore, #tpu.memory_space<semaphore_mem>>, %arg12: memref<!tpu.dma_semaphore, #tpu.memory_space<semaphore_mem>>, %arg13: memref<!tpu.dma_semaphore, #tpu.memory_space<semaphore_mem>>, %arg14: memref<!tpu.dma_semaphore, #tpu.memory_space<semaphore_mem>>, %arg15: memref<!tpu.dma_semaphore, #tpu.memory_space<semaphore_mem>>, %arg16: memref<!tpu.dma_semaphore, #tpu.memory_space<semaphore_mem>>) attributes {dimension_semantics = [#tpu.dimension_semantics<core_parallel>, #tpu.dimension_semantics<subcore_parallel>], iteration_bounds = array<i64: 2, 16>, scalar_prefetch = 0 : i64, scratch_operands = 12 : i64, tpu.core_type = #tpu.core_type<sc_vector_subcore>, window_params = [{transform_indices = #map}, {transform_indices = #map1}, {transform_indices = #map}]} {
    %mul3A = arith.constant 2 : i32
    %mul3A_0 = arith.muli %arg1, %mul3A : i32
    %add3A = arith.addi %mul3A_0, %arg0 : i32
    %mul3A_1 = arith.constant 256 : i32
    %mul3A_2 = arith.muli %add3A, %mul3A_1 : i32
    %iota3A = tpu.iota {dimensions = array<i32: 0>} : vector<16xi32>
    %add3A_3 = arith.constant 0 : i32
    %add3A_4 = arith.addi %mul3A_2, %add3A_3 : i32
    %multiple_of3A = tpu.assume_multiple %add3A_4, 16 : i32
    %dma_start3A = arith.constant 0 : i32
    %dma_start3A_5 = arith.constant 0 : i32
    %dma_start3A_6 = tpu.memref_slice %arg2[%dma_start3A, %multiple_of3A, %dma_start3A_5] : memref<4x8192x768xf32, #tpu.memory_space<hbm>> -> memref<4x16x768xf32, #tpu.memory_space<hbm>>
    %dma_start3A_7 = arith.constant 0 : i32
    %dma_start3A_8 = arith.constant 0 : i32
    %dma_start3A_9 = tpu.memref_slice %arg2[%dma_start3A_7, %multiple_of3A, %dma_start3A_8] : memref<4x8192x768xf32, #tpu.memory_space<hbm>> -> memref<4x16x768xf32, #tpu.memory_space<hbm>>
    tpu.enqueue_dma source(%dma_start3A_9 : memref<4x16x768xf32, #tpu.memory_space<hbm>>) target(%arg5 : memref<4x16x768xf32, #tpu.memory_space<vmem>>) target_semaphore(%arg11 : memref<!tpu.dma_semaphore, #tpu.memory_space<semaphore_mem>>)
    %scan3A = arith.constant 0 : i32
    %scan3A_10 = arith.constant 0 : i32
    %scan3A_11 = arith.constant 8 : i32
    %scan3A_12 = arith.addi %scan3A_10, %scan3A_11 : i32
    %scan3A_13 = arith.constant 1 : i32
    scf.for %scan3A_23 = %scan3A_10 to %scan3A_12 step %scan3A_13  : i32 {
      %mul3A_24 = arith.constant 2 : i32
      %mul3A_25 = arith.muli %scan3A_23, %mul3A_24 : i32
      %mul3A_26 = arith.constant 16 : i32
      %mul3A_27 = arith.muli %mul3A_25, %mul3A_26 : i32
      %add3A_28 = arith.addi %mul3A_2, %mul3A_27 : i32
      %multiple_of3A_29 = tpu.assume_multiple %add3A_28, 16 : i32
      %add3A_30 = arith.constant 1 : i32
      %add3A_31 = arith.addi %multiple_of3A_29, %add3A_30 : i32
      %add3A_32 = vector.broadcast %add3A_31 : i32 to vector<16xi32>
      %add3A_33 = arith.addi %iota3A, %add3A_32 : vector<16xi32>
      %swap3A = arith.constant 0 : index
      %swap3A_34 = tpu.vector_load %arg9[%swap3A] {strides = array<i32>} : memref<16xi32, #tpu.memory_space<vmem>>, vector<16xi32>,
      %swap3A_35 = vector.shape_cast %swap3A_34 : vector<16xi32> to vector<16xi32>
      %swap3A_36 = vector.shape_cast %add3A_33 : vector<16xi32> to vector<16xi32>
      tpu.vector_store %arg9[%swap3A], %swap3A_36 {strides = array<i32>} : memref<16xi32, #tpu.memory_space<vmem>>, vector<16xi32>,
      %dma_start3A_37 = arith.constant 0 : i32
      %dma_start3A_38 = arith.constant 0 : i32
      %dma_start3A_39 = tpu.memref_slice %arg3[%dma_start3A_37, %dma_start3A_38] : memref<8194x768xf32, #tpu.memory_space<hbm>> -> memref<8194x768xf32, #tpu.memory_space<hbm>>
      tpu.enqueue_indirect_dma source(%dma_start3A_39 : memref<8194x768xf32, #tpu.memory_space<hbm>>) target(%arg7 : memref<16x768xf32, #tpu.memory_space<vmem>>) offsets(%arg9 : memref<16xi32, #tpu.memory_space<vmem>>) semaphore(%arg15 : memref<!tpu.dma_semaphore, #tpu.memory_space<semaphore_mem>>)
      %add3A_40 = arith.constant 1 : i32
      %add3A_41 = arith.addi %mul3A_25, %add3A_40 : i32
      %mul3A_42 = arith.constant 16 : i32
      %mul3A_43 = arith.muli %add3A_41, %mul3A_42 : i32
      %add3A_44 = arith.addi %mul3A_2, %mul3A_43 : i32
      %multiple_of3A_45 = tpu.assume_multiple %add3A_44, 16 : i32
      %add3A_46 = arith.constant 1 : i32
      %add3A_47 = arith.addi %multiple_of3A_45, %add3A_46 : i32
      %add3A_48 = vector.broadcast %add3A_47 : i32 to vector<16xi32>
      %add3A_49 = arith.addi %iota3A, %add3A_48 : vector<16xi32>
      %swap3A_50 = arith.constant 0 : index
      %swap3A_51 = tpu.vector_load %arg10[%swap3A_50] {strides = array<i32>} : memref<16xi32, #tpu.memory_space<vmem>>, vector<16xi32>,
      %swap3A_52 = vector.shape_cast %swap3A_51 : vector<16xi32> to vector<16xi32>
      %swap3A_53 = vector.shape_cast %add3A_49 : vector<16xi32> to vector<16xi32>
      tpu.vector_store %arg10[%swap3A_50], %swap3A_53 {strides = array<i32>} : memref<16xi32, #tpu.memory_space<vmem>>, vector<16xi32>,
      %dma_start3A_54 = arith.constant 0 : i32
      %dma_start3A_55 = arith.constant 0 : i32
      %dma_start3A_56 = tpu.memref_slice %arg3[%dma_start3A_54, %dma_start3A_55] : memref<8194x768xf32, #tpu.memory_space<hbm>> -> memref<8194x768xf32, #tpu.memory_space<hbm>>
      tpu.enqueue_indirect_dma source(%dma_start3A_56 : memref<8194x768xf32, #tpu.memory_space<hbm>>) target(%arg8 : memref<16x768xf32, #tpu.memory_space<vmem>>) offsets(%arg10 : memref<16xi32, #tpu.memory_space<vmem>>) semaphore(%arg16 : memref<!tpu.dma_semaphore, #tpu.memory_space<semaphore_mem>>)
      %mul3A_57 = arith.constant 16 : i32
      %mul3A_58 = arith.muli %mul3A_25, %mul3A_57 : i32
      %add3A_59 = arith.addi %mul3A_2, %mul3A_58 : i32
      %multiple_of3A_60 = tpu.assume_multiple %add3A_59, 16 : i32
      %dma_wait3A_61 = arith.constant 0 : i32
      %dma_wait3A_62 = arith.constant 0 : i32
      %dma_wait3A_63 = tpu.memref_slice %arg2[%dma_wait3A_61, %multiple_of3A_60, %dma_wait3A_62] : memref<4x8192x768xf32, #tpu.memory_space<hbm>> -> memref<4x16x768xf32, #tpu.memory_space<hbm>>
      %dma_wait3A_64 = arith.constant 0 : i32
      %dma_wait3A_65 = arith.constant 0 : i32
      %dma_wait3A_66 = tpu.memref_slice %arg2[%dma_wait3A_64, %multiple_of3A_60, %dma_wait3A_65] : memref<4x8192x768xf32, #tpu.memory_space<hbm>> -> memref<4x16x768xf32, #tpu.memory_space<hbm>>
      tpu.wait_dma2 semaphore(%arg11 : memref<!tpu.dma_semaphore, #tpu.memory_space<semaphore_mem>>) src(%dma_wait3A_66 : memref<4x16x768xf32, #tpu.memory_space<hbm>>) dst(%arg5 : memref<4x16x768xf32, #tpu.memory_space<vmem>>)
      %gt3A = arith.constant 0 : i32
      %gt3A_67 = arith.cmpi sgt, %scan3A_23, %gt3A : i32
      %convert_element_type3A = arith.extui %gt3A_67 : i1 to i32
      %cond3A = arith.constant 0 : i32
      %cond3A_68 = arith.cmpi ne, %convert_element_type3A, %cond3A : i32
      scf.if %cond3A_68 {
        %sub3A = arith.constant 1 : i32
        %sub3A_149 = arith.subi %mul3A_25, %sub3A : i32
        %mul3A_150 = arith.constant 16 : i32
        %mul3A_151 = arith.muli %sub3A_149, %mul3A_150 : i32
        %add3A_152 = arith.addi %mul3A_2, %mul3A_151 : i32
        %multiple_of3A_153 = tpu.assume_multiple %add3A_152, 16 : i32
        %dma_wait3A_154 = arith.constant 0 : i32
        %dma_wait3A_155 = arith.constant 0 : i32
        %dma_wait3A_156 = tpu.memref_slice %arg4[%dma_wait3A_154, %multiple_of3A_153, %dma_wait3A_155] : memref<4x8192x768xf32, #tpu.memory_space<hbm>> -> memref<4x16x768xf32, #tpu.memory_space<hbm>>
        %dma_wait3A_157 = arith.constant 0 : i32
        %dma_wait3A_158 = arith.constant 0 : i32
        %dma_wait3A_159 = tpu.memref_slice %arg4[%dma_wait3A_157, %multiple_of3A_153, %dma_wait3A_158] : memref<4x8192x768xf32, #tpu.memory_space<hbm>> -> memref<4x16x768xf32, #tpu.memory_space<hbm>>
        tpu.wait_dma2 semaphore(%arg14 : memref<!tpu.dma_semaphore, #tpu.memory_space<semaphore_mem>>) src(%arg6 : memref<4x16x768xf32, #tpu.memory_space<vmem>>) dst(%dma_wait3A_159 : memref<4x16x768xf32, #tpu.memory_space<hbm>>)
      } else {
      }
      %add3A_69 = arith.constant 1 : i32
      %add3A_70 = arith.addi %mul3A_25, %add3A_69 : i32
      %mul3A_71 = arith.constant 16 : i32
      %mul3A_72 = arith.muli %add3A_70, %mul3A_71 : i32
      %add3A_73 = arith.addi %mul3A_2, %mul3A_72 : i32
      %multiple_of3A_74 = tpu.assume_multiple %add3A_73, 16 : i32
      %dma_start3A_75 = arith.constant 0 : i32
      %dma_start3A_76 = arith.constant 0 : i32
      %dma_start3A_77 = tpu.memref_slice %arg2[%dma_start3A_75, %multiple_of3A_74, %dma_start3A_76] : memref<4x8192x768xf32, #tpu.memory_space<hbm>> -> memref<4x16x768xf32, #tpu.memory_space<hbm>>
      %dma_start3A_78 = arith.constant 0 : i32
      %dma_start3A_79 = arith.constant 0 : i32
      %dma_start3A_80 = tpu.memref_slice %arg2[%dma_start3A_78, %multiple_of3A_74, %dma_start3A_79] : memref<4x8192x768xf32, #tpu.memory_space<hbm>> -> memref<4x16x768xf32, #tpu.memory_space<hbm>>
      tpu.enqueue_dma source(%dma_start3A_80 : memref<4x16x768xf32, #tpu.memory_space<hbm>>) target(%arg6 : memref<4x16x768xf32, #tpu.memory_space<vmem>>) target_semaphore(%arg12 : memref<!tpu.dma_semaphore, #tpu.memory_space<semaphore_mem>>)
      %dma_wait3A_81 = arith.constant 0 : i32
      %dma_wait3A_82 = arith.constant 0 : i32
      %dma_wait3A_83 = tpu.memref_slice %arg3[%dma_wait3A_81, %dma_wait3A_82] : memref<8194x768xf32, #tpu.memory_space<hbm>> -> memref<8194x768xf32, #tpu.memory_space<hbm>>
      tpu.wait_indirect_dma semaphore(%arg15 : memref<!tpu.dma_semaphore, #tpu.memory_space<semaphore_mem>>) src(%dma_wait3A_83 : memref<8194x768xf32, #tpu.memory_space<hbm>>) dst(%arg7 : memref<16x768xf32, #tpu.memory_space<vmem>>)
      %scan3A_84 = arith.constant 0 : i32
      %scan3A_85 = arith.constant 0 : i32
      %scan3A_86 = arith.constant 16 : i32
      %scan3A_87 = arith.addi %scan3A_85, %scan3A_86 : i32
      %scan3A_88 = arith.constant 1 : i32
      scf.for %scan3A_149 = %scan3A_85 to %scan3A_87 step %scan3A_88  : i32 {
        %get3A = arith.index_cast %scan3A_149 : i32 to index
        %get3A_150 = arith.constant 0 : index
        %get3A_151 = tpu.vector_load %arg7[%get3A, %get3A_150] {strides = array<i32>} : memref<16x768xf32, #tpu.memory_space<vmem>>, vector<1x16xf32>,
        %get3A_152 = vector.shape_cast %get3A_151 : vector<1x16xf32> to vector<16xf32>
        %swap3A_153 = arith.constant 0 : i32
        %swap3A_154 = arith.index_cast %swap3A_153 : i32 to index
        %swap3A_155 = arith.index_cast %scan3A_149 : i32 to index
        %swap3A_156 = arith.constant 0 : index
        %swap3A_157 = tpu.vector_load %arg5[%swap3A_154, %swap3A_155, %swap3A_156] {strides = array<i32>} : memref<4x16x768xf32, #tpu.memory_space<vmem>>, vector<1x1x16xf32>,
        %swap3A_158 = vector.shape_cast %swap3A_157 : vector<1x1x16xf32> to vector<16xf32>
        %swap3A_159 = vector.shape_cast %get3A_152 : vector<16xf32> to vector<1x1x16xf32>
        tpu.vector_store %arg5[%swap3A_154, %swap3A_155, %swap3A_156], %swap3A_159 {add = true, strides = array<i32>} : memref<4x16x768xf32, #tpu.memory_space<vmem>>, vector<1x1x16xf32>,
        %swap3A_160 = arith.constant 1 : i32
        %swap3A_161 = arith.index_cast %swap3A_160 : i32 to index
        %swap3A_162 = arith.index_cast %scan3A_149 : i32 to index
        %swap3A_163 = arith.constant 0 : index
        %swap3A_164 = tpu.vector_load %arg5[%swap3A_161, %swap3A_162, %swap3A_163] {strides = array<i32>} : memref<4x16x768xf32, #tpu.memory_space<vmem>>, vector<1x1x16xf32>,
        %swap3A_165 = vector.shape_cast %swap3A_164 : vector<1x1x16xf32> to vector<16xf32>
        %swap3A_166 = vector.shape_cast %get3A_152 : vector<16xf32> to vector<1x1x16xf32>
        tpu.vector_store %arg5[%swap3A_161, %swap3A_162, %swap3A_163], %swap3A_166 {add = true, strides = array<i32>} : memref<4x16x768xf32, #tpu.memory_space<vmem>>, vector<1x1x16xf32>,
        %swap3A_167 = arith.constant 2 : i32
        %swap3A_168 = arith.index_cast %swap3A_167 : i32 to index
        %swap3A_169 = arith.index_cast %scan3A_149 : i32 to index
        %swap3A_170 = arith.constant 0 : index
        %swap3A_171 = tpu.vector_load %arg5[%swap3A_168, %swap3A_169, %swap3A_170] {strides = array<i32>} : memref<4x16x768xf32, #tpu.memory_space<vmem>>, vector<1x1x16xf32>,
        %swap3A_172 = vector.shape_cast %swap3A_171 : vector<1x1x16xf32> to vector<16xf32>
        %swap3A_173 = vector.shape_cast %get3A_152 : vector<16xf32> to vector<1x1x16xf32>
        tpu.vector_store %arg5[%swap3A_168, %swap3A_169, %swap3A_170], %swap3A_173 {add = true, strides = array<i32>} : memref<4x16x768xf32, #tpu.memory_space<vmem>>, vector<1x1x16xf32>,
        %swap3A_174 = arith.constant 3 : i32
        %swap3A_175 = arith.index_cast %swap3A_174 : i32 to index
        %swap3A_176 = arith.index_cast %scan3A_149 : i32 to index
        %swap3A_177 = arith.constant 0 : index
        %swap3A_178 = tpu.vector_load %arg5[%swap3A_175, %swap3A_176, %swap3A_177] {strides = array<i32>} : memref<4x16x768xf32, #tpu.memory_space<vmem>>, vector<1x1x16xf32>,
        %swap3A_179 = vector.shape_cast %swap3A_178 : vector<1x1x16xf32> to vector<16xf32>
        %swap3A_180 = vector.shape_cast %get3A_152 : vector<16xf32> to vector<1x1x16xf32>
        tpu.vector_store %arg5[%swap3A_175, %swap3A_176, %swap3A_177], %swap3A_180 {add = true, strides = array<i32>} : memref<4x16x768xf32, #tpu.memory_space<vmem>>, vector<1x1x16xf32>,
        %get3A_181 = arith.index_cast %scan3A_149 : i32 to index
        %get3A_182 = arith.constant 16 : index
        %get3A_183 = tpu.vector_load %arg7[%get3A_181, %get3A_182] {strides = array<i32>} : memref<16x768xf32, #tpu.memory_space<vmem>>, vector<1x16xf32>,
        %get3A_184 = vector.shape_cast %get3A_183 : vector<1x16xf32> to vector<16xf32>
        %swap3A_185 = arith.constant 0 : i32
        %swap3A_186 = arith.index_cast %swap3A_185 : i32 to index
        %swap3A_187 = arith.index_cast %scan3A_149 : i32 to index
        %swap3A_188 = arith.constant 16 : index
        %swap3A_189 = tpu.vector_load %arg5[%swap3A_186, %swap3A_187, %swap3A_188] {strides = array<i32>} : memref<4x16x768xf32, #tpu.memory_space<vmem>>, vector<1x1x16xf32>,
        %swap3A_190 = vector.shape_cast %swap3A_189 : vector<1x1x16xf32> to vector<16xf32>
        %swap3A_191 = vector.shape_cast %get3A_184 : vector<16xf32> to vector<1x1x16xf32>
        tpu.vector_store %arg5[%swap3A_186, %swap3A_187, %swap3A_188], %swap3A_191 {add = true, strides = array<i32>} : memref<4x16x768xf32, #tpu.memory_space<vmem>>, vector<1x1x16xf32>,
        %swap3A_192 = arith.constant 1 : i32
        %swap3A_193 = arith.index_cast %swap3A_192 : i32 to index
        %swap3A_194 = arith.index_cast %scan3A_149 : i32 to index
        %swap3A_195 = arith.constant 16 : index
        %swap3A_196 = tpu.vector_load %arg5[%swap3A_193, %swap3A_194, %swap3A_195] {strides = array<i32>} : memref<4x16x768xf32, #tpu.memory_space<vmem>>, vector<1x1x16xf32>,
        %swap3A_197 = vector.shape_cast %swap3A_196 : vector<1x1x16xf32> to vector<16xf32>
        %swap3A_198 = vector.shape_cast %get3A_184 : vector<16xf32> to vector<1x1x16xf32>
        tpu.vector_store %arg5[%swap3A_193, %swap3A_194, %swap3A_195], %swap3A_198 {add = true, strides = array<i32>} : memref<4x16x768xf32, #tpu.memory_space<vmem>>, vector<1x1x16xf32>,
        %swap3A_199 = arith.constant 2 : i32
        %swap3A_200 = arith.index_cast %swap3A_199 : i32 to index
        %swap3A_201 = arith.index_cast %scan3A_149 : i32 to index
        %swap3A_202 = arith.constant 16 : index
        %swap3A_203 = tpu.vector_load %arg5[%swap3A_200, %swap3A_201, %swap3A_202] {strides = array<i32>} : memref<4x16x768xf32, #tpu.memory_space<vmem>>, vector<1x1x16xf32>,
        %swap3A_204 = vector.shape_cast %swap3A_203 : vector<1x1x16xf32> to vector<16xf32>
        %swap3A_205 = vector.shape_cast %get3A_184 : vector<16xf32> to vector<1x1x16xf32>
        tpu.vector_store %arg5[%swap3A_200, %swap3A_201, %swap3A_202], %swap3A_205 {add = true, strides = array<i32>} : memref<4x16x768xf32, #tpu.memory_space<vmem>>, vector<1x1x16xf32>,
        %swap3A_206 = arith.constant 3 : i32
        %swap3A_207 = arith.index_cast %swap3A_206 : i32 to index
        %swap3A_208 = arith.index_cast %scan3A_149 : i32 to index
        %swap3A_209 = arith.constant 16 : index
        %swap3A_210 = tpu.vector_load %arg5[%swap3A_207, %swap3A_208, %swap3A_209] {strides = array<i32>} : memref<4x16x768xf32, #tpu.memory_space<vmem>>, vector<1x1x16xf32>,
        %swap3A_211 = vector.shape_cast %swap3A_210 : vector<1x1x16xf32> to vector<16xf32>
        %swap3A_212 = vector.shape_cast %get3A_184 : vector<16xf32> to vector<1x1x16xf32>
        tpu.vector_store %arg5[%swap3A_207, %swap3A_208, %swap3A_209], %swap3A_212 {add = true, strides = array<i32>} : memref<4x16x768xf32, #tpu.memory_space<vmem>>, vector<1x1x16xf32>,
        %get3A_213 = arith.index_cast %scan3A_149 : i32 to index
        %get3A_214 = arith.constant 32 : index
        %get3A_215 = tpu.vector_load %arg7[%get3A_213, %get3A_214] {strides = array<i32>} : memref<16x768xf32, #tpu.memory_space<vmem>>, vector<1x16xf32>,
        %get3A_216 = vector.shape_cast %get3A_215 : vector<1x16xf32> to vector<16xf32>
        %swap3A_217 = arith.constant 0 : i32
        %swap3A_218 = arith.index_cast %swap3A_217 : i32 to index
        %swap3A_219 = arith.index_cast %scan3A_149 : i32 to index
        %swap3A_220 = arith.constant 32 : index
        %swap3A_221 = tpu.vector_load %arg5[%swap3A_218, %swap3A_219, %swap3A_220] {strides = array<i32>} : memref<4x16x768xf32, #tpu.memory_space<vmem>>, vector<1x1x16xf32>,
        %swap3A_222 = vector.shape_cast %swap3A_221 : vector<1x1x16xf32> to vector<16xf32>
        %swap3A_223 = vector.shape_cast %get3A_216 : vector<16xf32> to vector<1x1x16xf32>
        tpu.vector_store %arg5[%swap3A_218, %swap3A_219, %swap3A_220], %swap3A_223 {add = true, strides = array<i32>} : memref<4x16x768xf32, #tpu.memory_space<vmem>>, vector<1x1x16xf32>,
        %swap3A_224 = arith.constant 1 : i32
        %swap3A_225 = arith.index_cast %swap3A_224 : i32 to index
        %swap3A_226 = arith.index_cast %scan3A_149 : i32 to index
        %swap3A_227 = arith.constant 32 : index
        %swap3A_228 = tpu.vector_load %arg5[%swap3A_225, %swap3A_226, %swap3A_227] {strides = array<i32>} : memref<4x16x768xf32, #tpu.memory_space<vmem>>, vector<1x1x16xf32>,
        %swap3A_229 = vector.shape_cast %swap3A_228 : vector<1x1x16xf32> to vector<16xf32>
        %swap3A_230 = vector.shape_cast %get3A_216 : vector<16xf32> to vector<1x1x16xf32>
        tpu.vector_store %arg5[%swap3A_225, %swap3A_226, %swap3A_227], %swap3A_230 {add = true, strides = array<i32>} : memref<4x16x768xf32, #tpu.memory_space<vmem>>, vector<1x1x16xf32>,
        %swap3A_231 = arith.constant 2 : i32
        %swap3A_232 = arith.index_cast %swap3A_231 : i32 to index
        %swap3A_233 = arith.index_cast %scan3A_149 : i32 to index
        %swap3A_234 = arith.constant 32 : index
        %swap3A_235 = tpu.vector_load %arg5[%swap3A_232, %swap3A_233, %swap3A_234] {strides = array<i32>} : memref<4x16x768xf32, #tpu.memory_space<vmem>>, vector<1x1x16xf32>,
        %swap3A_236 = vector.shape_cast %swap3A_235 : vector<1x1x16xf32> to vector<16xf32>
        %swap3A_237 = vector.shape_cast %get3A_216 : vector<16xf32> to vector<1x1x16xf32>
        tpu.vector_store %arg5[%swap3A_232, %swap3A_233, %swap3A_234], %swap3A_237 {add = true, strides = array<i32>} : memref<4x16x768xf32, #tpu.memory_space<vmem>>, vector<1x1x16xf32>,
        %swap3A_238 = arith.constant 3 : i32
        %swap3A_239 = arith.index_cast %swap3A_238 : i32 to index
        %swap3A_240 = arith.index_cast %scan3A_149 : i32 to index
        %swap3A_241 = arith.constant 32 : index
        %swap3A_242 = tpu.vector_load %arg5[%swap3A_239, %swap3A_240, %swap3A_241] {strides = array<i32>} : memref<4x16x768xf32, #tpu.memory_space<vmem>>, vector<1x1x16xf32>,
        %swap3A_243 = vector.shape_cast %swap3A_242 : vector<1x1x16xf32> to vector<16xf32>
        %swap3A_244 = vector.shape_cast %get3A_216 : vector<16xf32> to vector<1x1x16xf32>
        tpu.vector_store %arg5[%swap3A_239, %swap3A_240, %swap3A_241], %swap3A_244 {add = true, strides = array<i32>} : memref<4x16x768xf32, #tpu.memory_space<vmem>>, vector<1x1x16xf32>,
        %get3A_245 = arith.index_cast %scan3A_149 : i32 to index
        %get3A_246 = arith.constant 48 : index
        %get3A_247 = tpu.vector_load %arg7[%get3A_245, %get3A_246] {strides = array<i32>} : memref<16x768xf32, #tpu.memory_space<vmem>>, vector<1x16xf32>,
        %get3A_248 = vector.shape_cast %get3A_247 : vector<1x16xf32> to vector<16xf32>
        %swap3A_249 = arith.constant 0 : i32
        %swap3A_250 = arith.index_cast %swap3A_249 : i32 to index
        %swap3A_251 = arith.index_cast %scan3A_149 : i32 to index
        %swap3A_252 = arith.constant 48 : index
        %swap3A_253 = tpu.vector_load %arg5[%swap3A_250, %swap3A_251, %swap3A_252] {strides = array<i32>} : memref<4x16x768xf32, #tpu.memory_space<vmem>>, vector<1x1x16xf32>,
        %swap3A_254 = vector.shape_cast %swap3A_253 : vector<1x1x16xf32> to vector<16xf32>
        %swap3A_255 = vector.shape_cast %get3A_248 : vector<16xf32> to vector<1x1x16xf32>
        tpu.vector_store %arg5[%swap3A_250, %swap3A_251, %swap3A_252], %swap3A_255 {add = true, strides = array<i32>} : memref<4x16x768xf32, #tpu.memory_space<vmem>>, vector<1x1x16xf32>,
        %swap3A_256 = arith.constant 1 : i32
        %swap3A_257 = arith.index_cast %swap3A_256 : i32 to index
        %swap3A_258 = arith.index_cast %scan3A_149 : i32 to index
        %swap3A_259 = arith.constant 48 : index
        %swap3A_260 = tpu.vector_load %arg5[%swap3A_257, %swap3A_258, %swap3A_259] {strides = array<i32>} : memref<4x16x768xf32, #tpu.memory_space<vmem>>, vector<1x1x16xf32>,
        %swap3A_261 = vector.shape_cast %swap3A_260 : vector<1x1x16xf32> to vector<16xf32>
        %swap3A_262 = vector.shape_cast %get3A_248 : vector<16xf32> to vector<1x1x16xf32>
        tpu.vector_store %arg5[%swap3A_257, %swap3A_258, %swap3A_259], %swap3A_262 {add = true, strides = array<i32>} : memref<4x16x768xf32, #tpu.memory_space<vmem>>, vector<1x1x16xf32>,
        %swap3A_263 = arith.constant 2 : i32
        %swap3A_264 = arith.index_cast %swap3A_263 : i32 to index
        %swap3A_265 = arith.index_cast %scan3A_149 : i32 to index
        %swap3A_266 = arith.constant 48 : index
        %swap3A_267 = tpu.vector_load %arg5[%swap3A_264, %swap3A_265, %swap3A_266] {strides = array<i32>} : memref<4x16x768xf32, #tpu.memory_space<vmem>>, vector<1x1x16xf32>,
        %swap3A_268 = vector.shape_cast %swap3A_267 : vector<1x1x16xf32> to vector<16xf32>
        %swap3A_269 = vector.shape_cast %get3A_248 : vector<16xf32> to vector<1x1x16xf32>
        tpu.vector_store %arg5[%swap3A_264, %swap3A_265, %swap3A_266], %swap3A_269 {add = true, strides = array<i32>} : memref<4x16x768xf32, #tpu.memory_space<vmem>>, vector<1x1x16xf32>,
        %swap3A_270 = arith.constant 3 : i32
        %swap3A_271 = arith.index_cast %swap3A_270 : i32 to index
        %swap3A_272 = arith.index_cast %scan3A_149 : i32 to index
        %swap3A_273 = arith.constant 48 : index
        %swap3A_274 = tpu.vector_load %arg5[%swap3A_271, %swap3A_272, %swap3A_273] {strides = array<i32>} : memref<4x16x768xf32, #tpu.memory_space<vmem>>, vector<1x1x16xf32>,
        %swap3A_275 = vector.shape_cast %swap3A_274 : vector<1x1x16xf32> to vector<16xf32>
        %swap3A_276 = vector.shape_cast %get3A_248 : vector<16xf32> to vector<1x1x16xf32>
        tpu.vector_store %arg5[%swap3A_271, %swap3A_272, %swap3A_273], %swap3A_276 {add = true, strides = array<i32>} : memref<4x16x768xf32, #tpu.memory_space<vmem>>, vector<1x1x16xf32>,
        %get3A_277 = arith.index_cast %scan3A_149 : i32 to index
        %get3A_278 = arith.constant 64 : index
        %get3A_279 = tpu.vector_load %arg7[%get3A_277, %get3A_278] {strides = array<i32>} : memref<16x768xf32, #tpu.memory_space<vmem>>, vector<1x16xf32>,
        %get3A_280 = vector.shape_cast %get3A_279 : vector<1x16xf32> to vector<16xf32>
        %swap3A_281 = arith.constant 0 : i32
        %swap3A_282 = arith.index_cast %swap3A_281 : i32 to index
        %swap3A_283 = arith.index_cast %scan3A_149 : i32 to index
        %swap3A_284 = arith.constant 64 : index
        %swap3A_285 = tpu.vector_load %arg5[%swap3A_282, %swap3A_283, %swap3A_284] {strides = array<i32>} : memref<4x16x768xf32, #tpu.memory_space<vmem>>, vector<1x1x16xf32>,
        %swap3A_286 = vector.shape_cast %swap3A_285 : vector<1x1x16xf32> to vector<16xf32>
        %swap3A_287 = vector.shape_cast %get3A_280 : vector<16xf32> to vector<1x1x16xf32>
        tpu.vector_store %arg5[%swap3A_282, %swap3A_283, %swap3A_284], %swap3A_287 {add = true, strides = array<i32>} : memref<4x16x768xf32, #tpu.memory_space<vmem>>, vector<1x1x16xf32>,
        %swap3A_288 = arith.constant 1 : i32
        %swap3A_289 = arith.index_cast %swap3A_288 : i32 to index
        %swap3A_290 = arith.index_cast %scan3A_149 : i32 to index
        %swap3A_291 = arith.constant 64 : index
        %swap3A_292 = tpu.vector_load %arg5[%swap3A_289, %swap3A_290, %swap3A_291] {strides = array<i32>} : memref<4x16x768xf32, #tpu.memory_space<vmem>>, vector<1x1x16xf32>,
        %swap3A_293 = vector.shape_cast %swap3A_292 : vector<1x1x16xf32> to vector<16xf32>
        %swap3A_294 = vector.shape_cast %get3A_280 : vector<16xf32> to vector<1x1x16xf32>
        tpu.vector_store %arg5[%swap3A_289, %swap3A_290, %swap3A_291], %swap3A_294 {add = true, strides = array<i32>} : memref<4x16x768xf32, #tpu.memory_space<vmem>>, vector<1x1x16xf32>,
        %swap3A_295 = arith.constant 2 : i32
        %swap3A_296 = arith.index_cast %swap3A_295 : i32 to index
        %swap3A_297 = arith.index_cast %scan3A_149 : i32 to index
        %swap3A_298 = arith.constant 64 : index
        %swap3A_299 = tpu.vector_load %arg5[%swap3A_296, %swap3A_297, %swap3A_298] {strides = array<i32>} : memref<4x16x768xf32, #tpu.memory_space<vmem>>, vector<1x1x16xf32>,
        %swap3A_300 = vector.shape_cast %swap3A_299 : vector<1x1x16xf32> to vector<16xf32>
        %swap3A_301 = vector.shape_cast %get3A_280 : vector<16xf32> to vector<1x1x16xf32>
        tpu.vector_store %arg5[%swap3A_296, %swap3A_297, %swap3A_298], %swap3A_301 {add = true, strides = array<i32>} : memref<4x16x768xf32, #tpu.memory_space<vmem>>, vector<1x1x16xf32>,
        %swap3A_302 = arith.constant 3 : i32
        %swap3A_303 = arith.index_cast %swap3A_302 : i32 to index
        %swap3A_304 = arith.index_cast %scan3A_149 : i32 to index
        %swap3A_305 = arith.constant 64 : index
        %swap3A_306 = tpu.vector_load %arg5[%swap3A_303, %swap3A_304, %swap3A_305] {strides = array<i32>} : memref<4x16x768xf32, #tpu.memory_space<vmem>>, vector<1x1x16xf32>,
        %swap3A_307 = vector.shape_cast %swap3A_306 : vector<1x1x16xf32> to vector<16xf32>
        %swap3A_308 = vector.shape_cast %get3A_280 : vector<16xf32> to vector<1x1x16xf32>
        tpu.vector_store %arg5[%swap3A_303, %swap3A_304, %swap3A_305], %swap3A_308 {add = true, strides = array<i32>} : memref<4x16x768xf32, #tpu.memory_space<vmem>>, vector<1x1x16xf32>,
        %get3A_309 = arith.index_cast %scan3A_149 : i32 to index
        %get3A_310 = arith.constant 80 : index
        %get3A_311 = tpu.vector_load %arg7[%get3A_309, %get3A_310] {strides = array<i32>} : memref<16x768xf32, #tpu.memory_space<vmem>>, vector<1x16xf32>,
        %get3A_312 = vector.shape_cast %get3A_311 : vector<1x16xf32> to vector<16xf32>
        %swap3A_313 = arith.constant 0 : i32
        %swap3A_314 = arith.index_cast %swap3A_313 : i32 to index
        %swap3A_315 = arith.index_cast %scan3A_149 : i32 to index
        %swap3A_316 = arith.constant 80 : index
        %swap3A_317 = tpu.vector_load %arg5[%swap3A_314, %swap3A_315, %swap3A_316] {strides = array<i32>} : memref<4x16x768xf32, #tpu.memory_space<vmem>>, vector<1x1x16xf32>,
        %swap3A_318 = vector.shape_cast %swap3A_317 : vector<1x1x16xf32> to vector<16xf32>
        %swap3A_319 = vector.shape_cast %get3A_312 : vector<16xf32> to vector<1x1x16xf32>
        tpu.vector_store %arg5[%swap3A_314, %swap3A_315, %swap3A_316], %swap3A_319 {add = true, strides = array<i32>} : memref<4x16x768xf32, #tpu.memory_space<vmem>>, vector<1x1x16xf32>,
        %swap3A_320 = arith.constant 1 : i32
        %swap3A_321 = arith.index_cast %swap3A_320 : i32 to index
        %swap3A_322 = arith.index_cast %scan3A_149 : i32 to index
        %swap3A_323 = arith.constant 80 : index
        %swap3A_324 = tpu.vector_load %arg5[%swap3A_321, %swap3A_322, %swap3A_323] {strides = array<i32>} : memref<4x16x768xf32, #tpu.memory_space<vmem>>, vector<1x1x16xf32>,
        %swap3A_325 = vector.shape_cast %swap3A_324 : vector<1x1x16xf32> to vector<16xf32>
        %swap3A_326 = vector.shape_cast %get3A_312 : vector<16xf32> to vector<1x1x16xf32>
        tpu.vector_store %arg5[%swap3A_321, %swap3A_322, %swap3A_323], %swap3A_326 {add = true, strides = array<i32>} : memref<4x16x768xf32, #tpu.memory_space<vmem>>, vector<1x1x16xf32>,
        %swap3A_327 = arith.constant 2 : i32
        %swap3A_328 = arith.index_cast %swap3A_327 : i32 to index
        %swap3A_329 = arith.index_cast %scan3A_149 : i32 to index
        %swap3A_330 = arith.constant 80 : index
        %swap3A_331 = tpu.vector_load %arg5[%swap3A_328, %swap3A_329, %swap3A_330] {strides = array<i32>} : memref<4x16x768xf32, #tpu.memory_space<vmem>>, vector<1x1x16xf32>,
        %swap3A_332 = vector.shape_cast %swap3A_331 : vector<1x1x16xf32> to vector<16xf32>
        %swap3A_333 = vector.shape_cast %get3A_312 : vector<16xf32> to vector<1x1x16xf32>
        tpu.vector_store %arg5[%swap3A_328, %swap3A_329, %swap3A_330], %swap3A_333 {add = true, strides = array<i32>} : memref<4x16x768xf32, #tpu.memory_space<vmem>>, vector<1x1x16xf32>,
        %swap3A_334 = arith.constant 3 : i32
        %swap3A_335 = arith.index_cast %swap3A_334 : i32 to index
        %swap3A_336 = arith.index_cast %scan3A_149 : i32 to index
        %swap3A_337 = arith.constant 80 : index
        %swap3A_338 = tpu.vector_load %arg5[%swap3A_335, %swap3A_336, %swap3A_337] {strides = array<i32>} : memref<4x16x768xf32, #tpu.memory_space<vmem>>, vector<1x1x16xf32>,
        %swap3A_339 = vector.shape_cast %swap3A_338 : vector<1x1x16xf32> to vector<16xf32>
        %swap3A_340 = vector.shape_cast %get3A_312 : vector<16xf32> to vector<1x1x16xf32>
        tpu.vector_store %arg5[%swap3A_335, %swap3A_336, %swap3A_337], %swap3A_340 {add = true, strides = array<i32>} : memref<4x16x768xf32, #tpu.memory_space<vmem>>, vector<1x1x16xf32>,
        %get3A_341 = arith.index_cast %scan3A_149 : i32 to index
        %get3A_342 = arith.constant 96 : index
        %get3A_343 = tpu.vector_load %arg7[%get3A_341, %get3A_342] {strides = array<i32>} : memref<16x768xf32, #tpu.memory_space<vmem>>, vector<1x16xf32>,
        %get3A_344 = vector.shape_cast %get3A_343 : vector<1x16xf32> to vector<16xf32>
        %swap3A_345 = arith.constant 0 : i32
        %swap3A_346 = arith.index_cast %swap3A_345 : i32 to index
        %swap3A_347 = arith.index_cast %scan3A_149 : i32 to index
        %swap3A_348 = arith.constant 96 : index
        %swap3A_349 = tpu.vector_load %arg5[%swap3A_346, %swap3A_347, %swap3A_348] {strides = array<i32>} : memref<4x16x768xf32, #tpu.memory_space<vmem>>, vector<1x1x16xf32>,
        %swap3A_350 = vector.shape_cast %swap3A_349 : vector<1x1x16xf32> to vector<16xf32>
        %swap3A_351 = vector.shape_cast %get3A_344 : vector<16xf32> to vector<1x1x16xf32>
        tpu.vector_store %arg5[%swap3A_346, %swap3A_347, %swap3A_348], %swap3A_351 {add = true, strides = array<i32>} : memref<4x16x768xf32, #tpu.memory_space<vmem>>, vector<1x1x16xf32>,
        %swap3A_352 = arith.constant 1 : i32
        %swap3A_353 = arith.index_cast %swap3A_352 : i32 to index
        %swap3A_354 = arith.index_cast %scan3A_149 : i32 to index
        %swap3A_355 = arith.constant 96 : index
        %swap3A_356 = tpu.vector_load %arg5[%swap3A_353, %swap3A_354, %swap3A_355] {strides = array<i32>} : memref<4x16x768xf32, #tpu.memory_space<vmem>>, vector<1x1x16xf32>,
        %swap3A_357 = vector.shape_cast %swap3A_356 : vector<1x1x16xf32> to vector<16xf32>
        %swap3A_358 = vector.shape_cast %get3A_344 : vector<16xf32> to vector<1x1x16xf32>
        tpu.vector_store %arg5[%swap3A_353, %swap3A_354, %swap3A_355], %swap3A_358 {add = true, strides = array<i32>} : memref<4x16x768xf32, #tpu.memory_space<vmem>>, vector<1x1x16xf32>,
        %swap3A_359 = arith.constant 2 : i32
        %swap3A_360 = arith.index_cast %swap3A_359 : i32 to index
        %swap3A_361 = arith.index_cast %scan3A_149 : i32 to index
        %swap3A_362 = arith.constant 96 : index
        %swap3A_363 = tpu.vector_load %arg5[%swap3A_360, %swap3A_361, %swap3A_362] {strides = array<i32>} : memref<4x16x768xf32, #tpu.memory_space<vmem>>, vector<1x1x16xf32>,
        %swap3A_364 = vector.shape_cast %swap3A_363 : vector<1x1x16xf32> to vector<16xf32>
        %swap3A_365 = vector.shape_cast %get3A_344 : vector<16xf32> to vector<1x1x16xf32>
        tpu.vector_store %arg5[%swap3A_360, %swap3A_361, %swap3A_362], %swap3A_365 {add = true, strides = array<i32>} : memref<4x16x768xf32, #tpu.memory_space<vmem>>, vector<1x1x16xf32>,
        %swap3A_366 = arith.constant 3 : i32
        %swap3A_367 = arith.index_cast %swap3A_366 : i32 to index
        %swap3A_368 = arith.index_cast %scan3A_149 : i32 to index
        %swap3A_369 = arith.constant 96 : index
        %swap3A_370 = tpu.vector_load %arg5[%swap3A_367, %swap3A_368, %swap3A_369] {strides = array<i32>} : memref<4x16x768xf32, #tpu.memory_space<vmem>>, vector<1x1x16xf32>,
        %swap3A_371 = vector.shape_cast %swap3A_370 : vector<1x1x16xf32> to vector<16xf32>
        %swap3A_372 = vector.shape_cast %get3A_344 : vector<16xf32> to vector<1x1x16xf32>
        tpu.vector_store %arg5[%swap3A_367, %swap3A_368, %swap3A_369], %swap3A_372 {add = true, strides = array<i32>} : memref<4x16x768xf32, #tpu.memory_space<vmem>>, vector<1x1x16xf32>,
        %get3A_373 = arith.index_cast %scan3A_149 : i32 to index
        %get3A_374 = arith.constant 112 : index
        %get3A_375 = tpu.vector_load %arg7[%get3A_373, %get3A_374] {strides = array<i32>} : memref<16x768xf32, #tpu.memory_space<vmem>>, vector<1x16xf32>,
        %get3A_376 = vector.shape_cast %get3A_375 : vector<1x16xf32> to vector<16xf32>
        %swap3A_377 = arith.constant 0 : i32
        %swap3A_378 = arith.index_cast %swap3A_377 : i32 to index
        %swap3A_379 = arith.index_cast %scan3A_149 : i32 to index
        %swap3A_380 = arith.constant 112 : index
        %swap3A_381 = tpu.vector_load %arg5[%swap3A_378, %swap3A_379, %swap3A_380] {strides = array<i32>} : memref<4x16x768xf32, #tpu.memory_space<vmem>>, vector<1x1x16xf32>,
        %swap3A_382 = vector.shape_cast %swap3A_381 : vector<1x1x16xf32> to vector<16xf32>
        %swap3A_383 = vector.shape_cast %get3A_376 : vector<16xf32> to vector<1x1x16xf32>
        tpu.vector_store %arg5[%swap3A_378, %swap3A_379, %swap3A_380], %swap3A_383 {add = true, strides = array<i32>} : memref<4x16x768xf32, #tpu.memory_space<vmem>>, vector<1x1x16xf32>,
        %swap3A_384 = arith.constant 1 : i32
        %swap3A_385 = arith.index_cast %swap3A_384 : i32 to index
        %swap3A_386 = arith.index_cast %scan3A_149 : i32 to index
        %swap3A_387 = arith.constant 112 : index
        %swap3A_388 = tpu.vector_load %arg5[%swap3A_385, %swap3A_386, %swap3A_387] {strides = array<i32>} : memref<4x16x768xf32, #tpu.memory_space<vmem>>, vector<1x1x16xf32>,
        %swap3A_389 = vector.shape_cast %swap3A_388 : vector<1x1x16xf32> to vector<16xf32>
        %swap3A_390 = vector.shape_cast %get3A_376 : vector<16xf32> to vector<1x1x16xf32>
        tpu.vector_store %arg5[%swap3A_385, %swap3A_386, %swap3A_387], %swap3A_390 {add = true, strides = array<i32>} : memref<4x16x768xf32, #tpu.memory_space<vmem>>, vector<1x1x16xf32>,
        %swap3A_391 = arith.constant 2 : i32
        %swap3A_392 = arith.index_cast %swap3A_391 : i32 to index
        %swap3A_393 = arith.index_cast %scan3A_149 : i32 to index
        %swap3A_394 = arith.constant 112 : index
        %swap3A_395 = tpu.vector_load %arg5[%swap3A_392, %swap3A_393, %swap3A_394] {strides = array<i32>} : memref<4x16x768xf32, #tpu.memory_space<vmem>>, vector<1x1x16xf32>,
        %swap3A_396 = vector.shape_cast %swap3A_395 : vector<1x1x16xf32> to vector<16xf32>
        %swap3A_397 = vector.shape_cast %get3A_376 : vector<16xf32> to vector<1x1x16xf32>
        tpu.vector_store %arg5[%swap3A_392, %swap3A_393, %swap3A_394], %swap3A_397 {add = true, strides = array<i32>} : memref<4x16x768xf32, #tpu.memory_space<vmem>>, vector<1x1x16xf32>,
        %swap3A_398 = arith.constant 3 : i32
        %swap3A_399 = arith.index_cast %swap3A_398 : i32 to index
        %swap3A_400 = arith.index_cast %scan3A_149 : i32 to index
        %swap3A_401 = arith.constant 112 : index
        %swap3A_402 = tpu.vector_load %arg5[%swap3A_399, %swap3A_400, %swap3A_401] {strides = array<i32>} : memref<4x16x768xf32, #tpu.memory_space<vmem>>, vector<1x1x16xf32>,
        %swap3A_403 = vector.shape_cast %swap3A_402 : vector<1x1x16xf32> to vector<16xf32>
        %swap3A_404 = vector.shape_cast %get3A_376 : vector<16xf32> to vector<1x1x16xf32>
        tpu.vector_store %arg5[%swap3A_399, %swap3A_400, %swap3A_401], %swap3A_404 {add = true, strides = array<i32>} : memref<4x16x768xf32, #tpu.memory_space<vmem>>, vector<1x1x16xf32>,
        %get3A_405 = arith.index_cast %scan3A_149 : i32 to index
        %get3A_406 = arith.constant 128 : index
        %get3A_407 = tpu.vector_load %arg7[%get3A_405, %get3A_406] {strides = array<i32>} : memref<16x768xf32, #tpu.memory_space<vmem>>, vector<1x16xf32>,
        %get3A_408 = vector.shape_cast %get3A_407 : vector<1x16xf32> to vector<16xf32>
        %swap3A_409 = arith.constant 0 : i32
        %swap3A_410 = arith.index_cast %swap3A_409 : i32 to index
        %swap3A_411 = arith.index_cast %scan3A_149 : i32 to index
        %swap3A_412 = arith.constant 128 : index
        %swap3A_413 = tpu.vector_load %arg5[%swap3A_410, %swap3A_411, %swap3A_412] {strides = array<i32>} : memref<4x16x768xf32, #tpu.memory_space<vmem>>, vector<1x1x16xf32>,
        %swap3A_414 = vector.shape_cast %swap3A_413 : vector<1x1x16xf32> to vector<16xf32>
        %swap3A_415 = vector.shape_cast %get3A_408 : vector<16xf32> to vector<1x1x16xf32>
        tpu.vector_store %arg5[%swap3A_410, %swap3A_411, %swap3A_412], %swap3A_415 {add = true, strides = array<i32>} : memref<4x16x768xf32, #tpu.memory_space<vmem>>, vector<1x1x16xf32>,
        %swap3A_416 = arith.constant 1 : i32
        %swap3A_417 = arith.index_cast %swap3A_416 : i32 to index
        %swap3A_418 = arith.index_cast %scan3A_149 : i32 to index
        %swap3A_419 = arith.constant 128 : index
        %swap3A_420 = tpu.vector_load %arg5[%swap3A_417, %swap3A_418, %swap3A_419] {strides = array<i32>} : memref<4x16x768xf32, #tpu.memory_space<vmem>>, vector<1x1x16xf32>,
        %swap3A_421 = vector.shape_cast %swap3A_420 : vector<1x1x16xf32> to vector<16xf32>
        %swap3A_422 = vector.shape_cast %get3A_408 : vector<16xf32> to vector<1x1x16xf32>
        tpu.vector_store %arg5[%swap3A_417, %swap3A_418, %swap3A_419], %swap3A_422 {add = true, strides = array<i32>} : memref<4x16x768xf32, #tpu.memory_space<vmem>>, vector<1x1x16xf32>,
        %swap3A_423 = arith.constant 2 : i32
        %swap3A_424 = arith.index_cast %swap3A_423 : i32 to index
        %swap3A_425 = arith.index_cast %scan3A_149 : i32 to index
        %swap3A_426 = arith.constant 128 : index
        %swap3A_427 = tpu.vector_load %arg5[%swap3A_424, %swap3A_425, %swap3A_426] {strides = array<i32>} : memref<4x16x768xf32, #tpu.memory_space<vmem>>, vector<1x1x16xf32>,
        %swap3A_428 = vector.shape_cast %swap3A_427 : vector<1x1x16xf32> to vector<16xf32>
        %swap3A_429 = vector.shape_cast %get3A_408 : vector<16xf32> to vector<1x1x16xf32>
        tpu.vector_store %arg5[%swap3A_424, %swap3A_425, %swap3A_426], %swap3A_429 {add = true, strides = array<i32>} : memref<4x16x768xf32, #tpu.memory_space<vmem>>, vector<1x1x16xf32>,
        %swap3A_430 = arith.constant 3 : i32
        %swap3A_431 = arith.index_cast %swap3A_430 : i32 to index
        %swap3A_432 = arith.index_cast %scan3A_149 : i32 to index
        %swap3A_433 = arith.constant 128 : index
        %swap3A_434 = tpu.vector_load %arg5[%swap3A_431, %swap3A_432, %swap3A_433] {strides = array<i32>} : memref<4x16x768xf32, #tpu.memory_space<vmem>>, vector<1x1x16xf32>,
        %swap3A_435 = vector.shape_cast %swap3A_434 : vector<1x1x16xf32> to vector<16xf32>
        %swap3A_436 = vector.shape_cast %get3A_408 : vector<16xf32> to vector<1x1x16xf32>
        tpu.vector_store %arg5[%swap3A_431, %swap3A_432, %swap3A_433], %swap3A_436 {add = true, strides = array<i32>} : memref<4x16x768xf32, #tpu.memory_space<vmem>>, vector<1x1x16xf32>,
        %get3A_437 = arith.index_cast %scan3A_149 : i32 to index
        %get3A_438 = arith.constant 144 : index
        %get3A_439 = tpu.vector_load %arg7[%get3A_437, %get3A_438] {strides = array<i32>} : memref<16x768xf32, #tpu.memory_space<vmem>>, vector<1x16xf32>,
        %get3A_440 = vector.shape_cast %get3A_439 : vector<1x16xf32> to vector<16xf32>
        %swap3A_441 = arith.constant 0 : i32
        %swap3A_442 = arith.index_cast %swap3A_441 : i32 to index
        %swap3A_443 = arith.index_cast %scan3A_149 : i32 to index
        %swap3A_444 = arith.constant 144 : index
        %swap3A_445 = tpu.vector_load %arg5[%swap3A_442, %swap3A_443, %swap3A_444] {strides = array<i32>} : memref<4x16x768xf32, #tpu.memory_space<vmem>>, vector<1x1x16xf32>,
        %swap3A_446 = vector.shape_cast %swap3A_445 : vector<1x1x16xf32> to vector<16xf32>
        %swap3A_447 = vector.shape_cast %get3A_440 : vector<16xf32> to vector<1x1x16xf32>
        tpu.vector_store %arg5[%swap3A_442, %swap3A_443, %swap3A_444], %swap3A_447 {add = true, strides = array<i32>} : memref<4x16x768xf32, #tpu.memory_space<vmem>>, vector<1x1x16xf32>,
        %swap3A_448 = arith.constant 1 : i32
        %swap3A_449 = arith.index_cast %swap3A_448 : i32 to index
        %swap3A_450 = arith.index_cast %scan3A_149 : i32 to index
        %swap3A_451 = arith.constant 144 : index
        %swap3A_452 = tpu.vector_load %arg5[%swap3A_449, %swap3A_450, %swap3A_451] {strides = array<i32>} : memref<4x16x768xf32, #tpu.memory_space<vmem>>, vector<1x1x16xf32>,
        %swap3A_453 = vector.shape_cast %swap3A_452 : vector<1x1x16xf32> to vector<16xf32>
        %swap3A_454 = vector.shape_cast %get3A_440 : vector<16xf32> to vector<1x1x16xf32>
        tpu.vector_store %arg5[%swap3A_449, %swap3A_450, %swap3A_451], %swap3A_454 {add = true, strides = array<i32>} : memref<4x16x768xf32, #tpu.memory_space<vmem>>, vector<1x1x16xf32>,
        %swap3A_455 = arith.constant 2 : i32
        %swap3A_456 = arith.index_cast %swap3A_455 : i32 to index
        %swap3A_457 = arith.index_cast %scan3A_149 : i32 to index
        %swap3A_458 = arith.constant 144 : index
        %swap3A_459 = tpu.vector_load %arg5[%swap3A_456, %swap3A_457, %swap3A_458] {strides = array<i32>} : memref<4x16x768xf32, #tpu.memory_space<vmem>>, vector<1x1x16xf32>,
        %swap3A_460 = vector.shape_cast %swap3A_459 : vector<1x1x16xf32> to vector<16xf32>
        %swap3A_461 = vector.shape_cast %get3A_440 : vector<16xf32> to vector<1x1x16xf32>
        tpu.vector_store %arg5[%swap3A_456, %swap3A_457, %swap3A_458], %swap3A_461 {add = true, strides = array<i32>} : memref<4x16x768xf32, #tpu.memory_space<vmem>>, vector<1x1x16xf32>,
        %swap3A_462 = arith.constant 3 : i32
        %swap3A_463 = arith.index_cast %swap3A_462 : i32 to index
        %swap3A_464 = arith.index_cast %scan3A_149 : i32 to index
        %swap3A_465 = arith.constant 144 : index
        %swap3A_466 = tpu.vector_load %arg5[%swap3A_463, %swap3A_464, %swap3A_465] {strides = array<i32>} : memref<4x16x768xf32, #tpu.memory_space<vmem>>, vector<1x1x16xf32>,
        %swap3A_467 = vector.shape_cast %swap3A_466 : vector<1x1x16xf32> to vector<16xf32>
        %swap3A_468 = vector.shape_cast %get3A_440 : vector<16xf32> to vector<1x1x16xf32>
        tpu.vector_store %arg5[%swap3A_463, %swap3A_464, %swap3A_465], %swap3A_468 {add = true, strides = array<i32>} : memref<4x16x768xf32, #tpu.memory_space<vmem>>, vector<1x1x16xf32>,
        %get3A_469 = arith.index_cast %scan3A_149 : i32 to index
        %get3A_470 = arith.constant 160 : index
        %get3A_471 = tpu.vector_load %arg7[%get3A_469, %get3A_470] {strides = array<i32>} : memref<16x768xf32, #tpu.memory_space<vmem>>, vector<1x16xf32>,
        %get3A_472 = vector.shape_cast %get3A_471 : vector<1x16xf32> to vector<16xf32>
        %swap3A_473 = arith.constant 0 : i32
        %swap3A_474 = arith.index_cast %swap3A_473 : i32 to index
        %swap3A_475 = arith.index_cast %scan3A_149 : i32 to index
        %swap3A_476 = arith.constant 160 : index
        %swap3A_477 = tpu.vector_load %arg5[%swap3A_474, %swap3A_475, %swap3A_476] {strides = array<i32>} : memref<4x16x768xf32, #tpu.memory_space<vmem>>, vector<1x1x16xf32>,
        %swap3A_478 = vector.shape_cast %swap3A_477 : vector<1x1x16xf32> to vector<16xf32>
        %swap3A_479 = vector.shape_cast %get3A_472 : vector<16xf32> to vector<1x1x16xf32>
        tpu.vector_store %arg5[%swap3A_474, %swap3A_475, %swap3A_476], %swap3A_479 {add = true, strides = array<i32>} : memref<4x16x768xf32, #tpu.memory_space<vmem>>, vector<1x1x16xf32>,
        %swap3A_480 = arith.constant 1 : i32
        %swap3A_481 = arith.index_cast %swap3A_480 : i32 to index
        %swap3A_482 = arith.index_cast %scan3A_149 : i32 to index
        %swap3A_483 = arith.constant 160 : index
        %swap3A_484 = tpu.vector_load %arg5[%swap3A_481, %swap3A_482, %swap3A_483] {strides = array<i32>} : memref<4x16x768xf32, #tpu.memory_space<vmem>>, vector<1x1x16xf32>,
        %swap3A_485 = vector.shape_cast %swap3A_484 : vector<1x1x16xf32> to vector<16xf32>
        %swap3A_486 = vector.shape_cast %get3A_472 : vector<16xf32> to vector<1x1x16xf32>
        tpu.vector_store %arg5[%swap3A_481, %swap3A_482, %swap3A_483], %swap3A_486 {add = true, strides = array<i32>} : memref<4x16x768xf32, #tpu.memory_space<vmem>>, vector<1x1x16xf32>,
        %swap3A_487 = arith.constant 2 : i32
        %swap3A_488 = arith.index_cast %swap3A_487 : i32 to index
        %swap3A_489 = arith.index_cast %scan3A_149 : i32 to index
        %swap3A_490 = arith.constant 160 : index
        %swap3A_491 = tpu.vector_load %arg5[%swap3A_488, %swap3A_489, %swap3A_490] {strides = array<i32>} : memref<4x16x768xf32, #tpu.memory_space<vmem>>, vector<1x1x16xf32>,
        %swap3A_492 = vector.shape_cast %swap3A_491 : vector<1x1x16xf32> to vector<16xf32>
        %swap3A_493 = vector.shape_cast %get3A_472 : vector<16xf32> to vector<1x1x16xf32>
        tpu.vector_store %arg5[%swap3A_488, %swap3A_489, %swap3A_490], %swap3A_493 {add = true, strides = array<i32>} : memref<4x16x768xf32, #tpu.memory_space<vmem>>, vector<1x1x16xf32>,
        %swap3A_494 = arith.constant 3 : i32
        %swap3A_495 = arith.index_cast %swap3A_494 : i32 to index
        %swap3A_496 = arith.index_cast %scan3A_149 : i32 to index
        %swap3A_497 = arith.constant 160 : index
        %swap3A_498 = tpu.vector_load %arg5[%swap3A_495, %swap3A_496, %swap3A_497] {strides = array<i32>} : memref<4x16x768xf32, #tpu.memory_space<vmem>>, vector<1x1x16xf32>,
        %swap3A_499 = vector.shape_cast %swap3A_498 : vector<1x1x16xf32> to vector<16xf32>
        %swap3A_500 = vector.shape_cast %get3A_472 : vector<16xf32> to vector<1x1x16xf32>
        tpu.vector_store %arg5[%swap3A_495, %swap3A_496, %swap3A_497], %swap3A_500 {add = true, strides = array<i32>} : memref<4x16x768xf32, #tpu.memory_space<vmem>>, vector<1x1x16xf32>,
        %get3A_501 = arith.index_cast %scan3A_149 : i32 to index
        %get3A_502 = arith.constant 176 : index
        %get3A_503 = tpu.vector_load %arg7[%get3A_501, %get3A_502] {strides = array<i32>} : memref<16x768xf32, #tpu.memory_space<vmem>>, vector<1x16xf32>,
        %get3A_504 = vector.shape_cast %get3A_503 : vector<1x16xf32> to vector<16xf32>
        %swap3A_505 = arith.constant 0 : i32
        %swap3A_506 = arith.index_cast %swap3A_505 : i32 to index
        %swap3A_507 = arith.index_cast %scan3A_149 : i32 to index
        %swap3A_508 = arith.constant 176 : index
        %swap3A_509 = tpu.vector_load %arg5[%swap3A_506, %swap3A_507, %swap3A_508] {strides = array<i32>} : memref<4x16x768xf32, #tpu.memory_space<vmem>>, vector<1x1x16xf32>,
        %swap3A_510 = vector.shape_cast %swap3A_509 : vector<1x1x16xf32> to vector<16xf32>
        %swap3A_511 = vector.shape_cast %get3A_504 : vector<16xf32> to vector<1x1x16xf32>
        tpu.vector_store %arg5[%swap3A_506, %swap3A_507, %swap3A_508], %swap3A_511 {add = true, strides = array<i32>} : memref<4x16x768xf32, #tpu.memory_space<vmem>>, vector<1x1x16xf32>,
        %swap3A_512 = arith.constant 1 : i32
        %swap3A_513 = arith.index_cast %swap3A_512 : i32 to index
        %swap3A_514 = arith.index_cast %scan3A_149 : i32 to index
        %swap3A_515 = arith.constant 176 : index
        %swap3A_516 = tpu.vector_load %arg5[%swap3A_513, %swap3A_514, %swap3A_515] {strides = array<i32>} : memref<4x16x768xf32, #tpu.memory_space<vmem>>, vector<1x1x16xf32>,
        %swap3A_517 = vector.shape_cast %swap3A_516 : vector<1x1x16xf32> to vector<16xf32>
        %swap3A_518 = vector.shape_cast %get3A_504 : vector<16xf32> to vector<1x1x16xf32>
        tpu.vector_store %arg5[%swap3A_513, %swap3A_514, %swap3A_515], %swap3A_518 {add = true, strides = array<i32>} : memref<4x16x768xf32, #tpu.memory_space<vmem>>, vector<1x1x16xf32>,
        %swap3A_519 = arith.constant 2 : i32
        %swap3A_520 = arith.index_cast %swap3A_519 : i32 to index
        %swap3A_521 = arith.index_cast %scan3A_149 : i32 to index
        %swap3A_522 = arith.constant 176 : index
        %swap3A_523 = tpu.vector_load %arg5[%swap3A_520, %swap3A_521, %swap3A_522] {strides = array<i32>} : memref<4x16x768xf32, #tpu.memory_space<vmem>>, vector<1x1x16xf32>,
        %swap3A_524 = vector.shape_cast %swap3A_523 : vector<1x1x16xf32> to vector<16xf32>
        %swap3A_525 = vector.shape_cast %get3A_504 : vector<16xf32> to vector<1x1x16xf32>
        tpu.vector_store %arg5[%swap3A_520, %swap3A_521, %swap3A_522], %swap3A_525 {add = true, strides = array<i32>} : memref<4x16x768xf32, #tpu.memory_space<vmem>>, vector<1x1x16xf32>,
        %swap3A_526 = arith.constant 3 : i32
        %swap3A_527 = arith.index_cast %swap3A_526 : i32 to index
        %swap3A_528 = arith.index_cast %scan3A_149 : i32 to index
        %swap3A_529 = arith.constant 176 : index
        %swap3A_530 = tpu.vector_load %arg5[%swap3A_527, %swap3A_528, %swap3A_529] {strides = array<i32>} : memref<4x16x768xf32, #tpu.memory_space<vmem>>, vector<1x1x16xf32>,
        %swap3A_531 = vector.shape_cast %swap3A_530 : vector<1x1x16xf32> to vector<16xf32>
        %swap3A_532 = vector.shape_cast %get3A_504 : vector<16xf32> to vector<1x1x16xf32>
        tpu.vector_store %arg5[%swap3A_527, %swap3A_528, %swap3A_529], %swap3A_532 {add = true, strides = array<i32>} : memref<4x16x768xf32, #tpu.memory_space<vmem>>, vector<1x1x16xf32>,
        %get3A_533 = arith.index_cast %scan3A_149 : i32 to index
        %get3A_534 = arith.constant 192 : index
        %get3A_535 = tpu.vector_load %arg7[%get3A_533, %get3A_534] {strides = array<i32>} : memref<16x768xf32, #tpu.memory_space<vmem>>, vector<1x16xf32>,
        %get3A_536 = vector.shape_cast %get3A_535 : vector<1x16xf32> to vector<16xf32>
        %swap3A_537 = arith.constant 0 : i32
        %swap3A_538 = arith.index_cast %swap3A_537 : i32 to index
        %swap3A_539 = arith.index_cast %scan3A_149 : i32 to index
        %swap3A_540 = arith.constant 192 : index
        %swap3A_541 = tpu.vector_load %arg5[%swap3A_538, %swap3A_539, %swap3A_540] {strides = array<i32>} : memref<4x16x768xf32, #tpu.memory_space<vmem>>, vector<1x1x16xf32>,
        %swap3A_542 = vector.shape_cast %swap3A_541 : vector<1x1x16xf32> to vector<16xf32>
        %swap3A_543 = vector.shape_cast %get3A_536 : vector<16xf32> to vector<1x1x16xf32>
        tpu.vector_store %arg5[%swap3A_538, %swap3A_539, %swap3A_540], %swap3A_543 {add = true, strides = array<i32>} : memref<4x16x768xf32, #tpu.memory_space<vmem>>, vector<1x1x16xf32>,
        %swap3A_544 = arith.constant 1 : i32
        %swap3A_545 = arith.index_cast %swap3A_544 : i32 to index
        %swap3A_546 = arith.index_cast %scan3A_149 : i32 to index
        %swap3A_547 = arith.constant 192 : index
        %swap3A_548 = tpu.vector_load %arg5[%swap3A_545, %swap3A_546, %swap3A_547] {strides = array<i32>} : memref<4x16x768xf32, #tpu.memory_space<vmem>>, vector<1x1x16xf32>,
        %swap3A_549 = vector.shape_cast %swap3A_548 : vector<1x1x16xf32> to vector<16xf32>
        %swap3A_550 = vector.shape_cast %get3A_536 : vector<16xf32> to vector<1x1x16xf32>
        tpu.vector_store %arg5[%swap3A_545, %swap3A_546, %swap3A_547], %swap3A_550 {add = true, strides = array<i32>} : memref<4x16x768xf32, #tpu.memory_space<vmem>>, vector<1x1x16xf32>,
        %swap3A_551 = arith.constant 2 : i32
        %swap3A_552 = arith.index_cast %swap3A_551 : i32 to index
        %swap3A_553 = arith.index_cast %scan3A_149 : i32 to index
        %swap3A_554 = arith.constant 192 : index
        %swap3A_555 = tpu.vector_load %arg5[%swap3A_552, %swap3A_553, %swap3A_554] {strides = array<i32>} : memref<4x16x768xf32, #tpu.memory_space<vmem>>, vector<1x1x16xf32>,
        %swap3A_556 = vector.shape_cast %swap3A_555 : vector<1x1x16xf32> to vector<16xf32>
        %swap3A_557 = vector.shape_cast %get3A_536 : vector<16xf32> to vector<1x1x16xf32>
        tpu.vector_store %arg5[%swap3A_552, %swap3A_553, %swap3A_554], %swap3A_557 {add = true, strides = array<i32>} : memref<4x16x768xf32, #tpu.memory_space<vmem>>, vector<1x1x16xf32>,
        %swap3A_558 = arith.constant 3 : i32
        %swap3A_559 = arith.index_cast %swap3A_558 : i32 to index
        %swap3A_560 = arith.index_cast %scan3A_149 : i32 to index
        %swap3A_561 = arith.constant 192 : index
        %swap3A_562 = tpu.vector_load %arg5[%swap3A_559, %swap3A_560, %swap3A_561] {strides = array<i32>} : memref<4x16x768xf32, #tpu.memory_space<vmem>>, vector<1x1x16xf32>,
        %swap3A_563 = vector.shape_cast %swap3A_562 : vector<1x1x16xf32> to vector<16xf32>
        %swap3A_564 = vector.shape_cast %get3A_536 : vector<16xf32> to vector<1x1x16xf32>
        tpu.vector_store %arg5[%swap3A_559, %swap3A_560, %swap3A_561], %swap3A_564 {add = true, strides = array<i32>} : memref<4x16x768xf32, #tpu.memory_space<vmem>>, vector<1x1x16xf32>,
        %get3A_565 = arith.index_cast %scan3A_149 : i32 to index
        %get3A_566 = arith.constant 208 : index
        %get3A_567 = tpu.vector_load %arg7[%get3A_565, %get3A_566] {strides = array<i32>} : memref<16x768xf32, #tpu.memory_space<vmem>>, vector<1x16xf32>,
        %get3A_568 = vector.shape_cast %get3A_567 : vector<1x16xf32> to vector<16xf32>
        %swap3A_569 = arith.constant 0 : i32
        %swap3A_570 = arith.index_cast %swap3A_569 : i32 to index
        %swap3A_571 = arith.index_cast %scan3A_149 : i32 to index
        %swap3A_572 = arith.constant 208 : index
        %swap3A_573 = tpu.vector_load %arg5[%swap3A_570, %swap3A_571, %swap3A_572] {strides = array<i32>} : memref<4x16x768xf32, #tpu.memory_space<vmem>>, vector<1x1x16xf32>,
        %swap3A_574 = vector.shape_cast %swap3A_573 : vector<1x1x16xf32> to vector<16xf32>
        %swap3A_575 = vector.shape_cast %get3A_568 : vector<16xf32> to vector<1x1x16xf32>
        tpu.vector_store %arg5[%swap3A_570, %swap3A_571, %swap3A_572], %swap3A_575 {add = true, strides = array<i32>} : memref<4x16x768xf32, #tpu.memory_space<vmem>>, vector<1x1x16xf32>,
        %swap3A_576 = arith.constant 1 : i32
        %swap3A_577 = arith.index_cast %swap3A_576 : i32 to index
        %swap3A_578 = arith.index_cast %scan3A_149 : i32 to index
        %swap3A_579 = arith.constant 208 : index
        %swap3A_580 = tpu.vector_load %arg5[%swap3A_577, %swap3A_578, %swap3A_579] {strides = array<i32>} : memref<4x16x768xf32, #tpu.memory_space<vmem>>, vector<1x1x16xf32>,
        %swap3A_581 = vector.shape_cast %swap3A_580 : vector<1x1x16xf32> to vector<16xf32>
        %swap3A_582 = vector.shape_cast %get3A_568 : vector<16xf32> to vector<1x1x16xf32>
        tpu.vector_store %arg5[%swap3A_577, %swap3A_578, %swap3A_579], %swap3A_582 {add = true, strides = array<i32>} : memref<4x16x768xf32, #tpu.memory_space<vmem>>, vector<1x1x16xf32>,
        %swap3A_583 = arith.constant 2 : i32
        %swap3A_584 = arith.index_cast %swap3A_583 : i32 to index
        %swap3A_585 = arith.index_cast %scan3A_149 : i32 to index
        %swap3A_586 = arith.constant 208 : index
        %swap3A_587 = tpu.vector_load %arg5[%swap3A_584, %swap3A_585, %swap3A_586] {strides = array<i32>} : memref<4x16x768xf32, #tpu.memory_space<vmem>>, vector<1x1x16xf32>,
        %swap3A_588 = vector.shape_cast %swap3A_587 : vector<1x1x16xf32> to vector<16xf32>
        %swap3A_589 = vector.shape_cast %get3A_568 : vector<16xf32> to vector<1x1x16xf32>
        tpu.vector_store %arg5[%swap3A_584, %swap3A_585, %swap3A_586], %swap3A_589 {add = true, strides = array<i32>} : memref<4x16x768xf32, #tpu.memory_space<vmem>>, vector<1x1x16xf32>,
        %swap3A_590 = arith.constant 3 : i32
        %swap3A_591 = arith.index_cast %swap3A_590 : i32 to index
        %swap3A_592 = arith.index_cast %scan3A_149 : i32 to index
        %swap3A_593 = arith.constant 208 : index
        %swap3A_594 = tpu.vector_load %arg5[%swap3A_591, %swap3A_592, %swap3A_593] {strides = array<i32>} : memref<4x16x768xf32, #tpu.memory_space<vmem>>, vector<1x1x16xf32>,
        %swap3A_595 = vector.shape_cast %swap3A_594 : vector<1x1x16xf32> to vector<16xf32>
        %swap3A_596 = vector.shape_cast %get3A_568 : vector<16xf32> to vector<1x1x16xf32>
        tpu.vector_store %arg5[%swap3A_591, %swap3A_592, %swap3A_593], %swap3A_596 {add = true, strides = array<i32>} : memref<4x16x768xf32, #tpu.memory_space<vmem>>, vector<1x1x16xf32>,
        %get3A_597 = arith.index_cast %scan3A_149 : i32 to index
        %get3A_598 = arith.constant 224 : index
        %get3A_599 = tpu.vector_load %arg7[%get3A_597, %get3A_598] {strides = array<i32>} : memref<16x768xf32, #tpu.memory_space<vmem>>, vector<1x16xf32>,
        %get3A_600 = vector.shape_cast %get3A_599 : vector<1x16xf32> to vector<16xf32>
        %swap3A_601 = arith.constant 0 : i32
        %swap3A_602 = arith.index_cast %swap3A_601 : i32 to index
        %swap3A_603 = arith.index_cast %scan3A_149 : i32 to index
        %swap3A_604 = arith.constant 224 : index
        %swap3A_605 = tpu.vector_load %arg5[%swap3A_602, %swap3A_603, %swap3A_604] {strides = array<i32>} : memref<4x16x768xf32, #tpu.memory_space<vmem>>, vector<1x1x16xf32>,
        %swap3A_606 = vector.shape_cast %swap3A_605 : vector<1x1x16xf32> to vector<16xf32>
        %swap3A_607 = vector.shape_cast %get3A_600 : vector<16xf32> to vector<1x1x16xf32>
        tpu.vector_store %arg5[%swap3A_602, %swap3A_603, %swap3A_604], %swap3A_607 {add = true, strides = array<i32>} : memref<4x16x768xf32, #tpu.memory_space<vmem>>, vector<1x1x16xf32>,
        %swap3A_608 = arith.constant 1 : i32
        %swap3A_609 = arith.index_cast %swap3A_608 : i32 to index
        %swap3A_610 = arith.index_cast %scan3A_149 : i32 to index
        %swap3A_611 = arith.constant 224 : index
        %swap3A_612 = tpu.vector_load %arg5[%swap3A_609, %swap3A_610, %swap3A_611] {strides = array<i32>} : memref<4x16x768xf32, #tpu.memory_space<vmem>>, vector<1x1x16xf32>,
        %swap3A_613 = vector.shape_cast %swap3A_612 : vector<1x1x16xf32> to vector<16xf32>
        %swap3A_614 = vector.shape_cast %get3A_600 : vector<16xf32> to vector<1x1x16xf32>
        tpu.vector_store %arg5[%swap3A_609, %swap3A_610, %swap3A_611], %swap3A_614 {add = true, strides = array<i32>} : memref<4x16x768xf32, #tpu.memory_space<vmem>>, vector<1x1x16xf32>,
        %swap3A_615 = arith.constant 2 : i32
        %swap3A_616 = arith.index_cast %swap3A_615 : i32 to index
        %swap3A_617 = arith.index_cast %scan3A_149 : i32 to index
        %swap3A_618 = arith.constant 224 : index
        %swap3A_619 = tpu.vector_load %arg5[%swap3A_616, %swap3A_617, %swap3A_618] {strides = array<i32>} : memref<4x16x768xf32, #tpu.memory_space<vmem>>, vector<1x1x16xf32>,
        %swap3A_620 = vector.shape_cast %swap3A_619 : vector<1x1x16xf32> to vector<16xf32>
        %swap3A_621 = vector.shape_cast %get3A_600 : vector<16xf32> to vector<1x1x16xf32>
        tpu.vector_store %arg5[%swap3A_616, %swap3A_617, %swap3A_618], %swap3A_621 {add = true, strides = array<i32>} : memref<4x16x768xf32, #tpu.memory_space<vmem>>, vector<1x1x16xf32>,
        %swap3A_622 = arith.constant 3 : i32
        %swap3A_623 = arith.index_cast %swap3A_622 : i32 to index
        %swap3A_624 = arith.index_cast %scan3A_149 : i32 to index
        %swap3A_625 = arith.constant 224 : index
        %swap3A_626 = tpu.vector_load %arg5[%swap3A_623, %swap3A_624, %swap3A_625] {strides = array<i32>} : memref<4x16x768xf32, #tpu.memory_space<vmem>>, vector<1x1x16xf32>,
        %swap3A_627 = vector.shape_cast %swap3A_626 : vector<1x1x16xf32> to vector<16xf32>
        %swap3A_628 = vector.shape_cast %get3A_600 : vector<16xf32> to vector<1x1x16xf32>
        tpu.vector_store %arg5[%swap3A_623, %swap3A_624, %swap3A_625], %swap3A_628 {add = true, strides = array<i32>} : memref<4x16x768xf32, #tpu.memory_space<vmem>>, vector<1x1x16xf32>,
        %get3A_629 = arith.index_cast %scan3A_149 : i32 to index
        %get3A_630 = arith.constant 240 : index
        %get3A_631 = tpu.vector_load %arg7[%get3A_629, %get3A_630] {strides = array<i32>} : memref<16x768xf32, #tpu.memory_space<vmem>>, vector<1x16xf32>,
        %get3A_632 = vector.shape_cast %get3A_631 : vector<1x16xf32> to vector<16xf32>
        %swap3A_633 = arith.constant 0 : i32
        %swap3A_634 = arith.index_cast %swap3A_633 : i32 to index
        %swap3A_635 = arith.index_cast %scan3A_149 : i32 to index
        %swap3A_636 = arith.constant 240 : index
        %swap3A_637 = tpu.vector_load %arg5[%swap3A_634, %swap3A_635, %swap3A_636] {strides = array<i32>} : memref<4x16x768xf32, #tpu.memory_space<vmem>>, vector<1x1x16xf32>,
        %swap3A_638 = vector.shape_cast %swap3A_637 : vector<1x1x16xf32> to vector<16xf32>
        %swap3A_639 = vector.shape_cast %get3A_632 : vector<16xf32> to vector<1x1x16xf32>
        tpu.vector_store %arg5[%swap3A_634, %swap3A_635, %swap3A_636], %swap3A_639 {add = true, strides = array<i32>} : memref<4x16x768xf32, #tpu.memory_space<vmem>>, vector<1x1x16xf32>,
        %swap3A_640 = arith.constant 1 : i32
        %swap3A_641 = arith.index_cast %swap3A_640 : i32 to index
        %swap3A_642 = arith.index_cast %scan3A_149 : i32 to index
        %swap3A_643 = arith.constant 240 : index
        %swap3A_644 = tpu.vector_load %arg5[%swap3A_641, %swap3A_642, %swap3A_643] {strides = array<i32>} : memref<4x16x768xf32, #tpu.memory_space<vmem>>, vector<1x1x16xf32>,
        %swap3A_645 = vector.shape_cast %swap3A_644 : vector<1x1x16xf32> to vector<16xf32>
        %swap3A_646 = vector.shape_cast %get3A_632 : vector<16xf32> to vector<1x1x16xf32>
        tpu.vector_store %arg5[%swap3A_641, %swap3A_642, %swap3A_643], %swap3A_646 {add = true, strides = array<i32>} : memref<4x16x768xf32, #tpu.memory_space<vmem>>, vector<1x1x16xf32>,
        %swap3A_647 = arith.constant 2 : i32
        %swap3A_648 = arith.index_cast %swap3A_647 : i32 to index
        %swap3A_649 = arith.index_cast %scan3A_149 : i32 to index
        %swap3A_650 = arith.constant 240 : index
        %swap3A_651 = tpu.vector_load %arg5[%swap3A_648, %swap3A_649, %swap3A_650] {strides = array<i32>} : memref<4x16x768xf32, #tpu.memory_space<vmem>>, vector<1x1x16xf32>,
        %swap3A_652 = vector.shape_cast %swap3A_651 : vector<1x1x16xf32> to vector<16xf32>
        %swap3A_653 = vector.shape_cast %get3A_632 : vector<16xf32> to vector<1x1x16xf32>
        tpu.vector_store %arg5[%swap3A_648, %swap3A_649, %swap3A_650], %swap3A_653 {add = true, strides = array<i32>} : memref<4x16x768xf32, #tpu.memory_space<vmem>>, vector<1x1x16xf32>,
        %swap3A_654 = arith.constant 3 : i32
        %swap3A_655 = arith.index_cast %swap3A_654 : i32 to index
        %swap3A_656 = arith.index_cast %scan3A_149 : i32 to index
        %swap3A_657 = arith.constant 240 : index
        %swap3A_658 = tpu.vector_load %arg5[%swap3A_655, %swap3A_656, %swap3A_657] {strides = array<i32>} : memref<4x16x768xf32, #tpu.memory_space<vmem>>, vector<1x1x16xf32>,
        %swap3A_659 = vector.shape_cast %swap3A_658 : vector<1x1x16xf32> to vector<16xf32>
        %swap3A_660 = vector.shape_cast %get3A_632 : vector<16xf32> to vector<1x1x16xf32>
        tpu.vector_store %arg5[%swap3A_655, %swap3A_656, %swap3A_657], %swap3A_660 {add = true, strides = array<i32>} : memref<4x16x768xf32, #tpu.memory_space<vmem>>, vector<1x1x16xf32>,
        %get3A_661 = arith.index_cast %scan3A_149 : i32 to index
        %get3A_662 = arith.constant 256 : index
        %get3A_663 = tpu.vector_load %arg7[%get3A_661, %get3A_662] {strides = array<i32>} : memref<16x768xf32, #tpu.memory_space<vmem>>, vector<1x16xf32>,
        %get3A_664 = vector.shape_cast %get3A_663 : vector<1x16xf32> to vector<16xf32>
        %swap3A_665 = arith.constant 0 : i32
        %swap3A_666 = arith.index_cast %swap3A_665 : i32 to index
        %swap3A_667 = arith.index_cast %scan3A_149 : i32 to index
        %swap3A_668 = arith.constant 256 : index
        %swap3A_669 = tpu.vector_load %arg5[%swap3A_666, %swap3A_667, %swap3A_668] {strides = array<i32>} : memref<4x16x768xf32, #tpu.memory_space<vmem>>, vector<1x1x16xf32>,
        %swap3A_670 = vector.shape_cast %swap3A_669 : vector<1x1x16xf32> to vector<16xf32>
        %swap3A_671 = vector.shape_cast %get3A_664 : vector<16xf32> to vector<1x1x16xf32>
        tpu.vector_store %arg5[%swap3A_666, %swap3A_667, %swap3A_668], %swap3A_671 {add = true, strides = array<i32>} : memref<4x16x768xf32, #tpu.memory_space<vmem>>, vector<1x1x16xf32>,
        %swap3A_672 = arith.constant 1 : i32
        %swap3A_673 = arith.index_cast %swap3A_672 : i32 to index
        %swap3A_674 = arith.index_cast %scan3A_149 : i32 to index
        %swap3A_675 = arith.constant 256 : index
        %swap3A_676 = tpu.vector_load %arg5[%swap3A_673, %swap3A_674, %swap3A_675] {strides = array<i32>} : memref<4x16x768xf32, #tpu.memory_space<vmem>>, vector<1x1x16xf32>,
        %swap3A_677 = vector.shape_cast %swap3A_676 : vector<1x1x16xf32> to vector<16xf32>
        %swap3A_678 = vector.shape_cast %get3A_664 : vector<16xf32> to vector<1x1x16xf32>
        tpu.vector_store %arg5[%swap3A_673, %swap3A_674, %swap3A_675], %swap3A_678 {add = true, strides = array<i32>} : memref<4x16x768xf32, #tpu.memory_space<vmem>>, vector<1x1x16xf32>,
        %swap3A_679 = arith.constant 2 : i32
        %swap3A_680 = arith.index_cast %swap3A_679 : i32 to index
        %swap3A_681 = arith.index_cast %scan3A_149 : i32 to index
        %swap3A_682 = arith.constant 256 : index
        %swap3A_683 = tpu.vector_load %arg5[%swap3A_680, %swap3A_681, %swap3A_682] {strides = array<i32>} : memref<4x16x768xf32, #tpu.memory_space<vmem>>, vector<1x1x16xf32>,
        %swap3A_684 = vector.shape_cast %swap3A_683 : vector<1x1x16xf32> to vector<16xf32>
        %swap3A_685 = vector.shape_cast %get3A_664 : vector<16xf32> to vector<1x1x16xf32>
        tpu.vector_store %arg5[%swap3A_680, %swap3A_681, %swap3A_682], %swap3A_685 {add = true, strides = array<i32>} : memref<4x16x768xf32, #tpu.memory_space<vmem>>, vector<1x1x16xf32>,
        %swap3A_686 = arith.constant 3 : i32
        %swap3A_687 = arith.index_cast %swap3A_686 : i32 to index
        %swap3A_688 = arith.index_cast %scan3A_149 : i32 to index
        %swap3A_689 = arith.constant 256 : index
        %swap3A_690 = tpu.vector_load %arg5[%swap3A_687, %swap3A_688, %swap3A_689] {strides = array<i32>} : memref<4x16x768xf32, #tpu.memory_space<vmem>>, vector<1x1x16xf32>,
        %swap3A_691 = vector.shape_cast %swap3A_690 : vector<1x1x16xf32> to vector<16xf32>
        %swap3A_692 = vector.shape_cast %get3A_664 : vector<16xf32> to vector<1x1x16xf32>
        tpu.vector_store %arg5[%swap3A_687, %swap3A_688, %swap3A_689], %swap3A_692 {add = true, strides = array<i32>} : memref<4x16x768xf32, #tpu.memory_space<vmem>>, vector<1x1x16xf32>,
        %get3A_693 = arith.index_cast %scan3A_149 : i32 to index
        %get3A_694 = arith.constant 272 : index
        %get3A_695 = tpu.vector_load %arg7[%get3A_693, %get3A_694] {strides = array<i32>} : memref<16x768xf32, #tpu.memory_space<vmem>>, vector<1x16xf32>,
        %get3A_696 = vector.shape_cast %get3A_695 : vector<1x16xf32> to vector<16xf32>
        %swap3A_697 = arith.constant 0 : i32
        %swap3A_698 = arith.index_cast %swap3A_697 : i32 to index
        %swap3A_699 = arith.index_cast %scan3A_149 : i32 to index
        %swap3A_700 = arith.constant 272 : index
        %swap3A_701 = tpu.vector_load %arg5[%swap3A_698, %swap3A_699, %swap3A_700] {strides = array<i32>} : memref<4x16x768xf32, #tpu.memory_space<vmem>>, vector<1x1x16xf32>,
        %swap3A_702 = vector.shape_cast %swap3A_701 : vector<1x1x16xf32> to vector<16xf32>
        %swap3A_703 = vector.shape_cast %get3A_696 : vector<16xf32> to vector<1x1x16xf32>
        tpu.vector_store %arg5[%swap3A_698, %swap3A_699, %swap3A_700], %swap3A_703 {add = true, strides = array<i32>} : memref<4x16x768xf32, #tpu.memory_space<vmem>>, vector<1x1x16xf32>,
        %swap3A_704 = arith.constant 1 : i32
        %swap3A_705 = arith.index_cast %swap3A_704 : i32 to index
        %swap3A_706 = arith.index_cast %scan3A_149 : i32 to index
        %swap3A_707 = arith.constant 272 : index
        %swap3A_708 = tpu.vector_load %arg5[%swap3A_705, %swap3A_706, %swap3A_707] {strides = array<i32>} : memref<4x16x768xf32, #tpu.memory_space<vmem>>, vector<1x1x16xf32>,
        %swap3A_709 = vector.shape_cast %swap3A_708 : vector<1x1x16xf32> to vector<16xf32>
        %swap3A_710 = vector.shape_cast %get3A_696 : vector<16xf32> to vector<1x1x16xf32>
        tpu.vector_store %arg5[%swap3A_705, %swap3A_706, %swap3A_707], %swap3A_710 {add = true, strides = array<i32>} : memref<4x16x768xf32, #tpu.memory_space<vmem>>, vector<1x1x16xf32>,
        %swap3A_711 = arith.constant 2 : i32
        %swap3A_712 = arith.index_cast %swap3A_711 : i32 to index
        %swap3A_713 = arith.index_cast %scan3A_149 : i32 to index
        %swap3A_714 = arith.constant 272 : index
        %swap3A_715 = tpu.vector_load %arg5[%swap3A_712, %swap3A_713, %swap3A_714] {strides = array<i32>} : memref<4x16x768xf32, #tpu.memory_space<vmem>>, vector<1x1x16xf32>,
        %swap3A_716 = vector.shape_cast %swap3A_715 : vector<1x1x16xf32> to vector<16xf32>
        %swap3A_717 = vector.shape_cast %get3A_696 : vector<16xf32> to vector<1x1x16xf32>
        tpu.vector_store %arg5[%swap3A_712, %swap3A_713, %swap3A_714], %swap3A_717 {add = true, strides = array<i32>} : memref<4x16x768xf32, #tpu.memory_space<vmem>>, vector<1x1x16xf32>,
        %swap3A_718 = arith.constant 3 : i32
        %swap3A_719 = arith.index_cast %swap3A_718 : i32 to index
        %swap3A_720 = arith.index_cast %scan3A_149 : i32 to index
        %swap3A_721 = arith.constant 272 : index
        %swap3A_722 = tpu.vector_load %arg5[%swap3A_719, %swap3A_720, %swap3A_721] {strides = array<i32>} : memref<4x16x768xf32, #tpu.memory_space<vmem>>, vector<1x1x16xf32>,
        %swap3A_723 = vector.shape_cast %swap3A_722 : vector<1x1x16xf32> to vector<16xf32>
        %swap3A_724 = vector.shape_cast %get3A_696 : vector<16xf32> to vector<1x1x16xf32>
        tpu.vector_store %arg5[%swap3A_719, %swap3A_720, %swap3A_721], %swap3A_724 {add = true, strides = array<i32>} : memref<4x16x768xf32, #tpu.memory_space<vmem>>, vector<1x1x16xf32>,
        %get3A_725 = arith.index_cast %scan3A_149 : i32 to index
        %get3A_726 = arith.constant 288 : index
        %get3A_727 = tpu.vector_load %arg7[%get3A_725, %get3A_726] {strides = array<i32>} : memref<16x768xf32, #tpu.memory_space<vmem>>, vector<1x16xf32>,
        %get3A_728 = vector.shape_cast %get3A_727 : vector<1x16xf32> to vector<16xf32>
        %swap3A_729 = arith.constant 0 : i32
        %swap3A_730 = arith.index_cast %swap3A_729 : i32 to index
        %swap3A_731 = arith.index_cast %scan3A_149 : i32 to index
        %swap3A_732 = arith.constant 288 : index
        %swap3A_733 = tpu.vector_load %arg5[%swap3A_730, %swap3A_731, %swap3A_732] {strides = array<i32>} : memref<4x16x768xf32, #tpu.memory_space<vmem>>, vector<1x1x16xf32>,
        %swap3A_734 = vector.shape_cast %swap3A_733 : vector<1x1x16xf32> to vector<16xf32>
        %swap3A_735 = vector.shape_cast %get3A_728 : vector<16xf32> to vector<1x1x16xf32>
        tpu.vector_store %arg5[%swap3A_730, %swap3A_731, %swap3A_732], %swap3A_735 {add = true, strides = array<i32>} : memref<4x16x768xf32, #tpu.memory_space<vmem>>, vector<1x1x16xf32>,
        %swap3A_736 = arith.constant 1 : i32
        %swap3A_737 = arith.index_cast %swap3A_736 : i32 to index
        %swap3A_738 = arith.index_cast %scan3A_149 : i32 to index
        %swap3A_739 = arith.constant 288 : index
        %swap3A_740 = tpu.vector_load %arg5[%swap3A_737, %swap3A_738, %swap3A_739] {strides = array<i32>} : memref<4x16x768xf32, #tpu.memory_space<vmem>>, vector<1x1x16xf32>,
        %swap3A_741 = vector.shape_cast %swap3A_740 : vector<1x1x16xf32> to vector<16xf32>
        %swap3A_742 = vector.shape_cast %get3A_728 : vector<16xf32> to vector<1x1x16xf32>
        tpu.vector_store %arg5[%swap3A_737, %swap3A_738, %swap3A_739], %swap3A_742 {add = true, strides = array<i32>} : memref<4x16x768xf32, #tpu.memory_space<vmem>>, vector<1x1x16xf32>,
        %swap3A_743 = arith.constant 2 : i32
        %swap3A_744 = arith.index_cast %swap3A_743 : i32 to index
        %swap3A_745 = arith.index_cast %scan3A_149 : i32 to index
        %swap3A_746 = arith.constant 288 : index
        %swap3A_747 = tpu.vector_load %arg5[%swap3A_744, %swap3A_745, %swap3A_746] {strides = array<i32>} : memref<4x16x768xf32, #tpu.memory_space<vmem>>, vector<1x1x16xf32>,
        %swap3A_748 = vector.shape_cast %swap3A_747 : vector<1x1x16xf32> to vector<16xf32>
        %swap3A_749 = vector.shape_cast %get3A_728 : vector<16xf32> to vector<1x1x16xf32>
        tpu.vector_store %arg5[%swap3A_744, %swap3A_745, %swap3A_746], %swap3A_749 {add = true, strides = array<i32>} : memref<4x16x768xf32, #tpu.memory_space<vmem>>, vector<1x1x16xf32>,
        %swap3A_750 = arith.constant 3 : i32
        %swap3A_751 = arith.index_cast %swap3A_750 : i32 to index
        %swap3A_752 = arith.index_cast %scan3A_149 : i32 to index
        %swap3A_753 = arith.constant 288 : index
        %swap3A_754 = tpu.vector_load %arg5[%swap3A_751, %swap3A_752, %swap3A_753] {strides = array<i32>} : memref<4x16x768xf32, #tpu.memory_space<vmem>>, vector<1x1x16xf32>,
        %swap3A_755 = vector.shape_cast %swap3A_754 : vector<1x1x16xf32> to vector<16xf32>
        %swap3A_756 = vector.shape_cast %get3A_728 : vector<16xf32> to vector<1x1x16xf32>
        tpu.vector_store %arg5[%swap3A_751, %swap3A_752, %swap3A_753], %swap3A_756 {add = true, strides = array<i32>} : memref<4x16x768xf32, #tpu.memory_space<vmem>>, vector<1x1x16xf32>,
        %get3A_757 = arith.index_cast %scan3A_149 : i32 to index
        %get3A_758 = arith.constant 304 : index
        %get3A_759 = tpu.vector_load %arg7[%get3A_757, %get3A_758] {strides = array<i32>} : memref<16x768xf32, #tpu.memory_space<vmem>>, vector<1x16xf32>,
        %get3A_760 = vector.shape_cast %get3A_759 : vector<1x16xf32> to vector<16xf32>
        %swap3A_761 = arith.constant 0 : i32
        %swap3A_762 = arith.index_cast %swap3A_761 : i32 to index
        %swap3A_763 = arith.index_cast %scan3A_149 : i32 to index
        %swap3A_764 = arith.constant 304 : index
        %swap3A_765 = tpu.vector_load %arg5[%swap3A_762, %swap3A_763, %swap3A_764] {strides = array<i32>} : memref<4x16x768xf32, #tpu.memory_space<vmem>>, vector<1x1x16xf32>,
        %swap3A_766 = vector.shape_cast %swap3A_765 : vector<1x1x16xf32> to vector<16xf32>
        %swap3A_767 = vector.shape_cast %get3A_760 : vector<16xf32> to vector<1x1x16xf32>
        tpu.vector_store %arg5[%swap3A_762, %swap3A_763, %swap3A_764], %swap3A_767 {add = true, strides = array<i32>} : memref<4x16x768xf32, #tpu.memory_space<vmem>>, vector<1x1x16xf32>,
        %swap3A_768 = arith.constant 1 : i32
        %swap3A_769 = arith.index_cast %swap3A_768 : i32 to index
        %swap3A_770 = arith.index_cast %scan3A_149 : i32 to index
        %swap3A_771 = arith.constant 304 : index
        %swap3A_772 = tpu.vector_load %arg5[%swap3A_769, %swap3A_770, %swap3A_771] {strides = array<i32>} : memref<4x16x768xf32, #tpu.memory_space<vmem>>, vector<1x1x16xf32>,
        %swap3A_773 = vector.shape_cast %swap3A_772 : vector<1x1x16xf32> to vector<16xf32>
        %swap3A_774 = vector.shape_cast %get3A_760 : vector<16xf32> to vector<1x1x16xf32>
        tpu.vector_store %arg5[%swap3A_769, %swap3A_770, %swap3A_771], %swap3A_774 {add = true, strides = array<i32>} : memref<4x16x768xf32, #tpu.memory_space<vmem>>, vector<1x1x16xf32>,
        %swap3A_775 = arith.constant 2 : i32
        %swap3A_776 = arith.index_cast %swap3A_775 : i32 to index
        %swap3A_777 = arith.index_cast %scan3A_149 : i32 to index
        %swap3A_778 = arith.constant 304 : index
        %swap3A_779 = tpu.vector_load %arg5[%swap3A_776, %swap3A_777, %swap3A_778] {strides = array<i32>} : memref<4x16x768xf32, #tpu.memory_space<vmem>>, vector<1x1x16xf32>,
        %swap3A_780 = vector.shape_cast %swap3A_779 : vector<1x1x16xf32> to vector<16xf32>
        %swap3A_781 = vector.shape_cast %get3A_760 : vector<16xf32> to vector<1x1x16xf32>
        tpu.vector_store %arg5[%swap3A_776, %swap3A_777, %swap3A_778], %swap3A_781 {add = true, strides = array<i32>} : memref<4x16x768xf32, #tpu.memory_space<vmem>>, vector<1x1x16xf32>,
        %swap3A_782 = arith.constant 3 : i32
        %swap3A_783 = arith.index_cast %swap3A_782 : i32 to index
        %swap3A_784 = arith.index_cast %scan3A_149 : i32 to index
        %swap3A_785 = arith.constant 304 : index
        %swap3A_786 = tpu.vector_load %arg5[%swap3A_783, %swap3A_784, %swap3A_785] {strides = array<i32>} : memref<4x16x768xf32, #tpu.memory_space<vmem>>, vector<1x1x16xf32>,
        %swap3A_787 = vector.shape_cast %swap3A_786 : vector<1x1x16xf32> to vector<16xf32>
        %swap3A_788 = vector.shape_cast %get3A_760 : vector<16xf32> to vector<1x1x16xf32>
        tpu.vector_store %arg5[%swap3A_783, %swap3A_784, %swap3A_785], %swap3A_788 {add = true, strides = array<i32>} : memref<4x16x768xf32, #tpu.memory_space<vmem>>, vector<1x1x16xf32>,
        %get3A_789 = arith.index_cast %scan3A_149 : i32 to index
        %get3A_790 = arith.constant 320 : index
        %get3A_791 = tpu.vector_load %arg7[%get3A_789, %get3A_790] {strides = array<i32>} : memref<16x768xf32, #tpu.memory_space<vmem>>, vector<1x16xf32>,
        %get3A_792 = vector.shape_cast %get3A_791 : vector<1x16xf32> to vector<16xf32>
        %swap3A_793 = arith.constant 0 : i32
        %swap3A_794 = arith.index_cast %swap3A_793 : i32 to index
        %swap3A_795 = arith.index_cast %scan3A_149 : i32 to index
        %swap3A_796 = arith.constant 320 : index
        %swap3A_797 = tpu.vector_load %arg5[%swap3A_794, %swap3A_795, %swap3A_796] {strides = array<i32>} : memref<4x16x768xf32, #tpu.memory_space<vmem>>, vector<1x1x16xf32>,
        %swap3A_798 = vector.shape_cast %swap3A_797 : vector<1x1x16xf32> to vector<16xf32>
        %swap3A_799 = vector.shape_cast %get3A_792 : vector<16xf32> to vector<1x1x16xf32>
        tpu.vector_store %arg5[%swap3A_794, %swap3A_795, %swap3A_796], %swap3A_799 {add = true, strides = array<i32>} : memref<4x16x768xf32, #tpu.memory_space<vmem>>, vector<1x1x16xf32>,
        %swap3A_800 = arith.constant 1 : i32
        %swap3A_801 = arith.index_cast %swap3A_800 : i32 to index
        %swap3A_802 = arith.index_cast %scan3A_149 : i32 to index
        %swap3A_803 = arith.constant 320 : index
        %swap3A_804 = tpu.vector_load %arg5[%swap3A_801, %swap3A_802, %swap3A_803] {strides = array<i32>} : memref<4x16x768xf32, #tpu.memory_space<vmem>>, vector<1x1x16xf32>,
        %swap3A_805 = vector.shape_cast %swap3A_804 : vector<1x1x16xf32> to vector<16xf32>
        %swap3A_806 = vector.shape_cast %get3A_792 : vector<16xf32> to vector<1x1x16xf32>
        tpu.vector_store %arg5[%swap3A_801, %swap3A_802, %swap3A_803], %swap3A_806 {add = true, strides = array<i32>} : memref<4x16x768xf32, #tpu.memory_space<vmem>>, vector<1x1x16xf32>,
        %swap3A_807 = arith.constant 2 : i32
        %swap3A_808 = arith.index_cast %swap3A_807 : i32 to index
        %swap3A_809 = arith.index_cast %scan3A_149 : i32 to index
        %swap3A_810 = arith.constant 320 : index
        %swap3A_811 = tpu.vector_load %arg5[%swap3A_808, %swap3A_809, %swap3A_810] {strides = array<i32>} : memref<4x16x768xf32, #tpu.memory_space<vmem>>, vector<1x1x16xf32>,
        %swap3A_812 = vector.shape_cast %swap3A_811 : vector<1x1x16xf32> to vector<16xf32>
        %swap3A_813 = vector.shape_cast %get3A_792 : vector<16xf32> to vector<1x1x16xf32>
        tpu.vector_store %arg5[%swap3A_808, %swap3A_809, %swap3A_810], %swap3A_813 {add = true, strides = array<i32>} : memref<4x16x768xf32, #tpu.memory_space<vmem>>, vector<1x1x16xf32>,
        %swap3A_814 = arith.constant 3 : i32
        %swap3A_815 = arith.index_cast %swap3A_814 : i32 to index
        %swap3A_816 = arith.index_cast %scan3A_149 : i32 to index
        %swap3A_817 = arith.constant 320 : index
        %swap3A_818 = tpu.vector_load %arg5[%swap3A_815, %swap3A_816, %swap3A_817] {strides = array<i32>} : memref<4x16x768xf32, #tpu.memory_space<vmem>>, vector<1x1x16xf32>,
        %swap3A_819 = vector.shape_cast %swap3A_818 : vector<1x1x16xf32> to vector<16xf32>
        %swap3A_820 = vector.shape_cast %get3A_792 : vector<16xf32> to vector<1x1x16xf32>
        tpu.vector_store %arg5[%swap3A_815, %swap3A_816, %swap3A_817], %swap3A_820 {add = true, strides = array<i32>} : memref<4x16x768xf32, #tpu.memory_space<vmem>>, vector<1x1x16xf32>,
        %get3A_821 = arith.index_cast %scan3A_149 : i32 to index
        %get3A_822 = arith.constant 336 : index
        %get3A_823 = tpu.vector_load %arg7[%get3A_821, %get3A_822] {strides = array<i32>} : memref<16x768xf32, #tpu.memory_space<vmem>>, vector<1x16xf32>,
        %get3A_824 = vector.shape_cast %get3A_823 : vector<1x16xf32> to vector<16xf32>
        %swap3A_825 = arith.constant 0 : i32
        %swap3A_826 = arith.index_cast %swap3A_825 : i32 to index
        %swap3A_827 = arith.index_cast %scan3A_149 : i32 to index
        %swap3A_828 = arith.constant 336 : index
        %swap3A_829 = tpu.vector_load %arg5[%swap3A_826, %swap3A_827, %swap3A_828] {strides = array<i32>} : memref<4x16x768xf32, #tpu.memory_space<vmem>>, vector<1x1x16xf32>,
        %swap3A_830 = vector.shape_cast %swap3A_829 : vector<1x1x16xf32> to vector<16xf32>
        %swap3A_831 = vector.shape_cast %get3A_824 : vector<16xf32> to vector<1x1x16xf32>
        tpu.vector_store %arg5[%swap3A_826, %swap3A_827, %swap3A_828], %swap3A_831 {add = true, strides = array<i32>} : memref<4x16x768xf32, #tpu.memory_space<vmem>>, vector<1x1x16xf32>,
        %swap3A_832 = arith.constant 1 : i32
        %swap3A_833 = arith.index_cast %swap3A_832 : i32 to index
        %swap3A_834 = arith.index_cast %scan3A_149 : i32 to index
        %swap3A_835 = arith.constant 336 : index
        %swap3A_836 = tpu.vector_load %arg5[%swap3A_833, %swap3A_834, %swap3A_835] {strides = array<i32>} : memref<4x16x768xf32, #tpu.memory_space<vmem>>, vector<1x1x16xf32>,
        %swap3A_837 = vector.shape_cast %swap3A_836 : vector<1x1x16xf32> to vector<16xf32>
        %swap3A_838 = vector.shape_cast %get3A_824 : vector<16xf32> to vector<1x1x16xf32>
        tpu.vector_store %arg5[%swap3A_833, %swap3A_834, %swap3A_835], %swap3A_838 {add = true, strides = array<i32>} : memref<4x16x768xf32, #tpu.memory_space<vmem>>, vector<1x1x16xf32>,
        %swap3A_839 = arith.constant 2 : i32
        %swap3A_840 = arith.index_cast %swap3A_839 : i32 to index
        %swap3A_841 = arith.index_cast %scan3A_149 : i32 to index
        %swap3A_842 = arith.constant 336 : index
        %swap3A_843 = tpu.vector_load %arg5[%swap3A_840, %swap3A_841, %swap3A_842] {strides = array<i32>} : memref<4x16x768xf32, #tpu.memory_space<vmem>>, vector<1x1x16xf32>,
        %swap3A_844 = vector.shape_cast %swap3A_843 : vector<1x1x16xf32> to vector<16xf32>
        %swap3A_845 = vector.shape_cast %get3A_824 : vector<16xf32> to vector<1x1x16xf32>
        tpu.vector_store %arg5[%swap3A_840, %swap3A_841, %swap3A_842], %swap3A_845 {add = true, strides = array<i32>} : memref<4x16x768xf32, #tpu.memory_space<vmem>>, vector<1x1x16xf32>,
        %swap3A_846 = arith.constant 3 : i32
        %swap3A_847 = arith.index_cast %swap3A_846 : i32 to index
        %swap3A_848 = arith.index_cast %scan3A_149 : i32 to index
        %swap3A_849 = arith.constant 336 : index
        %swap3A_850 = tpu.vector_load %arg5[%swap3A_847, %swap3A_848, %swap3A_849] {strides = array<i32>} : memref<4x16x768xf32, #tpu.memory_space<vmem>>, vector<1x1x16xf32>,
        %swap3A_851 = vector.shape_cast %swap3A_850 : vector<1x1x16xf32> to vector<16xf32>
        %swap3A_852 = vector.shape_cast %get3A_824 : vector<16xf32> to vector<1x1x16xf32>
        tpu.vector_store %arg5[%swap3A_847, %swap3A_848, %swap3A_849], %swap3A_852 {add = true, strides = array<i32>} : memref<4x16x768xf32, #tpu.memory_space<vmem>>, vector<1x1x16xf32>,
        %get3A_853 = arith.index_cast %scan3A_149 : i32 to index
        %get3A_854 = arith.constant 352 : index
        %get3A_855 = tpu.vector_load %arg7[%get3A_853, %get3A_854] {strides = array<i32>} : memref<16x768xf32, #tpu.memory_space<vmem>>, vector<1x16xf32>,
        %get3A_856 = vector.shape_cast %get3A_855 : vector<1x16xf32> to vector<16xf32>
        %swap3A_857 = arith.constant 0 : i32
        %swap3A_858 = arith.index_cast %swap3A_857 : i32 to index
        %swap3A_859 = arith.index_cast %scan3A_149 : i32 to index
        %swap3A_860 = arith.constant 352 : index
        %swap3A_861 = tpu.vector_load %arg5[%swap3A_858, %swap3A_859, %swap3A_860] {strides = array<i32>} : memref<4x16x768xf32, #tpu.memory_space<vmem>>, vector<1x1x16xf32>,
        %swap3A_862 = vector.shape_cast %swap3A_861 : vector<1x1x16xf32> to vector<16xf32>
        %swap3A_863 = vector.shape_cast %get3A_856 : vector<16xf32> to vector<1x1x16xf32>
        tpu.vector_store %arg5[%swap3A_858, %swap3A_859, %swap3A_860], %swap3A_863 {add = true, strides = array<i32>} : memref<4x16x768xf32, #tpu.memory_space<vmem>>, vector<1x1x16xf32>,
        %swap3A_864 = arith.constant 1 : i32
        %swap3A_865 = arith.index_cast %swap3A_864 : i32 to index
        %swap3A_866 = arith.index_cast %scan3A_149 : i32 to index
        %swap3A_867 = arith.constant 352 : index
        %swap3A_868 = tpu.vector_load %arg5[%swap3A_865, %swap3A_866, %swap3A_867] {strides = array<i32>} : memref<4x16x768xf32, #tpu.memory_space<vmem>>, vector<1x1x16xf32>,
        %swap3A_869 = vector.shape_cast %swap3A_868 : vector<1x1x16xf32> to vector<16xf32>
        %swap3A_870 = vector.shape_cast %get3A_856 : vector<16xf32> to vector<1x1x16xf32>
        tpu.vector_store %arg5[%swap3A_865, %swap3A_866, %swap3A_867], %swap3A_870 {add = true, strides = array<i32>} : memref<4x16x768xf32, #tpu.memory_space<vmem>>, vector<1x1x16xf32>,
        %swap3A_871 = arith.constant 2 : i32
        %swap3A_872 = arith.index_cast %swap3A_871 : i32 to index
        %swap3A_873 = arith.index_cast %scan3A_149 : i32 to index
        %swap3A_874 = arith.constant 352 : index
        %swap3A_875 = tpu.vector_load %arg5[%swap3A_872, %swap3A_873, %swap3A_874] {strides = array<i32>} : memref<4x16x768xf32, #tpu.memory_space<vmem>>, vector<1x1x16xf32>,
        %swap3A_876 = vector.shape_cast %swap3A_875 : vector<1x1x16xf32> to vector<16xf32>
        %swap3A_877 = vector.shape_cast %get3A_856 : vector<16xf32> to vector<1x1x16xf32>
        tpu.vector_store %arg5[%swap3A_872, %swap3A_873, %swap3A_874], %swap3A_877 {add = true, strides = array<i32>} : memref<4x16x768xf32, #tpu.memory_space<vmem>>, vector<1x1x16xf32>,
        %swap3A_878 = arith.constant 3 : i32
        %swap3A_879 = arith.index_cast %swap3A_878 : i32 to index
        %swap3A_880 = arith.index_cast %scan3A_149 : i32 to index
        %swap3A_881 = arith.constant 352 : index
        %swap3A_882 = tpu.vector_load %arg5[%swap3A_879, %swap3A_880, %swap3A_881] {strides = array<i32>} : memref<4x16x768xf32, #tpu.memory_space<vmem>>, vector<1x1x16xf32>,
        %swap3A_883 = vector.shape_cast %swap3A_882 : vector<1x1x16xf32> to vector<16xf32>
        %swap3A_884 = vector.shape_cast %get3A_856 : vector<16xf32> to vector<1x1x16xf32>
        tpu.vector_store %arg5[%swap3A_879, %swap3A_880, %swap3A_881], %swap3A_884 {add = true, strides = array<i32>} : memref<4x16x768xf32, #tpu.memory_space<vmem>>, vector<1x1x16xf32>,
        %get3A_885 = arith.index_cast %scan3A_149 : i32 to index
        %get3A_886 = arith.constant 368 : index
        %get3A_887 = tpu.vector_load %arg7[%get3A_885, %get3A_886] {strides = array<i32>} : memref<16x768xf32, #tpu.memory_space<vmem>>, vector<1x16xf32>,
        %get3A_888 = vector.shape_cast %get3A_887 : vector<1x16xf32> to vector<16xf32>
        %swap3A_889 = arith.constant 0 : i32
        %swap3A_890 = arith.index_cast %swap3A_889 : i32 to index
        %swap3A_891 = arith.index_cast %scan3A_149 : i32 to index
        %swap3A_892 = arith.constant 368 : index
        %swap3A_893 = tpu.vector_load %arg5[%swap3A_890, %swap3A_891, %swap3A_892] {strides = array<i32>} : memref<4x16x768xf32, #tpu.memory_space<vmem>>, vector<1x1x16xf32>,
        %swap3A_894 = vector.shape_cast %swap3A_893 : vector<1x1x16xf32> to vector<16xf32>
        %swap3A_895 = vector.shape_cast %get3A_888 : vector<16xf32> to vector<1x1x16xf32>
        tpu.vector_store %arg5[%swap3A_890, %swap3A_891, %swap3A_892], %swap3A_895 {add = true, strides = array<i32>} : memref<4x16x768xf32, #tpu.memory_space<vmem>>, vector<1x1x16xf32>,
        %swap3A_896 = arith.constant 1 : i32
        %swap3A_897 = arith.index_cast %swap3A_896 : i32 to index
        %swap3A_898 = arith.index_cast %scan3A_149 : i32 to index
        %swap3A_899 = arith.constant 368 : index
        %swap3A_900 = tpu.vector_load %arg5[%swap3A_897, %swap3A_898, %swap3A_899] {strides = array<i32>} : memref<4x16x768xf32, #tpu.memory_space<vmem>>, vector<1x1x16xf32>,
        %swap3A_901 = vector.shape_cast %swap3A_900 : vector<1x1x16xf32> to vector<16xf32>
        %swap3A_902 = vector.shape_cast %get3A_888 : vector<16xf32> to vector<1x1x16xf32>
        tpu.vector_store %arg5[%swap3A_897, %swap3A_898, %swap3A_899], %swap3A_902 {add = true, strides = array<i32>} : memref<4x16x768xf32, #tpu.memory_space<vmem>>, vector<1x1x16xf32>,
        %swap3A_903 = arith.constant 2 : i32
        %swap3A_904 = arith.index_cast %swap3A_903 : i32 to index
        %swap3A_905 = arith.index_cast %scan3A_149 : i32 to index
        %swap3A_906 = arith.constant 368 : index
        %swap3A_907 = tpu.vector_load %arg5[%swap3A_904, %swap3A_905, %swap3A_906] {strides = array<i32>} : memref<4x16x768xf32, #tpu.memory_space<vmem>>, vector<1x1x16xf32>,
        %swap3A_908 = vector.shape_cast %swap3A_907 : vector<1x1x16xf32> to vector<16xf32>
        %swap3A_909 = vector.shape_cast %get3A_888 : vector<16xf32> to vector<1x1x16xf32>
        tpu.vector_store %arg5[%swap3A_904, %swap3A_905, %swap3A_906], %swap3A_909 {add = true, strides = array<i32>} : memref<4x16x768xf32, #tpu.memory_space<vmem>>, vector<1x1x16xf32>,
        %swap3A_910 = arith.constant 3 : i32
        %swap3A_911 = arith.index_cast %swap3A_910 : i32 to index
        %swap3A_912 = arith.index_cast %scan3A_149 : i32 to index
        %swap3A_913 = arith.constant 368 : index
        %swap3A_914 = tpu.vector_load %arg5[%swap3A_911, %swap3A_912, %swap3A_913] {strides = array<i32>} : memref<4x16x768xf32, #tpu.memory_space<vmem>>, vector<1x1x16xf32>,
        %swap3A_915 = vector.shape_cast %swap3A_914 : vector<1x1x16xf32> to vector<16xf32>
        %swap3A_916 = vector.shape_cast %get3A_888 : vector<16xf32> to vector<1x1x16xf32>
        tpu.vector_store %arg5[%swap3A_911, %swap3A_912, %swap3A_913], %swap3A_916 {add = true, strides = array<i32>} : memref<4x16x768xf32, #tpu.memory_space<vmem>>, vector<1x1x16xf32>,
        %get3A_917 = arith.index_cast %scan3A_149 : i32 to index
        %get3A_918 = arith.constant 384 : index
        %get3A_919 = tpu.vector_load %arg7[%get3A_917, %get3A_918] {strides = array<i32>} : memref<16x768xf32, #tpu.memory_space<vmem>>, vector<1x16xf32>,
        %get3A_920 = vector.shape_cast %get3A_919 : vector<1x16xf32> to vector<16xf32>
        %swap3A_921 = arith.constant 0 : i32
        %swap3A_922 = arith.index_cast %swap3A_921 : i32 to index
        %swap3A_923 = arith.index_cast %scan3A_149 : i32 to index
        %swap3A_924 = arith.constant 384 : index
        %swap3A_925 = tpu.vector_load %arg5[%swap3A_922, %swap3A_923, %swap3A_924] {strides = array<i32>} : memref<4x16x768xf32, #tpu.memory_space<vmem>>, vector<1x1x16xf32>,
        %swap3A_926 = vector.shape_cast %swap3A_925 : vector<1x1x16xf32> to vector<16xf32>
        %swap3A_927 = vector.shape_cast %get3A_920 : vector<16xf32> to vector<1x1x16xf32>
        tpu.vector_store %arg5[%swap3A_922, %swap3A_923, %swap3A_924], %swap3A_927 {add = true, strides = array<i32>} : memref<4x16x768xf32, #tpu.memory_space<vmem>>, vector<1x1x16xf32>,
        %swap3A_928 = arith.constant 1 : i32
        %swap3A_929 = arith.index_cast %swap3A_928 : i32 to index
        %swap3A_930 = arith.index_cast %scan3A_149 : i32 to index
        %swap3A_931 = arith.constant 384 : index
        %swap3A_932 = tpu.vector_load %arg5[%swap3A_929, %swap3A_930, %swap3A_931] {strides = array<i32>} : memref<4x16x768xf32, #tpu.memory_space<vmem>>, vector<1x1x16xf32>,
        %swap3A_933 = vector.shape_cast %swap3A_932 : vector<1x1x16xf32> to vector<16xf32>
        %swap3A_934 = vector.shape_cast %get3A_920 : vector<16xf32> to vector<1x1x16xf32>
        tpu.vector_store %arg5[%swap3A_929, %swap3A_930, %swap3A_931], %swap3A_934 {add = true, strides = array<i32>} : memref<4x16x768xf32, #tpu.memory_space<vmem>>, vector<1x1x16xf32>,
        %swap3A_935 = arith.constant 2 : i32
        %swap3A_936 = arith.index_cast %swap3A_935 : i32 to index
        %swap3A_937 = arith.index_cast %scan3A_149 : i32 to index
        %swap3A_938 = arith.constant 384 : index
        %swap3A_939 = tpu.vector_load %arg5[%swap3A_936, %swap3A_937, %swap3A_938] {strides = array<i32>} : memref<4x16x768xf32, #tpu.memory_space<vmem>>, vector<1x1x16xf32>,
        %swap3A_940 = vector.shape_cast %swap3A_939 : vector<1x1x16xf32> to vector<16xf32>
        %swap3A_941 = vector.shape_cast %get3A_920 : vector<16xf32> to vector<1x1x16xf32>
        tpu.vector_store %arg5[%swap3A_936, %swap3A_937, %swap3A_938], %swap3A_941 {add = true, strides = array<i32>} : memref<4x16x768xf32, #tpu.memory_space<vmem>>, vector<1x1x16xf32>,
        %swap3A_942 = arith.constant 3 : i32
        %swap3A_943 = arith.index_cast %swap3A_942 : i32 to index
        %swap3A_944 = arith.index_cast %scan3A_149 : i32 to index
        %swap3A_945 = arith.constant 384 : index
        %swap3A_946 = tpu.vector_load %arg5[%swap3A_943, %swap3A_944, %swap3A_945] {strides = array<i32>} : memref<4x16x768xf32, #tpu.memory_space<vmem>>, vector<1x1x16xf32>,
        %swap3A_947 = vector.shape_cast %swap3A_946 : vector<1x1x16xf32> to vector<16xf32>
        %swap3A_948 = vector.shape_cast %get3A_920 : vector<16xf32> to vector<1x1x16xf32>
        tpu.vector_store %arg5[%swap3A_943, %swap3A_944, %swap3A_945], %swap3A_948 {add = true, strides = array<i32>} : memref<4x16x768xf32, #tpu.memory_space<vmem>>, vector<1x1x16xf32>,
        %get3A_949 = arith.index_cast %scan3A_149 : i32 to index
        %get3A_950 = arith.constant 400 : index
        %get3A_951 = tpu.vector_load %arg7[%get3A_949, %get3A_950] {strides = array<i32>} : memref<16x768xf32, #tpu.memory_space<vmem>>, vector<1x16xf32>,
        %get3A_952 = vector.shape_cast %get3A_951 : vector<1x16xf32> to vector<16xf32>
        %swap3A_953 = arith.constant 0 : i32
        %swap3A_954 = arith.index_cast %swap3A_953 : i32 to index
        %swap3A_955 = arith.index_cast %scan3A_149 : i32 to index
        %swap3A_956 = arith.constant 400 : index
        %swap3A_957 = tpu.vector_load %arg5[%swap3A_954, %swap3A_955, %swap3A_956] {strides = array<i32>} : memref<4x16x768xf32, #tpu.memory_space<vmem>>, vector<1x1x16xf32>,
        %swap3A_958 = vector.shape_cast %swap3A_957 : vector<1x1x16xf32> to vector<16xf32>
        %swap3A_959 = vector.shape_cast %get3A_952 : vector<16xf32> to vector<1x1x16xf32>
        tpu.vector_store %arg5[%swap3A_954, %swap3A_955, %swap3A_956], %swap3A_959 {add = true, strides = array<i32>} : memref<4x16x768xf32, #tpu.memory_space<vmem>>, vector<1x1x16xf32>,
        %swap3A_960 = arith.constant 1 : i32
        %swap3A_961 = arith.index_cast %swap3A_960 : i32 to index
        %swap3A_962 = arith.index_cast %scan3A_149 : i32 to index
        %swap3A_963 = arith.constant 400 : index
        %swap3A_964 = tpu.vector_load %arg5[%swap3A_961, %swap3A_962, %swap3A_963] {strides = array<i32>} : memref<4x16x768xf32, #tpu.memory_space<vmem>>, vector<1x1x16xf32>,
        %swap3A_965 = vector.shape_cast %swap3A_964 : vector<1x1x16xf32> to vector<16xf32>
        %swap3A_966 = vector.shape_cast %get3A_952 : vector<16xf32> to vector<1x1x16xf32>
        tpu.vector_store %arg5[%swap3A_961, %swap3A_962, %swap3A_963], %swap3A_966 {add = true, strides = array<i32>} : memref<4x16x768xf32, #tpu.memory_space<vmem>>, vector<1x1x16xf32>,
        %swap3A_967 = arith.constant 2 : i32
        %swap3A_968 = arith.index_cast %swap3A_967 : i32 to index
        %swap3A_969 = arith.index_cast %scan3A_149 : i32 to index
        %swap3A_970 = arith.constant 400 : index
        %swap3A_971 = tpu.vector_load %arg5[%swap3A_968, %swap3A_969, %swap3A_970] {strides = array<i32>} : memref<4x16x768xf32, #tpu.memory_space<vmem>>, vector<1x1x16xf32>,
        %swap3A_972 = vector.shape_cast %swap3A_971 : vector<1x1x16xf32> to vector<16xf32>
        %swap3A_973 = vector.shape_cast %get3A_952 : vector<16xf32> to vector<1x1x16xf32>
        tpu.vector_store %arg5[%swap3A_968, %swap3A_969, %swap3A_970], %swap3A_973 {add = true, strides = array<i32>} : memref<4x16x768xf32, #tpu.memory_space<vmem>>, vector<1x1x16xf32>,
        %swap3A_974 = arith.constant 3 : i32
        %swap3A_975 = arith.index_cast %swap3A_974 : i32 to index
        %swap3A_976 = arith.index_cast %scan3A_149 : i32 to index
        %swap3A_977 = arith.constant 400 : index
        %swap3A_978 = tpu.vector_load %arg5[%swap3A_975, %swap3A_976, %swap3A_977] {strides = array<i32>} : memref<4x16x768xf32, #tpu.memory_space<vmem>>, vector<1x1x16xf32>,
        %swap3A_979 = vector.shape_cast %swap3A_978 : vector<1x1x16xf32> to vector<16xf32>
        %swap3A_980 = vector.shape_cast %get3A_952 : vector<16xf32> to vector<1x1x16xf32>
        tpu.vector_store %arg5[%swap3A_975, %swap3A_976, %swap3A_977], %swap3A_980 {add = true, strides = array<i32>} : memref<4x16x768xf32, #tpu.memory_space<vmem>>, vector<1x1x16xf32>,
        %get3A_981 = arith.index_cast %scan3A_149 : i32 to index
        %get3A_982 = arith.constant 416 : index
        %get3A_983 = tpu.vector_load %arg7[%get3A_981, %get3A_982] {strides = array<i32>} : memref<16x768xf32, #tpu.memory_space<vmem>>, vector<1x16xf32>,
        %get3A_984 = vector.shape_cast %get3A_983 : vector<1x16xf32> to vector<16xf32>
        %swap3A_985 = arith.constant 0 : i32
        %swap3A_986 = arith.index_cast %swap3A_985 : i32 to index
        %swap3A_987 = arith.index_cast %scan3A_149 : i32 to index
        %swap3A_988 = arith.constant 416 : index
        %swap3A_989 = tpu.vector_load %arg5[%swap3A_986, %swap3A_987, %swap3A_988] {strides = array<i32>} : memref<4x16x768xf32, #tpu.memory_space<vmem>>, vector<1x1x16xf32>,
        %swap3A_990 = vector.shape_cast %swap3A_989 : vector<1x1x16xf32> to vector<16xf32>
        %swap3A_991 = vector.shape_cast %get3A_984 : vector<16xf32> to vector<1x1x16xf32>
        tpu.vector_store %arg5[%swap3A_986, %swap3A_987, %swap3A_988], %swap3A_991 {add = true, strides = array<i32>} : memref<4x16x768xf32, #tpu.memory_space<vmem>>, vector<1x1x16xf32>,
        %swap3A_992 = arith.constant 1 : i32
        %swap3A_993 = arith.index_cast %swap3A_992 : i32 to index
        %swap3A_994 = arith.index_cast %scan3A_149 : i32 to index
        %swap3A_995 = arith.constant 416 : index
        %swap3A_996 = tpu.vector_load %arg5[%swap3A_993, %swap3A_994, %swap3A_995] {strides = array<i32>} : memref<4x16x768xf32, #tpu.memory_space<vmem>>, vector<1x1x16xf32>,
        %swap3A_997 = vector.shape_cast %swap3A_996 : vector<1x1x16xf32> to vector<16xf32>
        %swap3A_998 = vector.shape_cast %get3A_984 : vector<16xf32> to vector<1x1x16xf32>
        tpu.vector_store %arg5[%swap3A_993, %swap3A_994, %swap3A_995], %swap3A_998 {add = true, strides = array<i32>} : memref<4x16x768xf32, #tpu.memory_space<vmem>>, vector<1x1x16xf32>,
        %swap3A_999 = arith.constant 2 : i32
        %swap3A_1000 = arith.index_cast %swap3A_999 : i32 to index
        %swap3A_1001 = arith.index_cast %scan3A_149 : i32 to index
        %swap3A_1002 = arith.constant 416 : index
        %swap3A_1003 = tpu.vector_load %arg5[%swap3A_1000, %swap3A_1001, %swap3A_1002] {strides = array<i32>} : memref<4x16x768xf32, #tpu.memory_space<vmem>>, vector<1x1x16xf32>,
        %swap3A_1004 = vector.shape_cast %swap3A_1003 : vector<1x1x16xf32> to vector<16xf32>
        %swap3A_1005 = vector.shape_cast %get3A_984 : vector<16xf32> to vector<1x1x16xf32>
        tpu.vector_store %arg5[%swap3A_1000, %swap3A_1001, %swap3A_1002], %swap3A_1005 {add = true, strides = array<i32>} : memref<4x16x768xf32, #tpu.memory_space<vmem>>, vector<1x1x16xf32>,
        %swap3A_1006 = arith.constant 3 : i32
        %swap3A_1007 = arith.index_cast %swap3A_1006 : i32 to index
        %swap3A_1008 = arith.index_cast %scan3A_149 : i32 to index
        %swap3A_1009 = arith.constant 416 : index
        %swap3A_1010 = tpu.vector_load %arg5[%swap3A_1007, %swap3A_1008, %swap3A_1009] {strides = array<i32>} : memref<4x16x768xf32, #tpu.memory_space<vmem>>, vector<1x1x16xf32>,
        %swap3A_1011 = vector.shape_cast %swap3A_1010 : vector<1x1x16xf32> to vector<16xf32>
        %swap3A_1012 = vector.shape_cast %get3A_984 : vector<16xf32> to vector<1x1x16xf32>
        tpu.vector_store %arg5[%swap3A_1007, %swap3A_1008, %swap3A_1009], %swap3A_1012 {add = true, strides = array<i32>} : memref<4x16x768xf32, #tpu.memory_space<vmem>>, vector<1x1x16xf32>,
        %get3A_1013 = arith.index_cast %scan3A_149 : i32 to index
        %get3A_1014 = arith.constant 432 : index
        %get3A_1015 = tpu.vector_load %arg7[%get3A_1013, %get3A_1014] {strides = array<i32>} : memref<16x768xf32, #tpu.memory_space<vmem>>, vector<1x16xf32>,
        %get3A_1016 = vector.shape_cast %get3A_1015 : vector<1x16xf32> to vector<16xf32>
        %swap3A_1017 = arith.constant 0 : i32
        %swap3A_1018 = arith.index_cast %swap3A_1017 : i32 to index
        %swap3A_1019 = arith.index_cast %scan3A_149 : i32 to index
        %swap3A_1020 = arith.constant 432 : index
        %swap3A_1021 = tpu.vector_load %arg5[%swap3A_1018, %swap3A_1019, %swap3A_1020] {strides = array<i32>} : memref<4x16x768xf32, #tpu.memory_space<vmem>>, vector<1x1x16xf32>,
        %swap3A_1022 = vector.shape_cast %swap3A_1021 : vector<1x1x16xf32> to vector<16xf32>
        %swap3A_1023 = vector.shape_cast %get3A_1016 : vector<16xf32> to vector<1x1x16xf32>
        tpu.vector_store %arg5[%swap3A_1018, %swap3A_1019, %swap3A_1020], %swap3A_1023 {add = true, strides = array<i32>} : memref<4x16x768xf32, #tpu.memory_space<vmem>>, vector<1x1x16xf32>,
        %swap3A_1024 = arith.constant 1 : i32
        %swap3A_1025 = arith.index_cast %swap3A_1024 : i32 to index
        %swap3A_1026 = arith.index_cast %scan3A_149 : i32 to index
        %swap3A_1027 = arith.constant 432 : index
        %swap3A_1028 = tpu.vector_load %arg5[%swap3A_1025, %swap3A_1026, %swap3A_1027] {strides = array<i32>} : memref<4x16x768xf32, #tpu.memory_space<vmem>>, vector<1x1x16xf32>,
        %swap3A_1029 = vector.shape_cast %swap3A_1028 : vector<1x1x16xf32> to vector<16xf32>
        %swap3A_1030 = vector.shape_cast %get3A_1016 : vector<16xf32> to vector<1x1x16xf32>
        tpu.vector_store %arg5[%swap3A_1025, %swap3A_1026, %swap3A_1027], %swap3A_1030 {add = true, strides = array<i32>} : memref<4x16x768xf32, #tpu.memory_space<vmem>>, vector<1x1x16xf32>,
        %swap3A_1031 = arith.constant 2 : i32
        %swap3A_1032 = arith.index_cast %swap3A_1031 : i32 to index
        %swap3A_1033 = arith.index_cast %scan3A_149 : i32 to index
        %swap3A_1034 = arith.constant 432 : index
        %swap3A_1035 = tpu.vector_load %arg5[%swap3A_1032, %swap3A_1033, %swap3A_1034] {strides = array<i32>} : memref<4x16x768xf32, #tpu.memory_space<vmem>>, vector<1x1x16xf32>,
        %swap3A_1036 = vector.shape_cast %swap3A_1035 : vector<1x1x16xf32> to vector<16xf32>
        %swap3A_1037 = vector.shape_cast %get3A_1016 : vector<16xf32> to vector<1x1x16xf32>
        tpu.vector_store %arg5[%swap3A_1032, %swap3A_1033, %swap3A_1034], %swap3A_1037 {add = true, strides = array<i32>} : memref<4x16x768xf32, #tpu.memory_space<vmem>>, vector<1x1x16xf32>,
        %swap3A_1038 = arith.constant 3 : i32
        %swap3A_1039 = arith.index_cast %swap3A_1038 : i32 to index
        %swap3A_1040 = arith.index_cast %scan3A_149 : i32 to index
        %swap3A_1041 = arith.constant 432 : index
        %swap3A_1042 = tpu.vector_load %arg5[%swap3A_1039, %swap3A_1040, %swap3A_1041] {strides = array<i32>} : memref<4x16x768xf32, #tpu.memory_space<vmem>>, vector<1x1x16xf32>,
        %swap3A_1043 = vector.shape_cast %swap3A_1042 : vector<1x1x16xf32> to vector<16xf32>
        %swap3A_1044 = vector.shape_cast %get3A_1016 : vector<16xf32> to vector<1x1x16xf32>
        tpu.vector_store %arg5[%swap3A_1039, %swap3A_1040, %swap3A_1041], %swap3A_1044 {add = true, strides = array<i32>} : memref<4x16x768xf32, #tpu.memory_space<vmem>>, vector<1x1x16xf32>,
        %get3A_1045 = arith.index_cast %scan3A_149 : i32 to index
        %get3A_1046 = arith.constant 448 : index
        %get3A_1047 = tpu.vector_load %arg7[%get3A_1045, %get3A_1046] {strides = array<i32>} : memref<16x768xf32, #tpu.memory_space<vmem>>, vector<1x16xf32>,
        %get3A_1048 = vector.shape_cast %get3A_1047 : vector<1x16xf32> to vector<16xf32>
        %swap3A_1049 = arith.constant 0 : i32
        %swap3A_1050 = arith.index_cast %swap3A_1049 : i32 to index
        %swap3A_1051 = arith.index_cast %scan3A_149 : i32 to index
        %swap3A_1052 = arith.constant 448 : index
        %swap3A_1053 = tpu.vector_load %arg5[%swap3A_1050, %swap3A_1051, %swap3A_1052] {strides = array<i32>} : memref<4x16x768xf32, #tpu.memory_space<vmem>>, vector<1x1x16xf32>,
        %swap3A_1054 = vector.shape_cast %swap3A_1053 : vector<1x1x16xf32> to vector<16xf32>
        %swap3A_1055 = vector.shape_cast %get3A_1048 : vector<16xf32> to vector<1x1x16xf32>
        tpu.vector_store %arg5[%swap3A_1050, %swap3A_1051, %swap3A_1052], %swap3A_1055 {add = true, strides = array<i32>} : memref<4x16x768xf32, #tpu.memory_space<vmem>>, vector<1x1x16xf32>,
        %swap3A_1056 = arith.constant 1 : i32
        %swap3A_1057 = arith.index_cast %swap3A_1056 : i32 to index
        %swap3A_1058 = arith.index_cast %scan3A_149 : i32 to index
        %swap3A_1059 = arith.constant 448 : index
        %swap3A_1060 = tpu.vector_load %arg5[%swap3A_1057, %swap3A_1058, %swap3A_1059] {strides = array<i32>} : memref<4x16x768xf32, #tpu.memory_space<vmem>>, vector<1x1x16xf32>,
        %swap3A_1061 = vector.shape_cast %swap3A_1060 : vector<1x1x16xf32> to vector<16xf32>
        %swap3A_1062 = vector.shape_cast %get3A_1048 : vector<16xf32> to vector<1x1x16xf32>
        tpu.vector_store %arg5[%swap3A_1057, %swap3A_1058, %swap3A_1059], %swap3A_1062 {add = true, strides = array<i32>} : memref<4x16x768xf32, #tpu.memory_space<vmem>>, vector<1x1x16xf32>,
        %swap3A_1063 = arith.constant 2 : i32
        %swap3A_1064 = arith.index_cast %swap3A_1063 : i32 to index
        %swap3A_1065 = arith.index_cast %scan3A_149 : i32 to index
        %swap3A_1066 = arith.constant 448 : index
        %swap3A_1067 = tpu.vector_load %arg5[%swap3A_1064, %swap3A_1065, %swap3A_1066] {strides = array<i32>} : memref<4x16x768xf32, #tpu.memory_space<vmem>>, vector<1x1x16xf32>,
        %swap3A_1068 = vector.shape_cast %swap3A_1067 : vector<1x1x16xf32> to vector<16xf32>
        %swap3A_1069 = vector.shape_cast %get3A_1048 : vector<16xf32> to vector<1x1x16xf32>
        tpu.vector_store %arg5[%swap3A_1064, %swap3A_1065, %swap3A_1066], %swap3A_1069 {add = true, strides = array<i32>} : memref<4x16x768xf32, #tpu.memory_space<vmem>>, vector<1x1x16xf32>,
        %swap3A_1070 = arith.constant 3 : i32
        %swap3A_1071 = arith.index_cast %swap3A_1070 : i32 to index
        %swap3A_1072 = arith.index_cast %scan3A_149 : i32 to index
        %swap3A_1073 = arith.constant 448 : index
        %swap3A_1074 = tpu.vector_load %arg5[%swap3A_1071, %swap3A_1072, %swap3A_1073] {strides = array<i32>} : memref<4x16x768xf32, #tpu.memory_space<vmem>>, vector<1x1x16xf32>,
        %swap3A_1075 = vector.shape_cast %swap3A_1074 : vector<1x1x16xf32> to vector<16xf32>
        %swap3A_1076 = vector.shape_cast %get3A_1048 : vector<16xf32> to vector<1x1x16xf32>
        tpu.vector_store %arg5[%swap3A_1071, %swap3A_1072, %swap3A_1073], %swap3A_1076 {add = true, strides = array<i32>} : memref<4x16x768xf32, #tpu.memory_space<vmem>>, vector<1x1x16xf32>,
        %get3A_1077 = arith.index_cast %scan3A_149 : i32 to index
        %get3A_1078 = arith.constant 464 : index
        %get3A_1079 = tpu.vector_load %arg7[%get3A_1077, %get3A_1078] {strides = array<i32>} : memref<16x768xf32, #tpu.memory_space<vmem>>, vector<1x16xf32>,
        %get3A_1080 = vector.shape_cast %get3A_1079 : vector<1x16xf32> to vector<16xf32>
        %swap3A_1081 = arith.constant 0 : i32
        %swap3A_1082 = arith.index_cast %swap3A_1081 : i32 to index
        %swap3A_1083 = arith.index_cast %scan3A_149 : i32 to index
        %swap3A_1084 = arith.constant 464 : index
        %swap3A_1085 = tpu.vector_load %arg5[%swap3A_1082, %swap3A_1083, %swap3A_1084] {strides = array<i32>} : memref<4x16x768xf32, #tpu.memory_space<vmem>>, vector<1x1x16xf32>,
        %swap3A_1086 = vector.shape_cast %swap3A_1085 : vector<1x1x16xf32> to vector<16xf32>
        %swap3A_1087 = vector.shape_cast %get3A_1080 : vector<16xf32> to vector<1x1x16xf32>
        tpu.vector_store %arg5[%swap3A_1082, %swap3A_1083, %swap3A_1084], %swap3A_1087 {add = true, strides = array<i32>} : memref<4x16x768xf32, #tpu.memory_space<vmem>>, vector<1x1x16xf32>,
        %swap3A_1088 = arith.constant 1 : i32
        %swap3A_1089 = arith.index_cast %swap3A_1088 : i32 to index
        %swap3A_1090 = arith.index_cast %scan3A_149 : i32 to index
        %swap3A_1091 = arith.constant 464 : index
        %swap3A_1092 = tpu.vector_load %arg5[%swap3A_1089, %swap3A_1090, %swap3A_1091] {strides = array<i32>} : memref<4x16x768xf32, #tpu.memory_space<vmem>>, vector<1x1x16xf32>,
        %swap3A_1093 = vector.shape_cast %swap3A_1092 : vector<1x1x16xf32> to vector<16xf32>
        %swap3A_1094 = vector.shape_cast %get3A_1080 : vector<16xf32> to vector<1x1x16xf32>
        tpu.vector_store %arg5[%swap3A_1089, %swap3A_1090, %swap3A_1091], %swap3A_1094 {add = true, strides = array<i32>} : memref<4x16x768xf32, #tpu.memory_space<vmem>>, vector<1x1x16xf32>,
        %swap3A_1095 = arith.constant 2 : i32
        %swap3A_1096 = arith.index_cast %swap3A_1095 : i32 to index
        %swap3A_1097 = arith.index_cast %scan3A_149 : i32 to index
        %swap3A_1098 = arith.constant 464 : index
        %swap3A_1099 = tpu.vector_load %arg5[%swap3A_1096, %swap3A_1097, %swap3A_1098] {strides = array<i32>} : memref<4x16x768xf32, #tpu.memory_space<vmem>>, vector<1x1x16xf32>,
        %swap3A_1100 = vector.shape_cast %swap3A_1099 : vector<1x1x16xf32> to vector<16xf32>
        %swap3A_1101 = vector.shape_cast %get3A_1080 : vector<16xf32> to vector<1x1x16xf32>
        tpu.vector_store %arg5[%swap3A_1096, %swap3A_1097, %swap3A_1098], %swap3A_1101 {add = true, strides = array<i32>} : memref<4x16x768xf32, #tpu.memory_space<vmem>>, vector<1x1x16xf32>,
        %swap3A_1102 = arith.constant 3 : i32
        %swap3A_1103 = arith.index_cast %swap3A_1102 : i32 to index
        %swap3A_1104 = arith.index_cast %scan3A_149 : i32 to index
        %swap3A_1105 = arith.constant 464 : index
        %swap3A_1106 = tpu.vector_load %arg5[%swap3A_1103, %swap3A_1104, %swap3A_1105] {strides = array<i32>} : memref<4x16x768xf32, #tpu.memory_space<vmem>>, vector<1x1x16xf32>,
        %swap3A_1107 = vector.shape_cast %swap3A_1106 : vector<1x1x16xf32> to vector<16xf32>
        %swap3A_1108 = vector.shape_cast %get3A_1080 : vector<16xf32> to vector<1x1x16xf32>
        tpu.vector_store %arg5[%swap3A_1103, %swap3A_1104, %swap3A_1105], %swap3A_1108 {add = true, strides = array<i32>} : memref<4x16x768xf32, #tpu.memory_space<vmem>>, vector<1x1x16xf32>,
        %get3A_1109 = arith.index_cast %scan3A_149 : i32 to index
        %get3A_1110 = arith.constant 480 : index
        %get3A_1111 = tpu.vector_load %arg7[%get3A_1109, %get3A_1110] {strides = array<i32>} : memref<16x768xf32, #tpu.memory_space<vmem>>, vector<1x16xf32>,
        %get3A_1112 = vector.shape_cast %get3A_1111 : vector<1x16xf32> to vector<16xf32>
        %swap3A_1113 = arith.constant 0 : i32
        %swap3A_1114 = arith.index_cast %swap3A_1113 : i32 to index
        %swap3A_1115 = arith.index_cast %scan3A_149 : i32 to index
        %swap3A_1116 = arith.constant 480 : index
        %swap3A_1117 = tpu.vector_load %arg5[%swap3A_1114, %swap3A_1115, %swap3A_1116] {strides = array<i32>} : memref<4x16x768xf32, #tpu.memory_space<vmem>>, vector<1x1x16xf32>,
        %swap3A_1118 = vector.shape_cast %swap3A_1117 : vector<1x1x16xf32> to vector<16xf32>
        %swap3A_1119 = vector.shape_cast %get3A_1112 : vector<16xf32> to vector<1x1x16xf32>
        tpu.vector_store %arg5[%swap3A_1114, %swap3A_1115, %swap3A_1116], %swap3A_1119 {add = true, strides = array<i32>} : memref<4x16x768xf32, #tpu.memory_space<vmem>>, vector<1x1x16xf32>,
        %swap3A_1120 = arith.constant 1 : i32
        %swap3A_1121 = arith.index_cast %swap3A_1120 : i32 to index
        %swap3A_1122 = arith.index_cast %scan3A_149 : i32 to index
        %swap3A_1123 = arith.constant 480 : index
        %swap3A_1124 = tpu.vector_load %arg5[%swap3A_1121, %swap3A_1122, %swap3A_1123] {strides = array<i32>} : memref<4x16x768xf32, #tpu.memory_space<vmem>>, vector<1x1x16xf32>,
        %swap3A_1125 = vector.shape_cast %swap3A_1124 : vector<1x1x16xf32> to vector<16xf32>
        %swap3A_1126 = vector.shape_cast %get3A_1112 : vector<16xf32> to vector<1x1x16xf32>
        tpu.vector_store %arg5[%swap3A_1121, %swap3A_1122, %swap3A_1123], %swap3A_1126 {add = true, strides = array<i32>} : memref<4x16x768xf32, #tpu.memory_space<vmem>>, vector<1x1x16xf32>,
        %swap3A_1127 = arith.constant 2 : i32
        %swap3A_1128 = arith.index_cast %swap3A_1127 : i32 to index
        %swap3A_1129 = arith.index_cast %scan3A_149 : i32 to index
        %swap3A_1130 = arith.constant 480 : index
        %swap3A_1131 = tpu.vector_load %arg5[%swap3A_1128, %swap3A_1129, %swap3A_1130] {strides = array<i32>} : memref<4x16x768xf32, #tpu.memory_space<vmem>>, vector<1x1x16xf32>,
        %swap3A_1132 = vector.shape_cast %swap3A_1131 : vector<1x1x16xf32> to vector<16xf32>
        %swap3A_1133 = vector.shape_cast %get3A_1112 : vector<16xf32> to vector<1x1x16xf32>
        tpu.vector_store %arg5[%swap3A_1128, %swap3A_1129, %swap3A_1130], %swap3A_1133 {add = true, strides = array<i32>} : memref<4x16x768xf32, #tpu.memory_space<vmem>>, vector<1x1x16xf32>,
        %swap3A_1134 = arith.constant 3 : i32
        %swap3A_1135 = arith.index_cast %swap3A_1134 : i32 to index
        %swap3A_1136 = arith.index_cast %scan3A_149 : i32 to index
        %swap3A_1137 = arith.constant 480 : index
        %swap3A_1138 = tpu.vector_load %arg5[%swap3A_1135, %swap3A_1136, %swap3A_1137] {strides = array<i32>} : memref<4x16x768xf32, #tpu.memory_space<vmem>>, vector<1x1x16xf32>,
        %swap3A_1139 = vector.shape_cast %swap3A_1138 : vector<1x1x16xf32> to vector<16xf32>
        %swap3A_1140 = vector.shape_cast %get3A_1112 : vector<16xf32> to vector<1x1x16xf32>
        tpu.vector_store %arg5[%swap3A_1135, %swap3A_1136, %swap3A_1137], %swap3A_1140 {add = true, strides = array<i32>} : memref<4x16x768xf32, #tpu.memory_space<vmem>>, vector<1x1x16xf32>,
        %get3A_1141 = arith.index_cast %scan3A_149 : i32 to index
        %get3A_1142 = arith.constant 496 : index
        %get3A_1143 = tpu.vector_load %arg7[%get3A_1141, %get3A_1142] {strides = array<i32>} : memref<16x768xf32, #tpu.memory_space<vmem>>, vector<1x16xf32>,
        %get3A_1144 = vector.shape_cast %get3A_1143 : vector<1x16xf32> to vector<16xf32>
        %swap3A_1145 = arith.constant 0 : i32
        %swap3A_1146 = arith.index_cast %swap3A_1145 : i32 to index
        %swap3A_1147 = arith.index_cast %scan3A_149 : i32 to index
        %swap3A_1148 = arith.constant 496 : index
        %swap3A_1149 = tpu.vector_load %arg5[%swap3A_1146, %swap3A_1147, %swap3A_1148] {strides = array<i32>} : memref<4x16x768xf32, #tpu.memory_space<vmem>>, vector<1x1x16xf32>,
        %swap3A_1150 = vector.shape_cast %swap3A_1149 : vector<1x1x16xf32> to vector<16xf32>
        %swap3A_1151 = vector.shape_cast %get3A_1144 : vector<16xf32> to vector<1x1x16xf32>
        tpu.vector_store %arg5[%swap3A_1146, %swap3A_1147, %swap3A_1148], %swap3A_1151 {add = true, strides = array<i32>} : memref<4x16x768xf32, #tpu.memory_space<vmem>>, vector<1x1x16xf32>,
        %swap3A_1152 = arith.constant 1 : i32
        %swap3A_1153 = arith.index_cast %swap3A_1152 : i32 to index
        %swap3A_1154 = arith.index_cast %scan3A_149 : i32 to index
        %swap3A_1155 = arith.constant 496 : index
        %swap3A_1156 = tpu.vector_load %arg5[%swap3A_1153, %swap3A_1154, %swap3A_1155] {strides = array<i32>} : memref<4x16x768xf32, #tpu.memory_space<vmem>>, vector<1x1x16xf32>,
        %swap3A_1157 = vector.shape_cast %swap3A_1156 : vector<1x1x16xf32> to vector<16xf32>
        %swap3A_1158 = vector.shape_cast %get3A_1144 : vector<16xf32> to vector<1x1x16xf32>
        tpu.vector_store %arg5[%swap3A_1153, %swap3A_1154, %swap3A_1155], %swap3A_1158 {add = true, strides = array<i32>} : memref<4x16x768xf32, #tpu.memory_space<vmem>>, vector<1x1x16xf32>,
        %swap3A_1159 = arith.constant 2 : i32
        %swap3A_1160 = arith.index_cast %swap3A_1159 : i32 to index
        %swap3A_1161 = arith.index_cast %scan3A_149 : i32 to index
        %swap3A_1162 = arith.constant 496 : index
        %swap3A_1163 = tpu.vector_load %arg5[%swap3A_1160, %swap3A_1161, %swap3A_1162] {strides = array<i32>} : memref<4x16x768xf32, #tpu.memory_space<vmem>>, vector<1x1x16xf32>,
        %swap3A_1164 = vector.shape_cast %swap3A_1163 : vector<1x1x16xf32> to vector<16xf32>
        %swap3A_1165 = vector.shape_cast %get3A_1144 : vector<16xf32> to vector<1x1x16xf32>
        tpu.vector_store %arg5[%swap3A_1160, %swap3A_1161, %swap3A_1162], %swap3A_1165 {add = true, strides = array<i32>} : memref<4x16x768xf32, #tpu.memory_space<vmem>>, vector<1x1x16xf32>,
        %swap3A_1166 = arith.constant 3 : i32
        %swap3A_1167 = arith.index_cast %swap3A_1166 : i32 to index
        %swap3A_1168 = arith.index_cast %scan3A_149 : i32 to index
        %swap3A_1169 = arith.constant 496 : index
        %swap3A_1170 = tpu.vector_load %arg5[%swap3A_1167, %swap3A_1168, %swap3A_1169] {strides = array<i32>} : memref<4x16x768xf32, #tpu.memory_space<vmem>>, vector<1x1x16xf32>,
        %swap3A_1171 = vector.shape_cast %swap3A_1170 : vector<1x1x16xf32> to vector<16xf32>
        %swap3A_1172 = vector.shape_cast %get3A_1144 : vector<16xf32> to vector<1x1x16xf32>
        tpu.vector_store %arg5[%swap3A_1167, %swap3A_1168, %swap3A_1169], %swap3A_1172 {add = true, strides = array<i32>} : memref<4x16x768xf32, #tpu.memory_space<vmem>>, vector<1x1x16xf32>,
        %get3A_1173 = arith.index_cast %scan3A_149 : i32 to index
        %get3A_1174 = arith.constant 512 : index
        %get3A_1175 = tpu.vector_load %arg7[%get3A_1173, %get3A_1174] {strides = array<i32>} : memref<16x768xf32, #tpu.memory_space<vmem>>, vector<1x16xf32>,
        %get3A_1176 = vector.shape_cast %get3A_1175 : vector<1x16xf32> to vector<16xf32>
        %swap3A_1177 = arith.constant 0 : i32
        %swap3A_1178 = arith.index_cast %swap3A_1177 : i32 to index
        %swap3A_1179 = arith.index_cast %scan3A_149 : i32 to index
        %swap3A_1180 = arith.constant 512 : index
        %swap3A_1181 = tpu.vector_load %arg5[%swap3A_1178, %swap3A_1179, %swap3A_1180] {strides = array<i32>} : memref<4x16x768xf32, #tpu.memory_space<vmem>>, vector<1x1x16xf32>,
        %swap3A_1182 = vector.shape_cast %swap3A_1181 : vector<1x1x16xf32> to vector<16xf32>
        %swap3A_1183 = vector.shape_cast %get3A_1176 : vector<16xf32> to vector<1x1x16xf32>
        tpu.vector_store %arg5[%swap3A_1178, %swap3A_1179, %swap3A_1180], %swap3A_1183 {add = true, strides = array<i32>} : memref<4x16x768xf32, #tpu.memory_space<vmem>>, vector<1x1x16xf32>,
        %swap3A_1184 = arith.constant 1 : i32
        %swap3A_1185 = arith.index_cast %swap3A_1184 : i32 to index
        %swap3A_1186 = arith.index_cast %scan3A_149 : i32 to index
        %swap3A_1187 = arith.constant 512 : index
        %swap3A_1188 = tpu.vector_load %arg5[%swap3A_1185, %swap3A_1186, %swap3A_1187] {strides = array<i32>} : memref<4x16x768xf32, #tpu.memory_space<vmem>>, vector<1x1x16xf32>,
        %swap3A_1189 = vector.shape_cast %swap3A_1188 : vector<1x1x16xf32> to vector<16xf32>
        %swap3A_1190 = vector.shape_cast %get3A_1176 : vector<16xf32> to vector<1x1x16xf32>
        tpu.vector_store %arg5[%swap3A_1185, %swap3A_1186, %swap3A_1187], %swap3A_1190 {add = true, strides = array<i32>} : memref<4x16x768xf32, #tpu.memory_space<vmem>>, vector<1x1x16xf32>,
        %swap3A_1191 = arith.constant 2 : i32
        %swap3A_1192 = arith.index_cast %swap3A_1191 : i32 to index
        %swap3A_1193 = arith.index_cast %scan3A_149 : i32 to index
        %swap3A_1194 = arith.constant 512 : index
        %swap3A_1195 = tpu.vector_load %arg5[%swap3A_1192, %swap3A_1193, %swap3A_1194] {strides = array<i32>} : memref<4x16x768xf32, #tpu.memory_space<vmem>>, vector<1x1x16xf32>,
        %swap3A_1196 = vector.shape_cast %swap3A_1195 : vector<1x1x16xf32> to vector<16xf32>
        %swap3A_1197 = vector.shape_cast %get3A_1176 : vector<16xf32> to vector<1x1x16xf32>
        tpu.vector_store %arg5[%swap3A_1192, %swap3A_1193, %swap3A_1194], %swap3A_1197 {add = true, strides = array<i32>} : memref<4x16x768xf32, #tpu.memory_space<vmem>>, vector<1x1x16xf32>,
        %swap3A_1198 = arith.constant 3 : i32
        %swap3A_1199 = arith.index_cast %swap3A_1198 : i32 to index
        %swap3A_1200 = arith.index_cast %scan3A_149 : i32 to index
        %swap3A_1201 = arith.constant 512 : index
        %swap3A_1202 = tpu.vector_load %arg5[%swap3A_1199, %swap3A_1200, %swap3A_1201] {strides = array<i32>} : memref<4x16x768xf32, #tpu.memory_space<vmem>>, vector<1x1x16xf32>,
        %swap3A_1203 = vector.shape_cast %swap3A_1202 : vector<1x1x16xf32> to vector<16xf32>
        %swap3A_1204 = vector.shape_cast %get3A_1176 : vector<16xf32> to vector<1x1x16xf32>
        tpu.vector_store %arg5[%swap3A_1199, %swap3A_1200, %swap3A_1201], %swap3A_1204 {add = true, strides = array<i32>} : memref<4x16x768xf32, #tpu.memory_space<vmem>>, vector<1x1x16xf32>,
        %get3A_1205 = arith.index_cast %scan3A_149 : i32 to index
        %get3A_1206 = arith.constant 528 : index
        %get3A_1207 = tpu.vector_load %arg7[%get3A_1205, %get3A_1206] {strides = array<i32>} : memref<16x768xf32, #tpu.memory_space<vmem>>, vector<1x16xf32>,
        %get3A_1208 = vector.shape_cast %get3A_1207 : vector<1x16xf32> to vector<16xf32>
        %swap3A_1209 = arith.constant 0 : i32
        %swap3A_1210 = arith.index_cast %swap3A_1209 : i32 to index
        %swap3A_1211 = arith.index_cast %scan3A_149 : i32 to index
        %swap3A_1212 = arith.constant 528 : index
        %swap3A_1213 = tpu.vector_load %arg5[%swap3A_1210, %swap3A_1211, %swap3A_1212] {strides = array<i32>} : memref<4x16x768xf32, #tpu.memory_space<vmem>>, vector<1x1x16xf32>,
        %swap3A_1214 = vector.shape_cast %swap3A_1213 : vector<1x1x16xf32> to vector<16xf32>
        %swap3A_1215 = vector.shape_cast %get3A_1208 : vector<16xf32> to vector<1x1x16xf32>
        tpu.vector_store %arg5[%swap3A_1210, %swap3A_1211, %swap3A_1212], %swap3A_1215 {add = true, strides = array<i32>} : memref<4x16x768xf32, #tpu.memory_space<vmem>>, vector<1x1x16xf32>,
        %swap3A_1216 = arith.constant 1 : i32
        %swap3A_1217 = arith.index_cast %swap3A_1216 : i32 to index
        %swap3A_1218 = arith.index_cast %scan3A_149 : i32 to index
        %swap3A_1219 = arith.constant 528 : index
        %swap3A_1220 = tpu.vector_load %arg5[%swap3A_1217, %swap3A_1218, %swap3A_1219] {strides = array<i32>} : memref<4x16x768xf32, #tpu.memory_space<vmem>>, vector<1x1x16xf32>,
        %swap3A_1221 = vector.shape_cast %swap3A_1220 : vector<1x1x16xf32> to vector<16xf32>
        %swap3A_1222 = vector.shape_cast %get3A_1208 : vector<16xf32> to vector<1x1x16xf32>
        tpu.vector_store %arg5[%swap3A_1217, %swap3A_1218, %swap3A_1219], %swap3A_1222 {add = true, strides = array<i32>} : memref<4x16x768xf32, #tpu.memory_space<vmem>>, vector<1x1x16xf32>,
        %swap3A_1223 = arith.constant 2 : i32
        %swap3A_1224 = arith.index_cast %swap3A_1223 : i32 to index
        %swap3A_1225 = arith.index_cast %scan3A_149 : i32 to index
        %swap3A_1226 = arith.constant 528 : index
        %swap3A_1227 = tpu.vector_load %arg5[%swap3A_1224, %swap3A_1225, %swap3A_1226] {strides = array<i32>} : memref<4x16x768xf32, #tpu.memory_space<vmem>>, vector<1x1x16xf32>,
        %swap3A_1228 = vector.shape_cast %swap3A_1227 : vector<1x1x16xf32> to vector<16xf32>
        %swap3A_1229 = vector.shape_cast %get3A_1208 : vector<16xf32> to vector<1x1x16xf32>
        tpu.vector_store %arg5[%swap3A_1224, %swap3A_1225, %swap3A_1226], %swap3A_1229 {add = true, strides = array<i32>} : memref<4x16x768xf32, #tpu.memory_space<vmem>>, vector<1x1x16xf32>,
        %swap3A_1230 = arith.constant 3 : i32
        %swap3A_1231 = arith.index_cast %swap3A_1230 : i32 to index
        %swap3A_1232 = arith.index_cast %scan3A_149 : i32 to index
        %swap3A_1233 = arith.constant 528 : index
        %swap3A_1234 = tpu.vector_load %arg5[%swap3A_1231, %swap3A_1232, %swap3A_1233] {strides = array<i32>} : memref<4x16x768xf32, #tpu.memory_space<vmem>>, vector<1x1x16xf32>,
        %swap3A_1235 = vector.shape_cast %swap3A_1234 : vector<1x1x16xf32> to vector<16xf32>
        %swap3A_1236 = vector.shape_cast %get3A_1208 : vector<16xf32> to vector<1x1x16xf32>
        tpu.vector_store %arg5[%swap3A_1231, %swap3A_1232, %swap3A_1233], %swap3A_1236 {add = true, strides = array<i32>} : memref<4x16x768xf32, #tpu.memory_space<vmem>>, vector<1x1x16xf32>,
        %get3A_1237 = arith.index_cast %scan3A_149 : i32 to index
        %get3A_1238 = arith.constant 544 : index
        %get3A_1239 = tpu.vector_load %arg7[%get3A_1237, %get3A_1238] {strides = array<i32>} : memref<16x768xf32, #tpu.memory_space<vmem>>, vector<1x16xf32>,
        %get3A_1240 = vector.shape_cast %get3A_1239 : vector<1x16xf32> to vector<16xf32>
        %swap3A_1241 = arith.constant 0 : i32
        %swap3A_1242 = arith.index_cast %swap3A_1241 : i32 to index
        %swap3A_1243 = arith.index_cast %scan3A_149 : i32 to index
        %swap3A_1244 = arith.constant 544 : index
        %swap3A_1245 = tpu.vector_load %arg5[%swap3A_1242, %swap3A_1243, %swap3A_1244] {strides = array<i32>} : memref<4x16x768xf32, #tpu.memory_space<vmem>>, vector<1x1x16xf32>,
        %swap3A_1246 = vector.shape_cast %swap3A_1245 : vector<1x1x16xf32> to vector<16xf32>
        %swap3A_1247 = vector.shape_cast %get3A_1240 : vector<16xf32> to vector<1x1x16xf32>
        tpu.vector_store %arg5[%swap3A_1242, %swap3A_1243, %swap3A_1244], %swap3A_1247 {add = true, strides = array<i32>} : memref<4x16x768xf32, #tpu.memory_space<vmem>>, vector<1x1x16xf32>,
        %swap3A_1248 = arith.constant 1 : i32
        %swap3A_1249 = arith.index_cast %swap3A_1248 : i32 to index
        %swap3A_1250 = arith.index_cast %scan3A_149 : i32 to index
        %swap3A_1251 = arith.constant 544 : index
        %swap3A_1252 = tpu.vector_load %arg5[%swap3A_1249, %swap3A_1250, %swap3A_1251] {strides = array<i32>} : memref<4x16x768xf32, #tpu.memory_space<vmem>>, vector<1x1x16xf32>,
        %swap3A_1253 = vector.shape_cast %swap3A_1252 : vector<1x1x16xf32> to vector<16xf32>
        %swap3A_1254 = vector.shape_cast %get3A_1240 : vector<16xf32> to vector<1x1x16xf32>
        tpu.vector_store %arg5[%swap3A_1249, %swap3A_1250, %swap3A_1251], %swap3A_1254 {add = true, strides = array<i32>} : memref<4x16x768xf32, #tpu.memory_space<vmem>>, vector<1x1x16xf32>,
        %swap3A_1255 = arith.constant 2 : i32
        %swap3A_1256 = arith.index_cast %swap3A_1255 : i32 to index
        %swap3A_1257 = arith.index_cast %scan3A_149 : i32 to index
        %swap3A_1258 = arith.constant 544 : index
        %swap3A_1259 = tpu.vector_load %arg5[%swap3A_1256, %swap3A_1257, %swap3A_1258] {strides = array<i32>} : memref<4x16x768xf32, #tpu.memory_space<vmem>>, vector<1x1x16xf32>,
        %swap3A_1260 = vector.shape_cast %swap3A_1259 : vector<1x1x16xf32> to vector<16xf32>
        %swap3A_1261 = vector.shape_cast %get3A_1240 : vector<16xf32> to vector<1x1x16xf32>
        tpu.vector_store %arg5[%swap3A_1256, %swap3A_1257, %swap3A_1258], %swap3A_1261 {add = true, strides = array<i32>} : memref<4x16x768xf32, #tpu.memory_space<vmem>>, vector<1x1x16xf32>,
        %swap3A_1262 = arith.constant 3 : i32
        %swap3A_1263 = arith.index_cast %swap3A_1262 : i32 to index
        %swap3A_1264 = arith.index_cast %scan3A_149 : i32 to index
        %swap3A_1265 = arith.constant 544 : index
        %swap3A_1266 = tpu.vector_load %arg5[%swap3A_1263, %swap3A_1264, %swap3A_1265] {strides = array<i32>} : memref<4x16x768xf32, #tpu.memory_space<vmem>>, vector<1x1x16xf32>,
        %swap3A_1267 = vector.shape_cast %swap3A_1266 : vector<1x1x16xf32> to vector<16xf32>
        %swap3A_1268 = vector.shape_cast %get3A_1240 : vector<16xf32> to vector<1x1x16xf32>
        tpu.vector_store %arg5[%swap3A_1263, %swap3A_1264, %swap3A_1265], %swap3A_1268 {add = true, strides = array<i32>} : memref<4x16x768xf32, #tpu.memory_space<vmem>>, vector<1x1x16xf32>,
        %get3A_1269 = arith.index_cast %scan3A_149 : i32 to index
        %get3A_1270 = arith.constant 560 : index
        %get3A_1271 = tpu.vector_load %arg7[%get3A_1269, %get3A_1270] {strides = array<i32>} : memref<16x768xf32, #tpu.memory_space<vmem>>, vector<1x16xf32>,
        %get3A_1272 = vector.shape_cast %get3A_1271 : vector<1x16xf32> to vector<16xf32>
        %swap3A_1273 = arith.constant 0 : i32
        %swap3A_1274 = arith.index_cast %swap3A_1273 : i32 to index
        %swap3A_1275 = arith.index_cast %scan3A_149 : i32 to index
        %swap3A_1276 = arith.constant 560 : index
        %swap3A_1277 = tpu.vector_load %arg5[%swap3A_1274, %swap3A_1275, %swap3A_1276] {strides = array<i32>} : memref<4x16x768xf32, #tpu.memory_space<vmem>>, vector<1x1x16xf32>,
        %swap3A_1278 = vector.shape_cast %swap3A_1277 : vector<1x1x16xf32> to vector<16xf32>
        %swap3A_1279 = vector.shape_cast %get3A_1272 : vector<16xf32> to vector<1x1x16xf32>
        tpu.vector_store %arg5[%swap3A_1274, %swap3A_1275, %swap3A_1276], %swap3A_1279 {add = true, strides = array<i32>} : memref<4x16x768xf32, #tpu.memory_space<vmem>>, vector<1x1x16xf32>,
        %swap3A_1280 = arith.constant 1 : i32
        %swap3A_1281 = arith.index_cast %swap3A_1280 : i32 to index
        %swap3A_1282 = arith.index_cast %scan3A_149 : i32 to index
        %swap3A_1283 = arith.constant 560 : index
        %swap3A_1284 = tpu.vector_load %arg5[%swap3A_1281, %swap3A_1282, %swap3A_1283] {strides = array<i32>} : memref<4x16x768xf32, #tpu.memory_space<vmem>>, vector<1x1x16xf32>,
        %swap3A_1285 = vector.shape_cast %swap3A_1284 : vector<1x1x16xf32> to vector<16xf32>
        %swap3A_1286 = vector.shape_cast %get3A_1272 : vector<16xf32> to vector<1x1x16xf32>
        tpu.vector_store %arg5[%swap3A_1281, %swap3A_1282, %swap3A_1283], %swap3A_1286 {add = true, strides = array<i32>} : memref<4x16x768xf32, #tpu.memory_space<vmem>>, vector<1x1x16xf32>,
        %swap3A_1287 = arith.constant 2 : i32
        %swap3A_1288 = arith.index_cast %swap3A_1287 : i32 to index
        %swap3A_1289 = arith.index_cast %scan3A_149 : i32 to index
        %swap3A_1290 = arith.constant 560 : index
        %swap3A_1291 = tpu.vector_load %arg5[%swap3A_1288, %swap3A_1289, %swap3A_1290] {strides = array<i32>} : memref<4x16x768xf32, #tpu.memory_space<vmem>>, vector<1x1x16xf32>,
        %swap3A_1292 = vector.shape_cast %swap3A_1291 : vector<1x1x16xf32> to vector<16xf32>
        %swap3A_1293 = vector.shape_cast %get3A_1272 : vector<16xf32> to vector<1x1x16xf32>
        tpu.vector_store %arg5[%swap3A_1288, %swap3A_1289, %swap3A_1290], %swap3A_1293 {add = true, strides = array<i32>} : memref<4x16x768xf32, #tpu.memory_space<vmem>>, vector<1x1x16xf32>,
        %swap3A_1294 = arith.constant 3 : i32
        %swap3A_1295 = arith.index_cast %swap3A_1294 : i32 to index
        %swap3A_1296 = arith.index_cast %scan3A_149 : i32 to index
        %swap3A_1297 = arith.constant 560 : index
        %swap3A_1298 = tpu.vector_load %arg5[%swap3A_1295, %swap3A_1296, %swap3A_1297] {strides = array<i32>} : memref<4x16x768xf32, #tpu.memory_space<vmem>>, vector<1x1x16xf32>,
        %swap3A_1299 = vector.shape_cast %swap3A_1298 : vector<1x1x16xf32> to vector<16xf32>
        %swap3A_1300 = vector.shape_cast %get3A_1272 : vector<16xf32> to vector<1x1x16xf32>
        tpu.vector_store %arg5[%swap3A_1295, %swap3A_1296, %swap3A_1297], %swap3A_1300 {add = true, strides = array<i32>} : memref<4x16x768xf32, #tpu.memory_space<vmem>>, vector<1x1x16xf32>,
        %get3A_1301 = arith.index_cast %scan3A_149 : i32 to index
        %get3A_1302 = arith.constant 576 : index
        %get3A_1303 = tpu.vector_load %arg7[%get3A_1301, %get3A_1302] {strides = array<i32>} : memref<16x768xf32, #tpu.memory_space<vmem>>, vector<1x16xf32>,
        %get3A_1304 = vector.shape_cast %get3A_1303 : vector<1x16xf32> to vector<16xf32>
        %swap3A_1305 = arith.constant 0 : i32
        %swap3A_1306 = arith.index_cast %swap3A_1305 : i32 to index
        %swap3A_1307 = arith.index_cast %scan3A_149 : i32 to index
        %swap3A_1308 = arith.constant 576 : index
        %swap3A_1309 = tpu.vector_load %arg5[%swap3A_1306, %swap3A_1307, %swap3A_1308] {strides = array<i32>} : memref<4x16x768xf32, #tpu.memory_space<vmem>>, vector<1x1x16xf32>,
        %swap3A_1310 = vector.shape_cast %swap3A_1309 : vector<1x1x16xf32> to vector<16xf32>
        %swap3A_1311 = vector.shape_cast %get3A_1304 : vector<16xf32> to vector<1x1x16xf32>
        tpu.vector_store %arg5[%swap3A_1306, %swap3A_1307, %swap3A_1308], %swap3A_1311 {add = true, strides = array<i32>} : memref<4x16x768xf32, #tpu.memory_space<vmem>>, vector<1x1x16xf32>,
        %swap3A_1312 = arith.constant 1 : i32
        %swap3A_1313 = arith.index_cast %swap3A_1312 : i32 to index
        %swap3A_1314 = arith.index_cast %scan3A_149 : i32 to index
        %swap3A_1315 = arith.constant 576 : index
        %swap3A_1316 = tpu.vector_load %arg5[%swap3A_1313, %swap3A_1314, %swap3A_1315] {strides = array<i32>} : memref<4x16x768xf32, #tpu.memory_space<vmem>>, vector<1x1x16xf32>,
        %swap3A_1317 = vector.shape_cast %swap3A_1316 : vector<1x1x16xf32> to vector<16xf32>
        %swap3A_1318 = vector.shape_cast %get3A_1304 : vector<16xf32> to vector<1x1x16xf32>
        tpu.vector_store %arg5[%swap3A_1313, %swap3A_1314, %swap3A_1315], %swap3A_1318 {add = true, strides = array<i32>} : memref<4x16x768xf32, #tpu.memory_space<vmem>>, vector<1x1x16xf32>,
        %swap3A_1319 = arith.constant 2 : i32
        %swap3A_1320 = arith.index_cast %swap3A_1319 : i32 to index
        %swap3A_1321 = arith.index_cast %scan3A_149 : i32 to index
        %swap3A_1322 = arith.constant 576 : index
        %swap3A_1323 = tpu.vector_load %arg5[%swap3A_1320, %swap3A_1321, %swap3A_1322] {strides = array<i32>} : memref<4x16x768xf32, #tpu.memory_space<vmem>>, vector<1x1x16xf32>,
        %swap3A_1324 = vector.shape_cast %swap3A_1323 : vector<1x1x16xf32> to vector<16xf32>
        %swap3A_1325 = vector.shape_cast %get3A_1304 : vector<16xf32> to vector<1x1x16xf32>
        tpu.vector_store %arg5[%swap3A_1320, %swap3A_1321, %swap3A_1322], %swap3A_1325 {add = true, strides = array<i32>} : memref<4x16x768xf32, #tpu.memory_space<vmem>>, vector<1x1x16xf32>,
        %swap3A_1326 = arith.constant 3 : i32
        %swap3A_1327 = arith.index_cast %swap3A_1326 : i32 to index
        %swap3A_1328 = arith.index_cast %scan3A_149 : i32 to index
        %swap3A_1329 = arith.constant 576 : index
        %swap3A_1330 = tpu.vector_load %arg5[%swap3A_1327, %swap3A_1328, %swap3A_1329] {strides = array<i32>} : memref<4x16x768xf32, #tpu.memory_space<vmem>>, vector<1x1x16xf32>,
        %swap3A_1331 = vector.shape_cast %swap3A_1330 : vector<1x1x16xf32> to vector<16xf32>
        %swap3A_1332 = vector.shape_cast %get3A_1304 : vector<16xf32> to vector<1x1x16xf32>
        tpu.vector_store %arg5[%swap3A_1327, %swap3A_1328, %swap3A_1329], %swap3A_1332 {add = true, strides = array<i32>} : memref<4x16x768xf32, #tpu.memory_space<vmem>>, vector<1x1x16xf32>,
        %get3A_1333 = arith.index_cast %scan3A_149 : i32 to index
        %get3A_1334 = arith.constant 592 : index
        %get3A_1335 = tpu.vector_load %arg7[%get3A_1333, %get3A_1334] {strides = array<i32>} : memref<16x768xf32, #tpu.memory_space<vmem>>, vector<1x16xf32>,
        %get3A_1336 = vector.shape_cast %get3A_1335 : vector<1x16xf32> to vector<16xf32>
        %swap3A_1337 = arith.constant 0 : i32
        %swap3A_1338 = arith.index_cast %swap3A_1337 : i32 to index
        %swap3A_1339 = arith.index_cast %scan3A_149 : i32 to index
        %swap3A_1340 = arith.constant 592 : index
        %swap3A_1341 = tpu.vector_load %arg5[%swap3A_1338, %swap3A_1339, %swap3A_1340] {strides = array<i32>} : memref<4x16x768xf32, #tpu.memory_space<vmem>>, vector<1x1x16xf32>,
        %swap3A_1342 = vector.shape_cast %swap3A_1341 : vector<1x1x16xf32> to vector<16xf32>
        %swap3A_1343 = vector.shape_cast %get3A_1336 : vector<16xf32> to vector<1x1x16xf32>
        tpu.vector_store %arg5[%swap3A_1338, %swap3A_1339, %swap3A_1340], %swap3A_1343 {add = true, strides = array<i32>} : memref<4x16x768xf32, #tpu.memory_space<vmem>>, vector<1x1x16xf32>,
        %swap3A_1344 = arith.constant 1 : i32
        %swap3A_1345 = arith.index_cast %swap3A_1344 : i32 to index
        %swap3A_1346 = arith.index_cast %scan3A_149 : i32 to index
        %swap3A_1347 = arith.constant 592 : index
        %swap3A_1348 = tpu.vector_load %arg5[%swap3A_1345, %swap3A_1346, %swap3A_1347] {strides = array<i32>} : memref<4x16x768xf32, #tpu.memory_space<vmem>>, vector<1x1x16xf32>,
        %swap3A_1349 = vector.shape_cast %swap3A_1348 : vector<1x1x16xf32> to vector<16xf32>
        %swap3A_1350 = vector.shape_cast %get3A_1336 : vector<16xf32> to vector<1x1x16xf32>
        tpu.vector_store %arg5[%swap3A_1345, %swap3A_1346, %swap3A_1347], %swap3A_1350 {add = true, strides = array<i32>} : memref<4x16x768xf32, #tpu.memory_space<vmem>>, vector<1x1x16xf32>,
        %swap3A_1351 = arith.constant 2 : i32
        %swap3A_1352 = arith.index_cast %swap3A_1351 : i32 to index
        %swap3A_1353 = arith.index_cast %scan3A_149 : i32 to index
        %swap3A_1354 = arith.constant 592 : index
        %swap3A_1355 = tpu.vector_load %arg5[%swap3A_1352, %swap3A_1353, %swap3A_1354] {strides = array<i32>} : memref<4x16x768xf32, #tpu.memory_space<vmem>>, vector<1x1x16xf32>,
        %swap3A_1356 = vector.shape_cast %swap3A_1355 : vector<1x1x16xf32> to vector<16xf32>
        %swap3A_1357 = vector.shape_cast %get3A_1336 : vector<16xf32> to vector<1x1x16xf32>
        tpu.vector_store %arg5[%swap3A_1352, %swap3A_1353, %swap3A_1354], %swap3A_1357 {add = true, strides = array<i32>} : memref<4x16x768xf32, #tpu.memory_space<vmem>>, vector<1x1x16xf32>,
        %swap3A_1358 = arith.constant 3 : i32
        %swap3A_1359 = arith.index_cast %swap3A_1358 : i32 to index
        %swap3A_1360 = arith.index_cast %scan3A_149 : i32 to index
        %swap3A_1361 = arith.constant 592 : index
        %swap3A_1362 = tpu.vector_load %arg5[%swap3A_1359, %swap3A_1360, %swap3A_1361] {strides = array<i32>} : memref<4x16x768xf32, #tpu.memory_space<vmem>>, vector<1x1x16xf32>,
        %swap3A_1363 = vector.shape_cast %swap3A_1362 : vector<1x1x16xf32> to vector<16xf32>
        %swap3A_1364 = vector.shape_cast %get3A_1336 : vector<16xf32> to vector<1x1x16xf32>
        tpu.vector_store %arg5[%swap3A_1359, %swap3A_1360, %swap3A_1361], %swap3A_1364 {add = true, strides = array<i32>} : memref<4x16x768xf32, #tpu.memory_space<vmem>>, vector<1x1x16xf32>,
        %get3A_1365 = arith.index_cast %scan3A_149 : i32 to index
        %get3A_1366 = arith.constant 608 : index
        %get3A_1367 = tpu.vector_load %arg7[%get3A_1365, %get3A_1366] {strides = array<i32>} : memref<16x768xf32, #tpu.memory_space<vmem>>, vector<1x16xf32>,
        %get3A_1368 = vector.shape_cast %get3A_1367 : vector<1x16xf32> to vector<16xf32>
        %swap3A_1369 = arith.constant 0 : i32
        %swap3A_1370 = arith.index_cast %swap3A_1369 : i32 to index
        %swap3A_1371 = arith.index_cast %scan3A_149 : i32 to index
        %swap3A_1372 = arith.constant 608 : index
        %swap3A_1373 = tpu.vector_load %arg5[%swap3A_1370, %swap3A_1371, %swap3A_1372] {strides = array<i32>} : memref<4x16x768xf32, #tpu.memory_space<vmem>>, vector<1x1x16xf32>,
        %swap3A_1374 = vector.shape_cast %swap3A_1373 : vector<1x1x16xf32> to vector<16xf32>
        %swap3A_1375 = vector.shape_cast %get3A_1368 : vector<16xf32> to vector<1x1x16xf32>
        tpu.vector_store %arg5[%swap3A_1370, %swap3A_1371, %swap3A_1372], %swap3A_1375 {add = true, strides = array<i32>} : memref<4x16x768xf32, #tpu.memory_space<vmem>>, vector<1x1x16xf32>,
        %swap3A_1376 = arith.constant 1 : i32
        %swap3A_1377 = arith.index_cast %swap3A_1376 : i32 to index
        %swap3A_1378 = arith.index_cast %scan3A_149 : i32 to index
        %swap3A_1379 = arith.constant 608 : index
        %swap3A_1380 = tpu.vector_load %arg5[%swap3A_1377, %swap3A_1378, %swap3A_1379] {strides = array<i32>} : memref<4x16x768xf32, #tpu.memory_space<vmem>>, vector<1x1x16xf32>,
        %swap3A_1381 = vector.shape_cast %swap3A_1380 : vector<1x1x16xf32> to vector<16xf32>
        %swap3A_1382 = vector.shape_cast %get3A_1368 : vector<16xf32> to vector<1x1x16xf32>
        tpu.vector_store %arg5[%swap3A_1377, %swap3A_1378, %swap3A_1379], %swap3A_1382 {add = true, strides = array<i32>} : memref<4x16x768xf32, #tpu.memory_space<vmem>>, vector<1x1x16xf32>,
        %swap3A_1383 = arith.constant 2 : i32
        %swap3A_1384 = arith.index_cast %swap3A_1383 : i32 to index
        %swap3A_1385 = arith.index_cast %scan3A_149 : i32 to index
        %swap3A_1386 = arith.constant 608 : index
        %swap3A_1387 = tpu.vector_load %arg5[%swap3A_1384, %swap3A_1385, %swap3A_1386] {strides = array<i32>} : memref<4x16x768xf32, #tpu.memory_space<vmem>>, vector<1x1x16xf32>,
        %swap3A_1388 = vector.shape_cast %swap3A_1387 : vector<1x1x16xf32> to vector<16xf32>
        %swap3A_1389 = vector.shape_cast %get3A_1368 : vector<16xf32> to vector<1x1x16xf32>
        tpu.vector_store %arg5[%swap3A_1384, %swap3A_1385, %swap3A_1386], %swap3A_1389 {add = true, strides = array<i32>} : memref<4x16x768xf32, #tpu.memory_space<vmem>>, vector<1x1x16xf32>,
        %swap3A_1390 = arith.constant 3 : i32
        %swap3A_1391 = arith.index_cast %swap3A_1390 : i32 to index
        %swap3A_1392 = arith.index_cast %scan3A_149 : i32 to index
        %swap3A_1393 = arith.constant 608 : index
        %swap3A_1394 = tpu.vector_load %arg5[%swap3A_1391, %swap3A_1392, %swap3A_1393] {strides = array<i32>} : memref<4x16x768xf32, #tpu.memory_space<vmem>>, vector<1x1x16xf32>,
        %swap3A_1395 = vector.shape_cast %swap3A_1394 : vector<1x1x16xf32> to vector<16xf32>
        %swap3A_1396 = vector.shape_cast %get3A_1368 : vector<16xf32> to vector<1x1x16xf32>
        tpu.vector_store %arg5[%swap3A_1391, %swap3A_1392, %swap3A_1393], %swap3A_1396 {add = true, strides = array<i32>} : memref<4x16x768xf32, #tpu.memory_space<vmem>>, vector<1x1x16xf32>,
        %get3A_1397 = arith.index_cast %scan3A_149 : i32 to index
        %get3A_1398 = arith.constant 624 : index
        %get3A_1399 = tpu.vector_load %arg7[%get3A_1397, %get3A_1398] {strides = array<i32>} : memref<16x768xf32, #tpu.memory_space<vmem>>, vector<1x16xf32>,
        %get3A_1400 = vector.shape_cast %get3A_1399 : vector<1x16xf32> to vector<16xf32>
        %swap3A_1401 = arith.constant 0 : i32
        %swap3A_1402 = arith.index_cast %swap3A_1401 : i32 to index
        %swap3A_1403 = arith.index_cast %scan3A_149 : i32 to index
        %swap3A_1404 = arith.constant 624 : index
        %swap3A_1405 = tpu.vector_load %arg5[%swap3A_1402, %swap3A_1403, %swap3A_1404] {strides = array<i32>} : memref<4x16x768xf32, #tpu.memory_space<vmem>>, vector<1x1x16xf32>,
        %swap3A_1406 = vector.shape_cast %swap3A_1405 : vector<1x1x16xf32> to vector<16xf32>
        %swap3A_1407 = vector.shape_cast %get3A_1400 : vector<16xf32> to vector<1x1x16xf32>
        tpu.vector_store %arg5[%swap3A_1402, %swap3A_1403, %swap3A_1404], %swap3A_1407 {add = true, strides = array<i32>} : memref<4x16x768xf32, #tpu.memory_space<vmem>>, vector<1x1x16xf32>,
        %swap3A_1408 = arith.constant 1 : i32
        %swap3A_1409 = arith.index_cast %swap3A_1408 : i32 to index
        %swap3A_1410 = arith.index_cast %scan3A_149 : i32 to index
        %swap3A_1411 = arith.constant 624 : index
        %swap3A_1412 = tpu.vector_load %arg5[%swap3A_1409, %swap3A_1410, %swap3A_1411] {strides = array<i32>} : memref<4x16x768xf32, #tpu.memory_space<vmem>>, vector<1x1x16xf32>,
        %swap3A_1413 = vector.shape_cast %swap3A_1412 : vector<1x1x16xf32> to vector<16xf32>
        %swap3A_1414 = vector.shape_cast %get3A_1400 : vector<16xf32> to vector<1x1x16xf32>
        tpu.vector_store %arg5[%swap3A_1409, %swap3A_1410, %swap3A_1411], %swap3A_1414 {add = true, strides = array<i32>} : memref<4x16x768xf32, #tpu.memory_space<vmem>>, vector<1x1x16xf32>,
        %swap3A_1415 = arith.constant 2 : i32
        %swap3A_1416 = arith.index_cast %swap3A_1415 : i32 to index
        %swap3A_1417 = arith.index_cast %scan3A_149 : i32 to index
        %swap3A_1418 = arith.constant 624 : index
        %swap3A_1419 = tpu.vector_load %arg5[%swap3A_1416, %swap3A_1417, %swap3A_1418] {strides = array<i32>} : memref<4x16x768xf32, #tpu.memory_space<vmem>>, vector<1x1x16xf32>,
        %swap3A_1420 = vector.shape_cast %swap3A_1419 : vector<1x1x16xf32> to vector<16xf32>
        %swap3A_1421 = vector.shape_cast %get3A_1400 : vector<16xf32> to vector<1x1x16xf32>
        tpu.vector_store %arg5[%swap3A_1416, %swap3A_1417, %swap3A_1418], %swap3A_1421 {add = true, strides = array<i32>} : memref<4x16x768xf32, #tpu.memory_space<vmem>>, vector<1x1x16xf32>,
        %swap3A_1422 = arith.constant 3 : i32
        %swap3A_1423 = arith.index_cast %swap3A_1422 : i32 to index
        %swap3A_1424 = arith.index_cast %scan3A_149 : i32 to index
        %swap3A_1425 = arith.constant 624 : index
        %swap3A_1426 = tpu.vector_load %arg5[%swap3A_1423, %swap3A_1424, %swap3A_1425] {strides = array<i32>} : memref<4x16x768xf32, #tpu.memory_space<vmem>>, vector<1x1x16xf32>,
        %swap3A_1427 = vector.shape_cast %swap3A_1426 : vector<1x1x16xf32> to vector<16xf32>
        %swap3A_1428 = vector.shape_cast %get3A_1400 : vector<16xf32> to vector<1x1x16xf32>
        tpu.vector_store %arg5[%swap3A_1423, %swap3A_1424, %swap3A_1425], %swap3A_1428 {add = true, strides = array<i32>} : memref<4x16x768xf32, #tpu.memory_space<vmem>>, vector<1x1x16xf32>,
        %get3A_1429 = arith.index_cast %scan3A_149 : i32 to index
        %get3A_1430 = arith.constant 640 : index
        %get3A_1431 = tpu.vector_load %arg7[%get3A_1429, %get3A_1430] {strides = array<i32>} : memref<16x768xf32, #tpu.memory_space<vmem>>, vector<1x16xf32>,
        %get3A_1432 = vector.shape_cast %get3A_1431 : vector<1x16xf32> to vector<16xf32>
        %swap3A_1433 = arith.constant 0 : i32
        %swap3A_1434 = arith.index_cast %swap3A_1433 : i32 to index
        %swap3A_1435 = arith.index_cast %scan3A_149 : i32 to index
        %swap3A_1436 = arith.constant 640 : index
        %swap3A_1437 = tpu.vector_load %arg5[%swap3A_1434, %swap3A_1435, %swap3A_1436] {strides = array<i32>} : memref<4x16x768xf32, #tpu.memory_space<vmem>>, vector<1x1x16xf32>,
        %swap3A_1438 = vector.shape_cast %swap3A_1437 : vector<1x1x16xf32> to vector<16xf32>
        %swap3A_1439 = vector.shape_cast %get3A_1432 : vector<16xf32> to vector<1x1x16xf32>
        tpu.vector_store %arg5[%swap3A_1434, %swap3A_1435, %swap3A_1436], %swap3A_1439 {add = true, strides = array<i32>} : memref<4x16x768xf32, #tpu.memory_space<vmem>>, vector<1x1x16xf32>,
        %swap3A_1440 = arith.constant 1 : i32
        %swap3A_1441 = arith.index_cast %swap3A_1440 : i32 to index
        %swap3A_1442 = arith.index_cast %scan3A_149 : i32 to index
        %swap3A_1443 = arith.constant 640 : index
        %swap3A_1444 = tpu.vector_load %arg5[%swap3A_1441, %swap3A_1442, %swap3A_1443] {strides = array<i32>} : memref<4x16x768xf32, #tpu.memory_space<vmem>>, vector<1x1x16xf32>,
        %swap3A_1445 = vector.shape_cast %swap3A_1444 : vector<1x1x16xf32> to vector<16xf32>
        %swap3A_1446 = vector.shape_cast %get3A_1432 : vector<16xf32> to vector<1x1x16xf32>
        tpu.vector_store %arg5[%swap3A_1441, %swap3A_1442, %swap3A_1443], %swap3A_1446 {add = true, strides = array<i32>} : memref<4x16x768xf32, #tpu.memory_space<vmem>>, vector<1x1x16xf32>,
        %swap3A_1447 = arith.constant 2 : i32
        %swap3A_1448 = arith.index_cast %swap3A_1447 : i32 to index
        %swap3A_1449 = arith.index_cast %scan3A_149 : i32 to index
        %swap3A_1450 = arith.constant 640 : index
        %swap3A_1451 = tpu.vector_load %arg5[%swap3A_1448, %swap3A_1449, %swap3A_1450] {strides = array<i32>} : memref<4x16x768xf32, #tpu.memory_space<vmem>>, vector<1x1x16xf32>,
        %swap3A_1452 = vector.shape_cast %swap3A_1451 : vector<1x1x16xf32> to vector<16xf32>
        %swap3A_1453 = vector.shape_cast %get3A_1432 : vector<16xf32> to vector<1x1x16xf32>
        tpu.vector_store %arg5[%swap3A_1448, %swap3A_1449, %swap3A_1450], %swap3A_1453 {add = true, strides = array<i32>} : memref<4x16x768xf32, #tpu.memory_space<vmem>>, vector<1x1x16xf32>,
        %swap3A_1454 = arith.constant 3 : i32
        %swap3A_1455 = arith.index_cast %swap3A_1454 : i32 to index
        %swap3A_1456 = arith.index_cast %scan3A_149 : i32 to index
        %swap3A_1457 = arith.constant 640 : index
        %swap3A_1458 = tpu.vector_load %arg5[%swap3A_1455, %swap3A_1456, %swap3A_1457] {strides = array<i32>} : memref<4x16x768xf32, #tpu.memory_space<vmem>>, vector<1x1x16xf32>,
        %swap3A_1459 = vector.shape_cast %swap3A_1458 : vector<1x1x16xf32> to vector<16xf32>
        %swap3A_1460 = vector.shape_cast %get3A_1432 : vector<16xf32> to vector<1x1x16xf32>
        tpu.vector_store %arg5[%swap3A_1455, %swap3A_1456, %swap3A_1457], %swap3A_1460 {add = true, strides = array<i32>} : memref<4x16x768xf32, #tpu.memory_space<vmem>>, vector<1x1x16xf32>,
        %get3A_1461 = arith.index_cast %scan3A_149 : i32 to index
        %get3A_1462 = arith.constant 656 : index
        %get3A_1463 = tpu.vector_load %arg7[%get3A_1461, %get3A_1462] {strides = array<i32>} : memref<16x768xf32, #tpu.memory_space<vmem>>, vector<1x16xf32>,
        %get3A_1464 = vector.shape_cast %get3A_1463 : vector<1x16xf32> to vector<16xf32>
        %swap3A_1465 = arith.constant 0 : i32
        %swap3A_1466 = arith.index_cast %swap3A_1465 : i32 to index
        %swap3A_1467 = arith.index_cast %scan3A_149 : i32 to index
        %swap3A_1468 = arith.constant 656 : index
        %swap3A_1469 = tpu.vector_load %arg5[%swap3A_1466, %swap3A_1467, %swap3A_1468] {strides = array<i32>} : memref<4x16x768xf32, #tpu.memory_space<vmem>>, vector<1x1x16xf32>,
        %swap3A_1470 = vector.shape_cast %swap3A_1469 : vector<1x1x16xf32> to vector<16xf32>
        %swap3A_1471 = vector.shape_cast %get3A_1464 : vector<16xf32> to vector<1x1x16xf32>
        tpu.vector_store %arg5[%swap3A_1466, %swap3A_1467, %swap3A_1468], %swap3A_1471 {add = true, strides = array<i32>} : memref<4x16x768xf32, #tpu.memory_space<vmem>>, vector<1x1x16xf32>,
        %swap3A_1472 = arith.constant 1 : i32
        %swap3A_1473 = arith.index_cast %swap3A_1472 : i32 to index
        %swap3A_1474 = arith.index_cast %scan3A_149 : i32 to index
        %swap3A_1475 = arith.constant 656 : index
        %swap3A_1476 = tpu.vector_load %arg5[%swap3A_1473, %swap3A_1474, %swap3A_1475] {strides = array<i32>} : memref<4x16x768xf32, #tpu.memory_space<vmem>>, vector<1x1x16xf32>,
        %swap3A_1477 = vector.shape_cast %swap3A_1476 : vector<1x1x16xf32> to vector<16xf32>
        %swap3A_1478 = vector.shape_cast %get3A_1464 : vector<16xf32> to vector<1x1x16xf32>
        tpu.vector_store %arg5[%swap3A_1473, %swap3A_1474, %swap3A_1475], %swap3A_1478 {add = true, strides = array<i32>} : memref<4x16x768xf32, #tpu.memory_space<vmem>>, vector<1x1x16xf32>,
        %swap3A_1479 = arith.constant 2 : i32
        %swap3A_1480 = arith.index_cast %swap3A_1479 : i32 to index
        %swap3A_1481 = arith.index_cast %scan3A_149 : i32 to index
        %swap3A_1482 = arith.constant 656 : index
        %swap3A_1483 = tpu.vector_load %arg5[%swap3A_1480, %swap3A_1481, %swap3A_1482] {strides = array<i32>} : memref<4x16x768xf32, #tpu.memory_space<vmem>>, vector<1x1x16xf32>,
        %swap3A_1484 = vector.shape_cast %swap3A_1483 : vector<1x1x16xf32> to vector<16xf32>
        %swap3A_1485 = vector.shape_cast %get3A_1464 : vector<16xf32> to vector<1x1x16xf32>
        tpu.vector_store %arg5[%swap3A_1480, %swap3A_1481, %swap3A_1482], %swap3A_1485 {add = true, strides = array<i32>} : memref<4x16x768xf32, #tpu.memory_space<vmem>>, vector<1x1x16xf32>,
        %swap3A_1486 = arith.constant 3 : i32
        %swap3A_1487 = arith.index_cast %swap3A_1486 : i32 to index
        %swap3A_1488 = arith.index_cast %scan3A_149 : i32 to index
        %swap3A_1489 = arith.constant 656 : index
        %swap3A_1490 = tpu.vector_load %arg5[%swap3A_1487, %swap3A_1488, %swap3A_1489] {strides = array<i32>} : memref<4x16x768xf32, #tpu.memory_space<vmem>>, vector<1x1x16xf32>,
        %swap3A_1491 = vector.shape_cast %swap3A_1490 : vector<1x1x16xf32> to vector<16xf32>
        %swap3A_1492 = vector.shape_cast %get3A_1464 : vector<16xf32> to vector<1x1x16xf32>
        tpu.vector_store %arg5[%swap3A_1487, %swap3A_1488, %swap3A_1489], %swap3A_1492 {add = true, strides = array<i32>} : memref<4x16x768xf32, #tpu.memory_space<vmem>>, vector<1x1x16xf32>,
        %get3A_1493 = arith.index_cast %scan3A_149 : i32 to index
        %get3A_1494 = arith.constant 672 : index
        %get3A_1495 = tpu.vector_load %arg7[%get3A_1493, %get3A_1494] {strides = array<i32>} : memref<16x768xf32, #tpu.memory_space<vmem>>, vector<1x16xf32>,
        %get3A_1496 = vector.shape_cast %get3A_1495 : vector<1x16xf32> to vector<16xf32>
        %swap3A_1497 = arith.constant 0 : i32
        %swap3A_1498 = arith.index_cast %swap3A_1497 : i32 to index
        %swap3A_1499 = arith.index_cast %scan3A_149 : i32 to index
        %swap3A_1500 = arith.constant 672 : index
        %swap3A_1501 = tpu.vector_load %arg5[%swap3A_1498, %swap3A_1499, %swap3A_1500] {strides = array<i32>} : memref<4x16x768xf32, #tpu.memory_space<vmem>>, vector<1x1x16xf32>,
        %swap3A_1502 = vector.shape_cast %swap3A_1501 : vector<1x1x16xf32> to vector<16xf32>
        %swap3A_1503 = vector.shape_cast %get3A_1496 : vector<16xf32> to vector<1x1x16xf32>
        tpu.vector_store %arg5[%swap3A_1498, %swap3A_1499, %swap3A_1500], %swap3A_1503 {add = true, strides = array<i32>} : memref<4x16x768xf32, #tpu.memory_space<vmem>>, vector<1x1x16xf32>,
        %swap3A_1504 = arith.constant 1 : i32
        %swap3A_1505 = arith.index_cast %swap3A_1504 : i32 to index
        %swap3A_1506 = arith.index_cast %scan3A_149 : i32 to index
        %swap3A_1507 = arith.constant 672 : index
        %swap3A_1508 = tpu.vector_load %arg5[%swap3A_1505, %swap3A_1506, %swap3A_1507] {strides = array<i32>} : memref<4x16x768xf32, #tpu.memory_space<vmem>>, vector<1x1x16xf32>,
        %swap3A_1509 = vector.shape_cast %swap3A_1508 : vector<1x1x16xf32> to vector<16xf32>
        %swap3A_1510 = vector.shape_cast %get3A_1496 : vector<16xf32> to vector<1x1x16xf32>
        tpu.vector_store %arg5[%swap3A_1505, %swap3A_1506, %swap3A_1507], %swap3A_1510 {add = true, strides = array<i32>} : memref<4x16x768xf32, #tpu.memory_space<vmem>>, vector<1x1x16xf32>,
        %swap3A_1511 = arith.constant 2 : i32
        %swap3A_1512 = arith.index_cast %swap3A_1511 : i32 to index
        %swap3A_1513 = arith.index_cast %scan3A_149 : i32 to index
        %swap3A_1514 = arith.constant 672 : index
        %swap3A_1515 = tpu.vector_load %arg5[%swap3A_1512, %swap3A_1513, %swap3A_1514] {strides = array<i32>} : memref<4x16x768xf32, #tpu.memory_space<vmem>>, vector<1x1x16xf32>,
        %swap3A_1516 = vector.shape_cast %swap3A_1515 : vector<1x1x16xf32> to vector<16xf32>
        %swap3A_1517 = vector.shape_cast %get3A_1496 : vector<16xf32> to vector<1x1x16xf32>
        tpu.vector_store %arg5[%swap3A_1512, %swap3A_1513, %swap3A_1514], %swap3A_1517 {add = true, strides = array<i32>} : memref<4x16x768xf32, #tpu.memory_space<vmem>>, vector<1x1x16xf32>,
        %swap3A_1518 = arith.constant 3 : i32
        %swap3A_1519 = arith.index_cast %swap3A_1518 : i32 to index
        %swap3A_1520 = arith.index_cast %scan3A_149 : i32 to index
        %swap3A_1521 = arith.constant 672 : index
        %swap3A_1522 = tpu.vector_load %arg5[%swap3A_1519, %swap3A_1520, %swap3A_1521] {strides = array<i32>} : memref<4x16x768xf32, #tpu.memory_space<vmem>>, vector<1x1x16xf32>,
        %swap3A_1523 = vector.shape_cast %swap3A_1522 : vector<1x1x16xf32> to vector<16xf32>
        %swap3A_1524 = vector.shape_cast %get3A_1496 : vector<16xf32> to vector<1x1x16xf32>
        tpu.vector_store %arg5[%swap3A_1519, %swap3A_1520, %swap3A_1521], %swap3A_1524 {add = true, strides = array<i32>} : memref<4x16x768xf32, #tpu.memory_space<vmem>>, vector<1x1x16xf32>,
        %get3A_1525 = arith.index_cast %scan3A_149 : i32 to index
        %get3A_1526 = arith.constant 688 : index
        %get3A_1527 = tpu.vector_load %arg7[%get3A_1525, %get3A_1526] {strides = array<i32>} : memref<16x768xf32, #tpu.memory_space<vmem>>, vector<1x16xf32>,
        %get3A_1528 = vector.shape_cast %get3A_1527 : vector<1x16xf32> to vector<16xf32>
        %swap3A_1529 = arith.constant 0 : i32
        %swap3A_1530 = arith.index_cast %swap3A_1529 : i32 to index
        %swap3A_1531 = arith.index_cast %scan3A_149 : i32 to index
        %swap3A_1532 = arith.constant 688 : index
        %swap3A_1533 = tpu.vector_load %arg5[%swap3A_1530, %swap3A_1531, %swap3A_1532] {strides = array<i32>} : memref<4x16x768xf32, #tpu.memory_space<vmem>>, vector<1x1x16xf32>,
        %swap3A_1534 = vector.shape_cast %swap3A_1533 : vector<1x1x16xf32> to vector<16xf32>
        %swap3A_1535 = vector.shape_cast %get3A_1528 : vector<16xf32> to vector<1x1x16xf32>
        tpu.vector_store %arg5[%swap3A_1530, %swap3A_1531, %swap3A_1532], %swap3A_1535 {add = true, strides = array<i32>} : memref<4x16x768xf32, #tpu.memory_space<vmem>>, vector<1x1x16xf32>,
        %swap3A_1536 = arith.constant 1 : i32
        %swap3A_1537 = arith.index_cast %swap3A_1536 : i32 to index
        %swap3A_1538 = arith.index_cast %scan3A_149 : i32 to index
        %swap3A_1539 = arith.constant 688 : index
        %swap3A_1540 = tpu.vector_load %arg5[%swap3A_1537, %swap3A_1538, %swap3A_1539] {strides = array<i32>} : memref<4x16x768xf32, #tpu.memory_space<vmem>>, vector<1x1x16xf32>,
        %swap3A_1541 = vector.shape_cast %swap3A_1540 : vector<1x1x16xf32> to vector<16xf32>
        %swap3A_1542 = vector.shape_cast %get3A_1528 : vector<16xf32> to vector<1x1x16xf32>
        tpu.vector_store %arg5[%swap3A_1537, %swap3A_1538, %swap3A_1539], %swap3A_1542 {add = true, strides = array<i32>} : memref<4x16x768xf32, #tpu.memory_space<vmem>>, vector<1x1x16xf32>,
        %swap3A_1543 = arith.constant 2 : i32
        %swap3A_1544 = arith.index_cast %swap3A_1543 : i32 to index
        %swap3A_1545 = arith.index_cast %scan3A_149 : i32 to index
        %swap3A_1546 = arith.constant 688 : index
        %swap3A_1547 = tpu.vector_load %arg5[%swap3A_1544, %swap3A_1545, %swap3A_1546] {strides = array<i32>} : memref<4x16x768xf32, #tpu.memory_space<vmem>>, vector<1x1x16xf32>,
        %swap3A_1548 = vector.shape_cast %swap3A_1547 : vector<1x1x16xf32> to vector<16xf32>
        %swap3A_1549 = vector.shape_cast %get3A_1528 : vector<16xf32> to vector<1x1x16xf32>
        tpu.vector_store %arg5[%swap3A_1544, %swap3A_1545, %swap3A_1546], %swap3A_1549 {add = true, strides = array<i32>} : memref<4x16x768xf32, #tpu.memory_space<vmem>>, vector<1x1x16xf32>,
        %swap3A_1550 = arith.constant 3 : i32
        %swap3A_1551 = arith.index_cast %swap3A_1550 : i32 to index
        %swap3A_1552 = arith.index_cast %scan3A_149 : i32 to index
        %swap3A_1553 = arith.constant 688 : index
        %swap3A_1554 = tpu.vector_load %arg5[%swap3A_1551, %swap3A_1552, %swap3A_1553] {strides = array<i32>} : memref<4x16x768xf32, #tpu.memory_space<vmem>>, vector<1x1x16xf32>,
        %swap3A_1555 = vector.shape_cast %swap3A_1554 : vector<1x1x16xf32> to vector<16xf32>
        %swap3A_1556 = vector.shape_cast %get3A_1528 : vector<16xf32> to vector<1x1x16xf32>
        tpu.vector_store %arg5[%swap3A_1551, %swap3A_1552, %swap3A_1553], %swap3A_1556 {add = true, strides = array<i32>} : memref<4x16x768xf32, #tpu.memory_space<vmem>>, vector<1x1x16xf32>,
        %get3A_1557 = arith.index_cast %scan3A_149 : i32 to index
        %get3A_1558 = arith.constant 704 : index
        %get3A_1559 = tpu.vector_load %arg7[%get3A_1557, %get3A_1558] {strides = array<i32>} : memref<16x768xf32, #tpu.memory_space<vmem>>, vector<1x16xf32>,
        %get3A_1560 = vector.shape_cast %get3A_1559 : vector<1x16xf32> to vector<16xf32>
        %swap3A_1561 = arith.constant 0 : i32
        %swap3A_1562 = arith.index_cast %swap3A_1561 : i32 to index
        %swap3A_1563 = arith.index_cast %scan3A_149 : i32 to index
        %swap3A_1564 = arith.constant 704 : index
        %swap3A_1565 = tpu.vector_load %arg5[%swap3A_1562, %swap3A_1563, %swap3A_1564] {strides = array<i32>} : memref<4x16x768xf32, #tpu.memory_space<vmem>>, vector<1x1x16xf32>,
        %swap3A_1566 = vector.shape_cast %swap3A_1565 : vector<1x1x16xf32> to vector<16xf32>
        %swap3A_1567 = vector.shape_cast %get3A_1560 : vector<16xf32> to vector<1x1x16xf32>
        tpu.vector_store %arg5[%swap3A_1562, %swap3A_1563, %swap3A_1564], %swap3A_1567 {add = true, strides = array<i32>} : memref<4x16x768xf32, #tpu.memory_space<vmem>>, vector<1x1x16xf32>,
        %swap3A_1568 = arith.constant 1 : i32
        %swap3A_1569 = arith.index_cast %swap3A_1568 : i32 to index
        %swap3A_1570 = arith.index_cast %scan3A_149 : i32 to index
        %swap3A_1571 = arith.constant 704 : index
        %swap3A_1572 = tpu.vector_load %arg5[%swap3A_1569, %swap3A_1570, %swap3A_1571] {strides = array<i32>} : memref<4x16x768xf32, #tpu.memory_space<vmem>>, vector<1x1x16xf32>,
        %swap3A_1573 = vector.shape_cast %swap3A_1572 : vector<1x1x16xf32> to vector<16xf32>
        %swap3A_1574 = vector.shape_cast %get3A_1560 : vector<16xf32> to vector<1x1x16xf32>
        tpu.vector_store %arg5[%swap3A_1569, %swap3A_1570, %swap3A_1571], %swap3A_1574 {add = true, strides = array<i32>} : memref<4x16x768xf32, #tpu.memory_space<vmem>>, vector<1x1x16xf32>,
        %swap3A_1575 = arith.constant 2 : i32
        %swap3A_1576 = arith.index_cast %swap3A_1575 : i32 to index
        %swap3A_1577 = arith.index_cast %scan3A_149 : i32 to index
        %swap3A_1578 = arith.constant 704 : index
        %swap3A_1579 = tpu.vector_load %arg5[%swap3A_1576, %swap3A_1577, %swap3A_1578] {strides = array<i32>} : memref<4x16x768xf32, #tpu.memory_space<vmem>>, vector<1x1x16xf32>,
        %swap3A_1580 = vector.shape_cast %swap3A_1579 : vector<1x1x16xf32> to vector<16xf32>
        %swap3A_1581 = vector.shape_cast %get3A_1560 : vector<16xf32> to vector<1x1x16xf32>
        tpu.vector_store %arg5[%swap3A_1576, %swap3A_1577, %swap3A_1578], %swap3A_1581 {add = true, strides = array<i32>} : memref<4x16x768xf32, #tpu.memory_space<vmem>>, vector<1x1x16xf32>,
        %swap3A_1582 = arith.constant 3 : i32
        %swap3A_1583 = arith.index_cast %swap3A_1582 : i32 to index
        %swap3A_1584 = arith.index_cast %scan3A_149 : i32 to index
        %swap3A_1585 = arith.constant 704 : index
        %swap3A_1586 = tpu.vector_load %arg5[%swap3A_1583, %swap3A_1584, %swap3A_1585] {strides = array<i32>} : memref<4x16x768xf32, #tpu.memory_space<vmem>>, vector<1x1x16xf32>,
        %swap3A_1587 = vector.shape_cast %swap3A_1586 : vector<1x1x16xf32> to vector<16xf32>
        %swap3A_1588 = vector.shape_cast %get3A_1560 : vector<16xf32> to vector<1x1x16xf32>
        tpu.vector_store %arg5[%swap3A_1583, %swap3A_1584, %swap3A_1585], %swap3A_1588 {add = true, strides = array<i32>} : memref<4x16x768xf32, #tpu.memory_space<vmem>>, vector<1x1x16xf32>,
        %get3A_1589 = arith.index_cast %scan3A_149 : i32 to index
        %get3A_1590 = arith.constant 720 : index
        %get3A_1591 = tpu.vector_load %arg7[%get3A_1589, %get3A_1590] {strides = array<i32>} : memref<16x768xf32, #tpu.memory_space<vmem>>, vector<1x16xf32>,
        %get3A_1592 = vector.shape_cast %get3A_1591 : vector<1x16xf32> to vector<16xf32>
        %swap3A_1593 = arith.constant 0 : i32
        %swap3A_1594 = arith.index_cast %swap3A_1593 : i32 to index
        %swap3A_1595 = arith.index_cast %scan3A_149 : i32 to index
        %swap3A_1596 = arith.constant 720 : index
        %swap3A_1597 = tpu.vector_load %arg5[%swap3A_1594, %swap3A_1595, %swap3A_1596] {strides = array<i32>} : memref<4x16x768xf32, #tpu.memory_space<vmem>>, vector<1x1x16xf32>,
        %swap3A_1598 = vector.shape_cast %swap3A_1597 : vector<1x1x16xf32> to vector<16xf32>
        %swap3A_1599 = vector.shape_cast %get3A_1592 : vector<16xf32> to vector<1x1x16xf32>
        tpu.vector_store %arg5[%swap3A_1594, %swap3A_1595, %swap3A_1596], %swap3A_1599 {add = true, strides = array<i32>} : memref<4x16x768xf32, #tpu.memory_space<vmem>>, vector<1x1x16xf32>,
        %swap3A_1600 = arith.constant 1 : i32
        %swap3A_1601 = arith.index_cast %swap3A_1600 : i32 to index
        %swap3A_1602 = arith.index_cast %scan3A_149 : i32 to index
        %swap3A_1603 = arith.constant 720 : index
        %swap3A_1604 = tpu.vector_load %arg5[%swap3A_1601, %swap3A_1602, %swap3A_1603] {strides = array<i32>} : memref<4x16x768xf32, #tpu.memory_space<vmem>>, vector<1x1x16xf32>,
        %swap3A_1605 = vector.shape_cast %swap3A_1604 : vector<1x1x16xf32> to vector<16xf32>
        %swap3A_1606 = vector.shape_cast %get3A_1592 : vector<16xf32> to vector<1x1x16xf32>
        tpu.vector_store %arg5[%swap3A_1601, %swap3A_1602, %swap3A_1603], %swap3A_1606 {add = true, strides = array<i32>} : memref<4x16x768xf32, #tpu.memory_space<vmem>>, vector<1x1x16xf32>,
        %swap3A_1607 = arith.constant 2 : i32
        %swap3A_1608 = arith.index_cast %swap3A_1607 : i32 to index
        %swap3A_1609 = arith.index_cast %scan3A_149 : i32 to index
        %swap3A_1610 = arith.constant 720 : index
        %swap3A_1611 = tpu.vector_load %arg5[%swap3A_1608, %swap3A_1609, %swap3A_1610] {strides = array<i32>} : memref<4x16x768xf32, #tpu.memory_space<vmem>>, vector<1x1x16xf32>,
        %swap3A_1612 = vector.shape_cast %swap3A_1611 : vector<1x1x16xf32> to vector<16xf32>
        %swap3A_1613 = vector.shape_cast %get3A_1592 : vector<16xf32> to vector<1x1x16xf32>
        tpu.vector_store %arg5[%swap3A_1608, %swap3A_1609, %swap3A_1610], %swap3A_1613 {add = true, strides = array<i32>} : memref<4x16x768xf32, #tpu.memory_space<vmem>>, vector<1x1x16xf32>,
        %swap3A_1614 = arith.constant 3 : i32
        %swap3A_1615 = arith.index_cast %swap3A_1614 : i32 to index
        %swap3A_1616 = arith.index_cast %scan3A_149 : i32 to index
        %swap3A_1617 = arith.constant 720 : index
        %swap3A_1618 = tpu.vector_load %arg5[%swap3A_1615, %swap3A_1616, %swap3A_1617] {strides = array<i32>} : memref<4x16x768xf32, #tpu.memory_space<vmem>>, vector<1x1x16xf32>,
        %swap3A_1619 = vector.shape_cast %swap3A_1618 : vector<1x1x16xf32> to vector<16xf32>
        %swap3A_1620 = vector.shape_cast %get3A_1592 : vector<16xf32> to vector<1x1x16xf32>
        tpu.vector_store %arg5[%swap3A_1615, %swap3A_1616, %swap3A_1617], %swap3A_1620 {add = true, strides = array<i32>} : memref<4x16x768xf32, #tpu.memory_space<vmem>>, vector<1x1x16xf32>,
        %get3A_1621 = arith.index_cast %scan3A_149 : i32 to index
        %get3A_1622 = arith.constant 736 : index
        %get3A_1623 = tpu.vector_load %arg7[%get3A_1621, %get3A_1622] {strides = array<i32>} : memref<16x768xf32, #tpu.memory_space<vmem>>, vector<1x16xf32>,
        %get3A_1624 = vector.shape_cast %get3A_1623 : vector<1x16xf32> to vector<16xf32>
        %swap3A_1625 = arith.constant 0 : i32
        %swap3A_1626 = arith.index_cast %swap3A_1625 : i32 to index
        %swap3A_1627 = arith.index_cast %scan3A_149 : i32 to index
        %swap3A_1628 = arith.constant 736 : index
        %swap3A_1629 = tpu.vector_load %arg5[%swap3A_1626, %swap3A_1627, %swap3A_1628] {strides = array<i32>} : memref<4x16x768xf32, #tpu.memory_space<vmem>>, vector<1x1x16xf32>,
        %swap3A_1630 = vector.shape_cast %swap3A_1629 : vector<1x1x16xf32> to vector<16xf32>
        %swap3A_1631 = vector.shape_cast %get3A_1624 : vector<16xf32> to vector<1x1x16xf32>
        tpu.vector_store %arg5[%swap3A_1626, %swap3A_1627, %swap3A_1628], %swap3A_1631 {add = true, strides = array<i32>} : memref<4x16x768xf32, #tpu.memory_space<vmem>>, vector<1x1x16xf32>,
        %swap3A_1632 = arith.constant 1 : i32
        %swap3A_1633 = arith.index_cast %swap3A_1632 : i32 to index
        %swap3A_1634 = arith.index_cast %scan3A_149 : i32 to index
        %swap3A_1635 = arith.constant 736 : index
        %swap3A_1636 = tpu.vector_load %arg5[%swap3A_1633, %swap3A_1634, %swap3A_1635] {strides = array<i32>} : memref<4x16x768xf32, #tpu.memory_space<vmem>>, vector<1x1x16xf32>,
        %swap3A_1637 = vector.shape_cast %swap3A_1636 : vector<1x1x16xf32> to vector<16xf32>
        %swap3A_1638 = vector.shape_cast %get3A_1624 : vector<16xf32> to vector<1x1x16xf32>
        tpu.vector_store %arg5[%swap3A_1633, %swap3A_1634, %swap3A_1635], %swap3A_1638 {add = true, strides = array<i32>} : memref<4x16x768xf32, #tpu.memory_space<vmem>>, vector<1x1x16xf32>,
        %swap3A_1639 = arith.constant 2 : i32
        %swap3A_1640 = arith.index_cast %swap3A_1639 : i32 to index
        %swap3A_1641 = arith.index_cast %scan3A_149 : i32 to index
        %swap3A_1642 = arith.constant 736 : index
        %swap3A_1643 = tpu.vector_load %arg5[%swap3A_1640, %swap3A_1641, %swap3A_1642] {strides = array<i32>} : memref<4x16x768xf32, #tpu.memory_space<vmem>>, vector<1x1x16xf32>,
        %swap3A_1644 = vector.shape_cast %swap3A_1643 : vector<1x1x16xf32> to vector<16xf32>
        %swap3A_1645 = vector.shape_cast %get3A_1624 : vector<16xf32> to vector<1x1x16xf32>
        tpu.vector_store %arg5[%swap3A_1640, %swap3A_1641, %swap3A_1642], %swap3A_1645 {add = true, strides = array<i32>} : memref<4x16x768xf32, #tpu.memory_space<vmem>>, vector<1x1x16xf32>,
        %swap3A_1646 = arith.constant 3 : i32
        %swap3A_1647 = arith.index_cast %swap3A_1646 : i32 to index
        %swap3A_1648 = arith.index_cast %scan3A_149 : i32 to index
        %swap3A_1649 = arith.constant 736 : index
        %swap3A_1650 = tpu.vector_load %arg5[%swap3A_1647, %swap3A_1648, %swap3A_1649] {strides = array<i32>} : memref<4x16x768xf32, #tpu.memory_space<vmem>>, vector<1x1x16xf32>,
        %swap3A_1651 = vector.shape_cast %swap3A_1650 : vector<1x1x16xf32> to vector<16xf32>
        %swap3A_1652 = vector.shape_cast %get3A_1624 : vector<16xf32> to vector<1x1x16xf32>
        tpu.vector_store %arg5[%swap3A_1647, %swap3A_1648, %swap3A_1649], %swap3A_1652 {add = true, strides = array<i32>} : memref<4x16x768xf32, #tpu.memory_space<vmem>>, vector<1x1x16xf32>,
        %get3A_1653 = arith.index_cast %scan3A_149 : i32 to index
        %get3A_1654 = arith.constant 752 : index
        %get3A_1655 = tpu.vector_load %arg7[%get3A_1653, %get3A_1654] {strides = array<i32>} : memref<16x768xf32, #tpu.memory_space<vmem>>, vector<1x16xf32>,
        %get3A_1656 = vector.shape_cast %get3A_1655 : vector<1x16xf32> to vector<16xf32>
        %swap3A_1657 = arith.constant 0 : i32
        %swap3A_1658 = arith.index_cast %swap3A_1657 : i32 to index
        %swap3A_1659 = arith.index_cast %scan3A_149 : i32 to index
        %swap3A_1660 = arith.constant 752 : index
        %swap3A_1661 = tpu.vector_load %arg5[%swap3A_1658, %swap3A_1659, %swap3A_1660] {strides = array<i32>} : memref<4x16x768xf32, #tpu.memory_space<vmem>>, vector<1x1x16xf32>,
        %swap3A_1662 = vector.shape_cast %swap3A_1661 : vector<1x1x16xf32> to vector<16xf32>
        %swap3A_1663 = vector.shape_cast %get3A_1656 : vector<16xf32> to vector<1x1x16xf32>
        tpu.vector_store %arg5[%swap3A_1658, %swap3A_1659, %swap3A_1660], %swap3A_1663 {add = true, strides = array<i32>} : memref<4x16x768xf32, #tpu.memory_space<vmem>>, vector<1x1x16xf32>,
        %swap3A_1664 = arith.constant 1 : i32
        %swap3A_1665 = arith.index_cast %swap3A_1664 : i32 to index
        %swap3A_1666 = arith.index_cast %scan3A_149 : i32 to index
        %swap3A_1667 = arith.constant 752 : index
        %swap3A_1668 = tpu.vector_load %arg5[%swap3A_1665, %swap3A_1666, %swap3A_1667] {strides = array<i32>} : memref<4x16x768xf32, #tpu.memory_space<vmem>>, vector<1x1x16xf32>,
        %swap3A_1669 = vector.shape_cast %swap3A_1668 : vector<1x1x16xf32> to vector<16xf32>
        %swap3A_1670 = vector.shape_cast %get3A_1656 : vector<16xf32> to vector<1x1x16xf32>
        tpu.vector_store %arg5[%swap3A_1665, %swap3A_1666, %swap3A_1667], %swap3A_1670 {add = true, strides = array<i32>} : memref<4x16x768xf32, #tpu.memory_space<vmem>>, vector<1x1x16xf32>,
        %swap3A_1671 = arith.constant 2 : i32
        %swap3A_1672 = arith.index_cast %swap3A_1671 : i32 to index
        %swap3A_1673 = arith.index_cast %scan3A_149 : i32 to index
        %swap3A_1674 = arith.constant 752 : index
        %swap3A_1675 = tpu.vector_load %arg5[%swap3A_1672, %swap3A_1673, %swap3A_1674] {strides = array<i32>} : memref<4x16x768xf32, #tpu.memory_space<vmem>>, vector<1x1x16xf32>,
        %swap3A_1676 = vector.shape_cast %swap3A_1675 : vector<1x1x16xf32> to vector<16xf32>
        %swap3A_1677 = vector.shape_cast %get3A_1656 : vector<16xf32> to vector<1x1x16xf32>
        tpu.vector_store %arg5[%swap3A_1672, %swap3A_1673, %swap3A_1674], %swap3A_1677 {add = true, strides = array<i32>} : memref<4x16x768xf32, #tpu.memory_space<vmem>>, vector<1x1x16xf32>,
        %swap3A_1678 = arith.constant 3 : i32
        %swap3A_1679 = arith.index_cast %swap3A_1678 : i32 to index
        %swap3A_1680 = arith.index_cast %scan3A_149 : i32 to index
        %swap3A_1681 = arith.constant 752 : index
        %swap3A_1682 = tpu.vector_load %arg5[%swap3A_1679, %swap3A_1680, %swap3A_1681] {strides = array<i32>} : memref<4x16x768xf32, #tpu.memory_space<vmem>>, vector<1x1x16xf32>,
        %swap3A_1683 = vector.shape_cast %swap3A_1682 : vector<1x1x16xf32> to vector<16xf32>
        %swap3A_1684 = vector.shape_cast %get3A_1656 : vector<16xf32> to vector<1x1x16xf32>
        tpu.vector_store %arg5[%swap3A_1679, %swap3A_1680, %swap3A_1681], %swap3A_1684 {add = true, strides = array<i32>} : memref<4x16x768xf32, #tpu.memory_space<vmem>>, vector<1x1x16xf32>,
      }
      %scan3A_89 = arith.constant 16 : i32
      %mul3A_90 = arith.constant 16 : i32
      %mul3A_91 = arith.muli %mul3A_25, %mul3A_90 : i32
      %add3A_92 = arith.addi %mul3A_2, %mul3A_91 : i32
      %multiple_of3A_93 = tpu.assume_multiple %add3A_92, 16 : i32
      %dma_start3A_94 = arith.constant 0 : i32
      %dma_start3A_95 = arith.constant 0 : i32
      %dma_start3A_96 = tpu.memref_slice %arg4[%dma_start3A_94, %multiple_of3A_93, %dma_start3A_95] : memref<4x8192x768xf32, #tpu.memory_space<hbm>> -> memref<4x16x768xf32, #tpu.memory_space<hbm>>
      %dma_start3A_97 = arith.constant 0 : i32
      %dma_start3A_98 = arith.constant 0 : i32
      %dma_start3A_99 = tpu.memref_slice %arg4[%dma_start3A_97, %multiple_of3A_93, %dma_start3A_98] : memref<4x8192x768xf32, #tpu.memory_space<hbm>> -> memref<4x16x768xf32, #tpu.memory_space<hbm>>
      tpu.enqueue_dma source(%arg5 : memref<4x16x768xf32, #tpu.memory_space<vmem>>) target(%dma_start3A_99 : memref<4x16x768xf32, #tpu.memory_space<hbm>>) target_semaphore(%arg13 : memref<!tpu.dma_semaphore, #tpu.memory_space<semaphore_mem>>)
      %add3A_100 = arith.constant 1 : i32
      %add3A_101 = arith.addi %mul3A_25, %add3A_100 : i32
      %mul3A_102 = arith.constant 16 : i32
      %mul3A_103 = arith.muli %add3A_101, %mul3A_102 : i32
      %add3A_104 = arith.addi %mul3A_2, %mul3A_103 : i32
      %multiple_of3A_105 = tpu.assume_multiple %add3A_104, 16 : i32
      %dma_wait3A_106 = arith.constant 0 : i32
      %dma_wait3A_107 = arith.constant 0 : i32
      %dma_wait3A_108 = tpu.memref_slice %arg2[%dma_wait3A_106, %multiple_of3A_105, %dma_wait3A_107] : memref<4x8192x768xf32, #tpu.memory_space<hbm>> -> memref<4x16x768xf32, #tpu.memory_space<hbm>>
      %dma_wait3A_109 = arith.constant 0 : i32
      %dma_wait3A_110 = arith.constant 0 : i32
      %dma_wait3A_111 = tpu.memref_slice %arg2[%dma_wait3A_109, %multiple_of3A_105, %dma_wait3A_110] : memref<4x8192x768xf32, #tpu.memory_space<hbm>> -> memref<4x16x768xf32, #tpu.memory_space<hbm>>
      tpu.wait_dma2 semaphore(%arg12 : memref<!tpu.dma_semaphore, #tpu.memory_space<semaphore_mem>>) src(%dma_wait3A_111 : memref<4x16x768xf32, #tpu.memory_space<hbm>>) dst(%arg6 : memref<4x16x768xf32, #tpu.memory_space<vmem>>)
      %mul3A_112 = arith.constant 16 : i32
      %mul3A_113 = arith.muli %mul3A_25, %mul3A_112 : i32
      %add3A_114 = arith.addi %mul3A_2, %mul3A_113 : i32
      %multiple_of3A_115 = tpu.assume_multiple %add3A_114, 16 : i32
      %dma_wait3A_116 = arith.constant 0 : i32
      %dma_wait3A_117 = arith.constant 0 : i32
      %dma_wait3A_118 = tpu.memref_slice %arg4[%dma_wait3A_116, %multiple_of3A_115, %dma_wait3A_117] : memref<4x8192x768xf32, #tpu.memory_space<hbm>> -> memref<4x16x768xf32, #tpu.memory_space<hbm>>
      %dma_wait3A_119 = arith.constant 0 : i32
      %dma_wait3A_120 = arith.constant 0 : i32
      %dma_wait3A_121 = tpu.memref_slice %arg4[%dma_wait3A_119, %multiple_of3A_115, %dma_wait3A_120] : memref<4x8192x768xf32, #tpu.memory_space<hbm>> -> memref<4x16x768xf32, #tpu.memory_space<hbm>>
      tpu.wait_dma2 semaphore(%arg13 : memref<!tpu.dma_semaphore, #tpu.memory_space<semaphore_mem>>) src(%arg5 : memref<4x16x768xf32, #tpu.memory_space<vmem>>) dst(%dma_wait3A_121 : memref<4x16x768xf32, #tpu.memory_space<hbm>>)
      %add3A_122 = arith.constant 1 : i32
      %add3A_123 = arith.addi %scan3A_23, %add3A_122 : i32
      %lt3A = arith.constant 8 : i32
      %lt3A_124 = arith.cmpi slt, %add3A_123, %lt3A : i32
      %convert_element_type3A_125 = arith.extui %lt3A_124 : i1 to i32
      %cond3A_126 = arith.constant 0 : i32
      %cond3A_127 = arith.cmpi ne, %convert_element_type3A_125, %cond3A_126 : i32
      scf.if %cond3A_127 {
        %add3A_149 = arith.constant 2 : i32
        %add3A_150 = arith.addi %mul3A_25, %add3A_149 : i32
        %mul3A_151 = arith.constant 16 : i32
        %mul3A_152 = arith.muli %add3A_150, %mul3A_151 : i32
        %add3A_153 = arith.addi %mul3A_2, %mul3A_152 : i32
        %multiple_of3A_154 = tpu.assume_multiple %add3A_153, 16 : i32
        %dma_start3A_155 = arith.constant 0 : i32
        %dma_start3A_156 = arith.constant 0 : i32
        %dma_start3A_157 = tpu.memref_slice %arg2[%dma_start3A_155, %multiple_of3A_154, %dma_start3A_156] : memref<4x8192x768xf32, #tpu.memory_space<hbm>> -> memref<4x16x768xf32, #tpu.memory_space<hbm>>
        %dma_start3A_158 = arith.constant 0 : i32
        %dma_start3A_159 = arith.constant 0 : i32
        %dma_start3A_160 = tpu.memref_slice %arg2[%dma_start3A_158, %multiple_of3A_154, %dma_start3A_159] : memref<4x8192x768xf32, #tpu.memory_space<hbm>> -> memref<4x16x768xf32, #tpu.memory_space<hbm>>
        tpu.enqueue_dma source(%dma_start3A_160 : memref<4x16x768xf32, #tpu.memory_space<hbm>>) target(%arg5 : memref<4x16x768xf32, #tpu.memory_space<vmem>>) target_semaphore(%arg11 : memref<!tpu.dma_semaphore, #tpu.memory_space<semaphore_mem>>)
      } else {
      }
      %dma_wait3A_128 = arith.constant 0 : i32
      %dma_wait3A_129 = arith.constant 0 : i32
      %dma_wait3A_130 = tpu.memref_slice %arg3[%dma_wait3A_128, %dma_wait3A_129] : memref<8194x768xf32, #tpu.memory_space<hbm>> -> memref<8194x768xf32, #tpu.memory_space<hbm>>
      tpu.wait_indirect_dma semaphore(%arg16 : memref<!tpu.dma_semaphore, #tpu.memory_space<semaphore_mem>>) src(%dma_wait3A_130 : memref<8194x768xf32, #tpu.memory_space<hbm>>) dst(%arg8 : memref<16x768xf32, #tpu.memory_space<vmem>>)
      %scan3A_131 = arith.constant 0 : i32
      %scan3A_132 = arith.constant 0 : i32
      %scan3A_133 = arith.constant 16 : i32
      %scan3A_134 = arith.addi %scan3A_132, %scan3A_133 : i32
      %scan3A_135 = arith.constant 1 : i32
      scf.for %scan3A_149 = %scan3A_132 to %scan3A_134 step %scan3A_135  : i32 {
        %get3A = arith.index_cast %scan3A_149 : i32 to index
        %get3A_150 = arith.constant 0 : index
        %get3A_151 = tpu.vector_load %arg8[%get3A, %get3A_150] {strides = array<i32>} : memref<16x768xf32, #tpu.memory_space<vmem>>, vector<1x16xf32>,
        %get3A_152 = vector.shape_cast %get3A_151 : vector<1x16xf32> to vector<16xf32>
        %swap3A_153 = arith.constant 0 : i32
        %swap3A_154 = arith.index_cast %swap3A_153 : i32 to index
        %swap3A_155 = arith.index_cast %scan3A_149 : i32 to index
        %swap3A_156 = arith.constant 0 : index
        %swap3A_157 = tpu.vector_load %arg6[%swap3A_154, %swap3A_155, %swap3A_156] {strides = array<i32>} : memref<4x16x768xf32, #tpu.memory_space<vmem>>, vector<1x1x16xf32>,
        %swap3A_158 = vector.shape_cast %swap3A_157 : vector<1x1x16xf32> to vector<16xf32>
        %swap3A_159 = vector.shape_cast %get3A_152 : vector<16xf32> to vector<1x1x16xf32>
        tpu.vector_store %arg6[%swap3A_154, %swap3A_155, %swap3A_156], %swap3A_159 {add = true, strides = array<i32>} : memref<4x16x768xf32, #tpu.memory_space<vmem>>, vector<1x1x16xf32>,
        %swap3A_160 = arith.constant 1 : i32
        %swap3A_161 = arith.index_cast %swap3A_160 : i32 to index
        %swap3A_162 = arith.index_cast %scan3A_149 : i32 to index
        %swap3A_163 = arith.constant 0 : index
        %swap3A_164 = tpu.vector_load %arg6[%swap3A_161, %swap3A_162, %swap3A_163] {strides = array<i32>} : memref<4x16x768xf32, #tpu.memory_space<vmem>>, vector<1x1x16xf32>,
        %swap3A_165 = vector.shape_cast %swap3A_164 : vector<1x1x16xf32> to vector<16xf32>
        %swap3A_166 = vector.shape_cast %get3A_152 : vector<16xf32> to vector<1x1x16xf32>
        tpu.vector_store %arg6[%swap3A_161, %swap3A_162, %swap3A_163], %swap3A_166 {add = true, strides = array<i32>} : memref<4x16x768xf32, #tpu.memory_space<vmem>>, vector<1x1x16xf32>,
        %swap3A_167 = arith.constant 2 : i32
        %swap3A_168 = arith.index_cast %swap3A_167 : i32 to index
        %swap3A_169 = arith.index_cast %scan3A_149 : i32 to index
        %swap3A_170 = arith.constant 0 : index
        %swap3A_171 = tpu.vector_load %arg6[%swap3A_168, %swap3A_169, %swap3A_170] {strides = array<i32>} : memref<4x16x768xf32, #tpu.memory_space<vmem>>, vector<1x1x16xf32>,
        %swap3A_172 = vector.shape_cast %swap3A_171 : vector<1x1x16xf32> to vector<16xf32>
        %swap3A_173 = vector.shape_cast %get3A_152 : vector<16xf32> to vector<1x1x16xf32>
        tpu.vector_store %arg6[%swap3A_168, %swap3A_169, %swap3A_170], %swap3A_173 {add = true, strides = array<i32>} : memref<4x16x768xf32, #tpu.memory_space<vmem>>, vector<1x1x16xf32>,
        %swap3A_174 = arith.constant 3 : i32
        %swap3A_175 = arith.index_cast %swap3A_174 : i32 to index
        %swap3A_176 = arith.index_cast %scan3A_149 : i32 to index
        %swap3A_177 = arith.constant 0 : index
        %swap3A_178 = tpu.vector_load %arg6[%swap3A_175, %swap3A_176, %swap3A_177] {strides = array<i32>} : memref<4x16x768xf32, #tpu.memory_space<vmem>>, vector<1x1x16xf32>,
        %swap3A_179 = vector.shape_cast %swap3A_178 : vector<1x1x16xf32> to vector<16xf32>
        %swap3A_180 = vector.shape_cast %get3A_152 : vector<16xf32> to vector<1x1x16xf32>
        tpu.vector_store %arg6[%swap3A_175, %swap3A_176, %swap3A_177], %swap3A_180 {add = true, strides = array<i32>} : memref<4x16x768xf32, #tpu.memory_space<vmem>>, vector<1x1x16xf32>,
        %get3A_181 = arith.index_cast %scan3A_149 : i32 to index
        %get3A_182 = arith.constant 16 : index
        %get3A_183 = tpu.vector_load %arg8[%get3A_181, %get3A_182] {strides = array<i32>} : memref<16x768xf32, #tpu.memory_space<vmem>>, vector<1x16xf32>,
        %get3A_184 = vector.shape_cast %get3A_183 : vector<1x16xf32> to vector<16xf32>
        %swap3A_185 = arith.constant 0 : i32
        %swap3A_186 = arith.index_cast %swap3A_185 : i32 to index
        %swap3A_187 = arith.index_cast %scan3A_149 : i32 to index
        %swap3A_188 = arith.constant 16 : index
        %swap3A_189 = tpu.vector_load %arg6[%swap3A_186, %swap3A_187, %swap3A_188] {strides = array<i32>} : memref<4x16x768xf32, #tpu.memory_space<vmem>>, vector<1x1x16xf32>,
        %swap3A_190 = vector.shape_cast %swap3A_189 : vector<1x1x16xf32> to vector<16xf32>
        %swap3A_191 = vector.shape_cast %get3A_184 : vector<16xf32> to vector<1x1x16xf32>
        tpu.vector_store %arg6[%swap3A_186, %swap3A_187, %swap3A_188], %swap3A_191 {add = true, strides = array<i32>} : memref<4x16x768xf32, #tpu.memory_space<vmem>>, vector<1x1x16xf32>,
        %swap3A_192 = arith.constant 1 : i32
        %swap3A_193 = arith.index_cast %swap3A_192 : i32 to index
        %swap3A_194 = arith.index_cast %scan3A_149 : i32 to index
        %swap3A_195 = arith.constant 16 : index
        %swap3A_196 = tpu.vector_load %arg6[%swap3A_193, %swap3A_194, %swap3A_195] {strides = array<i32>} : memref<4x16x768xf32, #tpu.memory_space<vmem>>, vector<1x1x16xf32>,
        %swap3A_197 = vector.shape_cast %swap3A_196 : vector<1x1x16xf32> to vector<16xf32>
        %swap3A_198 = vector.shape_cast %get3A_184 : vector<16xf32> to vector<1x1x16xf32>
        tpu.vector_store %arg6[%swap3A_193, %swap3A_194, %swap3A_195], %swap3A_198 {add = true, strides = array<i32>} : memref<4x16x768xf32, #tpu.memory_space<vmem>>, vector<1x1x16xf32>,
        %swap3A_199 = arith.constant 2 : i32
        %swap3A_200 = arith.index_cast %swap3A_199 : i32 to index
        %swap3A_201 = arith.index_cast %scan3A_149 : i32 to index
        %swap3A_202 = arith.constant 16 : index
        %swap3A_203 = tpu.vector_load %arg6[%swap3A_200, %swap3A_201, %swap3A_202] {strides = array<i32>} : memref<4x16x768xf32, #tpu.memory_space<vmem>>, vector<1x1x16xf32>,
        %swap3A_204 = vector.shape_cast %swap3A_203 : vector<1x1x16xf32> to vector<16xf32>
        %swap3A_205 = vector.shape_cast %get3A_184 : vector<16xf32> to vector<1x1x16xf32>
        tpu.vector_store %arg6[%swap3A_200, %swap3A_201, %swap3A_202], %swap3A_205 {add = true, strides = array<i32>} : memref<4x16x768xf32, #tpu.memory_space<vmem>>, vector<1x1x16xf32>,
        %swap3A_206 = arith.constant 3 : i32
        %swap3A_207 = arith.index_cast %swap3A_206 : i32 to index
        %swap3A_208 = arith.index_cast %scan3A_149 : i32 to index
        %swap3A_209 = arith.constant 16 : index
        %swap3A_210 = tpu.vector_load %arg6[%swap3A_207, %swap3A_208, %swap3A_209] {strides = array<i32>} : memref<4x16x768xf32, #tpu.memory_space<vmem>>, vector<1x1x16xf32>,
        %swap3A_211 = vector.shape_cast %swap3A_210 : vector<1x1x16xf32> to vector<16xf32>
        %swap3A_212 = vector.shape_cast %get3A_184 : vector<16xf32> to vector<1x1x16xf32>
        tpu.vector_store %arg6[%swap3A_207, %swap3A_208, %swap3A_209], %swap3A_212 {add = true, strides = array<i32>} : memref<4x16x768xf32, #tpu.memory_space<vmem>>, vector<1x1x16xf32>,
        %get3A_213 = arith.index_cast %scan3A_149 : i32 to index
        %get3A_214 = arith.constant 32 : index
        %get3A_215 = tpu.vector_load %arg8[%get3A_213, %get3A_214] {strides = array<i32>} : memref<16x768xf32, #tpu.memory_space<vmem>>, vector<1x16xf32>,
        %get3A_216 = vector.shape_cast %get3A_215 : vector<1x16xf32> to vector<16xf32>
        %swap3A_217 = arith.constant 0 : i32
        %swap3A_218 = arith.index_cast %swap3A_217 : i32 to index
        %swap3A_219 = arith.index_cast %scan3A_149 : i32 to index
        %swap3A_220 = arith.constant 32 : index
        %swap3A_221 = tpu.vector_load %arg6[%swap3A_218, %swap3A_219, %swap3A_220] {strides = array<i32>} : memref<4x16x768xf32, #tpu.memory_space<vmem>>, vector<1x1x16xf32>,
        %swap3A_222 = vector.shape_cast %swap3A_221 : vector<1x1x16xf32> to vector<16xf32>
        %swap3A_223 = vector.shape_cast %get3A_216 : vector<16xf32> to vector<1x1x16xf32>
        tpu.vector_store %arg6[%swap3A_218, %swap3A_219, %swap3A_220], %swap3A_223 {add = true, strides = array<i32>} : memref<4x16x768xf32, #tpu.memory_space<vmem>>, vector<1x1x16xf32>,
        %swap3A_224 = arith.constant 1 : i32
        %swap3A_225 = arith.index_cast %swap3A_224 : i32 to index
        %swap3A_226 = arith.index_cast %scan3A_149 : i32 to index
        %swap3A_227 = arith.constant 32 : index
        %swap3A_228 = tpu.vector_load %arg6[%swap3A_225, %swap3A_226, %swap3A_227] {strides = array<i32>} : memref<4x16x768xf32, #tpu.memory_space<vmem>>, vector<1x1x16xf32>,
        %swap3A_229 = vector.shape_cast %swap3A_228 : vector<1x1x16xf32> to vector<16xf32>
        %swap3A_230 = vector.shape_cast %get3A_216 : vector<16xf32> to vector<1x1x16xf32>
        tpu.vector_store %arg6[%swap3A_225, %swap3A_226, %swap3A_227], %swap3A_230 {add = true, strides = array<i32>} : memref<4x16x768xf32, #tpu.memory_space<vmem>>, vector<1x1x16xf32>,
        %swap3A_231 = arith.constant 2 : i32
        %swap3A_232 = arith.index_cast %swap3A_231 : i32 to index
        %swap3A_233 = arith.index_cast %scan3A_149 : i32 to index
        %swap3A_234 = arith.constant 32 : index
        %swap3A_235 = tpu.vector_load %arg6[%swap3A_232, %swap3A_233, %swap3A_234] {strides = array<i32>} : memref<4x16x768xf32, #tpu.memory_space<vmem>>, vector<1x1x16xf32>,
        %swap3A_236 = vector.shape_cast %swap3A_235 : vector<1x1x16xf32> to vector<16xf32>
        %swap3A_237 = vector.shape_cast %get3A_216 : vector<16xf32> to vector<1x1x16xf32>
        tpu.vector_store %arg6[%swap3A_232, %swap3A_233, %swap3A_234], %swap3A_237 {add = true, strides = array<i32>} : memref<4x16x768xf32, #tpu.memory_space<vmem>>, vector<1x1x16xf32>,
        %swap3A_238 = arith.constant 3 : i32
        %swap3A_239 = arith.index_cast %swap3A_238 : i32 to index
        %swap3A_240 = arith.index_cast %scan3A_149 : i32 to index
        %swap3A_241 = arith.constant 32 : index
        %swap3A_242 = tpu.vector_load %arg6[%swap3A_239, %swap3A_240, %swap3A_241] {strides = array<i32>} : memref<4x16x768xf32, #tpu.memory_space<vmem>>, vector<1x1x16xf32>,
        %swap3A_243 = vector.shape_cast %swap3A_242 : vector<1x1x16xf32> to vector<16xf32>
        %swap3A_244 = vector.shape_cast %get3A_216 : vector<16xf32> to vector<1x1x16xf32>
        tpu.vector_store %arg6[%swap3A_239, %swap3A_240, %swap3A_241], %swap3A_244 {add = true, strides = array<i32>} : memref<4x16x768xf32, #tpu.memory_space<vmem>>, vector<1x1x16xf32>,
        %get3A_245 = arith.index_cast %scan3A_149 : i32 to index
        %get3A_246 = arith.constant 48 : index
        %get3A_247 = tpu.vector_load %arg8[%get3A_245, %get3A_246] {strides = array<i32>} : memref<16x768xf32, #tpu.memory_space<vmem>>, vector<1x16xf32>,
        %get3A_248 = vector.shape_cast %get3A_247 : vector<1x16xf32> to vector<16xf32>
        %swap3A_249 = arith.constant 0 : i32
        %swap3A_250 = arith.index_cast %swap3A_249 : i32 to index
        %swap3A_251 = arith.index_cast %scan3A_149 : i32 to index
        %swap3A_252 = arith.constant 48 : index
        %swap3A_253 = tpu.vector_load %arg6[%swap3A_250, %swap3A_251, %swap3A_252] {strides = array<i32>} : memref<4x16x768xf32, #tpu.memory_space<vmem>>, vector<1x1x16xf32>,
        %swap3A_254 = vector.shape_cast %swap3A_253 : vector<1x1x16xf32> to vector<16xf32>
        %swap3A_255 = vector.shape_cast %get3A_248 : vector<16xf32> to vector<1x1x16xf32>
        tpu.vector_store %arg6[%swap3A_250, %swap3A_251, %swap3A_252], %swap3A_255 {add = true, strides = array<i32>} : memref<4x16x768xf32, #tpu.memory_space<vmem>>, vector<1x1x16xf32>,
        %swap3A_256 = arith.constant 1 : i32
        %swap3A_257 = arith.index_cast %swap3A_256 : i32 to index
        %swap3A_258 = arith.index_cast %scan3A_149 : i32 to index
        %swap3A_259 = arith.constant 48 : index
        %swap3A_260 = tpu.vector_load %arg6[%swap3A_257, %swap3A_258, %swap3A_259] {strides = array<i32>} : memref<4x16x768xf32, #tpu.memory_space<vmem>>, vector<1x1x16xf32>,
        %swap3A_261 = vector.shape_cast %swap3A_260 : vector<1x1x16xf32> to vector<16xf32>
        %swap3A_262 = vector.shape_cast %get3A_248 : vector<16xf32> to vector<1x1x16xf32>
        tpu.vector_store %arg6[%swap3A_257, %swap3A_258, %swap3A_259], %swap3A_262 {add = true, strides = array<i32>} : memref<4x16x768xf32, #tpu.memory_space<vmem>>, vector<1x1x16xf32>,
        %swap3A_263 = arith.constant 2 : i32
        %swap3A_264 = arith.index_cast %swap3A_263 : i32 to index
        %swap3A_265 = arith.index_cast %scan3A_149 : i32 to index
        %swap3A_266 = arith.constant 48 : index
        %swap3A_267 = tpu.vector_load %arg6[%swap3A_264, %swap3A_265, %swap3A_266] {strides = array<i32>} : memref<4x16x768xf32, #tpu.memory_space<vmem>>, vector<1x1x16xf32>,
        %swap3A_268 = vector.shape_cast %swap3A_267 : vector<1x1x16xf32> to vector<16xf32>
        %swap3A_269 = vector.shape_cast %get3A_248 : vector<16xf32> to vector<1x1x16xf32>
        tpu.vector_store %arg6[%swap3A_264, %swap3A_265, %swap3A_266], %swap3A_269 {add = true, strides = array<i32>} : memref<4x16x768xf32, #tpu.memory_space<vmem>>, vector<1x1x16xf32>,
        %swap3A_270 = arith.constant 3 : i32
        %swap3A_271 = arith.index_cast %swap3A_270 : i32 to index
        %swap3A_272 = arith.index_cast %scan3A_149 : i32 to index
        %swap3A_273 = arith.constant 48 : index
        %swap3A_274 = tpu.vector_load %arg6[%swap3A_271, %swap3A_272, %swap3A_273] {strides = array<i32>} : memref<4x16x768xf32, #tpu.memory_space<vmem>>, vector<1x1x16xf32>,
        %swap3A_275 = vector.shape_cast %swap3A_274 : vector<1x1x16xf32> to vector<16xf32>
        %swap3A_276 = vector.shape_cast %get3A_248 : vector<16xf32> to vector<1x1x16xf32>
        tpu.vector_store %arg6[%swap3A_271, %swap3A_272, %swap3A_273], %swap3A_276 {add = true, strides = array<i32>} : memref<4x16x768xf32, #tpu.memory_space<vmem>>, vector<1x1x16xf32>,
        %get3A_277 = arith.index_cast %scan3A_149 : i32 to index
        %get3A_278 = arith.constant 64 : index
        %get3A_279 = tpu.vector_load %arg8[%get3A_277, %get3A_278] {strides = array<i32>} : memref<16x768xf32, #tpu.memory_space<vmem>>, vector<1x16xf32>,
        %get3A_280 = vector.shape_cast %get3A_279 : vector<1x16xf32> to vector<16xf32>
        %swap3A_281 = arith.constant 0 : i32
        %swap3A_282 = arith.index_cast %swap3A_281 : i32 to index
        %swap3A_283 = arith.index_cast %scan3A_149 : i32 to index
        %swap3A_284 = arith.constant 64 : index
        %swap3A_285 = tpu.vector_load %arg6[%swap3A_282, %swap3A_283, %swap3A_284] {strides = array<i32>} : memref<4x16x768xf32, #tpu.memory_space<vmem>>, vector<1x1x16xf32>,
        %swap3A_286 = vector.shape_cast %swap3A_285 : vector<1x1x16xf32> to vector<16xf32>
        %swap3A_287 = vector.shape_cast %get3A_280 : vector<16xf32> to vector<1x1x16xf32>
        tpu.vector_store %arg6[%swap3A_282, %swap3A_283, %swap3A_284], %swap3A_287 {add = true, strides = array<i32>} : memref<4x16x768xf32, #tpu.memory_space<vmem>>, vector<1x1x16xf32>,
        %swap3A_288 = arith.constant 1 : i32
        %swap3A_289 = arith.index_cast %swap3A_288 : i32 to index
        %swap3A_290 = arith.index_cast %scan3A_149 : i32 to index
        %swap3A_291 = arith.constant 64 : index
        %swap3A_292 = tpu.vector_load %arg6[%swap3A_289, %swap3A_290, %swap3A_291] {strides = array<i32>} : memref<4x16x768xf32, #tpu.memory_space<vmem>>, vector<1x1x16xf32>,
        %swap3A_293 = vector.shape_cast %swap3A_292 : vector<1x1x16xf32> to vector<16xf32>
        %swap3A_294 = vector.shape_cast %get3A_280 : vector<16xf32> to vector<1x1x16xf32>
        tpu.vector_store %arg6[%swap3A_289, %swap3A_290, %swap3A_291], %swap3A_294 {add = true, strides = array<i32>} : memref<4x16x768xf32, #tpu.memory_space<vmem>>, vector<1x1x16xf32>,
        %swap3A_295 = arith.constant 2 : i32
        %swap3A_296 = arith.index_cast %swap3A_295 : i32 to index
        %swap3A_297 = arith.index_cast %scan3A_149 : i32 to index
        %swap3A_298 = arith.constant 64 : index
        %swap3A_299 = tpu.vector_load %arg6[%swap3A_296, %swap3A_297, %swap3A_298] {strides = array<i32>} : memref<4x16x768xf32, #tpu.memory_space<vmem>>, vector<1x1x16xf32>,
        %swap3A_300 = vector.shape_cast %swap3A_299 : vector<1x1x16xf32> to vector<16xf32>
        %swap3A_301 = vector.shape_cast %get3A_280 : vector<16xf32> to vector<1x1x16xf32>
        tpu.vector_store %arg6[%swap3A_296, %swap3A_297, %swap3A_298], %swap3A_301 {add = true, strides = array<i32>} : memref<4x16x768xf32, #tpu.memory_space<vmem>>, vector<1x1x16xf32>,
        %swap3A_302 = arith.constant 3 : i32
        %swap3A_303 = arith.index_cast %swap3A_302 : i32 to index
        %swap3A_304 = arith.index_cast %scan3A_149 : i32 to index
        %swap3A_305 = arith.constant 64 : index
        %swap3A_306 = tpu.vector_load %arg6[%swap3A_303, %swap3A_304, %swap3A_305] {strides = array<i32>} : memref<4x16x768xf32, #tpu.memory_space<vmem>>, vector<1x1x16xf32>,
        %swap3A_307 = vector.shape_cast %swap3A_306 : vector<1x1x16xf32> to vector<16xf32>
        %swap3A_308 = vector.shape_cast %get3A_280 : vector<16xf32> to vector<1x1x16xf32>
        tpu.vector_store %arg6[%swap3A_303, %swap3A_304, %swap3A_305], %swap3A_308 {add = true, strides = array<i32>} : memref<4x16x768xf32, #tpu.memory_space<vmem>>, vector<1x1x16xf32>,
        %get3A_309 = arith.index_cast %scan3A_149 : i32 to index
        %get3A_310 = arith.constant 80 : index
        %get3A_311 = tpu.vector_load %arg8[%get3A_309, %get3A_310] {strides = array<i32>} : memref<16x768xf32, #tpu.memory_space<vmem>>, vector<1x16xf32>,
        %get3A_312 = vector.shape_cast %get3A_311 : vector<1x16xf32> to vector<16xf32>
        %swap3A_313 = arith.constant 0 : i32
        %swap3A_314 = arith.index_cast %swap3A_313 : i32 to index
        %swap3A_315 = arith.index_cast %scan3A_149 : i32 to index
        %swap3A_316 = arith.constant 80 : index
        %swap3A_317 = tpu.vector_load %arg6[%swap3A_314, %swap3A_315, %swap3A_316] {strides = array<i32>} : memref<4x16x768xf32, #tpu.memory_space<vmem>>, vector<1x1x16xf32>,
        %swap3A_318 = vector.shape_cast %swap3A_317 : vector<1x1x16xf32> to vector<16xf32>
        %swap3A_319 = vector.shape_cast %get3A_312 : vector<16xf32> to vector<1x1x16xf32>
        tpu.vector_store %arg6[%swap3A_314, %swap3A_315, %swap3A_316], %swap3A_319 {add = true, strides = array<i32>} : memref<4x16x768xf32, #tpu.memory_space<vmem>>, vector<1x1x16xf32>,
        %swap3A_320 = arith.constant 1 : i32
        %swap3A_321 = arith.index_cast %swap3A_320 : i32 to index
        %swap3A_322 = arith.index_cast %scan3A_149 : i32 to index
        %swap3A_323 = arith.constant 80 : index
        %swap3A_324 = tpu.vector_load %arg6[%swap3A_321, %swap3A_322, %swap3A_323] {strides = array<i32>} : memref<4x16x768xf32, #tpu.memory_space<vmem>>, vector<1x1x16xf32>,
        %swap3A_325 = vector.shape_cast %swap3A_324 : vector<1x1x16xf32> to vector<16xf32>
        %swap3A_326 = vector.shape_cast %get3A_312 : vector<16xf32> to vector<1x1x16xf32>
        tpu.vector_store %arg6[%swap3A_321, %swap3A_322, %swap3A_323], %swap3A_326 {add = true, strides = array<i32>} : memref<4x16x768xf32, #tpu.memory_space<vmem>>, vector<1x1x16xf32>,
        %swap3A_327 = arith.constant 2 : i32
        %swap3A_328 = arith.index_cast %swap3A_327 : i32 to index
        %swap3A_329 = arith.index_cast %scan3A_149 : i32 to index
        %swap3A_330 = arith.constant 80 : index
        %swap3A_331 = tpu.vector_load %arg6[%swap3A_328, %swap3A_329, %swap3A_330] {strides = array<i32>} : memref<4x16x768xf32, #tpu.memory_space<vmem>>, vector<1x1x16xf32>,
        %swap3A_332 = vector.shape_cast %swap3A_331 : vector<1x1x16xf32> to vector<16xf32>
        %swap3A_333 = vector.shape_cast %get3A_312 : vector<16xf32> to vector<1x1x16xf32>
        tpu.vector_store %arg6[%swap3A_328, %swap3A_329, %swap3A_330], %swap3A_333 {add = true, strides = array<i32>} : memref<4x16x768xf32, #tpu.memory_space<vmem>>, vector<1x1x16xf32>,
        %swap3A_334 = arith.constant 3 : i32
        %swap3A_335 = arith.index_cast %swap3A_334 : i32 to index
        %swap3A_336 = arith.index_cast %scan3A_149 : i32 to index
        %swap3A_337 = arith.constant 80 : index
        %swap3A_338 = tpu.vector_load %arg6[%swap3A_335, %swap3A_336, %swap3A_337] {strides = array<i32>} : memref<4x16x768xf32, #tpu.memory_space<vmem>>, vector<1x1x16xf32>,
        %swap3A_339 = vector.shape_cast %swap3A_338 : vector<1x1x16xf32> to vector<16xf32>
        %swap3A_340 = vector.shape_cast %get3A_312 : vector<16xf32> to vector<1x1x16xf32>
        tpu.vector_store %arg6[%swap3A_335, %swap3A_336, %swap3A_337], %swap3A_340 {add = true, strides = array<i32>} : memref<4x16x768xf32, #tpu.memory_space<vmem>>, vector<1x1x16xf32>,
        %get3A_341 = arith.index_cast %scan3A_149 : i32 to index
        %get3A_342 = arith.constant 96 : index
        %get3A_343 = tpu.vector_load %arg8[%get3A_341, %get3A_342] {strides = array<i32>} : memref<16x768xf32, #tpu.memory_space<vmem>>, vector<1x16xf32>,
        %get3A_344 = vector.shape_cast %get3A_343 : vector<1x16xf32> to vector<16xf32>
        %swap3A_345 = arith.constant 0 : i32
        %swap3A_346 = arith.index_cast %swap3A_345 : i32 to index
        %swap3A_347 = arith.index_cast %scan3A_149 : i32 to index
        %swap3A_348 = arith.constant 96 : index
        %swap3A_349 = tpu.vector_load %arg6[%swap3A_346, %swap3A_347, %swap3A_348] {strides = array<i32>} : memref<4x16x768xf32, #tpu.memory_space<vmem>>, vector<1x1x16xf32>,
        %swap3A_350 = vector.shape_cast %swap3A_349 : vector<1x1x16xf32> to vector<16xf32>
        %swap3A_351 = vector.shape_cast %get3A_344 : vector<16xf32> to vector<1x1x16xf32>
        tpu.vector_store %arg6[%swap3A_346, %swap3A_347, %swap3A_348], %swap3A_351 {add = true, strides = array<i32>} : memref<4x16x768xf32, #tpu.memory_space<vmem>>, vector<1x1x16xf32>,
        %swap3A_352 = arith.constant 1 : i32
        %swap3A_353 = arith.index_cast %swap3A_352 : i32 to index
        %swap3A_354 = arith.index_cast %scan3A_149 : i32 to index
        %swap3A_355 = arith.constant 96 : index
        %swap3A_356 = tpu.vector_load %arg6[%swap3A_353, %swap3A_354, %swap3A_355] {strides = array<i32>} : memref<4x16x768xf32, #tpu.memory_space<vmem>>, vector<1x1x16xf32>,
        %swap3A_357 = vector.shape_cast %swap3A_356 : vector<1x1x16xf32> to vector<16xf32>
        %swap3A_358 = vector.shape_cast %get3A_344 : vector<16xf32> to vector<1x1x16xf32>
        tpu.vector_store %arg6[%swap3A_353, %swap3A_354, %swap3A_355], %swap3A_358 {add = true, strides = array<i32>} : memref<4x16x768xf32, #tpu.memory_space<vmem>>, vector<1x1x16xf32>,
        %swap3A_359 = arith.constant 2 : i32
        %swap3A_360 = arith.index_cast %swap3A_359 : i32 to index
        %swap3A_361 = arith.index_cast %scan3A_149 : i32 to index
        %swap3A_362 = arith.constant 96 : index
        %swap3A_363 = tpu.vector_load %arg6[%swap3A_360, %swap3A_361, %swap3A_362] {strides = array<i32>} : memref<4x16x768xf32, #tpu.memory_space<vmem>>, vector<1x1x16xf32>,
        %swap3A_364 = vector.shape_cast %swap3A_363 : vector<1x1x16xf32> to vector<16xf32>
        %swap3A_365 = vector.shape_cast %get3A_344 : vector<16xf32> to vector<1x1x16xf32>
        tpu.vector_store %arg6[%swap3A_360, %swap3A_361, %swap3A_362], %swap3A_365 {add = true, strides = array<i32>} : memref<4x16x768xf32, #tpu.memory_space<vmem>>, vector<1x1x16xf32>,
        %swap3A_366 = arith.constant 3 : i32
        %swap3A_367 = arith.index_cast %swap3A_366 : i32 to index
        %swap3A_368 = arith.index_cast %scan3A_149 : i32 to index
        %swap3A_369 = arith.constant 96 : index
        %swap3A_370 = tpu.vector_load %arg6[%swap3A_367, %swap3A_368, %swap3A_369] {strides = array<i32>} : memref<4x16x768xf32, #tpu.memory_space<vmem>>, vector<1x1x16xf32>,
        %swap3A_371 = vector.shape_cast %swap3A_370 : vector<1x1x16xf32> to vector<16xf32>
        %swap3A_372 = vector.shape_cast %get3A_344 : vector<16xf32> to vector<1x1x16xf32>
        tpu.vector_store %arg6[%swap3A_367, %swap3A_368, %swap3A_369], %swap3A_372 {add = true, strides = array<i32>} : memref<4x16x768xf32, #tpu.memory_space<vmem>>, vector<1x1x16xf32>,
        %get3A_373 = arith.index_cast %scan3A_149 : i32 to index
        %get3A_374 = arith.constant 112 : index
        %get3A_375 = tpu.vector_load %arg8[%get3A_373, %get3A_374] {strides = array<i32>} : memref<16x768xf32, #tpu.memory_space<vmem>>, vector<1x16xf32>,
        %get3A_376 = vector.shape_cast %get3A_375 : vector<1x16xf32> to vector<16xf32>
        %swap3A_377 = arith.constant 0 : i32
        %swap3A_378 = arith.index_cast %swap3A_377 : i32 to index
        %swap3A_379 = arith.index_cast %scan3A_149 : i32 to index
        %swap3A_380 = arith.constant 112 : index
        %swap3A_381 = tpu.vector_load %arg6[%swap3A_378, %swap3A_379, %swap3A_380] {strides = array<i32>} : memref<4x16x768xf32, #tpu.memory_space<vmem>>, vector<1x1x16xf32>,
        %swap3A_382 = vector.shape_cast %swap3A_381 : vector<1x1x16xf32> to vector<16xf32>
        %swap3A_383 = vector.shape_cast %get3A_376 : vector<16xf32> to vector<1x1x16xf32>
        tpu.vector_store %arg6[%swap3A_378, %swap3A_379, %swap3A_380], %swap3A_383 {add = true, strides = array<i32>} : memref<4x16x768xf32, #tpu.memory_space<vmem>>, vector<1x1x16xf32>,
        %swap3A_384 = arith.constant 1 : i32
        %swap3A_385 = arith.index_cast %swap3A_384 : i32 to index
        %swap3A_386 = arith.index_cast %scan3A_149 : i32 to index
        %swap3A_387 = arith.constant 112 : index
        %swap3A_388 = tpu.vector_load %arg6[%swap3A_385, %swap3A_386, %swap3A_387] {strides = array<i32>} : memref<4x16x768xf32, #tpu.memory_space<vmem>>, vector<1x1x16xf32>,
        %swap3A_389 = vector.shape_cast %swap3A_388 : vector<1x1x16xf32> to vector<16xf32>
        %swap3A_390 = vector.shape_cast %get3A_376 : vector<16xf32> to vector<1x1x16xf32>
        tpu.vector_store %arg6[%swap3A_385, %swap3A_386, %swap3A_387], %swap3A_390 {add = true, strides = array<i32>} : memref<4x16x768xf32, #tpu.memory_space<vmem>>, vector<1x1x16xf32>,
        %swap3A_391 = arith.constant 2 : i32
        %swap3A_392 = arith.index_cast %swap3A_391 : i32 to index
        %swap3A_393 = arith.index_cast %scan3A_149 : i32 to index
        %swap3A_394 = arith.constant 112 : index
        %swap3A_395 = tpu.vector_load %arg6[%swap3A_392, %swap3A_393, %swap3A_394] {strides = array<i32>} : memref<4x16x768xf32, #tpu.memory_space<vmem>>, vector<1x1x16xf32>,
        %swap3A_396 = vector.shape_cast %swap3A_395 : vector<1x1x16xf32> to vector<16xf32>
        %swap3A_397 = vector.shape_cast %get3A_376 : vector<16xf32> to vector<1x1x16xf32>
        tpu.vector_store %arg6[%swap3A_392, %swap3A_393, %swap3A_394], %swap3A_397 {add = true, strides = array<i32>} : memref<4x16x768xf32, #tpu.memory_space<vmem>>, vector<1x1x16xf32>,
        %swap3A_398 = arith.constant 3 : i32
        %swap3A_399 = arith.index_cast %swap3A_398 : i32 to index
        %swap3A_400 = arith.index_cast %scan3A_149 : i32 to index
        %swap3A_401 = arith.constant 112 : index
        %swap3A_402 = tpu.vector_load %arg6[%swap3A_399, %swap3A_400, %swap3A_401] {strides = array<i32>} : memref<4x16x768xf32, #tpu.memory_space<vmem>>, vector<1x1x16xf32>,
        %swap3A_403 = vector.shape_cast %swap3A_402 : vector<1x1x16xf32> to vector<16xf32>
        %swap3A_404 = vector.shape_cast %get3A_376 : vector<16xf32> to vector<1x1x16xf32>
        tpu.vector_store %arg6[%swap3A_399, %swap3A_400, %swap3A_401], %swap3A_404 {add = true, strides = array<i32>} : memref<4x16x768xf32, #tpu.memory_space<vmem>>, vector<1x1x16xf32>,
        %get3A_405 = arith.index_cast %scan3A_149 : i32 to index
        %get3A_406 = arith.constant 128 : index
        %get3A_407 = tpu.vector_load %arg8[%get3A_405, %get3A_406] {strides = array<i32>} : memref<16x768xf32, #tpu.memory_space<vmem>>, vector<1x16xf32>,
        %get3A_408 = vector.shape_cast %get3A_407 : vector<1x16xf32> to vector<16xf32>
        %swap3A_409 = arith.constant 0 : i32
        %swap3A_410 = arith.index_cast %swap3A_409 : i32 to index
        %swap3A_411 = arith.index_cast %scan3A_149 : i32 to index
        %swap3A_412 = arith.constant 128 : index
        %swap3A_413 = tpu.vector_load %arg6[%swap3A_410, %swap3A_411, %swap3A_412] {strides = array<i32>} : memref<4x16x768xf32, #tpu.memory_space<vmem>>, vector<1x1x16xf32>,
        %swap3A_414 = vector.shape_cast %swap3A_413 : vector<1x1x16xf32> to vector<16xf32>
        %swap3A_415 = vector.shape_cast %get3A_408 : vector<16xf32> to vector<1x1x16xf32>
        tpu.vector_store %arg6[%swap3A_410, %swap3A_411, %swap3A_412], %swap3A_415 {add = true, strides = array<i32>} : memref<4x16x768xf32, #tpu.memory_space<vmem>>, vector<1x1x16xf32>,
        %swap3A_416 = arith.constant 1 : i32
        %swap3A_417 = arith.index_cast %swap3A_416 : i32 to index
        %swap3A_418 = arith.index_cast %scan3A_149 : i32 to index
        %swap3A_419 = arith.constant 128 : index
        %swap3A_420 = tpu.vector_load %arg6[%swap3A_417, %swap3A_418, %swap3A_419] {strides = array<i32>} : memref<4x16x768xf32, #tpu.memory_space<vmem>>, vector<1x1x16xf32>,
        %swap3A_421 = vector.shape_cast %swap3A_420 : vector<1x1x16xf32> to vector<16xf32>
        %swap3A_422 = vector.shape_cast %get3A_408 : vector<16xf32> to vector<1x1x16xf32>
        tpu.vector_store %arg6[%swap3A_417, %swap3A_418, %swap3A_419], %swap3A_422 {add = true, strides = array<i32>} : memref<4x16x768xf32, #tpu.memory_space<vmem>>, vector<1x1x16xf32>,
        %swap3A_423 = arith.constant 2 : i32
        %swap3A_424 = arith.index_cast %swap3A_423 : i32 to index
        %swap3A_425 = arith.index_cast %scan3A_149 : i32 to index
        %swap3A_426 = arith.constant 128 : index
        %swap3A_427 = tpu.vector_load %arg6[%swap3A_424, %swap3A_425, %swap3A_426] {strides = array<i32>} : memref<4x16x768xf32, #tpu.memory_space<vmem>>, vector<1x1x16xf32>,
        %swap3A_428 = vector.shape_cast %swap3A_427 : vector<1x1x16xf32> to vector<16xf32>
        %swap3A_429 = vector.shape_cast %get3A_408 : vector<16xf32> to vector<1x1x16xf32>
        tpu.vector_store %arg6[%swap3A_424, %swap3A_425, %swap3A_426], %swap3A_429 {add = true, strides = array<i32>} : memref<4x16x768xf32, #tpu.memory_space<vmem>>, vector<1x1x16xf32>,
        %swap3A_430 = arith.constant 3 : i32
        %swap3A_431 = arith.index_cast %swap3A_430 : i32 to index
        %swap3A_432 = arith.index_cast %scan3A_149 : i32 to index
        %swap3A_433 = arith.constant 128 : index
        %swap3A_434 = tpu.vector_load %arg6[%swap3A_431, %swap3A_432, %swap3A_433] {strides = array<i32>} : memref<4x16x768xf32, #tpu.memory_space<vmem>>, vector<1x1x16xf32>,
        %swap3A_435 = vector.shape_cast %swap3A_434 : vector<1x1x16xf32> to vector<16xf32>
        %swap3A_436 = vector.shape_cast %get3A_408 : vector<16xf32> to vector<1x1x16xf32>
        tpu.vector_store %arg6[%swap3A_431, %swap3A_432, %swap3A_433], %swap3A_436 {add = true, strides = array<i32>} : memref<4x16x768xf32, #tpu.memory_space<vmem>>, vector<1x1x16xf32>,
        %get3A_437 = arith.index_cast %scan3A_149 : i32 to index
        %get3A_438 = arith.constant 144 : index
        %get3A_439 = tpu.vector_load %arg8[%get3A_437, %get3A_438] {strides = array<i32>} : memref<16x768xf32, #tpu.memory_space<vmem>>, vector<1x16xf32>,
        %get3A_440 = vector.shape_cast %get3A_439 : vector<1x16xf32> to vector<16xf32>
        %swap3A_441 = arith.constant 0 : i32
        %swap3A_442 = arith.index_cast %swap3A_441 : i32 to index
        %swap3A_443 = arith.index_cast %scan3A_149 : i32 to index
        %swap3A_444 = arith.constant 144 : index
        %swap3A_445 = tpu.vector_load %arg6[%swap3A_442, %swap3A_443, %swap3A_444] {strides = array<i32>} : memref<4x16x768xf32, #tpu.memory_space<vmem>>, vector<1x1x16xf32>,
        %swap3A_446 = vector.shape_cast %swap3A_445 : vector<1x1x16xf32> to vector<16xf32>
        %swap3A_447 = vector.shape_cast %get3A_440 : vector<16xf32> to vector<1x1x16xf32>
        tpu.vector_store %arg6[%swap3A_442, %swap3A_443, %swap3A_444], %swap3A_447 {add = true, strides = array<i32>} : memref<4x16x768xf32, #tpu.memory_space<vmem>>, vector<1x1x16xf32>,
        %swap3A_448 = arith.constant 1 : i32
        %swap3A_449 = arith.index_cast %swap3A_448 : i32 to index
        %swap3A_450 = arith.index_cast %scan3A_149 : i32 to index
        %swap3A_451 = arith.constant 144 : index
        %swap3A_452 = tpu.vector_load %arg6[%swap3A_449, %swap3A_450, %swap3A_451] {strides = array<i32>} : memref<4x16x768xf32, #tpu.memory_space<vmem>>, vector<1x1x16xf32>,
        %swap3A_453 = vector.shape_cast %swap3A_452 : vector<1x1x16xf32> to vector<16xf32>
        %swap3A_454 = vector.shape_cast %get3A_440 : vector<16xf32> to vector<1x1x16xf32>
        tpu.vector_store %arg6[%swap3A_449, %swap3A_450, %swap3A_451], %swap3A_454 {add = true, strides = array<i32>} : memref<4x16x768xf32, #tpu.memory_space<vmem>>, vector<1x1x16xf32>,
        %swap3A_455 = arith.constant 2 : i32
        %swap3A_456 = arith.index_cast %swap3A_455 : i32 to index
        %swap3A_457 = arith.index_cast %scan3A_149 : i32 to index
        %swap3A_458 = arith.constant 144 : index
        %swap3A_459 = tpu.vector_load %arg6[%swap3A_456, %swap3A_457, %swap3A_458] {strides = array<i32>} : memref<4x16x768xf32, #tpu.memory_space<vmem>>, vector<1x1x16xf32>,
        %swap3A_460 = vector.shape_cast %swap3A_459 : vector<1x1x16xf32> to vector<16xf32>
        %swap3A_461 = vector.shape_cast %get3A_440 : vector<16xf32> to vector<1x1x16xf32>
        tpu.vector_store %arg6[%swap3A_456, %swap3A_457, %swap3A_458], %swap3A_461 {add = true, strides = array<i32>} : memref<4x16x768xf32, #tpu.memory_space<vmem>>, vector<1x1x16xf32>,
        %swap3A_462 = arith.constant 3 : i32
        %swap3A_463 = arith.index_cast %swap3A_462 : i32 to index
        %swap3A_464 = arith.index_cast %scan3A_149 : i32 to index
        %swap3A_465 = arith.constant 144 : index
        %swap3A_466 = tpu.vector_load %arg6[%swap3A_463, %swap3A_464, %swap3A_465] {strides = array<i32>} : memref<4x16x768xf32, #tpu.memory_space<vmem>>, vector<1x1x16xf32>,
        %swap3A_467 = vector.shape_cast %swap3A_466 : vector<1x1x16xf32> to vector<16xf32>
        %swap3A_468 = vector.shape_cast %get3A_440 : vector<16xf32> to vector<1x1x16xf32>
        tpu.vector_store %arg6[%swap3A_463, %swap3A_464, %swap3A_465], %swap3A_468 {add = true, strides = array<i32>} : memref<4x16x768xf32, #tpu.memory_space<vmem>>, vector<1x1x16xf32>,
        %get3A_469 = arith.index_cast %scan3A_149 : i32 to index
        %get3A_470 = arith.constant 160 : index
        %get3A_471 = tpu.vector_load %arg8[%get3A_469, %get3A_470] {strides = array<i32>} : memref<16x768xf32, #tpu.memory_space<vmem>>, vector<1x16xf32>,
        %get3A_472 = vector.shape_cast %get3A_471 : vector<1x16xf32> to vector<16xf32>
        %swap3A_473 = arith.constant 0 : i32
        %swap3A_474 = arith.index_cast %swap3A_473 : i32 to index
        %swap3A_475 = arith.index_cast %scan3A_149 : i32 to index
        %swap3A_476 = arith.constant 160 : index
        %swap3A_477 = tpu.vector_load %arg6[%swap3A_474, %swap3A_475, %swap3A_476] {strides = array<i32>} : memref<4x16x768xf32, #tpu.memory_space<vmem>>, vector<1x1x16xf32>,
        %swap3A_478 = vector.shape_cast %swap3A_477 : vector<1x1x16xf32> to vector<16xf32>
        %swap3A_479 = vector.shape_cast %get3A_472 : vector<16xf32> to vector<1x1x16xf32>
        tpu.vector_store %arg6[%swap3A_474, %swap3A_475, %swap3A_476], %swap3A_479 {add = true, strides = array<i32>} : memref<4x16x768xf32, #tpu.memory_space<vmem>>, vector<1x1x16xf32>,
        %swap3A_480 = arith.constant 1 : i32
        %swap3A_481 = arith.index_cast %swap3A_480 : i32 to index
        %swap3A_482 = arith.index_cast %scan3A_149 : i32 to index
        %swap3A_483 = arith.constant 160 : index
        %swap3A_484 = tpu.vector_load %arg6[%swap3A_481, %swap3A_482, %swap3A_483] {strides = array<i32>} : memref<4x16x768xf32, #tpu.memory_space<vmem>>, vector<1x1x16xf32>,
        %swap3A_485 = vector.shape_cast %swap3A_484 : vector<1x1x16xf32> to vector<16xf32>
        %swap3A_486 = vector.shape_cast %get3A_472 : vector<16xf32> to vector<1x1x16xf32>
        tpu.vector_store %arg6[%swap3A_481, %swap3A_482, %swap3A_483], %swap3A_486 {add = true, strides = array<i32>} : memref<4x16x768xf32, #tpu.memory_space<vmem>>, vector<1x1x16xf32>,
        %swap3A_487 = arith.constant 2 : i32
        %swap3A_488 = arith.index_cast %swap3A_487 : i32 to index
        %swap3A_489 = arith.index_cast %scan3A_149 : i32 to index
        %swap3A_490 = arith.constant 160 : index
        %swap3A_491 = tpu.vector_load %arg6[%swap3A_488, %swap3A_489, %swap3A_490] {strides = array<i32>} : memref<4x16x768xf32, #tpu.memory_space<vmem>>, vector<1x1x16xf32>,
        %swap3A_492 = vector.shape_cast %swap3A_491 : vector<1x1x16xf32> to vector<16xf32>
        %swap3A_493 = vector.shape_cast %get3A_472 : vector<16xf32> to vector<1x1x16xf32>
        tpu.vector_store %arg6[%swap3A_488, %swap3A_489, %swap3A_490], %swap3A_493 {add = true, strides = array<i32>} : memref<4x16x768xf32, #tpu.memory_space<vmem>>, vector<1x1x16xf32>,
        %swap3A_494 = arith.constant 3 : i32
        %swap3A_495 = arith.index_cast %swap3A_494 : i32 to index
        %swap3A_496 = arith.index_cast %scan3A_149 : i32 to index
        %swap3A_497 = arith.constant 160 : index
        %swap3A_498 = tpu.vector_load %arg6[%swap3A_495, %swap3A_496, %swap3A_497] {strides = array<i32>} : memref<4x16x768xf32, #tpu.memory_space<vmem>>, vector<1x1x16xf32>,
        %swap3A_499 = vector.shape_cast %swap3A_498 : vector<1x1x16xf32> to vector<16xf32>
        %swap3A_500 = vector.shape_cast %get3A_472 : vector<16xf32> to vector<1x1x16xf32>
        tpu.vector_store %arg6[%swap3A_495, %swap3A_496, %swap3A_497], %swap3A_500 {add = true, strides = array<i32>} : memref<4x16x768xf32, #tpu.memory_space<vmem>>, vector<1x1x16xf32>,
        %get3A_501 = arith.index_cast %scan3A_149 : i32 to index
        %get3A_502 = arith.constant 176 : index
        %get3A_503 = tpu.vector_load %arg8[%get3A_501, %get3A_502] {strides = array<i32>} : memref<16x768xf32, #tpu.memory_space<vmem>>, vector<1x16xf32>,
        %get3A_504 = vector.shape_cast %get3A_503 : vector<1x16xf32> to vector<16xf32>
        %swap3A_505 = arith.constant 0 : i32
        %swap3A_506 = arith.index_cast %swap3A_505 : i32 to index
        %swap3A_507 = arith.index_cast %scan3A_149 : i32 to index
        %swap3A_508 = arith.constant 176 : index
        %swap3A_509 = tpu.vector_load %arg6[%swap3A_506, %swap3A_507, %swap3A_508] {strides = array<i32>} : memref<4x16x768xf32, #tpu.memory_space<vmem>>, vector<1x1x16xf32>,
        %swap3A_510 = vector.shape_cast %swap3A_509 : vector<1x1x16xf32> to vector<16xf32>
        %swap3A_511 = vector.shape_cast %get3A_504 : vector<16xf32> to vector<1x1x16xf32>
        tpu.vector_store %arg6[%swap3A_506, %swap3A_507, %swap3A_508], %swap3A_511 {add = true, strides = array<i32>} : memref<4x16x768xf32, #tpu.memory_space<vmem>>, vector<1x1x16xf32>,
        %swap3A_512 = arith.constant 1 : i32
        %swap3A_513 = arith.index_cast %swap3A_512 : i32 to index
        %swap3A_514 = arith.index_cast %scan3A_149 : i32 to index
        %swap3A_515 = arith.constant 176 : index
        %swap3A_516 = tpu.vector_load %arg6[%swap3A_513, %swap3A_514, %swap3A_515] {strides = array<i32>} : memref<4x16x768xf32, #tpu.memory_space<vmem>>, vector<1x1x16xf32>,
        %swap3A_517 = vector.shape_cast %swap3A_516 : vector<1x1x16xf32> to vector<16xf32>
        %swap3A_518 = vector.shape_cast %get3A_504 : vector<16xf32> to vector<1x1x16xf32>
        tpu.vector_store %arg6[%swap3A_513, %swap3A_514, %swap3A_515], %swap3A_518 {add = true, strides = array<i32>} : memref<4x16x768xf32, #tpu.memory_space<vmem>>, vector<1x1x16xf32>,
        %swap3A_519 = arith.constant 2 : i32
        %swap3A_520 = arith.index_cast %swap3A_519 : i32 to index
        %swap3A_521 = arith.index_cast %scan3A_149 : i32 to index
        %swap3A_522 = arith.constant 176 : index
        %swap3A_523 = tpu.vector_load %arg6[%swap3A_520, %swap3A_521, %swap3A_522] {strides = array<i32>} : memref<4x16x768xf32, #tpu.memory_space<vmem>>, vector<1x1x16xf32>,
        %swap3A_524 = vector.shape_cast %swap3A_523 : vector<1x1x16xf32> to vector<16xf32>
        %swap3A_525 = vector.shape_cast %get3A_504 : vector<16xf32> to vector<1x1x16xf32>
        tpu.vector_store %arg6[%swap3A_520, %swap3A_521, %swap3A_522], %swap3A_525 {add = true, strides = array<i32>} : memref<4x16x768xf32, #tpu.memory_space<vmem>>, vector<1x1x16xf32>,
        %swap3A_526 = arith.constant 3 : i32
        %swap3A_527 = arith.index_cast %swap3A_526 : i32 to index
        %swap3A_528 = arith.index_cast %scan3A_149 : i32 to index
        %swap3A_529 = arith.constant 176 : index
        %swap3A_530 = tpu.vector_load %arg6[%swap3A_527, %swap3A_528, %swap3A_529] {strides = array<i32>} : memref<4x16x768xf32, #tpu.memory_space<vmem>>, vector<1x1x16xf32>,
        %swap3A_531 = vector.shape_cast %swap3A_530 : vector<1x1x16xf32> to vector<16xf32>
        %swap3A_532 = vector.shape_cast %get3A_504 : vector<16xf32> to vector<1x1x16xf32>
        tpu.vector_store %arg6[%swap3A_527, %swap3A_528, %swap3A_529], %swap3A_532 {add = true, strides = array<i32>} : memref<4x16x768xf32, #tpu.memory_space<vmem>>, vector<1x1x16xf32>,
        %get3A_533 = arith.index_cast %scan3A_149 : i32 to index
        %get3A_534 = arith.constant 192 : index
        %get3A_535 = tpu.vector_load %arg8[%get3A_533, %get3A_534] {strides = array<i32>} : memref<16x768xf32, #tpu.memory_space<vmem>>, vector<1x16xf32>,
        %get3A_536 = vector.shape_cast %get3A_535 : vector<1x16xf32> to vector<16xf32>
        %swap3A_537 = arith.constant 0 : i32
        %swap3A_538 = arith.index_cast %swap3A_537 : i32 to index
        %swap3A_539 = arith.index_cast %scan3A_149 : i32 to index
        %swap3A_540 = arith.constant 192 : index
        %swap3A_541 = tpu.vector_load %arg6[%swap3A_538, %swap3A_539, %swap3A_540] {strides = array<i32>} : memref<4x16x768xf32, #tpu.memory_space<vmem>>, vector<1x1x16xf32>,
        %swap3A_542 = vector.shape_cast %swap3A_541 : vector<1x1x16xf32> to vector<16xf32>
        %swap3A_543 = vector.shape_cast %get3A_536 : vector<16xf32> to vector<1x1x16xf32>
        tpu.vector_store %arg6[%swap3A_538, %swap3A_539, %swap3A_540], %swap3A_543 {add = true, strides = array<i32>} : memref<4x16x768xf32, #tpu.memory_space<vmem>>, vector<1x1x16xf32>,
        %swap3A_544 = arith.constant 1 : i32
        %swap3A_545 = arith.index_cast %swap3A_544 : i32 to index
        %swap3A_546 = arith.index_cast %scan3A_149 : i32 to index
        %swap3A_547 = arith.constant 192 : index
        %swap3A_548 = tpu.vector_load %arg6[%swap3A_545, %swap3A_546, %swap3A_547] {strides = array<i32>} : memref<4x16x768xf32, #tpu.memory_space<vmem>>, vector<1x1x16xf32>,
        %swap3A_549 = vector.shape_cast %swap3A_548 : vector<1x1x16xf32> to vector<16xf32>
        %swap3A_550 = vector.shape_cast %get3A_536 : vector<16xf32> to vector<1x1x16xf32>
        tpu.vector_store %arg6[%swap3A_545, %swap3A_546, %swap3A_547], %swap3A_550 {add = true, strides = array<i32>} : memref<4x16x768xf32, #tpu.memory_space<vmem>>, vector<1x1x16xf32>,
        %swap3A_551 = arith.constant 2 : i32
        %swap3A_552 = arith.index_cast %swap3A_551 : i32 to index
        %swap3A_553 = arith.index_cast %scan3A_149 : i32 to index
        %swap3A_554 = arith.constant 192 : index
        %swap3A_555 = tpu.vector_load %arg6[%swap3A_552, %swap3A_553, %swap3A_554] {strides = array<i32>} : memref<4x16x768xf32, #tpu.memory_space<vmem>>, vector<1x1x16xf32>,
        %swap3A_556 = vector.shape_cast %swap3A_555 : vector<1x1x16xf32> to vector<16xf32>
        %swap3A_557 = vector.shape_cast %get3A_536 : vector<16xf32> to vector<1x1x16xf32>
        tpu.vector_store %arg6[%swap3A_552, %swap3A_553, %swap3A_554], %swap3A_557 {add = true, strides = array<i32>} : memref<4x16x768xf32, #tpu.memory_space<vmem>>, vector<1x1x16xf32>,
        %swap3A_558 = arith.constant 3 : i32
        %swap3A_559 = arith.index_cast %swap3A_558 : i32 to index
        %swap3A_560 = arith.index_cast %scan3A_149 : i32 to index
        %swap3A_561 = arith.constant 192 : index
        %swap3A_562 = tpu.vector_load %arg6[%swap3A_559, %swap3A_560, %swap3A_561] {strides = array<i32>} : memref<4x16x768xf32, #tpu.memory_space<vmem>>, vector<1x1x16xf32>,
        %swap3A_563 = vector.shape_cast %swap3A_562 : vector<1x1x16xf32> to vector<16xf32>
        %swap3A_564 = vector.shape_cast %get3A_536 : vector<16xf32> to vector<1x1x16xf32>
        tpu.vector_store %arg6[%swap3A_559, %swap3A_560, %swap3A_561], %swap3A_564 {add = true, strides = array<i32>} : memref<4x16x768xf32, #tpu.memory_space<vmem>>, vector<1x1x16xf32>,
        %get3A_565 = arith.index_cast %scan3A_149 : i32 to index
        %get3A_566 = arith.constant 208 : index
        %get3A_567 = tpu.vector_load %arg8[%get3A_565, %get3A_566] {strides = array<i32>} : memref<16x768xf32, #tpu.memory_space<vmem>>, vector<1x16xf32>,
        %get3A_568 = vector.shape_cast %get3A_567 : vector<1x16xf32> to vector<16xf32>
        %swap3A_569 = arith.constant 0 : i32
        %swap3A_570 = arith.index_cast %swap3A_569 : i32 to index
        %swap3A_571 = arith.index_cast %scan3A_149 : i32 to index
        %swap3A_572 = arith.constant 208 : index
        %swap3A_573 = tpu.vector_load %arg6[%swap3A_570, %swap3A_571, %swap3A_572] {strides = array<i32>} : memref<4x16x768xf32, #tpu.memory_space<vmem>>, vector<1x1x16xf32>,
        %swap3A_574 = vector.shape_cast %swap3A_573 : vector<1x1x16xf32> to vector<16xf32>
        %swap3A_575 = vector.shape_cast %get3A_568 : vector<16xf32> to vector<1x1x16xf32>
        tpu.vector_store %arg6[%swap3A_570, %swap3A_571, %swap3A_572], %swap3A_575 {add = true, strides = array<i32>} : memref<4x16x768xf32, #tpu.memory_space<vmem>>, vector<1x1x16xf32>,
        %swap3A_576 = arith.constant 1 : i32
        %swap3A_577 = arith.index_cast %swap3A_576 : i32 to index
        %swap3A_578 = arith.index_cast %scan3A_149 : i32 to index
        %swap3A_579 = arith.constant 208 : index
        %swap3A_580 = tpu.vector_load %arg6[%swap3A_577, %swap3A_578, %swap3A_579] {strides = array<i32>} : memref<4x16x768xf32, #tpu.memory_space<vmem>>, vector<1x1x16xf32>,
        %swap3A_581 = vector.shape_cast %swap3A_580 : vector<1x1x16xf32> to vector<16xf32>
        %swap3A_582 = vector.shape_cast %get3A_568 : vector<16xf32> to vector<1x1x16xf32>
        tpu.vector_store %arg6[%swap3A_577, %swap3A_578, %swap3A_579], %swap3A_582 {add = true, strides = array<i32>} : memref<4x16x768xf32, #tpu.memory_space<vmem>>, vector<1x1x16xf32>,
        %swap3A_583 = arith.constant 2 : i32
        %swap3A_584 = arith.index_cast %swap3A_583 : i32 to index
        %swap3A_585 = arith.index_cast %scan3A_149 : i32 to index
        %swap3A_586 = arith.constant 208 : index
        %swap3A_587 = tpu.vector_load %arg6[%swap3A_584, %swap3A_585, %swap3A_586] {strides = array<i32>} : memref<4x16x768xf32, #tpu.memory_space<vmem>>, vector<1x1x16xf32>,
        %swap3A_588 = vector.shape_cast %swap3A_587 : vector<1x1x16xf32> to vector<16xf32>
        %swap3A_589 = vector.shape_cast %get3A_568 : vector<16xf32> to vector<1x1x16xf32>
        tpu.vector_store %arg6[%swap3A_584, %swap3A_585, %swap3A_586], %swap3A_589 {add = true, strides = array<i32>} : memref<4x16x768xf32, #tpu.memory_space<vmem>>, vector<1x1x16xf32>,
        %swap3A_590 = arith.constant 3 : i32
        %swap3A_591 = arith.index_cast %swap3A_590 : i32 to index
        %swap3A_592 = arith.index_cast %scan3A_149 : i32 to index
        %swap3A_593 = arith.constant 208 : index
        %swap3A_594 = tpu.vector_load %arg6[%swap3A_591, %swap3A_592, %swap3A_593] {strides = array<i32>} : memref<4x16x768xf32, #tpu.memory_space<vmem>>, vector<1x1x16xf32>,
        %swap3A_595 = vector.shape_cast %swap3A_594 : vector<1x1x16xf32> to vector<16xf32>
        %swap3A_596 = vector.shape_cast %get3A_568 : vector<16xf32> to vector<1x1x16xf32>
        tpu.vector_store %arg6[%swap3A_591, %swap3A_592, %swap3A_593], %swap3A_596 {add = true, strides = array<i32>} : memref<4x16x768xf32, #tpu.memory_space<vmem>>, vector<1x1x16xf32>,
        %get3A_597 = arith.index_cast %scan3A_149 : i32 to index
        %get3A_598 = arith.constant 224 : index
        %get3A_599 = tpu.vector_load %arg8[%get3A_597, %get3A_598] {strides = array<i32>} : memref<16x768xf32, #tpu.memory_space<vmem>>, vector<1x16xf32>,
        %get3A_600 = vector.shape_cast %get3A_599 : vector<1x16xf32> to vector<16xf32>
        %swap3A_601 = arith.constant 0 : i32
        %swap3A_602 = arith.index_cast %swap3A_601 : i32 to index
        %swap3A_603 = arith.index_cast %scan3A_149 : i32 to index
        %swap3A_604 = arith.constant 224 : index
        %swap3A_605 = tpu.vector_load %arg6[%swap3A_602, %swap3A_603, %swap3A_604] {strides = array<i32>} : memref<4x16x768xf32, #tpu.memory_space<vmem>>, vector<1x1x16xf32>,
        %swap3A_606 = vector.shape_cast %swap3A_605 : vector<1x1x16xf32> to vector<16xf32>
        %swap3A_607 = vector.shape_cast %get3A_600 : vector<16xf32> to vector<1x1x16xf32>
        tpu.vector_store %arg6[%swap3A_602, %swap3A_603, %swap3A_604], %swap3A_607 {add = true, strides = array<i32>} : memref<4x16x768xf32, #tpu.memory_space<vmem>>, vector<1x1x16xf32>,
        %swap3A_608 = arith.constant 1 : i32
        %swap3A_609 = arith.index_cast %swap3A_608 : i32 to index
        %swap3A_610 = arith.index_cast %scan3A_149 : i32 to index
        %swap3A_611 = arith.constant 224 : index
        %swap3A_612 = tpu.vector_load %arg6[%swap3A_609, %swap3A_610, %swap3A_611] {strides = array<i32>} : memref<4x16x768xf32, #tpu.memory_space<vmem>>, vector<1x1x16xf32>,
        %swap3A_613 = vector.shape_cast %swap3A_612 : vector<1x1x16xf32> to vector<16xf32>
        %swap3A_614 = vector.shape_cast %get3A_600 : vector<16xf32> to vector<1x1x16xf32>
        tpu.vector_store %arg6[%swap3A_609, %swap3A_610, %swap3A_611], %swap3A_614 {add = true, strides = array<i32>} : memref<4x16x768xf32, #tpu.memory_space<vmem>>, vector<1x1x16xf32>,
        %swap3A_615 = arith.constant 2 : i32
        %swap3A_616 = arith.index_cast %swap3A_615 : i32 to index
        %swap3A_617 = arith.index_cast %scan3A_149 : i32 to index
        %swap3A_618 = arith.constant 224 : index
        %swap3A_619 = tpu.vector_load %arg6[%swap3A_616, %swap3A_617, %swap3A_618] {strides = array<i32>} : memref<4x16x768xf32, #tpu.memory_space<vmem>>, vector<1x1x16xf32>,
        %swap3A_620 = vector.shape_cast %swap3A_619 : vector<1x1x16xf32> to vector<16xf32>
        %swap3A_621 = vector.shape_cast %get3A_600 : vector<16xf32> to vector<1x1x16xf32>
        tpu.vector_store %arg6[%swap3A_616, %swap3A_617, %swap3A_618], %swap3A_621 {add = true, strides = array<i32>} : memref<4x16x768xf32, #tpu.memory_space<vmem>>, vector<1x1x16xf32>,
        %swap3A_622 = arith.constant 3 : i32
        %swap3A_623 = arith.index_cast %swap3A_622 : i32 to index
        %swap3A_624 = arith.index_cast %scan3A_149 : i32 to index
        %swap3A_625 = arith.constant 224 : index
        %swap3A_626 = tpu.vector_load %arg6[%swap3A_623, %swap3A_624, %swap3A_625] {strides = array<i32>} : memref<4x16x768xf32, #tpu.memory_space<vmem>>, vector<1x1x16xf32>,
        %swap3A_627 = vector.shape_cast %swap3A_626 : vector<1x1x16xf32> to vector<16xf32>
        %swap3A_628 = vector.shape_cast %get3A_600 : vector<16xf32> to vector<1x1x16xf32>
        tpu.vector_store %arg6[%swap3A_623, %swap3A_624, %swap3A_625], %swap3A_628 {add = true, strides = array<i32>} : memref<4x16x768xf32, #tpu.memory_space<vmem>>, vector<1x1x16xf32>,
        %get3A_629 = arith.index_cast %scan3A_149 : i32 to index
        %get3A_630 = arith.constant 240 : index
        %get3A_631 = tpu.vector_load %arg8[%get3A_629, %get3A_630] {strides = array<i32>} : memref<16x768xf32, #tpu.memory_space<vmem>>, vector<1x16xf32>,
        %get3A_632 = vector.shape_cast %get3A_631 : vector<1x16xf32> to vector<16xf32>
        %swap3A_633 = arith.constant 0 : i32
        %swap3A_634 = arith.index_cast %swap3A_633 : i32 to index
        %swap3A_635 = arith.index_cast %scan3A_149 : i32 to index
        %swap3A_636 = arith.constant 240 : index
        %swap3A_637 = tpu.vector_load %arg6[%swap3A_634, %swap3A_635, %swap3A_636] {strides = array<i32>} : memref<4x16x768xf32, #tpu.memory_space<vmem>>, vector<1x1x16xf32>,
        %swap3A_638 = vector.shape_cast %swap3A_637 : vector<1x1x16xf32> to vector<16xf32>
        %swap3A_639 = vector.shape_cast %get3A_632 : vector<16xf32> to vector<1x1x16xf32>
        tpu.vector_store %arg6[%swap3A_634, %swap3A_635, %swap3A_636], %swap3A_639 {add = true, strides = array<i32>} : memref<4x16x768xf32, #tpu.memory_space<vmem>>, vector<1x1x16xf32>,
        %swap3A_640 = arith.constant 1 : i32
        %swap3A_641 = arith.index_cast %swap3A_640 : i32 to index
        %swap3A_642 = arith.index_cast %scan3A_149 : i32 to index
        %swap3A_643 = arith.constant 240 : index
        %swap3A_644 = tpu.vector_load %arg6[%swap3A_641, %swap3A_642, %swap3A_643] {strides = array<i32>} : memref<4x16x768xf32, #tpu.memory_space<vmem>>, vector<1x1x16xf32>,
        %swap3A_645 = vector.shape_cast %swap3A_644 : vector<1x1x16xf32> to vector<16xf32>
        %swap3A_646 = vector.shape_cast %get3A_632 : vector<16xf32> to vector<1x1x16xf32>
        tpu.vector_store %arg6[%swap3A_641, %swap3A_642, %swap3A_643], %swap3A_646 {add = true, strides = array<i32>} : memref<4x16x768xf32, #tpu.memory_space<vmem>>, vector<1x1x16xf32>,
        %swap3A_647 = arith.constant 2 : i32
        %swap3A_648 = arith.index_cast %swap3A_647 : i32 to index
        %swap3A_649 = arith.index_cast %scan3A_149 : i32 to index
        %swap3A_650 = arith.constant 240 : index
        %swap3A_651 = tpu.vector_load %arg6[%swap3A_648, %swap3A_649, %swap3A_650] {strides = array<i32>} : memref<4x16x768xf32, #tpu.memory_space<vmem>>, vector<1x1x16xf32>,
        %swap3A_652 = vector.shape_cast %swap3A_651 : vector<1x1x16xf32> to vector<16xf32>
        %swap3A_653 = vector.shape_cast %get3A_632 : vector<16xf32> to vector<1x1x16xf32>
        tpu.vector_store %arg6[%swap3A_648, %swap3A_649, %swap3A_650], %swap3A_653 {add = true, strides = array<i32>} : memref<4x16x768xf32, #tpu.memory_space<vmem>>, vector<1x1x16xf32>,
        %swap3A_654 = arith.constant 3 : i32
        %swap3A_655 = arith.index_cast %swap3A_654 : i32 to index
        %swap3A_656 = arith.index_cast %scan3A_149 : i32 to index
        %swap3A_657 = arith.constant 240 : index
        %swap3A_658 = tpu.vector_load %arg6[%swap3A_655, %swap3A_656, %swap3A_657] {strides = array<i32>} : memref<4x16x768xf32, #tpu.memory_space<vmem>>, vector<1x1x16xf32>,
        %swap3A_659 = vector.shape_cast %swap3A_658 : vector<1x1x16xf32> to vector<16xf32>
        %swap3A_660 = vector.shape_cast %get3A_632 : vector<16xf32> to vector<1x1x16xf32>
        tpu.vector_store %arg6[%swap3A_655, %swap3A_656, %swap3A_657], %swap3A_660 {add = true, strides = array<i32>} : memref<4x16x768xf32, #tpu.memory_space<vmem>>, vector<1x1x16xf32>,
        %get3A_661 = arith.index_cast %scan3A_149 : i32 to index
        %get3A_662 = arith.constant 256 : index
        %get3A_663 = tpu.vector_load %arg8[%get3A_661, %get3A_662] {strides = array<i32>} : memref<16x768xf32, #tpu.memory_space<vmem>>, vector<1x16xf32>,
        %get3A_664 = vector.shape_cast %get3A_663 : vector<1x16xf32> to vector<16xf32>
        %swap3A_665 = arith.constant 0 : i32
        %swap3A_666 = arith.index_cast %swap3A_665 : i32 to index
        %swap3A_667 = arith.index_cast %scan3A_149 : i32 to index
        %swap3A_668 = arith.constant 256 : index
        %swap3A_669 = tpu.vector_load %arg6[%swap3A_666, %swap3A_667, %swap3A_668] {strides = array<i32>} : memref<4x16x768xf32, #tpu.memory_space<vmem>>, vector<1x1x16xf32>,
        %swap3A_670 = vector.shape_cast %swap3A_669 : vector<1x1x16xf32> to vector<16xf32>
        %swap3A_671 = vector.shape_cast %get3A_664 : vector<16xf32> to vector<1x1x16xf32>
        tpu.vector_store %arg6[%swap3A_666, %swap3A_667, %swap3A_668], %swap3A_671 {add = true, strides = array<i32>} : memref<4x16x768xf32, #tpu.memory_space<vmem>>, vector<1x1x16xf32>,
        %swap3A_672 = arith.constant 1 : i32
        %swap3A_673 = arith.index_cast %swap3A_672 : i32 to index
        %swap3A_674 = arith.index_cast %scan3A_149 : i32 to index
        %swap3A_675 = arith.constant 256 : index
        %swap3A_676 = tpu.vector_load %arg6[%swap3A_673, %swap3A_674, %swap3A_675] {strides = array<i32>} : memref<4x16x768xf32, #tpu.memory_space<vmem>>, vector<1x1x16xf32>,
        %swap3A_677 = vector.shape_cast %swap3A_676 : vector<1x1x16xf32> to vector<16xf32>
        %swap3A_678 = vector.shape_cast %get3A_664 : vector<16xf32> to vector<1x1x16xf32>
        tpu.vector_store %arg6[%swap3A_673, %swap3A_674, %swap3A_675], %swap3A_678 {add = true, strides = array<i32>} : memref<4x16x768xf32, #tpu.memory_space<vmem>>, vector<1x1x16xf32>,
        %swap3A_679 = arith.constant 2 : i32
        %swap3A_680 = arith.index_cast %swap3A_679 : i32 to index
        %swap3A_681 = arith.index_cast %scan3A_149 : i32 to index
        %swap3A_682 = arith.constant 256 : index
        %swap3A_683 = tpu.vector_load %arg6[%swap3A_680, %swap3A_681, %swap3A_682] {strides = array<i32>} : memref<4x16x768xf32, #tpu.memory_space<vmem>>, vector<1x1x16xf32>,
        %swap3A_684 = vector.shape_cast %swap3A_683 : vector<1x1x16xf32> to vector<16xf32>
        %swap3A_685 = vector.shape_cast %get3A_664 : vector<16xf32> to vector<1x1x16xf32>
        tpu.vector_store %arg6[%swap3A_680, %swap3A_681, %swap3A_682], %swap3A_685 {add = true, strides = array<i32>} : memref<4x16x768xf32, #tpu.memory_space<vmem>>, vector<1x1x16xf32>,
        %swap3A_686 = arith.constant 3 : i32
        %swap3A_687 = arith.index_cast %swap3A_686 : i32 to index
        %swap3A_688 = arith.index_cast %scan3A_149 : i32 to index
        %swap3A_689 = arith.constant 256 : index
        %swap3A_690 = tpu.vector_load %arg6[%swap3A_687, %swap3A_688, %swap3A_689] {strides = array<i32>} : memref<4x16x768xf32, #tpu.memory_space<vmem>>, vector<1x1x16xf32>,
        %swap3A_691 = vector.shape_cast %swap3A_690 : vector<1x1x16xf32> to vector<16xf32>
        %swap3A_692 = vector.shape_cast %get3A_664 : vector<16xf32> to vector<1x1x16xf32>
        tpu.vector_store %arg6[%swap3A_687, %swap3A_688, %swap3A_689], %swap3A_692 {add = true, strides = array<i32>} : memref<4x16x768xf32, #tpu.memory_space<vmem>>, vector<1x1x16xf32>,
        %get3A_693 = arith.index_cast %scan3A_149 : i32 to index
        %get3A_694 = arith.constant 272 : index
        %get3A_695 = tpu.vector_load %arg8[%get3A_693, %get3A_694] {strides = array<i32>} : memref<16x768xf32, #tpu.memory_space<vmem>>, vector<1x16xf32>,
        %get3A_696 = vector.shape_cast %get3A_695 : vector<1x16xf32> to vector<16xf32>
        %swap3A_697 = arith.constant 0 : i32
        %swap3A_698 = arith.index_cast %swap3A_697 : i32 to index
        %swap3A_699 = arith.index_cast %scan3A_149 : i32 to index
        %swap3A_700 = arith.constant 272 : index
        %swap3A_701 = tpu.vector_load %arg6[%swap3A_698, %swap3A_699, %swap3A_700] {strides = array<i32>} : memref<4x16x768xf32, #tpu.memory_space<vmem>>, vector<1x1x16xf32>,
        %swap3A_702 = vector.shape_cast %swap3A_701 : vector<1x1x16xf32> to vector<16xf32>
        %swap3A_703 = vector.shape_cast %get3A_696 : vector<16xf32> to vector<1x1x16xf32>
        tpu.vector_store %arg6[%swap3A_698, %swap3A_699, %swap3A_700], %swap3A_703 {add = true, strides = array<i32>} : memref<4x16x768xf32, #tpu.memory_space<vmem>>, vector<1x1x16xf32>,
        %swap3A_704 = arith.constant 1 : i32
        %swap3A_705 = arith.index_cast %swap3A_704 : i32 to index
        %swap3A_706 = arith.index_cast %scan3A_149 : i32 to index
        %swap3A_707 = arith.constant 272 : index
        %swap3A_708 = tpu.vector_load %arg6[%swap3A_705, %swap3A_706, %swap3A_707] {strides = array<i32>} : memref<4x16x768xf32, #tpu.memory_space<vmem>>, vector<1x1x16xf32>,
        %swap3A_709 = vector.shape_cast %swap3A_708 : vector<1x1x16xf32> to vector<16xf32>
        %swap3A_710 = vector.shape_cast %get3A_696 : vector<16xf32> to vector<1x1x16xf32>
        tpu.vector_store %arg6[%swap3A_705, %swap3A_706, %swap3A_707], %swap3A_710 {add = true, strides = array<i32>} : memref<4x16x768xf32, #tpu.memory_space<vmem>>, vector<1x1x16xf32>,
        %swap3A_711 = arith.constant 2 : i32
        %swap3A_712 = arith.index_cast %swap3A_711 : i32 to index
        %swap3A_713 = arith.index_cast %scan3A_149 : i32 to index
        %swap3A_714 = arith.constant 272 : index
        %swap3A_715 = tpu.vector_load %arg6[%swap3A_712, %swap3A_713, %swap3A_714] {strides = array<i32>} : memref<4x16x768xf32, #tpu.memory_space<vmem>>, vector<1x1x16xf32>,
        %swap3A_716 = vector.shape_cast %swap3A_715 : vector<1x1x16xf32> to vector<16xf32>
        %swap3A_717 = vector.shape_cast %get3A_696 : vector<16xf32> to vector<1x1x16xf32>
        tpu.vector_store %arg6[%swap3A_712, %swap3A_713, %swap3A_714], %swap3A_717 {add = true, strides = array<i32>} : memref<4x16x768xf32, #tpu.memory_space<vmem>>, vector<1x1x16xf32>,
        %swap3A_718 = arith.constant 3 : i32
        %swap3A_719 = arith.index_cast %swap3A_718 : i32 to index
        %swap3A_720 = arith.index_cast %scan3A_149 : i32 to index
        %swap3A_721 = arith.constant 272 : index
        %swap3A_722 = tpu.vector_load %arg6[%swap3A_719, %swap3A_720, %swap3A_721] {strides = array<i32>} : memref<4x16x768xf32, #tpu.memory_space<vmem>>, vector<1x1x16xf32>,
        %swap3A_723 = vector.shape_cast %swap3A_722 : vector<1x1x16xf32> to vector<16xf32>
        %swap3A_724 = vector.shape_cast %get3A_696 : vector<16xf32> to vector<1x1x16xf32>
        tpu.vector_store %arg6[%swap3A_719, %swap3A_720, %swap3A_721], %swap3A_724 {add = true, strides = array<i32>} : memref<4x16x768xf32, #tpu.memory_space<vmem>>, vector<1x1x16xf32>,
        %get3A_725 = arith.index_cast %scan3A_149 : i32 to index
        %get3A_726 = arith.constant 288 : index
        %get3A_727 = tpu.vector_load %arg8[%get3A_725, %get3A_726] {strides = array<i32>} : memref<16x768xf32, #tpu.memory_space<vmem>>, vector<1x16xf32>,
        %get3A_728 = vector.shape_cast %get3A_727 : vector<1x16xf32> to vector<16xf32>
        %swap3A_729 = arith.constant 0 : i32
        %swap3A_730 = arith.index_cast %swap3A_729 : i32 to index
        %swap3A_731 = arith.index_cast %scan3A_149 : i32 to index
        %swap3A_732 = arith.constant 288 : index
        %swap3A_733 = tpu.vector_load %arg6[%swap3A_730, %swap3A_731, %swap3A_732] {strides = array<i32>} : memref<4x16x768xf32, #tpu.memory_space<vmem>>, vector<1x1x16xf32>,
        %swap3A_734 = vector.shape_cast %swap3A_733 : vector<1x1x16xf32> to vector<16xf32>
        %swap3A_735 = vector.shape_cast %get3A_728 : vector<16xf32> to vector<1x1x16xf32>
        tpu.vector_store %arg6[%swap3A_730, %swap3A_731, %swap3A_732], %swap3A_735 {add = true, strides = array<i32>} : memref<4x16x768xf32, #tpu.memory_space<vmem>>, vector<1x1x16xf32>,
        %swap3A_736 = arith.constant 1 : i32
        %swap3A_737 = arith.index_cast %swap3A_736 : i32 to index
        %swap3A_738 = arith.index_cast %scan3A_149 : i32 to index
        %swap3A_739 = arith.constant 288 : index
        %swap3A_740 = tpu.vector_load %arg6[%swap3A_737, %swap3A_738, %swap3A_739] {strides = array<i32>} : memref<4x16x768xf32, #tpu.memory_space<vmem>>, vector<1x1x16xf32>,
        %swap3A_741 = vector.shape_cast %swap3A_740 : vector<1x1x16xf32> to vector<16xf32>
        %swap3A_742 = vector.shape_cast %get3A_728 : vector<16xf32> to vector<1x1x16xf32>
        tpu.vector_store %arg6[%swap3A_737, %swap3A_738, %swap3A_739], %swap3A_742 {add = true, strides = array<i32>} : memref<4x16x768xf32, #tpu.memory_space<vmem>>, vector<1x1x16xf32>,
        %swap3A_743 = arith.constant 2 : i32
        %swap3A_744 = arith.index_cast %swap3A_743 : i32 to index
        %swap3A_745 = arith.index_cast %scan3A_149 : i32 to index
        %swap3A_746 = arith.constant 288 : index
        %swap3A_747 = tpu.vector_load %arg6[%swap3A_744, %swap3A_745, %swap3A_746] {strides = array<i32>} : memref<4x16x768xf32, #tpu.memory_space<vmem>>, vector<1x1x16xf32>,
        %swap3A_748 = vector.shape_cast %swap3A_747 : vector<1x1x16xf32> to vector<16xf32>
        %swap3A_749 = vector.shape_cast %get3A_728 : vector<16xf32> to vector<1x1x16xf32>
        tpu.vector_store %arg6[%swap3A_744, %swap3A_745, %swap3A_746], %swap3A_749 {add = true, strides = array<i32>} : memref<4x16x768xf32, #tpu.memory_space<vmem>>, vector<1x1x16xf32>,
        %swap3A_750 = arith.constant 3 : i32
        %swap3A_751 = arith.index_cast %swap3A_750 : i32 to index
        %swap3A_752 = arith.index_cast %scan3A_149 : i32 to index
        %swap3A_753 = arith.constant 288 : index
        %swap3A_754 = tpu.vector_load %arg6[%swap3A_751, %swap3A_752, %swap3A_753] {strides = array<i32>} : memref<4x16x768xf32, #tpu.memory_space<vmem>>, vector<1x1x16xf32>,
        %swap3A_755 = vector.shape_cast %swap3A_754 : vector<1x1x16xf32> to vector<16xf32>
        %swap3A_756 = vector.shape_cast %get3A_728 : vector<16xf32> to vector<1x1x16xf32>
        tpu.vector_store %arg6[%swap3A_751, %swap3A_752, %swap3A_753], %swap3A_756 {add = true, strides = array<i32>} : memref<4x16x768xf32, #tpu.memory_space<vmem>>, vector<1x1x16xf32>,
        %get3A_757 = arith.index_cast %scan3A_149 : i32 to index
        %get3A_758 = arith.constant 304 : index
        %get3A_759 = tpu.vector_load %arg8[%get3A_757, %get3A_758] {strides = array<i32>} : memref<16x768xf32, #tpu.memory_space<vmem>>, vector<1x16xf32>,
        %get3A_760 = vector.shape_cast %get3A_759 : vector<1x16xf32> to vector<16xf32>
        %swap3A_761 = arith.constant 0 : i32
        %swap3A_762 = arith.index_cast %swap3A_761 : i32 to index
        %swap3A_763 = arith.index_cast %scan3A_149 : i32 to index
        %swap3A_764 = arith.constant 304 : index
        %swap3A_765 = tpu.vector_load %arg6[%swap3A_762, %swap3A_763, %swap3A_764] {strides = array<i32>} : memref<4x16x768xf32, #tpu.memory_space<vmem>>, vector<1x1x16xf32>,
        %swap3A_766 = vector.shape_cast %swap3A_765 : vector<1x1x16xf32> to vector<16xf32>
        %swap3A_767 = vector.shape_cast %get3A_760 : vector<16xf32> to vector<1x1x16xf32>
        tpu.vector_store %arg6[%swap3A_762, %swap3A_763, %swap3A_764], %swap3A_767 {add = true, strides = array<i32>} : memref<4x16x768xf32, #tpu.memory_space<vmem>>, vector<1x1x16xf32>,
        %swap3A_768 = arith.constant 1 : i32
        %swap3A_769 = arith.index_cast %swap3A_768 : i32 to index
        %swap3A_770 = arith.index_cast %scan3A_149 : i32 to index
        %swap3A_771 = arith.constant 304 : index
        %swap3A_772 = tpu.vector_load %arg6[%swap3A_769, %swap3A_770, %swap3A_771] {strides = array<i32>} : memref<4x16x768xf32, #tpu.memory_space<vmem>>, vector<1x1x16xf32>,
        %swap3A_773 = vector.shape_cast %swap3A_772 : vector<1x1x16xf32> to vector<16xf32>
        %swap3A_774 = vector.shape_cast %get3A_760 : vector<16xf32> to vector<1x1x16xf32>
        tpu.vector_store %arg6[%swap3A_769, %swap3A_770, %swap3A_771], %swap3A_774 {add = true, strides = array<i32>} : memref<4x16x768xf32, #tpu.memory_space<vmem>>, vector<1x1x16xf32>,
        %swap3A_775 = arith.constant 2 : i32
        %swap3A_776 = arith.index_cast %swap3A_775 : i32 to index
        %swap3A_777 = arith.index_cast %scan3A_149 : i32 to index
        %swap3A_778 = arith.constant 304 : index
        %swap3A_779 = tpu.vector_load %arg6[%swap3A_776, %swap3A_777, %swap3A_778] {strides = array<i32>} : memref<4x16x768xf32, #tpu.memory_space<vmem>>, vector<1x1x16xf32>,
        %swap3A_780 = vector.shape_cast %swap3A_779 : vector<1x1x16xf32> to vector<16xf32>
        %swap3A_781 = vector.shape_cast %get3A_760 : vector<16xf32> to vector<1x1x16xf32>
        tpu.vector_store %arg6[%swap3A_776, %swap3A_777, %swap3A_778], %swap3A_781 {add = true, strides = array<i32>} : memref<4x16x768xf32, #tpu.memory_space<vmem>>, vector<1x1x16xf32>,
        %swap3A_782 = arith.constant 3 : i32
        %swap3A_783 = arith.index_cast %swap3A_782 : i32 to index
        %swap3A_784 = arith.index_cast %scan3A_149 : i32 to index
        %swap3A_785 = arith.constant 304 : index
        %swap3A_786 = tpu.vector_load %arg6[%swap3A_783, %swap3A_784, %swap3A_785] {strides = array<i32>} : memref<4x16x768xf32, #tpu.memory_space<vmem>>, vector<1x1x16xf32>,
        %swap3A_787 = vector.shape_cast %swap3A_786 : vector<1x1x16xf32> to vector<16xf32>
        %swap3A_788 = vector.shape_cast %get3A_760 : vector<16xf32> to vector<1x1x16xf32>
        tpu.vector_store %arg6[%swap3A_783, %swap3A_784, %swap3A_785], %swap3A_788 {add = true, strides = array<i32>} : memref<4x16x768xf32, #tpu.memory_space<vmem>>, vector<1x1x16xf32>,
        %get3A_789 = arith.index_cast %scan3A_149 : i32 to index
        %get3A_790 = arith.constant 320 : index
        %get3A_791 = tpu.vector_load %arg8[%get3A_789, %get3A_790] {strides = array<i32>} : memref<16x768xf32, #tpu.memory_space<vmem>>, vector<1x16xf32>,
        %get3A_792 = vector.shape_cast %get3A_791 : vector<1x16xf32> to vector<16xf32>
        %swap3A_793 = arith.constant 0 : i32
        %swap3A_794 = arith.index_cast %swap3A_793 : i32 to index
        %swap3A_795 = arith.index_cast %scan3A_149 : i32 to index
        %swap3A_796 = arith.constant 320 : index
        %swap3A_797 = tpu.vector_load %arg6[%swap3A_794, %swap3A_795, %swap3A_796] {strides = array<i32>} : memref<4x16x768xf32, #tpu.memory_space<vmem>>, vector<1x1x16xf32>,
        %swap3A_798 = vector.shape_cast %swap3A_797 : vector<1x1x16xf32> to vector<16xf32>
        %swap3A_799 = vector.shape_cast %get3A_792 : vector<16xf32> to vector<1x1x16xf32>
        tpu.vector_store %arg6[%swap3A_794, %swap3A_795, %swap3A_796], %swap3A_799 {add = true, strides = array<i32>} : memref<4x16x768xf32, #tpu.memory_space<vmem>>, vector<1x1x16xf32>,
        %swap3A_800 = arith.constant 1 : i32
        %swap3A_801 = arith.index_cast %swap3A_800 : i32 to index
        %swap3A_802 = arith.index_cast %scan3A_149 : i32 to index
        %swap3A_803 = arith.constant 320 : index
        %swap3A_804 = tpu.vector_load %arg6[%swap3A_801, %swap3A_802, %swap3A_803] {strides = array<i32>} : memref<4x16x768xf32, #tpu.memory_space<vmem>>, vector<1x1x16xf32>,
        %swap3A_805 = vector.shape_cast %swap3A_804 : vector<1x1x16xf32> to vector<16xf32>
        %swap3A_806 = vector.shape_cast %get3A_792 : vector<16xf32> to vector<1x1x16xf32>
        tpu.vector_store %arg6[%swap3A_801, %swap3A_802, %swap3A_803], %swap3A_806 {add = true, strides = array<i32>} : memref<4x16x768xf32, #tpu.memory_space<vmem>>, vector<1x1x16xf32>,
        %swap3A_807 = arith.constant 2 : i32
        %swap3A_808 = arith.index_cast %swap3A_807 : i32 to index
        %swap3A_809 = arith.index_cast %scan3A_149 : i32 to index
        %swap3A_810 = arith.constant 320 : index
        %swap3A_811 = tpu.vector_load %arg6[%swap3A_808, %swap3A_809, %swap3A_810] {strides = array<i32>} : memref<4x16x768xf32, #tpu.memory_space<vmem>>, vector<1x1x16xf32>,
        %swap3A_812 = vector.shape_cast %swap3A_811 : vector<1x1x16xf32> to vector<16xf32>
        %swap3A_813 = vector.shape_cast %get3A_792 : vector<16xf32> to vector<1x1x16xf32>
        tpu.vector_store %arg6[%swap3A_808, %swap3A_809, %swap3A_810], %swap3A_813 {add = true, strides = array<i32>} : memref<4x16x768xf32, #tpu.memory_space<vmem>>, vector<1x1x16xf32>,
        %swap3A_814 = arith.constant 3 : i32
        %swap3A_815 = arith.index_cast %swap3A_814 : i32 to index
        %swap3A_816 = arith.index_cast %scan3A_149 : i32 to index
        %swap3A_817 = arith.constant 320 : index
        %swap3A_818 = tpu.vector_load %arg6[%swap3A_815, %swap3A_816, %swap3A_817] {strides = array<i32>} : memref<4x16x768xf32, #tpu.memory_space<vmem>>, vector<1x1x16xf32>,
        %swap3A_819 = vector.shape_cast %swap3A_818 : vector<1x1x16xf32> to vector<16xf32>
        %swap3A_820 = vector.shape_cast %get3A_792 : vector<16xf32> to vector<1x1x16xf32>
        tpu.vector_store %arg6[%swap3A_815, %swap3A_816, %swap3A_817], %swap3A_820 {add = true, strides = array<i32>} : memref<4x16x768xf32, #tpu.memory_space<vmem>>, vector<1x1x16xf32>,
        %get3A_821 = arith.index_cast %scan3A_149 : i32 to index
        %get3A_822 = arith.constant 336 : index
        %get3A_823 = tpu.vector_load %arg8[%get3A_821, %get3A_822] {strides = array<i32>} : memref<16x768xf32, #tpu.memory_space<vmem>>, vector<1x16xf32>,
        %get3A_824 = vector.shape_cast %get3A_823 : vector<1x16xf32> to vector<16xf32>
        %swap3A_825 = arith.constant 0 : i32
        %swap3A_826 = arith.index_cast %swap3A_825 : i32 to index
        %swap3A_827 = arith.index_cast %scan3A_149 : i32 to index
        %swap3A_828 = arith.constant 336 : index
        %swap3A_829 = tpu.vector_load %arg6[%swap3A_826, %swap3A_827, %swap3A_828] {strides = array<i32>} : memref<4x16x768xf32, #tpu.memory_space<vmem>>, vector<1x1x16xf32>,
        %swap3A_830 = vector.shape_cast %swap3A_829 : vector<1x1x16xf32> to vector<16xf32>
        %swap3A_831 = vector.shape_cast %get3A_824 : vector<16xf32> to vector<1x1x16xf32>
        tpu.vector_store %arg6[%swap3A_826, %swap3A_827, %swap3A_828], %swap3A_831 {add = true, strides = array<i32>} : memref<4x16x768xf32, #tpu.memory_space<vmem>>, vector<1x1x16xf32>,
        %swap3A_832 = arith.constant 1 : i32
        %swap3A_833 = arith.index_cast %swap3A_832 : i32 to index
        %swap3A_834 = arith.index_cast %scan3A_149 : i32 to index
        %swap3A_835 = arith.constant 336 : index
        %swap3A_836 = tpu.vector_load %arg6[%swap3A_833, %swap3A_834, %swap3A_835] {strides = array<i32>} : memref<4x16x768xf32, #tpu.memory_space<vmem>>, vector<1x1x16xf32>,
        %swap3A_837 = vector.shape_cast %swap3A_836 : vector<1x1x16xf32> to vector<16xf32>
        %swap3A_838 = vector.shape_cast %get3A_824 : vector<16xf32> to vector<1x1x16xf32>
        tpu.vector_store %arg6[%swap3A_833, %swap3A_834, %swap3A_835], %swap3A_838 {add = true, strides = array<i32>} : memref<4x16x768xf32, #tpu.memory_space<vmem>>, vector<1x1x16xf32>,
        %swap3A_839 = arith.constant 2 : i32
        %swap3A_840 = arith.index_cast %swap3A_839 : i32 to index
        %swap3A_841 = arith.index_cast %scan3A_149 : i32 to index
        %swap3A_842 = arith.constant 336 : index
        %swap3A_843 = tpu.vector_load %arg6[%swap3A_840, %swap3A_841, %swap3A_842] {strides = array<i32>} : memref<4x16x768xf32, #tpu.memory_space<vmem>>, vector<1x1x16xf32>,
        %swap3A_844 = vector.shape_cast %swap3A_843 : vector<1x1x16xf32> to vector<16xf32>
        %swap3A_845 = vector.shape_cast %get3A_824 : vector<16xf32> to vector<1x1x16xf32>
        tpu.vector_store %arg6[%swap3A_840, %swap3A_841, %swap3A_842], %swap3A_845 {add = true, strides = array<i32>} : memref<4x16x768xf32, #tpu.memory_space<vmem>>, vector<1x1x16xf32>,
        %swap3A_846 = arith.constant 3 : i32
        %swap3A_847 = arith.index_cast %swap3A_846 : i32 to index
        %swap3A_848 = arith.index_cast %scan3A_149 : i32 to index
        %swap3A_849 = arith.constant 336 : index
        %swap3A_850 = tpu.vector_load %arg6[%swap3A_847, %swap3A_848, %swap3A_849] {strides = array<i32>} : memref<4x16x768xf32, #tpu.memory_space<vmem>>, vector<1x1x16xf32>,
        %swap3A_851 = vector.shape_cast %swap3A_850 : vector<1x1x16xf32> to vector<16xf32>
        %swap3A_852 = vector.shape_cast %get3A_824 : vector<16xf32> to vector<1x1x16xf32>
        tpu.vector_store %arg6[%swap3A_847, %swap3A_848, %swap3A_849], %swap3A_852 {add = true, strides = array<i32>} : memref<4x16x768xf32, #tpu.memory_space<vmem>>, vector<1x1x16xf32>,
        %get3A_853 = arith.index_cast %scan3A_149 : i32 to index
        %get3A_854 = arith.constant 352 : index
        %get3A_855 = tpu.vector_load %arg8[%get3A_853, %get3A_854] {strides = array<i32>} : memref<16x768xf32, #tpu.memory_space<vmem>>, vector<1x16xf32>,
        %get3A_856 = vector.shape_cast %get3A_855 : vector<1x16xf32> to vector<16xf32>
        %swap3A_857 = arith.constant 0 : i32
        %swap3A_858 = arith.index_cast %swap3A_857 : i32 to index
        %swap3A_859 = arith.index_cast %scan3A_149 : i32 to index
        %swap3A_860 = arith.constant 352 : index
        %swap3A_861 = tpu.vector_load %arg6[%swap3A_858, %swap3A_859, %swap3A_860] {strides = array<i32>} : memref<4x16x768xf32, #tpu.memory_space<vmem>>, vector<1x1x16xf32>,
        %swap3A_862 = vector.shape_cast %swap3A_861 : vector<1x1x16xf32> to vector<16xf32>
        %swap3A_863 = vector.shape_cast %get3A_856 : vector<16xf32> to vector<1x1x16xf32>
        tpu.vector_store %arg6[%swap3A_858, %swap3A_859, %swap3A_860], %swap3A_863 {add = true, strides = array<i32>} : memref<4x16x768xf32, #tpu.memory_space<vmem>>, vector<1x1x16xf32>,
        %swap3A_864 = arith.constant 1 : i32
        %swap3A_865 = arith.index_cast %swap3A_864 : i32 to index
        %swap3A_866 = arith.index_cast %scan3A_149 : i32 to index
        %swap3A_867 = arith.constant 352 : index
        %swap3A_868 = tpu.vector_load %arg6[%swap3A_865, %swap3A_866, %swap3A_867] {strides = array<i32>} : memref<4x16x768xf32, #tpu.memory_space<vmem>>, vector<1x1x16xf32>,
        %swap3A_869 = vector.shape_cast %swap3A_868 : vector<1x1x16xf32> to vector<16xf32>
        %swap3A_870 = vector.shape_cast %get3A_856 : vector<16xf32> to vector<1x1x16xf32>
        tpu.vector_store %arg6[%swap3A_865, %swap3A_866, %swap3A_867], %swap3A_870 {add = true, strides = array<i32>} : memref<4x16x768xf32, #tpu.memory_space<vmem>>, vector<1x1x16xf32>,
        %swap3A_871 = arith.constant 2 : i32
        %swap3A_872 = arith.index_cast %swap3A_871 : i32 to index
        %swap3A_873 = arith.index_cast %scan3A_149 : i32 to index
        %swap3A_874 = arith.constant 352 : index
        %swap3A_875 = tpu.vector_load %arg6[%swap3A_872, %swap3A_873, %swap3A_874] {strides = array<i32>} : memref<4x16x768xf32, #tpu.memory_space<vmem>>, vector<1x1x16xf32>,
        %swap3A_876 = vector.shape_cast %swap3A_875 : vector<1x1x16xf32> to vector<16xf32>
        %swap3A_877 = vector.shape_cast %get3A_856 : vector<16xf32> to vector<1x1x16xf32>
        tpu.vector_store %arg6[%swap3A_872, %swap3A_873, %swap3A_874], %swap3A_877 {add = true, strides = array<i32>} : memref<4x16x768xf32, #tpu.memory_space<vmem>>, vector<1x1x16xf32>,
        %swap3A_878 = arith.constant 3 : i32
        %swap3A_879 = arith.index_cast %swap3A_878 : i32 to index
        %swap3A_880 = arith.index_cast %scan3A_149 : i32 to index
        %swap3A_881 = arith.constant 352 : index
        %swap3A_882 = tpu.vector_load %arg6[%swap3A_879, %swap3A_880, %swap3A_881] {strides = array<i32>} : memref<4x16x768xf32, #tpu.memory_space<vmem>>, vector<1x1x16xf32>,
        %swap3A_883 = vector.shape_cast %swap3A_882 : vector<1x1x16xf32> to vector<16xf32>
        %swap3A_884 = vector.shape_cast %get3A_856 : vector<16xf32> to vector<1x1x16xf32>
        tpu.vector_store %arg6[%swap3A_879, %swap3A_880, %swap3A_881], %swap3A_884 {add = true, strides = array<i32>} : memref<4x16x768xf32, #tpu.memory_space<vmem>>, vector<1x1x16xf32>,
        %get3A_885 = arith.index_cast %scan3A_149 : i32 to index
        %get3A_886 = arith.constant 368 : index
        %get3A_887 = tpu.vector_load %arg8[%get3A_885, %get3A_886] {strides = array<i32>} : memref<16x768xf32, #tpu.memory_space<vmem>>, vector<1x16xf32>,
        %get3A_888 = vector.shape_cast %get3A_887 : vector<1x16xf32> to vector<16xf32>
        %swap3A_889 = arith.constant 0 : i32
        %swap3A_890 = arith.index_cast %swap3A_889 : i32 to index
        %swap3A_891 = arith.index_cast %scan3A_149 : i32 to index
        %swap3A_892 = arith.constant 368 : index
        %swap3A_893 = tpu.vector_load %arg6[%swap3A_890, %swap3A_891, %swap3A_892] {strides = array<i32>} : memref<4x16x768xf32, #tpu.memory_space<vmem>>, vector<1x1x16xf32>,
        %swap3A_894 = vector.shape_cast %swap3A_893 : vector<1x1x16xf32> to vector<16xf32>
        %swap3A_895 = vector.shape_cast %get3A_888 : vector<16xf32> to vector<1x1x16xf32>
        tpu.vector_store %arg6[%swap3A_890, %swap3A_891, %swap3A_892], %swap3A_895 {add = true, strides = array<i32>} : memref<4x16x768xf32, #tpu.memory_space<vmem>>, vector<1x1x16xf32>,
        %swap3A_896 = arith.constant 1 : i32
        %swap3A_897 = arith.index_cast %swap3A_896 : i32 to index
        %swap3A_898 = arith.index_cast %scan3A_149 : i32 to index
        %swap3A_899 = arith.constant 368 : index
        %swap3A_900 = tpu.vector_load %arg6[%swap3A_897, %swap3A_898, %swap3A_899] {strides = array<i32>} : memref<4x16x768xf32, #tpu.memory_space<vmem>>, vector<1x1x16xf32>,
        %swap3A_901 = vector.shape_cast %swap3A_900 : vector<1x1x16xf32> to vector<16xf32>
        %swap3A_902 = vector.shape_cast %get3A_888 : vector<16xf32> to vector<1x1x16xf32>
        tpu.vector_store %arg6[%swap3A_897, %swap3A_898, %swap3A_899], %swap3A_902 {add = true, strides = array<i32>} : memref<4x16x768xf32, #tpu.memory_space<vmem>>, vector<1x1x16xf32>,
        %swap3A_903 = arith.constant 2 : i32
        %swap3A_904 = arith.index_cast %swap3A_903 : i32 to index
        %swap3A_905 = arith.index_cast %scan3A_149 : i32 to index
        %swap3A_906 = arith.constant 368 : index
        %swap3A_907 = tpu.vector_load %arg6[%swap3A_904, %swap3A_905, %swap3A_906] {strides = array<i32>} : memref<4x16x768xf32, #tpu.memory_space<vmem>>, vector<1x1x16xf32>,
        %swap3A_908 = vector.shape_cast %swap3A_907 : vector<1x1x16xf32> to vector<16xf32>
        %swap3A_909 = vector.shape_cast %get3A_888 : vector<16xf32> to vector<1x1x16xf32>
        tpu.vector_store %arg6[%swap3A_904, %swap3A_905, %swap3A_906], %swap3A_909 {add = true, strides = array<i32>} : memref<4x16x768xf32, #tpu.memory_space<vmem>>, vector<1x1x16xf32>,
        %swap3A_910 = arith.constant 3 : i32
        %swap3A_911 = arith.index_cast %swap3A_910 : i32 to index
        %swap3A_912 = arith.index_cast %scan3A_149 : i32 to index
        %swap3A_913 = arith.constant 368 : index
        %swap3A_914 = tpu.vector_load %arg6[%swap3A_911, %swap3A_912, %swap3A_913] {strides = array<i32>} : memref<4x16x768xf32, #tpu.memory_space<vmem>>, vector<1x1x16xf32>,
        %swap3A_915 = vector.shape_cast %swap3A_914 : vector<1x1x16xf32> to vector<16xf32>
        %swap3A_916 = vector.shape_cast %get3A_888 : vector<16xf32> to vector<1x1x16xf32>
        tpu.vector_store %arg6[%swap3A_911, %swap3A_912, %swap3A_913], %swap3A_916 {add = true, strides = array<i32>} : memref<4x16x768xf32, #tpu.memory_space<vmem>>, vector<1x1x16xf32>,
        %get3A_917 = arith.index_cast %scan3A_149 : i32 to index
        %get3A_918 = arith.constant 384 : index
        %get3A_919 = tpu.vector_load %arg8[%get3A_917, %get3A_918] {strides = array<i32>} : memref<16x768xf32, #tpu.memory_space<vmem>>, vector<1x16xf32>,
        %get3A_920 = vector.shape_cast %get3A_919 : vector<1x16xf32> to vector<16xf32>
        %swap3A_921 = arith.constant 0 : i32
        %swap3A_922 = arith.index_cast %swap3A_921 : i32 to index
        %swap3A_923 = arith.index_cast %scan3A_149 : i32 to index
        %swap3A_924 = arith.constant 384 : index
        %swap3A_925 = tpu.vector_load %arg6[%swap3A_922, %swap3A_923, %swap3A_924] {strides = array<i32>} : memref<4x16x768xf32, #tpu.memory_space<vmem>>, vector<1x1x16xf32>,
        %swap3A_926 = vector.shape_cast %swap3A_925 : vector<1x1x16xf32> to vector<16xf32>
        %swap3A_927 = vector.shape_cast %get3A_920 : vector<16xf32> to vector<1x1x16xf32>
        tpu.vector_store %arg6[%swap3A_922, %swap3A_923, %swap3A_924], %swap3A_927 {add = true, strides = array<i32>} : memref<4x16x768xf32, #tpu.memory_space<vmem>>, vector<1x1x16xf32>,
        %swap3A_928 = arith.constant 1 : i32
        %swap3A_929 = arith.index_cast %swap3A_928 : i32 to index
        %swap3A_930 = arith.index_cast %scan3A_149 : i32 to index
        %swap3A_931 = arith.constant 384 : index
        %swap3A_932 = tpu.vector_load %arg6[%swap3A_929, %swap3A_930, %swap3A_931] {strides = array<i32>} : memref<4x16x768xf32, #tpu.memory_space<vmem>>, vector<1x1x16xf32>,
        %swap3A_933 = vector.shape_cast %swap3A_932 : vector<1x1x16xf32> to vector<16xf32>
        %swap3A_934 = vector.shape_cast %get3A_920 : vector<16xf32> to vector<1x1x16xf32>
        tpu.vector_store %arg6[%swap3A_929, %swap3A_930, %swap3A_931], %swap3A_934 {add = true, strides = array<i32>} : memref<4x16x768xf32, #tpu.memory_space<vmem>>, vector<1x1x16xf32>,
        %swap3A_935 = arith.constant 2 : i32
        %swap3A_936 = arith.index_cast %swap3A_935 : i32 to index
        %swap3A_937 = arith.index_cast %scan3A_149 : i32 to index
        %swap3A_938 = arith.constant 384 : index
        %swap3A_939 = tpu.vector_load %arg6[%swap3A_936, %swap3A_937, %swap3A_938] {strides = array<i32>} : memref<4x16x768xf32, #tpu.memory_space<vmem>>, vector<1x1x16xf32>,
        %swap3A_940 = vector.shape_cast %swap3A_939 : vector<1x1x16xf32> to vector<16xf32>
        %swap3A_941 = vector.shape_cast %get3A_920 : vector<16xf32> to vector<1x1x16xf32>
        tpu.vector_store %arg6[%swap3A_936, %swap3A_937, %swap3A_938], %swap3A_941 {add = true, strides = array<i32>} : memref<4x16x768xf32, #tpu.memory_space<vmem>>, vector<1x1x16xf32>,
        %swap3A_942 = arith.constant 3 : i32
        %swap3A_943 = arith.index_cast %swap3A_942 : i32 to index
        %swap3A_944 = arith.index_cast %scan3A_149 : i32 to index
        %swap3A_945 = arith.constant 384 : index
        %swap3A_946 = tpu.vector_load %arg6[%swap3A_943, %swap3A_944, %swap3A_945] {strides = array<i32>} : memref<4x16x768xf32, #tpu.memory_space<vmem>>, vector<1x1x16xf32>,
        %swap3A_947 = vector.shape_cast %swap3A_946 : vector<1x1x16xf32> to vector<16xf32>
        %swap3A_948 = vector.shape_cast %get3A_920 : vector<16xf32> to vector<1x1x16xf32>
        tpu.vector_store %arg6[%swap3A_943, %swap3A_944, %swap3A_945], %swap3A_948 {add = true, strides = array<i32>} : memref<4x16x768xf32, #tpu.memory_space<vmem>>, vector<1x1x16xf32>,
        %get3A_949 = arith.index_cast %scan3A_149 : i32 to index
        %get3A_950 = arith.constant 400 : index
        %get3A_951 = tpu.vector_load %arg8[%get3A_949, %get3A_950] {strides = array<i32>} : memref<16x768xf32, #tpu.memory_space<vmem>>, vector<1x16xf32>,
        %get3A_952 = vector.shape_cast %get3A_951 : vector<1x16xf32> to vector<16xf32>
        %swap3A_953 = arith.constant 0 : i32
        %swap3A_954 = arith.index_cast %swap3A_953 : i32 to index
        %swap3A_955 = arith.index_cast %scan3A_149 : i32 to index
        %swap3A_956 = arith.constant 400 : index
        %swap3A_957 = tpu.vector_load %arg6[%swap3A_954, %swap3A_955, %swap3A_956] {strides = array<i32>} : memref<4x16x768xf32, #tpu.memory_space<vmem>>, vector<1x1x16xf32>,
        %swap3A_958 = vector.shape_cast %swap3A_957 : vector<1x1x16xf32> to vector<16xf32>
        %swap3A_959 = vector.shape_cast %get3A_952 : vector<16xf32> to vector<1x1x16xf32>
        tpu.vector_store %arg6[%swap3A_954, %swap3A_955, %swap3A_956], %swap3A_959 {add = true, strides = array<i32>} : memref<4x16x768xf32, #tpu.memory_space<vmem>>, vector<1x1x16xf32>,
        %swap3A_960 = arith.constant 1 : i32
        %swap3A_961 = arith.index_cast %swap3A_960 : i32 to index
        %swap3A_962 = arith.index_cast %scan3A_149 : i32 to index
        %swap3A_963 = arith.constant 400 : index
        %swap3A_964 = tpu.vector_load %arg6[%swap3A_961, %swap3A_962, %swap3A_963] {strides = array<i32>} : memref<4x16x768xf32, #tpu.memory_space<vmem>>, vector<1x1x16xf32>,
        %swap3A_965 = vector.shape_cast %swap3A_964 : vector<1x1x16xf32> to vector<16xf32>
        %swap3A_966 = vector.shape_cast %get3A_952 : vector<16xf32> to vector<1x1x16xf32>
        tpu.vector_store %arg6[%swap3A_961, %swap3A_962, %swap3A_963], %swap3A_966 {add = true, strides = array<i32>} : memref<4x16x768xf32, #tpu.memory_space<vmem>>, vector<1x1x16xf32>,
        %swap3A_967 = arith.constant 2 : i32
        %swap3A_968 = arith.index_cast %swap3A_967 : i32 to index
        %swap3A_969 = arith.index_cast %scan3A_149 : i32 to index
        %swap3A_970 = arith.constant 400 : index
        %swap3A_971 = tpu.vector_load %arg6[%swap3A_968, %swap3A_969, %swap3A_970] {strides = array<i32>} : memref<4x16x768xf32, #tpu.memory_space<vmem>>, vector<1x1x16xf32>,
        %swap3A_972 = vector.shape_cast %swap3A_971 : vector<1x1x16xf32> to vector<16xf32>
        %swap3A_973 = vector.shape_cast %get3A_952 : vector<16xf32> to vector<1x1x16xf32>
        tpu.vector_store %arg6[%swap3A_968, %swap3A_969, %swap3A_970], %swap3A_973 {add = true, strides = array<i32>} : memref<4x16x768xf32, #tpu.memory_space<vmem>>, vector<1x1x16xf32>,
        %swap3A_974 = arith.constant 3 : i32
        %swap3A_975 = arith.index_cast %swap3A_974 : i32 to index
        %swap3A_976 = arith.index_cast %scan3A_149 : i32 to index
        %swap3A_977 = arith.constant 400 : index
        %swap3A_978 = tpu.vector_load %arg6[%swap3A_975, %swap3A_976, %swap3A_977] {strides = array<i32>} : memref<4x16x768xf32, #tpu.memory_space<vmem>>, vector<1x1x16xf32>,
        %swap3A_979 = vector.shape_cast %swap3A_978 : vector<1x1x16xf32> to vector<16xf32>
        %swap3A_980 = vector.shape_cast %get3A_952 : vector<16xf32> to vector<1x1x16xf32>
        tpu.vector_store %arg6[%swap3A_975, %swap3A_976, %swap3A_977], %swap3A_980 {add = true, strides = array<i32>} : memref<4x16x768xf32, #tpu.memory_space<vmem>>, vector<1x1x16xf32>,
        %get3A_981 = arith.index_cast %scan3A_149 : i32 to index
        %get3A_982 = arith.constant 416 : index
        %get3A_983 = tpu.vector_load %arg8[%get3A_981, %get3A_982] {strides = array<i32>} : memref<16x768xf32, #tpu.memory_space<vmem>>, vector<1x16xf32>,
        %get3A_984 = vector.shape_cast %get3A_983 : vector<1x16xf32> to vector<16xf32>
        %swap3A_985 = arith.constant 0 : i32
        %swap3A_986 = arith.index_cast %swap3A_985 : i32 to index
        %swap3A_987 = arith.index_cast %scan3A_149 : i32 to index
        %swap3A_988 = arith.constant 416 : index
        %swap3A_989 = tpu.vector_load %arg6[%swap3A_986, %swap3A_987, %swap3A_988] {strides = array<i32>} : memref<4x16x768xf32, #tpu.memory_space<vmem>>, vector<1x1x16xf32>,
        %swap3A_990 = vector.shape_cast %swap3A_989 : vector<1x1x16xf32> to vector<16xf32>
        %swap3A_991 = vector.shape_cast %get3A_984 : vector<16xf32> to vector<1x1x16xf32>
        tpu.vector_store %arg6[%swap3A_986, %swap3A_987, %swap3A_988], %swap3A_991 {add = true, strides = array<i32>} : memref<4x16x768xf32, #tpu.memory_space<vmem>>, vector<1x1x16xf32>,
        %swap3A_992 = arith.constant 1 : i32
        %swap3A_993 = arith.index_cast %swap3A_992 : i32 to index
        %swap3A_994 = arith.index_cast %scan3A_149 : i32 to index
        %swap3A_995 = arith.constant 416 : index
        %swap3A_996 = tpu.vector_load %arg6[%swap3A_993, %swap3A_994, %swap3A_995] {strides = array<i32>} : memref<4x16x768xf32, #tpu.memory_space<vmem>>, vector<1x1x16xf32>,
        %swap3A_997 = vector.shape_cast %swap3A_996 : vector<1x1x16xf32> to vector<16xf32>
        %swap3A_998 = vector.shape_cast %get3A_984 : vector<16xf32> to vector<1x1x16xf32>
        tpu.vector_store %arg6[%swap3A_993, %swap3A_994, %swap3A_995], %swap3A_998 {add = true, strides = array<i32>} : memref<4x16x768xf32, #tpu.memory_space<vmem>>, vector<1x1x16xf32>,
        %swap3A_999 = arith.constant 2 : i32
        %swap3A_1000 = arith.index_cast %swap3A_999 : i32 to index
        %swap3A_1001 = arith.index_cast %scan3A_149 : i32 to index
        %swap3A_1002 = arith.constant 416 : index
        %swap3A_1003 = tpu.vector_load %arg6[%swap3A_1000, %swap3A_1001, %swap3A_1002] {strides = array<i32>} : memref<4x16x768xf32, #tpu.memory_space<vmem>>, vector<1x1x16xf32>,
        %swap3A_1004 = vector.shape_cast %swap3A_1003 : vector<1x1x16xf32> to vector<16xf32>
        %swap3A_1005 = vector.shape_cast %get3A_984 : vector<16xf32> to vector<1x1x16xf32>
        tpu.vector_store %arg6[%swap3A_1000, %swap3A_1001, %swap3A_1002], %swap3A_1005 {add = true, strides = array<i32>} : memref<4x16x768xf32, #tpu.memory_space<vmem>>, vector<1x1x16xf32>,
        %swap3A_1006 = arith.constant 3 : i32
        %swap3A_1007 = arith.index_cast %swap3A_1006 : i32 to index
        %swap3A_1008 = arith.index_cast %scan3A_149 : i32 to index
        %swap3A_1009 = arith.constant 416 : index
        %swap3A_1010 = tpu.vector_load %arg6[%swap3A_1007, %swap3A_1008, %swap3A_1009] {strides = array<i32>} : memref<4x16x768xf32, #tpu.memory_space<vmem>>, vector<1x1x16xf32>,
        %swap3A_1011 = vector.shape_cast %swap3A_1010 : vector<1x1x16xf32> to vector<16xf32>
        %swap3A_1012 = vector.shape_cast %get3A_984 : vector<16xf32> to vector<1x1x16xf32>
        tpu.vector_store %arg6[%swap3A_1007, %swap3A_1008, %swap3A_1009], %swap3A_1012 {add = true, strides = array<i32>} : memref<4x16x768xf32, #tpu.memory_space<vmem>>, vector<1x1x16xf32>,
        %get3A_1013 = arith.index_cast %scan3A_149 : i32 to index
        %get3A_1014 = arith.constant 432 : index
        %get3A_1015 = tpu.vector_load %arg8[%get3A_1013, %get3A_1014] {strides = array<i32>} : memref<16x768xf32, #tpu.memory_space<vmem>>, vector<1x16xf32>,
        %get3A_1016 = vector.shape_cast %get3A_1015 : vector<1x16xf32> to vector<16xf32>
        %swap3A_1017 = arith.constant 0 : i32
        %swap3A_1018 = arith.index_cast %swap3A_1017 : i32 to index
        %swap3A_1019 = arith.index_cast %scan3A_149 : i32 to index
        %swap3A_1020 = arith.constant 432 : index
        %swap3A_1021 = tpu.vector_load %arg6[%swap3A_1018, %swap3A_1019, %swap3A_1020] {strides = array<i32>} : memref<4x16x768xf32, #tpu.memory_space<vmem>>, vector<1x1x16xf32>,
        %swap3A_1022 = vector.shape_cast %swap3A_1021 : vector<1x1x16xf32> to vector<16xf32>
        %swap3A_1023 = vector.shape_cast %get3A_1016 : vector<16xf32> to vector<1x1x16xf32>
        tpu.vector_store %arg6[%swap3A_1018, %swap3A_1019, %swap3A_1020], %swap3A_1023 {add = true, strides = array<i32>} : memref<4x16x768xf32, #tpu.memory_space<vmem>>, vector<1x1x16xf32>,
        %swap3A_1024 = arith.constant 1 : i32
        %swap3A_1025 = arith.index_cast %swap3A_1024 : i32 to index
        %swap3A_1026 = arith.index_cast %scan3A_149 : i32 to index
        %swap3A_1027 = arith.constant 432 : index
        %swap3A_1028 = tpu.vector_load %arg6[%swap3A_1025, %swap3A_1026, %swap3A_1027] {strides = array<i32>} : memref<4x16x768xf32, #tpu.memory_space<vmem>>, vector<1x1x16xf32>,
        %swap3A_1029 = vector.shape_cast %swap3A_1028 : vector<1x1x16xf32> to vector<16xf32>
        %swap3A_1030 = vector.shape_cast %get3A_1016 : vector<16xf32> to vector<1x1x16xf32>
        tpu.vector_store %arg6[%swap3A_1025, %swap3A_1026, %swap3A_1027], %swap3A_1030 {add = true, strides = array<i32>} : memref<4x16x768xf32, #tpu.memory_space<vmem>>, vector<1x1x16xf32>,
        %swap3A_1031 = arith.constant 2 : i32
        %swap3A_1032 = arith.index_cast %swap3A_1031 : i32 to index
        %swap3A_1033 = arith.index_cast %scan3A_149 : i32 to index
        %swap3A_1034 = arith.constant 432 : index
        %swap3A_1035 = tpu.vector_load %arg6[%swap3A_1032, %swap3A_1033, %swap3A_1034] {strides = array<i32>} : memref<4x16x768xf32, #tpu.memory_space<vmem>>, vector<1x1x16xf32>,
        %swap3A_1036 = vector.shape_cast %swap3A_1035 : vector<1x1x16xf32> to vector<16xf32>
        %swap3A_1037 = vector.shape_cast %get3A_1016 : vector<16xf32> to vector<1x1x16xf32>
        tpu.vector_store %arg6[%swap3A_1032, %swap3A_1033, %swap3A_1034], %swap3A_1037 {add = true, strides = array<i32>} : memref<4x16x768xf32, #tpu.memory_space<vmem>>, vector<1x1x16xf32>,
        %swap3A_1038 = arith.constant 3 : i32
        %swap3A_1039 = arith.index_cast %swap3A_1038 : i32 to index
        %swap3A_1040 = arith.index_cast %scan3A_149 : i32 to index
        %swap3A_1041 = arith.constant 432 : index
        %swap3A_1042 = tpu.vector_load %arg6[%swap3A_1039, %swap3A_1040, %swap3A_1041] {strides = array<i32>} : memref<4x16x768xf32, #tpu.memory_space<vmem>>, vector<1x1x16xf32>,
        %swap3A_1043 = vector.shape_cast %swap3A_1042 : vector<1x1x16xf32> to vector<16xf32>
        %swap3A_1044 = vector.shape_cast %get3A_1016 : vector<16xf32> to vector<1x1x16xf32>
        tpu.vector_store %arg6[%swap3A_1039, %swap3A_1040, %swap3A_1041], %swap3A_1044 {add = true, strides = array<i32>} : memref<4x16x768xf32, #tpu.memory_space<vmem>>, vector<1x1x16xf32>,
        %get3A_1045 = arith.index_cast %scan3A_149 : i32 to index
        %get3A_1046 = arith.constant 448 : index
        %get3A_1047 = tpu.vector_load %arg8[%get3A_1045, %get3A_1046] {strides = array<i32>} : memref<16x768xf32, #tpu.memory_space<vmem>>, vector<1x16xf32>,
        %get3A_1048 = vector.shape_cast %get3A_1047 : vector<1x16xf32> to vector<16xf32>
        %swap3A_1049 = arith.constant 0 : i32
        %swap3A_1050 = arith.index_cast %swap3A_1049 : i32 to index
        %swap3A_1051 = arith.index_cast %scan3A_149 : i32 to index
        %swap3A_1052 = arith.constant 448 : index
        %swap3A_1053 = tpu.vector_load %arg6[%swap3A_1050, %swap3A_1051, %swap3A_1052] {strides = array<i32>} : memref<4x16x768xf32, #tpu.memory_space<vmem>>, vector<1x1x16xf32>,
        %swap3A_1054 = vector.shape_cast %swap3A_1053 : vector<1x1x16xf32> to vector<16xf32>
        %swap3A_1055 = vector.shape_cast %get3A_1048 : vector<16xf32> to vector<1x1x16xf32>
        tpu.vector_store %arg6[%swap3A_1050, %swap3A_1051, %swap3A_1052], %swap3A_1055 {add = true, strides = array<i32>} : memref<4x16x768xf32, #tpu.memory_space<vmem>>, vector<1x1x16xf32>,
        %swap3A_1056 = arith.constant 1 : i32
        %swap3A_1057 = arith.index_cast %swap3A_1056 : i32 to index
        %swap3A_1058 = arith.index_cast %scan3A_149 : i32 to index
        %swap3A_1059 = arith.constant 448 : index
        %swap3A_1060 = tpu.vector_load %arg6[%swap3A_1057, %swap3A_1058, %swap3A_1059] {strides = array<i32>} : memref<4x16x768xf32, #tpu.memory_space<vmem>>, vector<1x1x16xf32>,
        %swap3A_1061 = vector.shape_cast %swap3A_1060 : vector<1x1x16xf32> to vector<16xf32>
        %swap3A_1062 = vector.shape_cast %get3A_1048 : vector<16xf32> to vector<1x1x16xf32>
        tpu.vector_store %arg6[%swap3A_1057, %swap3A_1058, %swap3A_1059], %swap3A_1062 {add = true, strides = array<i32>} : memref<4x16x768xf32, #tpu.memory_space<vmem>>, vector<1x1x16xf32>,
        %swap3A_1063 = arith.constant 2 : i32
        %swap3A_1064 = arith.index_cast %swap3A_1063 : i32 to index
        %swap3A_1065 = arith.index_cast %scan3A_149 : i32 to index
        %swap3A_1066 = arith.constant 448 : index
        %swap3A_1067 = tpu.vector_load %arg6[%swap3A_1064, %swap3A_1065, %swap3A_1066] {strides = array<i32>} : memref<4x16x768xf32, #tpu.memory_space<vmem>>, vector<1x1x16xf32>,
        %swap3A_1068 = vector.shape_cast %swap3A_1067 : vector<1x1x16xf32> to vector<16xf32>
        %swap3A_1069 = vector.shape_cast %get3A_1048 : vector<16xf32> to vector<1x1x16xf32>
        tpu.vector_store %arg6[%swap3A_1064, %swap3A_1065, %swap3A_1066], %swap3A_1069 {add = true, strides = array<i32>} : memref<4x16x768xf32, #tpu.memory_space<vmem>>, vector<1x1x16xf32>,
        %swap3A_1070 = arith.constant 3 : i32
        %swap3A_1071 = arith.index_cast %swap3A_1070 : i32 to index
        %swap3A_1072 = arith.index_cast %scan3A_149 : i32 to index
        %swap3A_1073 = arith.constant 448 : index
        %swap3A_1074 = tpu.vector_load %arg6[%swap3A_1071, %swap3A_1072, %swap3A_1073] {strides = array<i32>} : memref<4x16x768xf32, #tpu.memory_space<vmem>>, vector<1x1x16xf32>,
        %swap3A_1075 = vector.shape_cast %swap3A_1074 : vector<1x1x16xf32> to vector<16xf32>
        %swap3A_1076 = vector.shape_cast %get3A_1048 : vector<16xf32> to vector<1x1x16xf32>
        tpu.vector_store %arg6[%swap3A_1071, %swap3A_1072, %swap3A_1073], %swap3A_1076 {add = true, strides = array<i32>} : memref<4x16x768xf32, #tpu.memory_space<vmem>>, vector<1x1x16xf32>,
        %get3A_1077 = arith.index_cast %scan3A_149 : i32 to index
        %get3A_1078 = arith.constant 464 : index
        %get3A_1079 = tpu.vector_load %arg8[%get3A_1077, %get3A_1078] {strides = array<i32>} : memref<16x768xf32, #tpu.memory_space<vmem>>, vector<1x16xf32>,
        %get3A_1080 = vector.shape_cast %get3A_1079 : vector<1x16xf32> to vector<16xf32>
        %swap3A_1081 = arith.constant 0 : i32
        %swap3A_1082 = arith.index_cast %swap3A_1081 : i32 to index
        %swap3A_1083 = arith.index_cast %scan3A_149 : i32 to index
        %swap3A_1084 = arith.constant 464 : index
        %swap3A_1085 = tpu.vector_load %arg6[%swap3A_1082, %swap3A_1083, %swap3A_1084] {strides = array<i32>} : memref<4x16x768xf32, #tpu.memory_space<vmem>>, vector<1x1x16xf32>,
        %swap3A_1086 = vector.shape_cast %swap3A_1085 : vector<1x1x16xf32> to vector<16xf32>
        %swap3A_1087 = vector.shape_cast %get3A_1080 : vector<16xf32> to vector<1x1x16xf32>
        tpu.vector_store %arg6[%swap3A_1082, %swap3A_1083, %swap3A_1084], %swap3A_1087 {add = true, strides = array<i32>} : memref<4x16x768xf32, #tpu.memory_space<vmem>>, vector<1x1x16xf32>,
        %swap3A_1088 = arith.constant 1 : i32
        %swap3A_1089 = arith.index_cast %swap3A_1088 : i32 to index
        %swap3A_1090 = arith.index_cast %scan3A_149 : i32 to index
        %swap3A_1091 = arith.constant 464 : index
        %swap3A_1092 = tpu.vector_load %arg6[%swap3A_1089, %swap3A_1090, %swap3A_1091] {strides = array<i32>} : memref<4x16x768xf32, #tpu.memory_space<vmem>>, vector<1x1x16xf32>,
        %swap3A_1093 = vector.shape_cast %swap3A_1092 : vector<1x1x16xf32> to vector<16xf32>
        %swap3A_1094 = vector.shape_cast %get3A_1080 : vector<16xf32> to vector<1x1x16xf32>
        tpu.vector_store %arg6[%swap3A_1089, %swap3A_1090, %swap3A_1091], %swap3A_1094 {add = true, strides = array<i32>} : memref<4x16x768xf32, #tpu.memory_space<vmem>>, vector<1x1x16xf32>,
        %swap3A_1095 = arith.constant 2 : i32
        %swap3A_1096 = arith.index_cast %swap3A_1095 : i32 to index
        %swap3A_1097 = arith.index_cast %scan3A_149 : i32 to index
        %swap3A_1098 = arith.constant 464 : index
        %swap3A_1099 = tpu.vector_load %arg6[%swap3A_1096, %swap3A_1097, %swap3A_1098] {strides = array<i32>} : memref<4x16x768xf32, #tpu.memory_space<vmem>>, vector<1x1x16xf32>,
        %swap3A_1100 = vector.shape_cast %swap3A_1099 : vector<1x1x16xf32> to vector<16xf32>
        %swap3A_1101 = vector.shape_cast %get3A_1080 : vector<16xf32> to vector<1x1x16xf32>
        tpu.vector_store %arg6[%swap3A_1096, %swap3A_1097, %swap3A_1098], %swap3A_1101 {add = true, strides = array<i32>} : memref<4x16x768xf32, #tpu.memory_space<vmem>>, vector<1x1x16xf32>,
        %swap3A_1102 = arith.constant 3 : i32
        %swap3A_1103 = arith.index_cast %swap3A_1102 : i32 to index
        %swap3A_1104 = arith.index_cast %scan3A_149 : i32 to index
        %swap3A_1105 = arith.constant 464 : index
        %swap3A_1106 = tpu.vector_load %arg6[%swap3A_1103, %swap3A_1104, %swap3A_1105] {strides = array<i32>} : memref<4x16x768xf32, #tpu.memory_space<vmem>>, vector<1x1x16xf32>,
        %swap3A_1107 = vector.shape_cast %swap3A_1106 : vector<1x1x16xf32> to vector<16xf32>
        %swap3A_1108 = vector.shape_cast %get3A_1080 : vector<16xf32> to vector<1x1x16xf32>
        tpu.vector_store %arg6[%swap3A_1103, %swap3A_1104, %swap3A_1105], %swap3A_1108 {add = true, strides = array<i32>} : memref<4x16x768xf32, #tpu.memory_space<vmem>>, vector<1x1x16xf32>,
        %get3A_1109 = arith.index_cast %scan3A_149 : i32 to index
        %get3A_1110 = arith.constant 480 : index
        %get3A_1111 = tpu.vector_load %arg8[%get3A_1109, %get3A_1110] {strides = array<i32>} : memref<16x768xf32, #tpu.memory_space<vmem>>, vector<1x16xf32>,
        %get3A_1112 = vector.shape_cast %get3A_1111 : vector<1x16xf32> to vector<16xf32>
        %swap3A_1113 = arith.constant 0 : i32
        %swap3A_1114 = arith.index_cast %swap3A_1113 : i32 to index
        %swap3A_1115 = arith.index_cast %scan3A_149 : i32 to index
        %swap3A_1116 = arith.constant 480 : index
        %swap3A_1117 = tpu.vector_load %arg6[%swap3A_1114, %swap3A_1115, %swap3A_1116] {strides = array<i32>} : memref<4x16x768xf32, #tpu.memory_space<vmem>>, vector<1x1x16xf32>,
        %swap3A_1118 = vector.shape_cast %swap3A_1117 : vector<1x1x16xf32> to vector<16xf32>
        %swap3A_1119 = vector.shape_cast %get3A_1112 : vector<16xf32> to vector<1x1x16xf32>
        tpu.vector_store %arg6[%swap3A_1114, %swap3A_1115, %swap3A_1116], %swap3A_1119 {add = true, strides = array<i32>} : memref<4x16x768xf32, #tpu.memory_space<vmem>>, vector<1x1x16xf32>,
        %swap3A_1120 = arith.constant 1 : i32
        %swap3A_1121 = arith.index_cast %swap3A_1120 : i32 to index
        %swap3A_1122 = arith.index_cast %scan3A_149 : i32 to index
        %swap3A_1123 = arith.constant 480 : index
        %swap3A_1124 = tpu.vector_load %arg6[%swap3A_1121, %swap3A_1122, %swap3A_1123] {strides = array<i32>} : memref<4x16x768xf32, #tpu.memory_space<vmem>>, vector<1x1x16xf32>,
        %swap3A_1125 = vector.shape_cast %swap3A_1124 : vector<1x1x16xf32> to vector<16xf32>
        %swap3A_1126 = vector.shape_cast %get3A_1112 : vector<16xf32> to vector<1x1x16xf32>
        tpu.vector_store %arg6[%swap3A_1121, %swap3A_1122, %swap3A_1123], %swap3A_1126 {add = true, strides = array<i32>} : memref<4x16x768xf32, #tpu.memory_space<vmem>>, vector<1x1x16xf32>,
        %swap3A_1127 = arith.constant 2 : i32
        %swap3A_1128 = arith.index_cast %swap3A_1127 : i32 to index
        %swap3A_1129 = arith.index_cast %scan3A_149 : i32 to index
        %swap3A_1130 = arith.constant 480 : index
        %swap3A_1131 = tpu.vector_load %arg6[%swap3A_1128, %swap3A_1129, %swap3A_1130] {strides = array<i32>} : memref<4x16x768xf32, #tpu.memory_space<vmem>>, vector<1x1x16xf32>,
        %swap3A_1132 = vector.shape_cast %swap3A_1131 : vector<1x1x16xf32> to vector<16xf32>
        %swap3A_1133 = vector.shape_cast %get3A_1112 : vector<16xf32> to vector<1x1x16xf32>
        tpu.vector_store %arg6[%swap3A_1128, %swap3A_1129, %swap3A_1130], %swap3A_1133 {add = true, strides = array<i32>} : memref<4x16x768xf32, #tpu.memory_space<vmem>>, vector<1x1x16xf32>,
        %swap3A_1134 = arith.constant 3 : i32
        %swap3A_1135 = arith.index_cast %swap3A_1134 : i32 to index
        %swap3A_1136 = arith.index_cast %scan3A_149 : i32 to index
        %swap3A_1137 = arith.constant 480 : index
        %swap3A_1138 = tpu.vector_load %arg6[%swap3A_1135, %swap3A_1136, %swap3A_1137] {strides = array<i32>} : memref<4x16x768xf32, #tpu.memory_space<vmem>>, vector<1x1x16xf32>,
        %swap3A_1139 = vector.shape_cast %swap3A_1138 : vector<1x1x16xf32> to vector<16xf32>
        %swap3A_1140 = vector.shape_cast %get3A_1112 : vector<16xf32> to vector<1x1x16xf32>
        tpu.vector_store %arg6[%swap3A_1135, %swap3A_1136, %swap3A_1137], %swap3A_1140 {add = true, strides = array<i32>} : memref<4x16x768xf32, #tpu.memory_space<vmem>>, vector<1x1x16xf32>,
        %get3A_1141 = arith.index_cast %scan3A_149 : i32 to index
        %get3A_1142 = arith.constant 496 : index
        %get3A_1143 = tpu.vector_load %arg8[%get3A_1141, %get3A_1142] {strides = array<i32>} : memref<16x768xf32, #tpu.memory_space<vmem>>, vector<1x16xf32>,
        %get3A_1144 = vector.shape_cast %get3A_1143 : vector<1x16xf32> to vector<16xf32>
        %swap3A_1145 = arith.constant 0 : i32
        %swap3A_1146 = arith.index_cast %swap3A_1145 : i32 to index
        %swap3A_1147 = arith.index_cast %scan3A_149 : i32 to index
        %swap3A_1148 = arith.constant 496 : index
        %swap3A_1149 = tpu.vector_load %arg6[%swap3A_1146, %swap3A_1147, %swap3A_1148] {strides = array<i32>} : memref<4x16x768xf32, #tpu.memory_space<vmem>>, vector<1x1x16xf32>,
        %swap3A_1150 = vector.shape_cast %swap3A_1149 : vector<1x1x16xf32> to vector<16xf32>
        %swap3A_1151 = vector.shape_cast %get3A_1144 : vector<16xf32> to vector<1x1x16xf32>
        tpu.vector_store %arg6[%swap3A_1146, %swap3A_1147, %swap3A_1148], %swap3A_1151 {add = true, strides = array<i32>} : memref<4x16x768xf32, #tpu.memory_space<vmem>>, vector<1x1x16xf32>,
        %swap3A_1152 = arith.constant 1 : i32
        %swap3A_1153 = arith.index_cast %swap3A_1152 : i32 to index
        %swap3A_1154 = arith.index_cast %scan3A_149 : i32 to index
        %swap3A_1155 = arith.constant 496 : index
        %swap3A_1156 = tpu.vector_load %arg6[%swap3A_1153, %swap3A_1154, %swap3A_1155] {strides = array<i32>} : memref<4x16x768xf32, #tpu.memory_space<vmem>>, vector<1x1x16xf32>,
        %swap3A_1157 = vector.shape_cast %swap3A_1156 : vector<1x1x16xf32> to vector<16xf32>
        %swap3A_1158 = vector.shape_cast %get3A_1144 : vector<16xf32> to vector<1x1x16xf32>
        tpu.vector_store %arg6[%swap3A_1153, %swap3A_1154, %swap3A_1155], %swap3A_1158 {add = true, strides = array<i32>} : memref<4x16x768xf32, #tpu.memory_space<vmem>>, vector<1x1x16xf32>,
        %swap3A_1159 = arith.constant 2 : i32
        %swap3A_1160 = arith.index_cast %swap3A_1159 : i32 to index
        %swap3A_1161 = arith.index_cast %scan3A_149 : i32 to index
        %swap3A_1162 = arith.constant 496 : index
        %swap3A_1163 = tpu.vector_load %arg6[%swap3A_1160, %swap3A_1161, %swap3A_1162] {strides = array<i32>} : memref<4x16x768xf32, #tpu.memory_space<vmem>>, vector<1x1x16xf32>,
        %swap3A_1164 = vector.shape_cast %swap3A_1163 : vector<1x1x16xf32> to vector<16xf32>
        %swap3A_1165 = vector.shape_cast %get3A_1144 : vector<16xf32> to vector<1x1x16xf32>
        tpu.vector_store %arg6[%swap3A_1160, %swap3A_1161, %swap3A_1162], %swap3A_1165 {add = true, strides = array<i32>} : memref<4x16x768xf32, #tpu.memory_space<vmem>>, vector<1x1x16xf32>,
        %swap3A_1166 = arith.constant 3 : i32
        %swap3A_1167 = arith.index_cast %swap3A_1166 : i32 to index
        %swap3A_1168 = arith.index_cast %scan3A_149 : i32 to index
        %swap3A_1169 = arith.constant 496 : index
        %swap3A_1170 = tpu.vector_load %arg6[%swap3A_1167, %swap3A_1168, %swap3A_1169] {strides = array<i32>} : memref<4x16x768xf32, #tpu.memory_space<vmem>>, vector<1x1x16xf32>,
        %swap3A_1171 = vector.shape_cast %swap3A_1170 : vector<1x1x16xf32> to vector<16xf32>
        %swap3A_1172 = vector.shape_cast %get3A_1144 : vector<16xf32> to vector<1x1x16xf32>
        tpu.vector_store %arg6[%swap3A_1167, %swap3A_1168, %swap3A_1169], %swap3A_1172 {add = true, strides = array<i32>} : memref<4x16x768xf32, #tpu.memory_space<vmem>>, vector<1x1x16xf32>,
        %get3A_1173 = arith.index_cast %scan3A_149 : i32 to index
        %get3A_1174 = arith.constant 512 : index
        %get3A_1175 = tpu.vector_load %arg8[%get3A_1173, %get3A_1174] {strides = array<i32>} : memref<16x768xf32, #tpu.memory_space<vmem>>, vector<1x16xf32>,
        %get3A_1176 = vector.shape_cast %get3A_1175 : vector<1x16xf32> to vector<16xf32>
        %swap3A_1177 = arith.constant 0 : i32
        %swap3A_1178 = arith.index_cast %swap3A_1177 : i32 to index
        %swap3A_1179 = arith.index_cast %scan3A_149 : i32 to index
        %swap3A_1180 = arith.constant 512 : index
        %swap3A_1181 = tpu.vector_load %arg6[%swap3A_1178, %swap3A_1179, %swap3A_1180] {strides = array<i32>} : memref<4x16x768xf32, #tpu.memory_space<vmem>>, vector<1x1x16xf32>,
        %swap3A_1182 = vector.shape_cast %swap3A_1181 : vector<1x1x16xf32> to vector<16xf32>
        %swap3A_1183 = vector.shape_cast %get3A_1176 : vector<16xf32> to vector<1x1x16xf32>
        tpu.vector_store %arg6[%swap3A_1178, %swap3A_1179, %swap3A_1180], %swap3A_1183 {add = true, strides = array<i32>} : memref<4x16x768xf32, #tpu.memory_space<vmem>>, vector<1x1x16xf32>,
        %swap3A_1184 = arith.constant 1 : i32
        %swap3A_1185 = arith.index_cast %swap3A_1184 : i32 to index
        %swap3A_1186 = arith.index_cast %scan3A_149 : i32 to index
        %swap3A_1187 = arith.constant 512 : index
        %swap3A_1188 = tpu.vector_load %arg6[%swap3A_1185, %swap3A_1186, %swap3A_1187] {strides = array<i32>} : memref<4x16x768xf32, #tpu.memory_space<vmem>>, vector<1x1x16xf32>,
        %swap3A_1189 = vector.shape_cast %swap3A_1188 : vector<1x1x16xf32> to vector<16xf32>
        %swap3A_1190 = vector.shape_cast %get3A_1176 : vector<16xf32> to vector<1x1x16xf32>
        tpu.vector_store %arg6[%swap3A_1185, %swap3A_1186, %swap3A_1187], %swap3A_1190 {add = true, strides = array<i32>} : memref<4x16x768xf32, #tpu.memory_space<vmem>>, vector<1x1x16xf32>,
        %swap3A_1191 = arith.constant 2 : i32
        %swap3A_1192 = arith.index_cast %swap3A_1191 : i32 to index
        %swap3A_1193 = arith.index_cast %scan3A_149 : i32 to index
        %swap3A_1194 = arith.constant 512 : index
        %swap3A_1195 = tpu.vector_load %arg6[%swap3A_1192, %swap3A_1193, %swap3A_1194] {strides = array<i32>} : memref<4x16x768xf32, #tpu.memory_space<vmem>>, vector<1x1x16xf32>,
        %swap3A_1196 = vector.shape_cast %swap3A_1195 : vector<1x1x16xf32> to vector<16xf32>
        %swap3A_1197 = vector.shape_cast %get3A_1176 : vector<16xf32> to vector<1x1x16xf32>
        tpu.vector_store %arg6[%swap3A_1192, %swap3A_1193, %swap3A_1194], %swap3A_1197 {add = true, strides = array<i32>} : memref<4x16x768xf32, #tpu.memory_space<vmem>>, vector<1x1x16xf32>,
        %swap3A_1198 = arith.constant 3 : i32
        %swap3A_1199 = arith.index_cast %swap3A_1198 : i32 to index
        %swap3A_1200 = arith.index_cast %scan3A_149 : i32 to index
        %swap3A_1201 = arith.constant 512 : index
        %swap3A_1202 = tpu.vector_load %arg6[%swap3A_1199, %swap3A_1200, %swap3A_1201] {strides = array<i32>} : memref<4x16x768xf32, #tpu.memory_space<vmem>>, vector<1x1x16xf32>,
        %swap3A_1203 = vector.shape_cast %swap3A_1202 : vector<1x1x16xf32> to vector<16xf32>
        %swap3A_1204 = vector.shape_cast %get3A_1176 : vector<16xf32> to vector<1x1x16xf32>
        tpu.vector_store %arg6[%swap3A_1199, %swap3A_1200, %swap3A_1201], %swap3A_1204 {add = true, strides = array<i32>} : memref<4x16x768xf32, #tpu.memory_space<vmem>>, vector<1x1x16xf32>,
        %get3A_1205 = arith.index_cast %scan3A_149 : i32 to index
        %get3A_1206 = arith.constant 528 : index
        %get3A_1207 = tpu.vector_load %arg8[%get3A_1205, %get3A_1206] {strides = array<i32>} : memref<16x768xf32, #tpu.memory_space<vmem>>, vector<1x16xf32>,
        %get3A_1208 = vector.shape_cast %get3A_1207 : vector<1x16xf32> to vector<16xf32>
        %swap3A_1209 = arith.constant 0 : i32
        %swap3A_1210 = arith.index_cast %swap3A_1209 : i32 to index
        %swap3A_1211 = arith.index_cast %scan3A_149 : i32 to index
        %swap3A_1212 = arith.constant 528 : index
        %swap3A_1213 = tpu.vector_load %arg6[%swap3A_1210, %swap3A_1211, %swap3A_1212] {strides = array<i32>} : memref<4x16x768xf32, #tpu.memory_space<vmem>>, vector<1x1x16xf32>,
        %swap3A_1214 = vector.shape_cast %swap3A_1213 : vector<1x1x16xf32> to vector<16xf32>
        %swap3A_1215 = vector.shape_cast %get3A_1208 : vector<16xf32> to vector<1x1x16xf32>
        tpu.vector_store %arg6[%swap3A_1210, %swap3A_1211, %swap3A_1212], %swap3A_1215 {add = true, strides = array<i32>} : memref<4x16x768xf32, #tpu.memory_space<vmem>>, vector<1x1x16xf32>,
        %swap3A_1216 = arith.constant 1 : i32
        %swap3A_1217 = arith.index_cast %swap3A_1216 : i32 to index
        %swap3A_1218 = arith.index_cast %scan3A_149 : i32 to index
        %swap3A_1219 = arith.constant 528 : index
        %swap3A_1220 = tpu.vector_load %arg6[%swap3A_1217, %swap3A_1218, %swap3A_1219] {strides = array<i32>} : memref<4x16x768xf32, #tpu.memory_space<vmem>>, vector<1x1x16xf32>,
        %swap3A_1221 = vector.shape_cast %swap3A_1220 : vector<1x1x16xf32> to vector<16xf32>
        %swap3A_1222 = vector.shape_cast %get3A_1208 : vector<16xf32> to vector<1x1x16xf32>
        tpu.vector_store %arg6[%swap3A_1217, %swap3A_1218, %swap3A_1219], %swap3A_1222 {add = true, strides = array<i32>} : memref<4x16x768xf32, #tpu.memory_space<vmem>>, vector<1x1x16xf32>,
        %swap3A_1223 = arith.constant 2 : i32
        %swap3A_1224 = arith.index_cast %swap3A_1223 : i32 to index
        %swap3A_1225 = arith.index_cast %scan3A_149 : i32 to index
        %swap3A_1226 = arith.constant 528 : index
        %swap3A_1227 = tpu.vector_load %arg6[%swap3A_1224, %swap3A_1225, %swap3A_1226] {strides = array<i32>} : memref<4x16x768xf32, #tpu.memory_space<vmem>>, vector<1x1x16xf32>,
        %swap3A_1228 = vector.shape_cast %swap3A_1227 : vector<1x1x16xf32> to vector<16xf32>
        %swap3A_1229 = vector.shape_cast %get3A_1208 : vector<16xf32> to vector<1x1x16xf32>
        tpu.vector_store %arg6[%swap3A_1224, %swap3A_1225, %swap3A_1226], %swap3A_1229 {add = true, strides = array<i32>} : memref<4x16x768xf32, #tpu.memory_space<vmem>>, vector<1x1x16xf32>,
        %swap3A_1230 = arith.constant 3 : i32
        %swap3A_1231 = arith.index_cast %swap3A_1230 : i32 to index
        %swap3A_1232 = arith.index_cast %scan3A_149 : i32 to index
        %swap3A_1233 = arith.constant 528 : index
        %swap3A_1234 = tpu.vector_load %arg6[%swap3A_1231, %swap3A_1232, %swap3A_1233] {strides = array<i32>} : memref<4x16x768xf32, #tpu.memory_space<vmem>>, vector<1x1x16xf32>,
        %swap3A_1235 = vector.shape_cast %swap3A_1234 : vector<1x1x16xf32> to vector<16xf32>
        %swap3A_1236 = vector.shape_cast %get3A_1208 : vector<16xf32> to vector<1x1x16xf32>
        tpu.vector_store %arg6[%swap3A_1231, %swap3A_1232, %swap3A_1233], %swap3A_1236 {add = true, strides = array<i32>} : memref<4x16x768xf32, #tpu.memory_space<vmem>>, vector<1x1x16xf32>,
        %get3A_1237 = arith.index_cast %scan3A_149 : i32 to index
        %get3A_1238 = arith.constant 544 : index
        %get3A_1239 = tpu.vector_load %arg8[%get3A_1237, %get3A_1238] {strides = array<i32>} : memref<16x768xf32, #tpu.memory_space<vmem>>, vector<1x16xf32>,
        %get3A_1240 = vector.shape_cast %get3A_1239 : vector<1x16xf32> to vector<16xf32>
        %swap3A_1241 = arith.constant 0 : i32
        %swap3A_1242 = arith.index_cast %swap3A_1241 : i32 to index
        %swap3A_1243 = arith.index_cast %scan3A_149 : i32 to index
        %swap3A_1244 = arith.constant 544 : index
        %swap3A_1245 = tpu.vector_load %arg6[%swap3A_1242, %swap3A_1243, %swap3A_1244] {strides = array<i32>} : memref<4x16x768xf32, #tpu.memory_space<vmem>>, vector<1x1x16xf32>,
        %swap3A_1246 = vector.shape_cast %swap3A_1245 : vector<1x1x16xf32> to vector<16xf32>
        %swap3A_1247 = vector.shape_cast %get3A_1240 : vector<16xf32> to vector<1x1x16xf32>
        tpu.vector_store %arg6[%swap3A_1242, %swap3A_1243, %swap3A_1244], %swap3A_1247 {add = true, strides = array<i32>} : memref<4x16x768xf32, #tpu.memory_space<vmem>>, vector<1x1x16xf32>,
        %swap3A_1248 = arith.constant 1 : i32
        %swap3A_1249 = arith.index_cast %swap3A_1248 : i32 to index
        %swap3A_1250 = arith.index_cast %scan3A_149 : i32 to index
        %swap3A_1251 = arith.constant 544 : index
        %swap3A_1252 = tpu.vector_load %arg6[%swap3A_1249, %swap3A_1250, %swap3A_1251] {strides = array<i32>} : memref<4x16x768xf32, #tpu.memory_space<vmem>>, vector<1x1x16xf32>,
        %swap3A_1253 = vector.shape_cast %swap3A_1252 : vector<1x1x16xf32> to vector<16xf32>
        %swap3A_1254 = vector.shape_cast %get3A_1240 : vector<16xf32> to vector<1x1x16xf32>
        tpu.vector_store %arg6[%swap3A_1249, %swap3A_1250, %swap3A_1251], %swap3A_1254 {add = true, strides = array<i32>} : memref<4x16x768xf32, #tpu.memory_space<vmem>>, vector<1x1x16xf32>,
        %swap3A_1255 = arith.constant 2 : i32
        %swap3A_1256 = arith.index_cast %swap3A_1255 : i32 to index
        %swap3A_1257 = arith.index_cast %scan3A_149 : i32 to index
        %swap3A_1258 = arith.constant 544 : index
        %swap3A_1259 = tpu.vector_load %arg6[%swap3A_1256, %swap3A_1257, %swap3A_1258] {strides = array<i32>} : memref<4x16x768xf32, #tpu.memory_space<vmem>>, vector<1x1x16xf32>,
        %swap3A_1260 = vector.shape_cast %swap3A_1259 : vector<1x1x16xf32> to vector<16xf32>
        %swap3A_1261 = vector.shape_cast %get3A_1240 : vector<16xf32> to vector<1x1x16xf32>
        tpu.vector_store %arg6[%swap3A_1256, %swap3A_1257, %swap3A_1258], %swap3A_1261 {add = true, strides = array<i32>} : memref<4x16x768xf32, #tpu.memory_space<vmem>>, vector<1x1x16xf32>,
        %swap3A_1262 = arith.constant 3 : i32
        %swap3A_1263 = arith.index_cast %swap3A_1262 : i32 to index
        %swap3A_1264 = arith.index_cast %scan3A_149 : i32 to index
        %swap3A_1265 = arith.constant 544 : index
        %swap3A_1266 = tpu.vector_load %arg6[%swap3A_1263, %swap3A_1264, %swap3A_1265] {strides = array<i32>} : memref<4x16x768xf32, #tpu.memory_space<vmem>>, vector<1x1x16xf32>,
        %swap3A_1267 = vector.shape_cast %swap3A_1266 : vector<1x1x16xf32> to vector<16xf32>
        %swap3A_1268 = vector.shape_cast %get3A_1240 : vector<16xf32> to vector<1x1x16xf32>
        tpu.vector_store %arg6[%swap3A_1263, %swap3A_1264, %swap3A_1265], %swap3A_1268 {add = true, strides = array<i32>} : memref<4x16x768xf32, #tpu.memory_space<vmem>>, vector<1x1x16xf32>,
        %get3A_1269 = arith.index_cast %scan3A_149 : i32 to index
        %get3A_1270 = arith.constant 560 : index
        %get3A_1271 = tpu.vector_load %arg8[%get3A_1269, %get3A_1270] {strides = array<i32>} : memref<16x768xf32, #tpu.memory_space<vmem>>, vector<1x16xf32>,
        %get3A_1272 = vector.shape_cast %get3A_1271 : vector<1x16xf32> to vector<16xf32>
        %swap3A_1273 = arith.constant 0 : i32
        %swap3A_1274 = arith.index_cast %swap3A_1273 : i32 to index
        %swap3A_1275 = arith.index_cast %scan3A_149 : i32 to index
        %swap3A_1276 = arith.constant 560 : index
        %swap3A_1277 = tpu.vector_load %arg6[%swap3A_1274, %swap3A_1275, %swap3A_1276] {strides = array<i32>} : memref<4x16x768xf32, #tpu.memory_space<vmem>>, vector<1x1x16xf32>,
        %swap3A_1278 = vector.shape_cast %swap3A_1277 : vector<1x1x16xf32> to vector<16xf32>
        %swap3A_1279 = vector.shape_cast %get3A_1272 : vector<16xf32> to vector<1x1x16xf32>
        tpu.vector_store %arg6[%swap3A_1274, %swap3A_1275, %swap3A_1276], %swap3A_1279 {add = true, strides = array<i32>} : memref<4x16x768xf32, #tpu.memory_space<vmem>>, vector<1x1x16xf32>,
        %swap3A_1280 = arith.constant 1 : i32
        %swap3A_1281 = arith.index_cast %swap3A_1280 : i32 to index
        %swap3A_1282 = arith.index_cast %scan3A_149 : i32 to index
        %swap3A_1283 = arith.constant 560 : index
        %swap3A_1284 = tpu.vector_load %arg6[%swap3A_1281, %swap3A_1282, %swap3A_1283] {strides = array<i32>} : memref<4x16x768xf32, #tpu.memory_space<vmem>>, vector<1x1x16xf32>,
        %swap3A_1285 = vector.shape_cast %swap3A_1284 : vector<1x1x16xf32> to vector<16xf32>
        %swap3A_1286 = vector.shape_cast %get3A_1272 : vector<16xf32> to vector<1x1x16xf32>
        tpu.vector_store %arg6[%swap3A_1281, %swap3A_1282, %swap3A_1283], %swap3A_1286 {add = true, strides = array<i32>} : memref<4x16x768xf32, #tpu.memory_space<vmem>>, vector<1x1x16xf32>,
        %swap3A_1287 = arith.constant 2 : i32
        %swap3A_1288 = arith.index_cast %swap3A_1287 : i32 to index
        %swap3A_1289 = arith.index_cast %scan3A_149 : i32 to index
        %swap3A_1290 = arith.constant 560 : index
        %swap3A_1291 = tpu.vector_load %arg6[%swap3A_1288, %swap3A_1289, %swap3A_1290] {strides = array<i32>} : memref<4x16x768xf32, #tpu.memory_space<vmem>>, vector<1x1x16xf32>,
        %swap3A_1292 = vector.shape_cast %swap3A_1291 : vector<1x1x16xf32> to vector<16xf32>
        %swap3A_1293 = vector.shape_cast %get3A_1272 : vector<16xf32> to vector<1x1x16xf32>
        tpu.vector_store %arg6[%swap3A_1288, %swap3A_1289, %swap3A_1290], %swap3A_1293 {add = true, strides = array<i32>} : memref<4x16x768xf32, #tpu.memory_space<vmem>>, vector<1x1x16xf32>,
        %swap3A_1294 = arith.constant 3 : i32
        %swap3A_1295 = arith.index_cast %swap3A_1294 : i32 to index
        %swap3A_1296 = arith.index_cast %scan3A_149 : i32 to index
        %swap3A_1297 = arith.constant 560 : index
        %swap3A_1298 = tpu.vector_load %arg6[%swap3A_1295, %swap3A_1296, %swap3A_1297] {strides = array<i32>} : memref<4x16x768xf32, #tpu.memory_space<vmem>>, vector<1x1x16xf32>,
        %swap3A_1299 = vector.shape_cast %swap3A_1298 : vector<1x1x16xf32> to vector<16xf32>
        %swap3A_1300 = vector.shape_cast %get3A_1272 : vector<16xf32> to vector<1x1x16xf32>
        tpu.vector_store %arg6[%swap3A_1295, %swap3A_1296, %swap3A_1297], %swap3A_1300 {add = true, strides = array<i32>} : memref<4x16x768xf32, #tpu.memory_space<vmem>>, vector<1x1x16xf32>,
        %get3A_1301 = arith.index_cast %scan3A_149 : i32 to index
        %get3A_1302 = arith.constant 576 : index
        %get3A_1303 = tpu.vector_load %arg8[%get3A_1301, %get3A_1302] {strides = array<i32>} : memref<16x768xf32, #tpu.memory_space<vmem>>, vector<1x16xf32>,
        %get3A_1304 = vector.shape_cast %get3A_1303 : vector<1x16xf32> to vector<16xf32>
        %swap3A_1305 = arith.constant 0 : i32
        %swap3A_1306 = arith.index_cast %swap3A_1305 : i32 to index
        %swap3A_1307 = arith.index_cast %scan3A_149 : i32 to index
        %swap3A_1308 = arith.constant 576 : index
        %swap3A_1309 = tpu.vector_load %arg6[%swap3A_1306, %swap3A_1307, %swap3A_1308] {strides = array<i32>} : memref<4x16x768xf32, #tpu.memory_space<vmem>>, vector<1x1x16xf32>,
        %swap3A_1310 = vector.shape_cast %swap3A_1309 : vector<1x1x16xf32> to vector<16xf32>
        %swap3A_1311 = vector.shape_cast %get3A_1304 : vector<16xf32> to vector<1x1x16xf32>
        tpu.vector_store %arg6[%swap3A_1306, %swap3A_1307, %swap3A_1308], %swap3A_1311 {add = true, strides = array<i32>} : memref<4x16x768xf32, #tpu.memory_space<vmem>>, vector<1x1x16xf32>,
        %swap3A_1312 = arith.constant 1 : i32
        %swap3A_1313 = arith.index_cast %swap3A_1312 : i32 to index
        %swap3A_1314 = arith.index_cast %scan3A_149 : i32 to index
        %swap3A_1315 = arith.constant 576 : index
        %swap3A_1316 = tpu.vector_load %arg6[%swap3A_1313, %swap3A_1314, %swap3A_1315] {strides = array<i32>} : memref<4x16x768xf32, #tpu.memory_space<vmem>>, vector<1x1x16xf32>,
        %swap3A_1317 = vector.shape_cast %swap3A_1316 : vector<1x1x16xf32> to vector<16xf32>
        %swap3A_1318 = vector.shape_cast %get3A_1304 : vector<16xf32> to vector<1x1x16xf32>
        tpu.vector_store %arg6[%swap3A_1313, %swap3A_1314, %swap3A_1315], %swap3A_1318 {add = true, strides = array<i32>} : memref<4x16x768xf32, #tpu.memory_space<vmem>>, vector<1x1x16xf32>,
        %swap3A_1319 = arith.constant 2 : i32
        %swap3A_1320 = arith.index_cast %swap3A_1319 : i32 to index
        %swap3A_1321 = arith.index_cast %scan3A_149 : i32 to index
        %swap3A_1322 = arith.constant 576 : index
        %swap3A_1323 = tpu.vector_load %arg6[%swap3A_1320, %swap3A_1321, %swap3A_1322] {strides = array<i32>} : memref<4x16x768xf32, #tpu.memory_space<vmem>>, vector<1x1x16xf32>,
        %swap3A_1324 = vector.shape_cast %swap3A_1323 : vector<1x1x16xf32> to vector<16xf32>
        %swap3A_1325 = vector.shape_cast %get3A_1304 : vector<16xf32> to vector<1x1x16xf32>
        tpu.vector_store %arg6[%swap3A_1320, %swap3A_1321, %swap3A_1322], %swap3A_1325 {add = true, strides = array<i32>} : memref<4x16x768xf32, #tpu.memory_space<vmem>>, vector<1x1x16xf32>,
        %swap3A_1326 = arith.constant 3 : i32
        %swap3A_1327 = arith.index_cast %swap3A_1326 : i32 to index
        %swap3A_1328 = arith.index_cast %scan3A_149 : i32 to index
        %swap3A_1329 = arith.constant 576 : index
        %swap3A_1330 = tpu.vector_load %arg6[%swap3A_1327, %swap3A_1328, %swap3A_1329] {strides = array<i32>} : memref<4x16x768xf32, #tpu.memory_space<vmem>>, vector<1x1x16xf32>,
        %swap3A_1331 = vector.shape_cast %swap3A_1330 : vector<1x1x16xf32> to vector<16xf32>
        %swap3A_1332 = vector.shape_cast %get3A_1304 : vector<16xf32> to vector<1x1x16xf32>
        tpu.vector_store %arg6[%swap3A_1327, %swap3A_1328, %swap3A_1329], %swap3A_1332 {add = true, strides = array<i32>} : memref<4x16x768xf32, #tpu.memory_space<vmem>>, vector<1x1x16xf32>,
        %get3A_1333 = arith.index_cast %scan3A_149 : i32 to index
        %get3A_1334 = arith.constant 592 : index
        %get3A_1335 = tpu.vector_load %arg8[%get3A_1333, %get3A_1334] {strides = array<i32>} : memref<16x768xf32, #tpu.memory_space<vmem>>, vector<1x16xf32>,
        %get3A_1336 = vector.shape_cast %get3A_1335 : vector<1x16xf32> to vector<16xf32>
        %swap3A_1337 = arith.constant 0 : i32
        %swap3A_1338 = arith.index_cast %swap3A_1337 : i32 to index
        %swap3A_1339 = arith.index_cast %scan3A_149 : i32 to index
        %swap3A_1340 = arith.constant 592 : index
        %swap3A_1341 = tpu.vector_load %arg6[%swap3A_1338, %swap3A_1339, %swap3A_1340] {strides = array<i32>} : memref<4x16x768xf32, #tpu.memory_space<vmem>>, vector<1x1x16xf32>,
        %swap3A_1342 = vector.shape_cast %swap3A_1341 : vector<1x1x16xf32> to vector<16xf32>
        %swap3A_1343 = vector.shape_cast %get3A_1336 : vector<16xf32> to vector<1x1x16xf32>
        tpu.vector_store %arg6[%swap3A_1338, %swap3A_1339, %swap3A_1340], %swap3A_1343 {add = true, strides = array<i32>} : memref<4x16x768xf32, #tpu.memory_space<vmem>>, vector<1x1x16xf32>,
        %swap3A_1344 = arith.constant 1 : i32
        %swap3A_1345 = arith.index_cast %swap3A_1344 : i32 to index
        %swap3A_1346 = arith.index_cast %scan3A_149 : i32 to index
        %swap3A_1347 = arith.constant 592 : index
        %swap3A_1348 = tpu.vector_load %arg6[%swap3A_1345, %swap3A_1346, %swap3A_1347] {strides = array<i32>} : memref<4x16x768xf32, #tpu.memory_space<vmem>>, vector<1x1x16xf32>,
        %swap3A_1349 = vector.shape_cast %swap3A_1348 : vector<1x1x16xf32> to vector<16xf32>
        %swap3A_1350 = vector.shape_cast %get3A_1336 : vector<16xf32> to vector<1x1x16xf32>
        tpu.vector_store %arg6[%swap3A_1345, %swap3A_1346, %swap3A_1347], %swap3A_1350 {add = true, strides = array<i32>} : memref<4x16x768xf32, #tpu.memory_space<vmem>>, vector<1x1x16xf32>,
        %swap3A_1351 = arith.constant 2 : i32
        %swap3A_1352 = arith.index_cast %swap3A_1351 : i32 to index
        %swap3A_1353 = arith.index_cast %scan3A_149 : i32 to index
        %swap3A_1354 = arith.constant 592 : index
        %swap3A_1355 = tpu.vector_load %arg6[%swap3A_1352, %swap3A_1353, %swap3A_1354] {strides = array<i32>} : memref<4x16x768xf32, #tpu.memory_space<vmem>>, vector<1x1x16xf32>,
        %swap3A_1356 = vector.shape_cast %swap3A_1355 : vector<1x1x16xf32> to vector<16xf32>
        %swap3A_1357 = vector.shape_cast %get3A_1336 : vector<16xf32> to vector<1x1x16xf32>
        tpu.vector_store %arg6[%swap3A_1352, %swap3A_1353, %swap3A_1354], %swap3A_1357 {add = true, strides = array<i32>} : memref<4x16x768xf32, #tpu.memory_space<vmem>>, vector<1x1x16xf32>,
        %swap3A_1358 = arith.constant 3 : i32
        %swap3A_1359 = arith.index_cast %swap3A_1358 : i32 to index
        %swap3A_1360 = arith.index_cast %scan3A_149 : i32 to index
        %swap3A_1361 = arith.constant 592 : index
        %swap3A_1362 = tpu.vector_load %arg6[%swap3A_1359, %swap3A_1360, %swap3A_1361] {strides = array<i32>} : memref<4x16x768xf32, #tpu.memory_space<vmem>>, vector<1x1x16xf32>,
        %swap3A_1363 = vector.shape_cast %swap3A_1362 : vector<1x1x16xf32> to vector<16xf32>
        %swap3A_1364 = vector.shape_cast %get3A_1336 : vector<16xf32> to vector<1x1x16xf32>
        tpu.vector_store %arg6[%swap3A_1359, %swap3A_1360, %swap3A_1361], %swap3A_1364 {add = true, strides = array<i32>} : memref<4x16x768xf32, #tpu.memory_space<vmem>>, vector<1x1x16xf32>,
        %get3A_1365 = arith.index_cast %scan3A_149 : i32 to index
        %get3A_1366 = arith.constant 608 : index
        %get3A_1367 = tpu.vector_load %arg8[%get3A_1365, %get3A_1366] {strides = array<i32>} : memref<16x768xf32, #tpu.memory_space<vmem>>, vector<1x16xf32>,
        %get3A_1368 = vector.shape_cast %get3A_1367 : vector<1x16xf32> to vector<16xf32>
        %swap3A_1369 = arith.constant 0 : i32
        %swap3A_1370 = arith.index_cast %swap3A_1369 : i32 to index
        %swap3A_1371 = arith.index_cast %scan3A_149 : i32 to index
        %swap3A_1372 = arith.constant 608 : index
        %swap3A_1373 = tpu.vector_load %arg6[%swap3A_1370, %swap3A_1371, %swap3A_1372] {strides = array<i32>} : memref<4x16x768xf32, #tpu.memory_space<vmem>>, vector<1x1x16xf32>,
        %swap3A_1374 = vector.shape_cast %swap3A_1373 : vector<1x1x16xf32> to vector<16xf32>
        %swap3A_1375 = vector.shape_cast %get3A_1368 : vector<16xf32> to vector<1x1x16xf32>
        tpu.vector_store %arg6[%swap3A_1370, %swap3A_1371, %swap3A_1372], %swap3A_1375 {add = true, strides = array<i32>} : memref<4x16x768xf32, #tpu.memory_space<vmem>>, vector<1x1x16xf32>,
        %swap3A_1376 = arith.constant 1 : i32
        %swap3A_1377 = arith.index_cast %swap3A_1376 : i32 to index
        %swap3A_1378 = arith.index_cast %scan3A_149 : i32 to index
        %swap3A_1379 = arith.constant 608 : index
        %swap3A_1380 = tpu.vector_load %arg6[%swap3A_1377, %swap3A_1378, %swap3A_1379] {strides = array<i32>} : memref<4x16x768xf32, #tpu.memory_space<vmem>>, vector<1x1x16xf32>,
        %swap3A_1381 = vector.shape_cast %swap3A_1380 : vector<1x1x16xf32> to vector<16xf32>
        %swap3A_1382 = vector.shape_cast %get3A_1368 : vector<16xf32> to vector<1x1x16xf32>
        tpu.vector_store %arg6[%swap3A_1377, %swap3A_1378, %swap3A_1379], %swap3A_1382 {add = true, strides = array<i32>} : memref<4x16x768xf32, #tpu.memory_space<vmem>>, vector<1x1x16xf32>,
        %swap3A_1383 = arith.constant 2 : i32
        %swap3A_1384 = arith.index_cast %swap3A_1383 : i32 to index
        %swap3A_1385 = arith.index_cast %scan3A_149 : i32 to index
        %swap3A_1386 = arith.constant 608 : index
        %swap3A_1387 = tpu.vector_load %arg6[%swap3A_1384, %swap3A_1385, %swap3A_1386] {strides = array<i32>} : memref<4x16x768xf32, #tpu.memory_space<vmem>>, vector<1x1x16xf32>,
        %swap3A_1388 = vector.shape_cast %swap3A_1387 : vector<1x1x16xf32> to vector<16xf32>
        %swap3A_1389 = vector.shape_cast %get3A_1368 : vector<16xf32> to vector<1x1x16xf32>
        tpu.vector_store %arg6[%swap3A_1384, %swap3A_1385, %swap3A_1386], %swap3A_1389 {add = true, strides = array<i32>} : memref<4x16x768xf32, #tpu.memory_space<vmem>>, vector<1x1x16xf32>,
        %swap3A_1390 = arith.constant 3 : i32
        %swap3A_1391 = arith.index_cast %swap3A_1390 : i32 to index
        %swap3A_1392 = arith.index_cast %scan3A_149 : i32 to index
        %swap3A_1393 = arith.constant 608 : index
        %swap3A_1394 = tpu.vector_load %arg6[%swap3A_1391, %swap3A_1392, %swap3A_1393] {strides = array<i32>} : memref<4x16x768xf32, #tpu.memory_space<vmem>>, vector<1x1x16xf32>,
        %swap3A_1395 = vector.shape_cast %swap3A_1394 : vector<1x1x16xf32> to vector<16xf32>
        %swap3A_1396 = vector.shape_cast %get3A_1368 : vector<16xf32> to vector<1x1x16xf32>
        tpu.vector_store %arg6[%swap3A_1391, %swap3A_1392, %swap3A_1393], %swap3A_1396 {add = true, strides = array<i32>} : memref<4x16x768xf32, #tpu.memory_space<vmem>>, vector<1x1x16xf32>,
        %get3A_1397 = arith.index_cast %scan3A_149 : i32 to index
        %get3A_1398 = arith.constant 624 : index
        %get3A_1399 = tpu.vector_load %arg8[%get3A_1397, %get3A_1398] {strides = array<i32>} : memref<16x768xf32, #tpu.memory_space<vmem>>, vector<1x16xf32>,
        %get3A_1400 = vector.shape_cast %get3A_1399 : vector<1x16xf32> to vector<16xf32>
        %swap3A_1401 = arith.constant 0 : i32
        %swap3A_1402 = arith.index_cast %swap3A_1401 : i32 to index
        %swap3A_1403 = arith.index_cast %scan3A_149 : i32 to index
        %swap3A_1404 = arith.constant 624 : index
        %swap3A_1405 = tpu.vector_load %arg6[%swap3A_1402, %swap3A_1403, %swap3A_1404] {strides = array<i32>} : memref<4x16x768xf32, #tpu.memory_space<vmem>>, vector<1x1x16xf32>,
        %swap3A_1406 = vector.shape_cast %swap3A_1405 : vector<1x1x16xf32> to vector<16xf32>
        %swap3A_1407 = vector.shape_cast %get3A_1400 : vector<16xf32> to vector<1x1x16xf32>
        tpu.vector_store %arg6[%swap3A_1402, %swap3A_1403, %swap3A_1404], %swap3A_1407 {add = true, strides = array<i32>} : memref<4x16x768xf32, #tpu.memory_space<vmem>>, vector<1x1x16xf32>,
        %swap3A_1408 = arith.constant 1 : i32
        %swap3A_1409 = arith.index_cast %swap3A_1408 : i32 to index
        %swap3A_1410 = arith.index_cast %scan3A_149 : i32 to index
        %swap3A_1411 = arith.constant 624 : index
        %swap3A_1412 = tpu.vector_load %arg6[%swap3A_1409, %swap3A_1410, %swap3A_1411] {strides = array<i32>} : memref<4x16x768xf32, #tpu.memory_space<vmem>>, vector<1x1x16xf32>,
        %swap3A_1413 = vector.shape_cast %swap3A_1412 : vector<1x1x16xf32> to vector<16xf32>
        %swap3A_1414 = vector.shape_cast %get3A_1400 : vector<16xf32> to vector<1x1x16xf32>
        tpu.vector_store %arg6[%swap3A_1409, %swap3A_1410, %swap3A_1411], %swap3A_1414 {add = true, strides = array<i32>} : memref<4x16x768xf32, #tpu.memory_space<vmem>>, vector<1x1x16xf32>,
        %swap3A_1415 = arith.constant 2 : i32
        %swap3A_1416 = arith.index_cast %swap3A_1415 : i32 to index
        %swap3A_1417 = arith.index_cast %scan3A_149 : i32 to index
        %swap3A_1418 = arith.constant 624 : index
        %swap3A_1419 = tpu.vector_load %arg6[%swap3A_1416, %swap3A_1417, %swap3A_1418] {strides = array<i32>} : memref<4x16x768xf32, #tpu.memory_space<vmem>>, vector<1x1x16xf32>,
        %swap3A_1420 = vector.shape_cast %swap3A_1419 : vector<1x1x16xf32> to vector<16xf32>
        %swap3A_1421 = vector.shape_cast %get3A_1400 : vector<16xf32> to vector<1x1x16xf32>
        tpu.vector_store %arg6[%swap3A_1416, %swap3A_1417, %swap3A_1418], %swap3A_1421 {add = true, strides = array<i32>} : memref<4x16x768xf32, #tpu.memory_space<vmem>>, vector<1x1x16xf32>,
        %swap3A_1422 = arith.constant 3 : i32
        %swap3A_1423 = arith.index_cast %swap3A_1422 : i32 to index
        %swap3A_1424 = arith.index_cast %scan3A_149 : i32 to index
        %swap3A_1425 = arith.constant 624 : index
        %swap3A_1426 = tpu.vector_load %arg6[%swap3A_1423, %swap3A_1424, %swap3A_1425] {strides = array<i32>} : memref<4x16x768xf32, #tpu.memory_space<vmem>>, vector<1x1x16xf32>,
        %swap3A_1427 = vector.shape_cast %swap3A_1426 : vector<1x1x16xf32> to vector<16xf32>
        %swap3A_1428 = vector.shape_cast %get3A_1400 : vector<16xf32> to vector<1x1x16xf32>
        tpu.vector_store %arg6[%swap3A_1423, %swap3A_1424, %swap3A_1425], %swap3A_1428 {add = true, strides = array<i32>} : memref<4x16x768xf32, #tpu.memory_space<vmem>>, vector<1x1x16xf32>,
        %get3A_1429 = arith.index_cast %scan3A_149 : i32 to index
        %get3A_1430 = arith.constant 640 : index
        %get3A_1431 = tpu.vector_load %arg8[%get3A_1429, %get3A_1430] {strides = array<i32>} : memref<16x768xf32, #tpu.memory_space<vmem>>, vector<1x16xf32>,
        %get3A_1432 = vector.shape_cast %get3A_1431 : vector<1x16xf32> to vector<16xf32>
        %swap3A_1433 = arith.constant 0 : i32
        %swap3A_1434 = arith.index_cast %swap3A_1433 : i32 to index
        %swap3A_1435 = arith.index_cast %scan3A_149 : i32 to index
        %swap3A_1436 = arith.constant 640 : index
        %swap3A_1437 = tpu.vector_load %arg6[%swap3A_1434, %swap3A_1435, %swap3A_1436] {strides = array<i32>} : memref<4x16x768xf32, #tpu.memory_space<vmem>>, vector<1x1x16xf32>,
        %swap3A_1438 = vector.shape_cast %swap3A_1437 : vector<1x1x16xf32> to vector<16xf32>
        %swap3A_1439 = vector.shape_cast %get3A_1432 : vector<16xf32> to vector<1x1x16xf32>
        tpu.vector_store %arg6[%swap3A_1434, %swap3A_1435, %swap3A_1436], %swap3A_1439 {add = true, strides = array<i32>} : memref<4x16x768xf32, #tpu.memory_space<vmem>>, vector<1x1x16xf32>,
        %swap3A_1440 = arith.constant 1 : i32
        %swap3A_1441 = arith.index_cast %swap3A_1440 : i32 to index
        %swap3A_1442 = arith.index_cast %scan3A_149 : i32 to index
        %swap3A_1443 = arith.constant 640 : index
        %swap3A_1444 = tpu.vector_load %arg6[%swap3A_1441, %swap3A_1442, %swap3A_1443] {strides = array<i32>} : memref<4x16x768xf32, #tpu.memory_space<vmem>>, vector<1x1x16xf32>,
        %swap3A_1445 = vector.shape_cast %swap3A_1444 : vector<1x1x16xf32> to vector<16xf32>
        %swap3A_1446 = vector.shape_cast %get3A_1432 : vector<16xf32> to vector<1x1x16xf32>
        tpu.vector_store %arg6[%swap3A_1441, %swap3A_1442, %swap3A_1443], %swap3A_1446 {add = true, strides = array<i32>} : memref<4x16x768xf32, #tpu.memory_space<vmem>>, vector<1x1x16xf32>,
        %swap3A_1447 = arith.constant 2 : i32
        %swap3A_1448 = arith.index_cast %swap3A_1447 : i32 to index
        %swap3A_1449 = arith.index_cast %scan3A_149 : i32 to index
        %swap3A_1450 = arith.constant 640 : index
        %swap3A_1451 = tpu.vector_load %arg6[%swap3A_1448, %swap3A_1449, %swap3A_1450] {strides = array<i32>} : memref<4x16x768xf32, #tpu.memory_space<vmem>>, vector<1x1x16xf32>,
        %swap3A_1452 = vector.shape_cast %swap3A_1451 : vector<1x1x16xf32> to vector<16xf32>
        %swap3A_1453 = vector.shape_cast %get3A_1432 : vector<16xf32> to vector<1x1x16xf32>
        tpu.vector_store %arg6[%swap3A_1448, %swap3A_1449, %swap3A_1450], %swap3A_1453 {add = true, strides = array<i32>} : memref<4x16x768xf32, #tpu.memory_space<vmem>>, vector<1x1x16xf32>,
        %swap3A_1454 = arith.constant 3 : i32
        %swap3A_1455 = arith.index_cast %swap3A_1454 : i32 to index
        %swap3A_1456 = arith.index_cast %scan3A_149 : i32 to index
        %swap3A_1457 = arith.constant 640 : index
        %swap3A_1458 = tpu.vector_load %arg6[%swap3A_1455, %swap3A_1456, %swap3A_1457] {strides = array<i32>} : memref<4x16x768xf32, #tpu.memory_space<vmem>>, vector<1x1x16xf32>,
        %swap3A_1459 = vector.shape_cast %swap3A_1458 : vector<1x1x16xf32> to vector<16xf32>
        %swap3A_1460 = vector.shape_cast %get3A_1432 : vector<16xf32> to vector<1x1x16xf32>
        tpu.vector_store %arg6[%swap3A_1455, %swap3A_1456, %swap3A_1457], %swap3A_1460 {add = true, strides = array<i32>} : memref<4x16x768xf32, #tpu.memory_space<vmem>>, vector<1x1x16xf32>,
        %get3A_1461 = arith.index_cast %scan3A_149 : i32 to index
        %get3A_1462 = arith.constant 656 : index
        %get3A_1463 = tpu.vector_load %arg8[%get3A_1461, %get3A_1462] {strides = array<i32>} : memref<16x768xf32, #tpu.memory_space<vmem>>, vector<1x16xf32>,
        %get3A_1464 = vector.shape_cast %get3A_1463 : vector<1x16xf32> to vector<16xf32>
        %swap3A_1465 = arith.constant 0 : i32
        %swap3A_1466 = arith.index_cast %swap3A_1465 : i32 to index
        %swap3A_1467 = arith.index_cast %scan3A_149 : i32 to index
        %swap3A_1468 = arith.constant 656 : index
        %swap3A_1469 = tpu.vector_load %arg6[%swap3A_1466, %swap3A_1467, %swap3A_1468] {strides = array<i32>} : memref<4x16x768xf32, #tpu.memory_space<vmem>>, vector<1x1x16xf32>,
        %swap3A_1470 = vector.shape_cast %swap3A_1469 : vector<1x1x16xf32> to vector<16xf32>
        %swap3A_1471 = vector.shape_cast %get3A_1464 : vector<16xf32> to vector<1x1x16xf32>
        tpu.vector_store %arg6[%swap3A_1466, %swap3A_1467, %swap3A_1468], %swap3A_1471 {add = true, strides = array<i32>} : memref<4x16x768xf32, #tpu.memory_space<vmem>>, vector<1x1x16xf32>,
        %swap3A_1472 = arith.constant 1 : i32
        %swap3A_1473 = arith.index_cast %swap3A_1472 : i32 to index
        %swap3A_1474 = arith.index_cast %scan3A_149 : i32 to index
        %swap3A_1475 = arith.constant 656 : index
        %swap3A_1476 = tpu.vector_load %arg6[%swap3A_1473, %swap3A_1474, %swap3A_1475] {strides = array<i32>} : memref<4x16x768xf32, #tpu.memory_space<vmem>>, vector<1x1x16xf32>,
        %swap3A_1477 = vector.shape_cast %swap3A_1476 : vector<1x1x16xf32> to vector<16xf32>
        %swap3A_1478 = vector.shape_cast %get3A_1464 : vector<16xf32> to vector<1x1x16xf32>
        tpu.vector_store %arg6[%swap3A_1473, %swap3A_1474, %swap3A_1475], %swap3A_1478 {add = true, strides = array<i32>} : memref<4x16x768xf32, #tpu.memory_space<vmem>>, vector<1x1x16xf32>,
        %swap3A_1479 = arith.constant 2 : i32
        %swap3A_1480 = arith.index_cast %swap3A_1479 : i32 to index
        %swap3A_1481 = arith.index_cast %scan3A_149 : i32 to index
        %swap3A_1482 = arith.constant 656 : index
        %swap3A_1483 = tpu.vector_load %arg6[%swap3A_1480, %swap3A_1481, %swap3A_1482] {strides = array<i32>} : memref<4x16x768xf32, #tpu.memory_space<vmem>>, vector<1x1x16xf32>,
        %swap3A_1484 = vector.shape_cast %swap3A_1483 : vector<1x1x16xf32> to vector<16xf32>
        %swap3A_1485 = vector.shape_cast %get3A_1464 : vector<16xf32> to vector<1x1x16xf32>
        tpu.vector_store %arg6[%swap3A_1480, %swap3A_1481, %swap3A_1482], %swap3A_1485 {add = true, strides = array<i32>} : memref<4x16x768xf32, #tpu.memory_space<vmem>>, vector<1x1x16xf32>,
        %swap3A_1486 = arith.constant 3 : i32
        %swap3A_1487 = arith.index_cast %swap3A_1486 : i32 to index
        %swap3A_1488 = arith.index_cast %scan3A_149 : i32 to index
        %swap3A_1489 = arith.constant 656 : index
        %swap3A_1490 = tpu.vector_load %arg6[%swap3A_1487, %swap3A_1488, %swap3A_1489] {strides = array<i32>} : memref<4x16x768xf32, #tpu.memory_space<vmem>>, vector<1x1x16xf32>,
        %swap3A_1491 = vector.shape_cast %swap3A_1490 : vector<1x1x16xf32> to vector<16xf32>
        %swap3A_1492 = vector.shape_cast %get3A_1464 : vector<16xf32> to vector<1x1x16xf32>
        tpu.vector_store %arg6[%swap3A_1487, %swap3A_1488, %swap3A_1489], %swap3A_1492 {add = true, strides = array<i32>} : memref<4x16x768xf32, #tpu.memory_space<vmem>>, vector<1x1x16xf32>,
        %get3A_1493 = arith.index_cast %scan3A_149 : i32 to index
        %get3A_1494 = arith.constant 672 : index
        %get3A_1495 = tpu.vector_load %arg8[%get3A_1493, %get3A_1494] {strides = array<i32>} : memref<16x768xf32, #tpu.memory_space<vmem>>, vector<1x16xf32>,
        %get3A_1496 = vector.shape_cast %get3A_1495 : vector<1x16xf32> to vector<16xf32>
        %swap3A_1497 = arith.constant 0 : i32
        %swap3A_1498 = arith.index_cast %swap3A_1497 : i32 to index
        %swap3A_1499 = arith.index_cast %scan3A_149 : i32 to index
        %swap3A_1500 = arith.constant 672 : index
        %swap3A_1501 = tpu.vector_load %arg6[%swap3A_1498, %swap3A_1499, %swap3A_1500] {strides = array<i32>} : memref<4x16x768xf32, #tpu.memory_space<vmem>>, vector<1x1x16xf32>,
        %swap3A_1502 = vector.shape_cast %swap3A_1501 : vector<1x1x16xf32> to vector<16xf32>
        %swap3A_1503 = vector.shape_cast %get3A_1496 : vector<16xf32> to vector<1x1x16xf32>
        tpu.vector_store %arg6[%swap3A_1498, %swap3A_1499, %swap3A_1500], %swap3A_1503 {add = true, strides = array<i32>} : memref<4x16x768xf32, #tpu.memory_space<vmem>>, vector<1x1x16xf32>,
        %swap3A_1504 = arith.constant 1 : i32
        %swap3A_1505 = arith.index_cast %swap3A_1504 : i32 to index
        %swap3A_1506 = arith.index_cast %scan3A_149 : i32 to index
        %swap3A_1507 = arith.constant 672 : index
        %swap3A_1508 = tpu.vector_load %arg6[%swap3A_1505, %swap3A_1506, %swap3A_1507] {strides = array<i32>} : memref<4x16x768xf32, #tpu.memory_space<vmem>>, vector<1x1x16xf32>,
        %swap3A_1509 = vector.shape_cast %swap3A_1508 : vector<1x1x16xf32> to vector<16xf32>
        %swap3A_1510 = vector.shape_cast %get3A_1496 : vector<16xf32> to vector<1x1x16xf32>
        tpu.vector_store %arg6[%swap3A_1505, %swap3A_1506, %swap3A_1507], %swap3A_1510 {add = true, strides = array<i32>} : memref<4x16x768xf32, #tpu.memory_space<vmem>>, vector<1x1x16xf32>,
        %swap3A_1511 = arith.constant 2 : i32
        %swap3A_1512 = arith.index_cast %swap3A_1511 : i32 to index
        %swap3A_1513 = arith.index_cast %scan3A_149 : i32 to index
        %swap3A_1514 = arith.constant 672 : index
        %swap3A_1515 = tpu.vector_load %arg6[%swap3A_1512, %swap3A_1513, %swap3A_1514] {strides = array<i32>} : memref<4x16x768xf32, #tpu.memory_space<vmem>>, vector<1x1x16xf32>,
        %swap3A_1516 = vector.shape_cast %swap3A_1515 : vector<1x1x16xf32> to vector<16xf32>
        %swap3A_1517 = vector.shape_cast %get3A_1496 : vector<16xf32> to vector<1x1x16xf32>
        tpu.vector_store %arg6[%swap3A_1512, %swap3A_1513, %swap3A_1514], %swap3A_1517 {add = true, strides = array<i32>} : memref<4x16x768xf32, #tpu.memory_space<vmem>>, vector<1x1x16xf32>,
        %swap3A_1518 = arith.constant 3 : i32
        %swap3A_1519 = arith.index_cast %swap3A_1518 : i32 to index
        %swap3A_1520 = arith.index_cast %scan3A_149 : i32 to index
        %swap3A_1521 = arith.constant 672 : index
        %swap3A_1522 = tpu.vector_load %arg6[%swap3A_1519, %swap3A_1520, %swap3A_1521] {strides = array<i32>} : memref<4x16x768xf32, #tpu.memory_space<vmem>>, vector<1x1x16xf32>,
        %swap3A_1523 = vector.shape_cast %swap3A_1522 : vector<1x1x16xf32> to vector<16xf32>
        %swap3A_1524 = vector.shape_cast %get3A_1496 : vector<16xf32> to vector<1x1x16xf32>
        tpu.vector_store %arg6[%swap3A_1519, %swap3A_1520, %swap3A_1521], %swap3A_1524 {add = true, strides = array<i32>} : memref<4x16x768xf32, #tpu.memory_space<vmem>>, vector<1x1x16xf32>,
        %get3A_1525 = arith.index_cast %scan3A_149 : i32 to index
        %get3A_1526 = arith.constant 688 : index
        %get3A_1527 = tpu.vector_load %arg8[%get3A_1525, %get3A_1526] {strides = array<i32>} : memref<16x768xf32, #tpu.memory_space<vmem>>, vector<1x16xf32>,
        %get3A_1528 = vector.shape_cast %get3A_1527 : vector<1x16xf32> to vector<16xf32>
        %swap3A_1529 = arith.constant 0 : i32
        %swap3A_1530 = arith.index_cast %swap3A_1529 : i32 to index
        %swap3A_1531 = arith.index_cast %scan3A_149 : i32 to index
        %swap3A_1532 = arith.constant 688 : index
        %swap3A_1533 = tpu.vector_load %arg6[%swap3A_1530, %swap3A_1531, %swap3A_1532] {strides = array<i32>} : memref<4x16x768xf32, #tpu.memory_space<vmem>>, vector<1x1x16xf32>,
        %swap3A_1534 = vector.shape_cast %swap3A_1533 : vector<1x1x16xf32> to vector<16xf32>
        %swap3A_1535 = vector.shape_cast %get3A_1528 : vector<16xf32> to vector<1x1x16xf32>
        tpu.vector_store %arg6[%swap3A_1530, %swap3A_1531, %swap3A_1532], %swap3A_1535 {add = true, strides = array<i32>} : memref<4x16x768xf32, #tpu.memory_space<vmem>>, vector<1x1x16xf32>,
        %swap3A_1536 = arith.constant 1 : i32
        %swap3A_1537 = arith.index_cast %swap3A_1536 : i32 to index
        %swap3A_1538 = arith.index_cast %scan3A_149 : i32 to index
        %swap3A_1539 = arith.constant 688 : index
        %swap3A_1540 = tpu.vector_load %arg6[%swap3A_1537, %swap3A_1538, %swap3A_1539] {strides = array<i32>} : memref<4x16x768xf32, #tpu.memory_space<vmem>>, vector<1x1x16xf32>,
        %swap3A_1541 = vector.shape_cast %swap3A_1540 : vector<1x1x16xf32> to vector<16xf32>
        %swap3A_1542 = vector.shape_cast %get3A_1528 : vector<16xf32> to vector<1x1x16xf32>
        tpu.vector_store %arg6[%swap3A_1537, %swap3A_1538, %swap3A_1539], %swap3A_1542 {add = true, strides = array<i32>} : memref<4x16x768xf32, #tpu.memory_space<vmem>>, vector<1x1x16xf32>,
        %swap3A_1543 = arith.constant 2 : i32
        %swap3A_1544 = arith.index_cast %swap3A_1543 : i32 to index
        %swap3A_1545 = arith.index_cast %scan3A_149 : i32 to index
        %swap3A_1546 = arith.constant 688 : index
        %swap3A_1547 = tpu.vector_load %arg6[%swap3A_1544, %swap3A_1545, %swap3A_1546] {strides = array<i32>} : memref<4x16x768xf32, #tpu.memory_space<vmem>>, vector<1x1x16xf32>,
        %swap3A_1548 = vector.shape_cast %swap3A_1547 : vector<1x1x16xf32> to vector<16xf32>
        %swap3A_1549 = vector.shape_cast %get3A_1528 : vector<16xf32> to vector<1x1x16xf32>
        tpu.vector_store %arg6[%swap3A_1544, %swap3A_1545, %swap3A_1546], %swap3A_1549 {add = true, strides = array<i32>} : memref<4x16x768xf32, #tpu.memory_space<vmem>>, vector<1x1x16xf32>,
        %swap3A_1550 = arith.constant 3 : i32
        %swap3A_1551 = arith.index_cast %swap3A_1550 : i32 to index
        %swap3A_1552 = arith.index_cast %scan3A_149 : i32 to index
        %swap3A_1553 = arith.constant 688 : index
        %swap3A_1554 = tpu.vector_load %arg6[%swap3A_1551, %swap3A_1552, %swap3A_1553] {strides = array<i32>} : memref<4x16x768xf32, #tpu.memory_space<vmem>>, vector<1x1x16xf32>,
        %swap3A_1555 = vector.shape_cast %swap3A_1554 : vector<1x1x16xf32> to vector<16xf32>
        %swap3A_1556 = vector.shape_cast %get3A_1528 : vector<16xf32> to vector<1x1x16xf32>
        tpu.vector_store %arg6[%swap3A_1551, %swap3A_1552, %swap3A_1553], %swap3A_1556 {add = true, strides = array<i32>} : memref<4x16x768xf32, #tpu.memory_space<vmem>>, vector<1x1x16xf32>,
        %get3A_1557 = arith.index_cast %scan3A_149 : i32 to index
        %get3A_1558 = arith.constant 704 : index
        %get3A_1559 = tpu.vector_load %arg8[%get3A_1557, %get3A_1558] {strides = array<i32>} : memref<16x768xf32, #tpu.memory_space<vmem>>, vector<1x16xf32>,
        %get3A_1560 = vector.shape_cast %get3A_1559 : vector<1x16xf32> to vector<16xf32>
        %swap3A_1561 = arith.constant 0 : i32
        %swap3A_1562 = arith.index_cast %swap3A_1561 : i32 to index
        %swap3A_1563 = arith.index_cast %scan3A_149 : i32 to index
        %swap3A_1564 = arith.constant 704 : index
        %swap3A_1565 = tpu.vector_load %arg6[%swap3A_1562, %swap3A_1563, %swap3A_1564] {strides = array<i32>} : memref<4x16x768xf32, #tpu.memory_space<vmem>>, vector<1x1x16xf32>,
        %swap3A_1566 = vector.shape_cast %swap3A_1565 : vector<1x1x16xf32> to vector<16xf32>
        %swap3A_1567 = vector.shape_cast %get3A_1560 : vector<16xf32> to vector<1x1x16xf32>
        tpu.vector_store %arg6[%swap3A_1562, %swap3A_1563, %swap3A_1564], %swap3A_1567 {add = true, strides = array<i32>} : memref<4x16x768xf32, #tpu.memory_space<vmem>>, vector<1x1x16xf32>,
        %swap3A_1568 = arith.constant 1 : i32
        %swap3A_1569 = arith.index_cast %swap3A_1568 : i32 to index
        %swap3A_1570 = arith.index_cast %scan3A_149 : i32 to index
        %swap3A_1571 = arith.constant 704 : index
        %swap3A_1572 = tpu.vector_load %arg6[%swap3A_1569, %swap3A_1570, %swap3A_1571] {strides = array<i32>} : memref<4x16x768xf32, #tpu.memory_space<vmem>>, vector<1x1x16xf32>,
        %swap3A_1573 = vector.shape_cast %swap3A_1572 : vector<1x1x16xf32> to vector<16xf32>
        %swap3A_1574 = vector.shape_cast %get3A_1560 : vector<16xf32> to vector<1x1x16xf32>
        tpu.vector_store %arg6[%swap3A_1569, %swap3A_1570, %swap3A_1571], %swap3A_1574 {add = true, strides = array<i32>} : memref<4x16x768xf32, #tpu.memory_space<vmem>>, vector<1x1x16xf32>,
        %swap3A_1575 = arith.constant 2 : i32
        %swap3A_1576 = arith.index_cast %swap3A_1575 : i32 to index
        %swap3A_1577 = arith.index_cast %scan3A_149 : i32 to index
        %swap3A_1578 = arith.constant 704 : index
        %swap3A_1579 = tpu.vector_load %arg6[%swap3A_1576, %swap3A_1577, %swap3A_1578] {strides = array<i32>} : memref<4x16x768xf32, #tpu.memory_space<vmem>>, vector<1x1x16xf32>,
        %swap3A_1580 = vector.shape_cast %swap3A_1579 : vector<1x1x16xf32> to vector<16xf32>
        %swap3A_1581 = vector.shape_cast %get3A_1560 : vector<16xf32> to vector<1x1x16xf32>
        tpu.vector_store %arg6[%swap3A_1576, %swap3A_1577, %swap3A_1578], %swap3A_1581 {add = true, strides = array<i32>} : memref<4x16x768xf32, #tpu.memory_space<vmem>>, vector<1x1x16xf32>,
        %swap3A_1582 = arith.constant 3 : i32
        %swap3A_1583 = arith.index_cast %swap3A_1582 : i32 to index
        %swap3A_1584 = arith.index_cast %scan3A_149 : i32 to index
        %swap3A_1585 = arith.constant 704 : index
        %swap3A_1586 = tpu.vector_load %arg6[%swap3A_1583, %swap3A_1584, %swap3A_1585] {strides = array<i32>} : memref<4x16x768xf32, #tpu.memory_space<vmem>>, vector<1x1x16xf32>,
        %swap3A_1587 = vector.shape_cast %swap3A_1586 : vector<1x1x16xf32> to vector<16xf32>
        %swap3A_1588 = vector.shape_cast %get3A_1560 : vector<16xf32> to vector<1x1x16xf32>
        tpu.vector_store %arg6[%swap3A_1583, %swap3A_1584, %swap3A_1585], %swap3A_1588 {add = true, strides = array<i32>} : memref<4x16x768xf32, #tpu.memory_space<vmem>>, vector<1x1x16xf32>,
        %get3A_1589 = arith.index_cast %scan3A_149 : i32 to index
        %get3A_1590 = arith.constant 720 : index
        %get3A_1591 = tpu.vector_load %arg8[%get3A_1589, %get3A_1590] {strides = array<i32>} : memref<16x768xf32, #tpu.memory_space<vmem>>, vector<1x16xf32>,
        %get3A_1592 = vector.shape_cast %get3A_1591 : vector<1x16xf32> to vector<16xf32>
        %swap3A_1593 = arith.constant 0 : i32
        %swap3A_1594 = arith.index_cast %swap3A_1593 : i32 to index
        %swap3A_1595 = arith.index_cast %scan3A_149 : i32 to index
        %swap3A_1596 = arith.constant 720 : index
        %swap3A_1597 = tpu.vector_load %arg6[%swap3A_1594, %swap3A_1595, %swap3A_1596] {strides = array<i32>} : memref<4x16x768xf32, #tpu.memory_space<vmem>>, vector<1x1x16xf32>,
        %swap3A_1598 = vector.shape_cast %swap3A_1597 : vector<1x1x16xf32> to vector<16xf32>
        %swap3A_1599 = vector.shape_cast %get3A_1592 : vector<16xf32> to vector<1x1x16xf32>
        tpu.vector_store %arg6[%swap3A_1594, %swap3A_1595, %swap3A_1596], %swap3A_1599 {add = true, strides = array<i32>} : memref<4x16x768xf32, #tpu.memory_space<vmem>>, vector<1x1x16xf32>,
        %swap3A_1600 = arith.constant 1 : i32
        %swap3A_1601 = arith.index_cast %swap3A_1600 : i32 to index
        %swap3A_1602 = arith.index_cast %scan3A_149 : i32 to index
        %swap3A_1603 = arith.constant 720 : index
        %swap3A_1604 = tpu.vector_load %arg6[%swap3A_1601, %swap3A_1602, %swap3A_1603] {strides = array<i32>} : memref<4x16x768xf32, #tpu.memory_space<vmem>>, vector<1x1x16xf32>,
        %swap3A_1605 = vector.shape_cast %swap3A_1604 : vector<1x1x16xf32> to vector<16xf32>
        %swap3A_1606 = vector.shape_cast %get3A_1592 : vector<16xf32> to vector<1x1x16xf32>
        tpu.vector_store %arg6[%swap3A_1601, %swap3A_1602, %swap3A_1603], %swap3A_1606 {add = true, strides = array<i32>} : memref<4x16x768xf32, #tpu.memory_space<vmem>>, vector<1x1x16xf32>,
        %swap3A_1607 = arith.constant 2 : i32
        %swap3A_1608 = arith.index_cast %swap3A_1607 : i32 to index
        %swap3A_1609 = arith.index_cast %scan3A_149 : i32 to index
        %swap3A_1610 = arith.constant 720 : index
        %swap3A_1611 = tpu.vector_load %arg6[%swap3A_1608, %swap3A_1609, %swap3A_1610] {strides = array<i32>} : memref<4x16x768xf32, #tpu.memory_space<vmem>>, vector<1x1x16xf32>,
        %swap3A_1612 = vector.shape_cast %swap3A_1611 : vector<1x1x16xf32> to vector<16xf32>
        %swap3A_1613 = vector.shape_cast %get3A_1592 : vector<16xf32> to vector<1x1x16xf32>
        tpu.vector_store %arg6[%swap3A_1608, %swap3A_1609, %swap3A_1610], %swap3A_1613 {add = true, strides = array<i32>} : memref<4x16x768xf32, #tpu.memory_space<vmem>>, vector<1x1x16xf32>,
        %swap3A_1614 = arith.constant 3 : i32
        %swap3A_1615 = arith.index_cast %swap3A_1614 : i32 to index
        %swap3A_1616 = arith.index_cast %scan3A_149 : i32 to index
        %swap3A_1617 = arith.constant 720 : index
        %swap3A_1618 = tpu.vector_load %arg6[%swap3A_1615, %swap3A_1616, %swap3A_1617] {strides = array<i32>} : memref<4x16x768xf32, #tpu.memory_space<vmem>>, vector<1x1x16xf32>,
        %swap3A_1619 = vector.shape_cast %swap3A_1618 : vector<1x1x16xf32> to vector<16xf32>
        %swap3A_1620 = vector.shape_cast %get3A_1592 : vector<16xf32> to vector<1x1x16xf32>
        tpu.vector_store %arg6[%swap3A_1615, %swap3A_1616, %swap3A_1617], %swap3A_1620 {add = true, strides = array<i32>} : memref<4x16x768xf32, #tpu.memory_space<vmem>>, vector<1x1x16xf32>,
        %get3A_1621 = arith.index_cast %scan3A_149 : i32 to index
        %get3A_1622 = arith.constant 736 : index
        %get3A_1623 = tpu.vector_load %arg8[%get3A_1621, %get3A_1622] {strides = array<i32>} : memref<16x768xf32, #tpu.memory_space<vmem>>, vector<1x16xf32>,
        %get3A_1624 = vector.shape_cast %get3A_1623 : vector<1x16xf32> to vector<16xf32>
        %swap3A_1625 = arith.constant 0 : i32
        %swap3A_1626 = arith.index_cast %swap3A_1625 : i32 to index
        %swap3A_1627 = arith.index_cast %scan3A_149 : i32 to index
        %swap3A_1628 = arith.constant 736 : index
        %swap3A_1629 = tpu.vector_load %arg6[%swap3A_1626, %swap3A_1627, %swap3A_1628] {strides = array<i32>} : memref<4x16x768xf32, #tpu.memory_space<vmem>>, vector<1x1x16xf32>,
        %swap3A_1630 = vector.shape_cast %swap3A_1629 : vector<1x1x16xf32> to vector<16xf32>
        %swap3A_1631 = vector.shape_cast %get3A_1624 : vector<16xf32> to vector<1x1x16xf32>
        tpu.vector_store %arg6[%swap3A_1626, %swap3A_1627, %swap3A_1628], %swap3A_1631 {add = true, strides = array<i32>} : memref<4x16x768xf32, #tpu.memory_space<vmem>>, vector<1x1x16xf32>,
        %swap3A_1632 = arith.constant 1 : i32
        %swap3A_1633 = arith.index_cast %swap3A_1632 : i32 to index
        %swap3A_1634 = arith.index_cast %scan3A_149 : i32 to index
        %swap3A_1635 = arith.constant 736 : index
        %swap3A_1636 = tpu.vector_load %arg6[%swap3A_1633, %swap3A_1634, %swap3A_1635] {strides = array<i32>} : memref<4x16x768xf32, #tpu.memory_space<vmem>>, vector<1x1x16xf32>,
        %swap3A_1637 = vector.shape_cast %swap3A_1636 : vector<1x1x16xf32> to vector<16xf32>
        %swap3A_1638 = vector.shape_cast %get3A_1624 : vector<16xf32> to vector<1x1x16xf32>
        tpu.vector_store %arg6[%swap3A_1633, %swap3A_1634, %swap3A_1635], %swap3A_1638 {add = true, strides = array<i32>} : memref<4x16x768xf32, #tpu.memory_space<vmem>>, vector<1x1x16xf32>,
        %swap3A_1639 = arith.constant 2 : i32
        %swap3A_1640 = arith.index_cast %swap3A_1639 : i32 to index
        %swap3A_1641 = arith.index_cast %scan3A_149 : i32 to index
        %swap3A_1642 = arith.constant 736 : index
        %swap3A_1643 = tpu.vector_load %arg6[%swap3A_1640, %swap3A_1641, %swap3A_1642] {strides = array<i32>} : memref<4x16x768xf32, #tpu.memory_space<vmem>>, vector<1x1x16xf32>,
        %swap3A_1644 = vector.shape_cast %swap3A_1643 : vector<1x1x16xf32> to vector<16xf32>
        %swap3A_1645 = vector.shape_cast %get3A_1624 : vector<16xf32> to vector<1x1x16xf32>
        tpu.vector_store %arg6[%swap3A_1640, %swap3A_1641, %swap3A_1642], %swap3A_1645 {add = true, strides = array<i32>} : memref<4x16x768xf32, #tpu.memory_space<vmem>>, vector<1x1x16xf32>,
        %swap3A_1646 = arith.constant 3 : i32
        %swap3A_1647 = arith.index_cast %swap3A_1646 : i32 to index
        %swap3A_1648 = arith.index_cast %scan3A_149 : i32 to index
        %swap3A_1649 = arith.constant 736 : index
        %swap3A_1650 = tpu.vector_load %arg6[%swap3A_1647, %swap3A_1648, %swap3A_1649] {strides = array<i32>} : memref<4x16x768xf32, #tpu.memory_space<vmem>>, vector<1x1x16xf32>,
        %swap3A_1651 = vector.shape_cast %swap3A_1650 : vector<1x1x16xf32> to vector<16xf32>
        %swap3A_1652 = vector.shape_cast %get3A_1624 : vector<16xf32> to vector<1x1x16xf32>
        tpu.vector_store %arg6[%swap3A_1647, %swap3A_1648, %swap3A_1649], %swap3A_1652 {add = true, strides = array<i32>} : memref<4x16x768xf32, #tpu.memory_space<vmem>>, vector<1x1x16xf32>,
        %get3A_1653 = arith.index_cast %scan3A_149 : i32 to index
        %get3A_1654 = arith.constant 752 : index
        %get3A_1655 = tpu.vector_load %arg8[%get3A_1653, %get3A_1654] {strides = array<i32>} : memref<16x768xf32, #tpu.memory_space<vmem>>, vector<1x16xf32>,
        %get3A_1656 = vector.shape_cast %get3A_1655 : vector<1x16xf32> to vector<16xf32>
        %swap3A_1657 = arith.constant 0 : i32
        %swap3A_1658 = arith.index_cast %swap3A_1657 : i32 to index
        %swap3A_1659 = arith.index_cast %scan3A_149 : i32 to index
        %swap3A_1660 = arith.constant 752 : index
        %swap3A_1661 = tpu.vector_load %arg6[%swap3A_1658, %swap3A_1659, %swap3A_1660] {strides = array<i32>} : memref<4x16x768xf32, #tpu.memory_space<vmem>>, vector<1x1x16xf32>,
        %swap3A_1662 = vector.shape_cast %swap3A_1661 : vector<1x1x16xf32> to vector<16xf32>
        %swap3A_1663 = vector.shape_cast %get3A_1656 : vector<16xf32> to vector<1x1x16xf32>
        tpu.vector_store %arg6[%swap3A_1658, %swap3A_1659, %swap3A_1660], %swap3A_1663 {add = true, strides = array<i32>} : memref<4x16x768xf32, #tpu.memory_space<vmem>>, vector<1x1x16xf32>,
        %swap3A_1664 = arith.constant 1 : i32
        %swap3A_1665 = arith.index_cast %swap3A_1664 : i32 to index
        %swap3A_1666 = arith.index_cast %scan3A_149 : i32 to index
        %swap3A_1667 = arith.constant 752 : index
        %swap3A_1668 = tpu.vector_load %arg6[%swap3A_1665, %swap3A_1666, %swap3A_1667] {strides = array<i32>} : memref<4x16x768xf32, #tpu.memory_space<vmem>>, vector<1x1x16xf32>,
        %swap3A_1669 = vector.shape_cast %swap3A_1668 : vector<1x1x16xf32> to vector<16xf32>
        %swap3A_1670 = vector.shape_cast %get3A_1656 : vector<16xf32> to vector<1x1x16xf32>
        tpu.vector_store %arg6[%swap3A_1665, %swap3A_1666, %swap3A_1667], %swap3A_1670 {add = true, strides = array<i32>} : memref<4x16x768xf32, #tpu.memory_space<vmem>>, vector<1x1x16xf32>,
        %swap3A_1671 = arith.constant 2 : i32
        %swap3A_1672 = arith.index_cast %swap3A_1671 : i32 to index
        %swap3A_1673 = arith.index_cast %scan3A_149 : i32 to index
        %swap3A_1674 = arith.constant 752 : index
        %swap3A_1675 = tpu.vector_load %arg6[%swap3A_1672, %swap3A_1673, %swap3A_1674] {strides = array<i32>} : memref<4x16x768xf32, #tpu.memory_space<vmem>>, vector<1x1x16xf32>,
        %swap3A_1676 = vector.shape_cast %swap3A_1675 : vector<1x1x16xf32> to vector<16xf32>
        %swap3A_1677 = vector.shape_cast %get3A_1656 : vector<16xf32> to vector<1x1x16xf32>
        tpu.vector_store %arg6[%swap3A_1672, %swap3A_1673, %swap3A_1674], %swap3A_1677 {add = true, strides = array<i32>} : memref<4x16x768xf32, #tpu.memory_space<vmem>>, vector<1x1x16xf32>,
        %swap3A_1678 = arith.constant 3 : i32
        %swap3A_1679 = arith.index_cast %swap3A_1678 : i32 to index
        %swap3A_1680 = arith.index_cast %scan3A_149 : i32 to index
        %swap3A_1681 = arith.constant 752 : index
        %swap3A_1682 = tpu.vector_load %arg6[%swap3A_1679, %swap3A_1680, %swap3A_1681] {strides = array<i32>} : memref<4x16x768xf32, #tpu.memory_space<vmem>>, vector<1x1x16xf32>,
        %swap3A_1683 = vector.shape_cast %swap3A_1682 : vector<1x1x16xf32> to vector<16xf32>
        %swap3A_1684 = vector.shape_cast %get3A_1656 : vector<16xf32> to vector<1x1x16xf32>
        tpu.vector_store %arg6[%swap3A_1679, %swap3A_1680, %swap3A_1681], %swap3A_1684 {add = true, strides = array<i32>} : memref<4x16x768xf32, #tpu.memory_space<vmem>>, vector<1x1x16xf32>,
      }
      %scan3A_136 = arith.constant 16 : i32
      %add3A_137 = arith.constant 1 : i32
      %add3A_138 = arith.addi %mul3A_25, %add3A_137 : i32
      %mul3A_139 = arith.constant 16 : i32
      %mul3A_140 = arith.muli %add3A_138, %mul3A_139 : i32
      %add3A_141 = arith.addi %mul3A_2, %mul3A_140 : i32
      %multiple_of3A_142 = tpu.assume_multiple %add3A_141, 16 : i32
      %dma_start3A_143 = arith.constant 0 : i32
      %dma_start3A_144 = arith.constant 0 : i32
      %dma_start3A_145 = tpu.memref_slice %arg4[%dma_start3A_143, %multiple_of3A_142, %dma_start3A_144] : memref<4x8192x768xf32, #tpu.memory_space<hbm>> -> memref<4x16x768xf32, #tpu.memory_space<hbm>>
      %dma_start3A_146 = arith.constant 0 : i32
      %dma_start3A_147 = arith.constant 0 : i32
      %dma_start3A_148 = tpu.memref_slice %arg4[%dma_start3A_146, %multiple_of3A_142, %dma_start3A_147] : memref<4x8192x768xf32, #tpu.memory_space<hbm>> -> memref<4x16x768xf32, #tpu.memory_space<hbm>>
      tpu.enqueue_dma source(%arg6 : memref<4x16x768xf32, #tpu.memory_space<vmem>>) target(%dma_start3A_148 : memref<4x16x768xf32, #tpu.memory_space<hbm>>) target_semaphore(%arg14 : memref<!tpu.dma_semaphore, #tpu.memory_space<semaphore_mem>>)
    }
    %scan3A_14 = arith.constant 8 : i32
    %add3A_15 = arith.constant 240 : i32
    %add3A_16 = arith.addi %mul3A_2, %add3A_15 : i32
    %multiple_of3A_17 = tpu.assume_multiple %add3A_16, 16 : i32
    %dma_wait3A = arith.constant 0 : i32
    %dma_wait3A_18 = arith.constant 0 : i32
    %dma_wait3A_19 = tpu.memref_slice %arg4[%dma_wait3A, %multiple_of3A_17, %dma_wait3A_18] : memref<4x8192x768xf32, #tpu.memory_space<hbm>> -> memref<4x16x768xf32, #tpu.memory_space<hbm>>
    %dma_wait3A_20 = arith.constant 0 : i32
    %dma_wait3A_21 = arith.constant 0 : i32
    %dma_wait3A_22 = tpu.memref_slice %arg4[%dma_wait3A_20, %multiple_of3A_17, %dma_wait3A_21] : memref<4x8192x768xf32, #tpu.memory_space<hbm>> -> memref<4x16x768xf32, #tpu.memory_space<hbm>>
    tpu.wait_dma2 semaphore(%arg14 : memref<!tpu.dma_semaphore, #tpu.memory_space<semaphore_mem>>) src(%arg6 : memref<4x16x768xf32, #tpu.memory_space<vmem>>) dst(%dma_wait3A_22 : memref<4x16x768xf32, #tpu.memory_space<hbm>>)
    return
  }
}

</mosaic_0001>

<sc_bundles>
// kernel: kernel.3.cloned.1.call-start
scs
__scs_entry_jumppad:
0x0: {  	(pc) =	sbr.rel $0x88, $3  }
0x1: {  	(tag) =	ssettag $0x0;
	lr =	simm.s32 $0x1  }
0x2: {  	[smem:$0x3F9F] =	sst lr;
	_ =	strace $0xD0000000  }
0x3: {  	_ = 	snop  }
0x4: {  	_ = 	snop  }
0x5: {  	_ = 	snop  }
0x6: {  	_ = 	snop  }
0x7: {  	_ = 	snop  }
__scs_overlays_trampoline_lowered:
0x8: {  	[smem:$0x3FAE] =	sst s0  }
0x9: {  	[smem:$0x3FAF] =	sst s1  }
0xa: {  	[smem:$0x3FB0] =	sst s2  }
0xb: {  	[smem:$0x3FB1] =	sst s3  }
0xc: {  	[smem:$0x3FB2] =	sst s4  }
0xd: {  	[smem:$0x3FB3] =	sst s5  }
0xe: {  	[smem:$0x3FB4] =	sst s6  }
0xf: {  	[smem:$0x3FB5] =	sst s7  }
0x10: {  	[smem:$0x3FB6] =	sst s8  }
0x11: {  	[smem:$0x3FB7] =	sst s9;
	s0 =	simm.s32 @!p0 $0x0  }
0x12: {  	s1 =	sld [smem:$0x3F9D];
	s0 =	simm.s32 @p0 $0x1  }
0x13: {  	[smem:$0x3FB8] =	sst s0;
	s0 =	simm.s32 @!p1 $0x0  }
0x14: {  	s2 =	sld [smem:$0x3F9C];
	s0 =	simm.s32 @p1 $0x1  }
0x15: {  	[smem:$0x3FB9] =	sst s0;
	s0 =	simm.s32 @!p2 $0x0  }
0x16: {  	s3 =	sld [smem:$0x3FDB];
	s0 =	simm.s32 @p2 $0x1  }
0x17: {  	s4 =	simm.s32 $0x1BF5;
	[smem:$0x3FBB] =	sst s0  }
0x18: {  	s0 =	sld [smem:$0x3F9E];
	_ =	swait.ge [sflag:s4], $0x0  }
0x19: {  	s7 =	sld [smem:$0x3F9F]  }
0x1a: {  	s8 =	sadd.s32 $0xFFFFE003, lr  }
0x1b: {  	s9 =	sadd.s32 $0xFFFFFEF7, lr;
	s5 =	simm.s32 $0xFFFFFFFF;
	p2 =	slt.u32 s8, $0xFFFFF086  }
0x1c: {  	p1 =	slt.u32 s9, $0xF7A;
	s5 =	simm.s32 @!p2 $0x0  }
0x1d: {  	s5 =	simm.s32 @p1 $0x1;
	p0 =	seq.s32 s7, s2  }
0x1e: {  	s7 =	smul.u32 @!p0 $0xF7A, s2;
	p2 =	seq.s32 @!p0 s5, $0x0  }
0x1f: {  	s9 =	smul.u32 $0xF7A, s1;
	s8 =	simm.s32 @!p0 $0x1BF5;
	p2 =	por !p2, p0  }
0x20: {  	[sflag:s8] =	ssyncset.s32 @!p0 $0xFFFFF086;
	s6 =	sadd.s32 @!p0 s3, s7;
	s7 =	simm.s32 @!p0 $0x108  }
0x21: {  	s3 =	sadd.s32 s3, s9;
	s6 =	sadd.s32 @!p0 $0x88, s6;
	s7 =	simm.s32 @p2 $0x1082  }
0x22: {  	[simem:s7], [sflag:s8] =	dma.local @!p0 [hbm:s6], $0xF7A  }
0x23: {  	s9 =	sor.u32 $0xD0000000, s2;
	s6 =	simm.s32 $0x108;
	_ =	swait.ge @!p0 [sflag:s8], $0x0  }
0x24: {  	s3 =	sadd.s32 $0x88, s3;
	s6 =	simm.s32 @!p1 $0x1082;
	[sflag:s4] =	ssyncset.s32 $0xFFFFF086  }
0x25: {  	[simem:s6], [sflag:s4] =	dma.local [hbm:s3], $0xF7A  }
0x26: {  	[smem:$0x3F9F] =	sst s1;
	(tag) =	ssettag s2;
	_ =	strace s9  }
0x27: {  	s1 =	sld [smem:$0x3FAF]  }
0x28: {  	s2 =	sld [smem:$0x3FB0]  }
0x29: {  	s4 =	sld [smem:$0x3FB2]  }
0x2a: {  	p0 =	seq.s32 s5, $0x0;
	s5 =	sld [smem:$0x3FB3]  }
0x2b: {  	s6 =	sld [smem:$0x3FB4]  }
0x2c: {  	s7 =	sld [smem:$0x3FB5]  }
0x2d: {  	s3 =	simm.s32 $0x108;
	s8 =	sld [smem:$0x3FB6]  }
0x2e: {  	s3 =	simm.s32 @!p0 $0x1082;
	s9 =	sld [smem:$0x3FB7]  }
0x2f: {  	lr =	sadd.s32 s0, s3;
	s0 =	sld [smem:$0x3FAE]  }
0x30: {  	s3 =	sld [smem:$0x3FB1]  }
0x31: {  	[smem:$0x3FBA] =	sst s10  }
0x32: {  	s10 =	sld [smem:$0x3FB8];
	_ =	sdelay $0x3  }
0x33: {  	p0 =	seq.s32 s10, $0x1;
	s10 =	sld [smem:$0x3FBA];
	_ =	sdelay $0x3  }
0x34: {  	[smem:$0x3FBA] =	sst s10  }
0x35: {  	s10 =	sld [smem:$0x3FB9];
	_ =	sdelay $0x3  }
0x36: {  	p1 =	seq.s32 s10, $0x1;
	s10 =	sld [smem:$0x3FBA];
	_ =	sdelay $0x3  }
0x37: {  	[smem:$0x3FBA] =	sst s10  }
0x38: {  	s10 =	sld [smem:$0x3FBB]  }
0x39: {  	_ = 	snop;
	(pc) =	sbr.ind lr, $3  }
0x3a: {  	_ = 	snop  }
0x3b: {  	_ = 	snop  }
0x3c: {  	p2 =	seq.s32 s10, $0x1;
	s10 =	sld [smem:$0x3FBA]  }
0x3d: {  	_ =	shalt  }
0x3e: {  	_ =	shalt  }
0x3f: {  	_ =	shalt  }
0x40: {  	_ =	shalt  }
0x41: {  	_ =	shalt  }
0x42: {  	_ =	shalt  }
0x43: {  	_ =	shalt  }
0x44: {  	_ =	shalt  }
0x45: {  	_ =	shalt  }
0x46: {  	_ =	shalt  }
0x47: {  	_ =	shalt  }
0x48: {  	_ =	shalt  }
0x49: {  	_ =	shalt  }
0x4a: {  	_ =	shalt  }
0x4b: {  	_ =	shalt  }
0x4c: {  	_ =	shalt  }
0x4d: {  	_ =	shalt  }
0x4e: {  	_ =	shalt  }
0x4f: {  	_ =	shalt  }
0x50: {  	_ =	shalt  }
0x51: {  	_ =	shalt  }
0x52: {  	_ =	shalt  }
0x53: {  	_ =	shalt  }
0x54: {  	_ =	shalt  }
0x55: {  	_ =	shalt  }
0x56: {  	_ =	shalt  }
0x57: {  	_ =	shalt  }
0x58: {  	_ =	shalt  }
0x59: {  	_ =	shalt  }
0x5a: {  	_ =	shalt  }
0x5b: {  	_ =	shalt  }
0x5c: {  	_ =	shalt  }
0x5d: {  	_ =	shalt  }
0x5e: {  	_ =	shalt  }
0x5f: {  	_ =	shalt  }
0x60: {  	_ =	shalt  }
0x61: {  	_ =	shalt  }
0x62: {  	_ =	shalt  }
0x63: {  	_ =	shalt  }
0x64: {  	_ =	shalt  }
0x65: {  	_ =	shalt  }
0x66: {  	_ =	shalt  }
0x67: {  	_ =	shalt  }
0x68: {  	_ =	shalt  }
0x69: {  	_ =	shalt  }
0x6a: {  	_ =	shalt  }
0x6b: {  	_ =	shalt  }
0x6c: {  	_ =	shalt  }
0x6d: {  	_ =	shalt  }
0x6e: {  	_ =	shalt  }
0x6f: {  	_ =	shalt  }
0x70: {  	_ =	shalt  }
0x71: {  	_ =	shalt  }
0x72: {  	_ =	shalt  }
0x73: {  	_ =	shalt  }
0x74: {  	_ =	shalt  }
0x75: {  	_ =	shalt  }
0x76: {  	_ =	shalt  }
0x77: {  	_ =	shalt  }
0x78: {  	_ =	shalt  }
0x79: {  	_ =	shalt  }
0x7a: {  	_ =	shalt  }
0x7b: {  	_ =	shalt  }
0x7c: {  	_ =	shalt  }
0x7d: {  	_ =	shalt  }
0x7e: {  	_ =	shalt  }
0x7f: {  	_ =	shalt  }
0x80: {  	_ =	shalt  }
0x81: {  	_ =	shalt  }
0x82: {  	_ =	shalt  }
0x83: {  	_ =	shalt  }
0x84: {  	_ =	shalt  }
0x85: {  	_ =	shalt  }
0x86: {  	_ =	shalt  }
0x87: {  	_ =	shalt  }
.Lfunc_end0:
.L_simem_size_0:
called_computation_lowered:
.L_overlay_start_0:
0x88: {  	s2 =	sld [smem:$0x3FD9]  }
0x89: {  	s3 =	sld [smem:$0x3FFE];
	_ =	sdelay $0x1  }
0x8a: {  	s1 =	srdreg.scid  }
0x8b: {  	s0 =	sand.u32 $0x1, s1  }
0x8c: {  	s18 =	sshll.u32 s0, $0xA;
	s2 =	sadd.s32 s3, s2  }
0x8d: {  	s2 =	sadd.s32 s2, s18  }
0x8e: {  	[smem:$0x3FC6] =	sst s2  }
0x8f: {  	_ = 	snop  }
0x90: {  	s2 =	sld [smem:$0x3FC9]  }
0x91: {  	s19 =	sld [smem:$0x3FC8]  }
0x92: {  	s4 =	sld [smem:$0x3FD0];
	(tm) =	ssettm $0x1  }
0x93: {  	s5 =	sld [smem:$0x3FFB];
	_ =	sdelay $0x3  }
0x94: {  	_ =	strace s5  }
0x95: {  	s5 =	sld [smem:$0x3FFC];
	_ =	sdelay $0x3  }
0x96: {  	_ =	strace s5  }
0x97: {  	s5 =	sld [smem:$0x3FFD];
	_ =	sdelay $0x3  }
0x98: {  	_ =	strace s5  }
0x99: {  	_ =	strace $0x8FFFFFFF  }
0x9a: {  	s20 =	sld [smem:$0x3FDB];
	_ =	sdelay $0x1  }
0x9b: {  	s6 =	simm.s32 $_scs_section_size  }
0x9c: {  	s7 =	simm.s32 $_size__tile_overlayer_lowered;
	s8 =	simm.s32 $_tile_overlayer_lowered  }
0x9d: {  	s23 =	simm.s32 $0x1BFF;
	s22 =	sshll.u32 s8, $0x1;
	s5 =	sadd.s32 s6, s20  }
0x9e: {  	s9 =	simm.s32 $0x0;
	s21 =	sshll.u32 s7, $0x1;
	s7 =	sadd.s32 s22, s5  }
0x9f: {  	[timem:s9], [sflag:s23] =	dma.local [hbm:s7], s21  }
0xa0: {  	_ =	swait.ge [sflag:s23], s21  }
0xa1: {  	s6 =	ssub.s32 $0x0, s21;
	[sflag:s23] =	ssyncset.done $0x0  }
0xa2: {  	[sflag:s23] =	ssyncadd.s32 s6;
	_ =	sdelay $0x1  }
0xa3: {  	s24 =	simm.s32 $0x1B8B  }
0xa4: {  	_ =	swait.ge [sflag:s24], $0x1  }
0xa5: {  	[sflag:s24] =	ssyncset.done $0x0  }
0xa6: {  	s25 =	simm.s32 $0x1B8E;
	[sflag:s24] =	ssyncadd.s32 $0xFFFFFFFF  }
0xa7: {  	s26 =	simm.s32 $execute0_lowered;
	[smem:$0x3FD2] =	sst s25  }
0xa8: {  	s6 =	sshll.u32 s26, $0x1;
	_ =	strace $0x80000046;
	[dreg:$0x1] =	wrdreg $0xFFFFFFFF  }
0xa9: {  	s28 =	simm.s32 $_size_execute0_lowered;
	s5 =	sadd.s32 s5, s6;
	[dreg:$0x0] =	wrdreg $0x0  }
0xaa: {  	s6 =	sshll.u32 s28, $0x1;
	[dreg:$0x2] =	wrdreg s5  }
0xab: {  	[dreg:$0x3] =	wrdreg s6  }
0xac: {  	[dreg:$0x4] =	wrdreg $0xC0  }
0xad: {  	_ =	task [dreg:s9], $0x5FFFF  }
0xae: {  	[dreg:$0x1] =	wrdreg $0xFFFFFFFF  }
0xaf: {  	[dreg:$0x0] =	wrdreg $0x60  }
0xb0: {  	[dreg:$0x2] =	wrdreg s2  }
0xb1: {  	[dreg:$0x3] =	wrdreg s19  }
0xb2: {  	[dreg:$0x4] =	wrdreg s4  }
0xb3: {  	[dreg:$0x5] =	wrdreg $0x9  }
0xb4: {  	_ =	task.clear_ibuf [dreg:s9], $0x6FFFF;
	_ =	strace $0x90000046  }
0xb5: {  	s29 =	simm.s32 $0x9;
	_ =	strace $0x80000048  }
0xb6: {  	_ =	swait.ge [sflag:s29], $0x1  }
0xb7: {  	[sflag:s29] =	ssyncadd.s32 $0xFFFFFFFF  }
0xb8: {  	_ =	strace $0x90000048  }
0xb9: {  	_ =	sfence  }
0xba: {  	s30 =	sld [smem:$0x0];
	_ =	sdelay $0x2  }
0xbb: {  	s31 =	sshll.u32 s1, $0xD;
	s1 =	sshrl.u32 s1, $0x2  }
0xbc: {  	s3 =	sand.u32 $0x4000, s31;
	s1 =	sadd.s32 s1, s30  }
0xbd: {  	s0 =	sor.u32 s3, s0;
	s1 =	sshll.u32 s1, $0x11  }
0xbe: {  	s0 =	sor.u32 s1, s0  }
0xbf: {  	s0 =	sadd.s32 $0x8F2B, s0  }
0xc0: {  	[sflag:s0] =	ssyncadd.remote.s32 $0x1  }
0xc1: {  	_ =	sfence.sel $0xFFFF  }
0xc2: {  	[dreg:$0x0] =	wrdreg $0xFFFFFFFF;
	(pc) =	sbr.abs _section_cstart, $3  }
0xc3: {  	[dreg:$0x1] =	wrdreg $0xFFFFFFFF  }
0xc4: {  	_ =	task.clear_ibuf [dreg:s9], $0x2FFFF;
	_ =	strace $0x9FFFFFFF  }
0xc5: {  	(tm) =	ssettm $0x7FFFFFFF  }
tec
execute0_lowered:
.L_overlay_start_1:
0x0: {  	(tag) =	ssettag $0x1  }
0x1: {  	s1 =	rddreg [dreg:$0x0]  }
0x2: {  	s0 =	srdreg.scid;
	s3 =	rddreg [dreg:$0x1]  }
0x3: {  	s2 =	stileid.u32;
	s4 =	rddreg [dreg:$0x2];
	s6 =	simm.s32 $0x0  }
0x4: {  	s12 =	simm.s32 $0x3000;
	s13 =	simm.s32 $0x600000;
	s26 =	simm.s32 $0x1  }
0x5: {  	s28 =	simm.s32 $0xC000;
	s29 =	simm.s32 $0x5;
	s0 =	sand.u32 $0x1, s0  }
0x6: {  	s30 =	simm.s32 $0x2;
	s2 =	sshll.u32 s2, $0x9;
	s5 =	sshll.u32 s0, $0x8  }
0x7: {  	s31 =	simm.s32 $0x3;
	s0 =	ssub.s32 $0x2, s0;
	s5 =	sor.u32 s5, s2  }
0x8: {  	s11 =	simm.s32 $0x0;
	s7 =	sshrl.u32 s0, $0x1;
	s2 =	sshrl.u32 s5, $0x3  }
0x9: {  	[smem:$0x7FF] =	sst s6;
	s0 =	ssub.s32 s0, s7;
	s2 =	smul.u32 $0x300, s2  }
0xa: {  	v0 =	vlaneseq.u32;
	s8 =	sadd.s32 $0x100, s3;
	s9 =	sadd.s32 $0x200, s3;
	s0 =	smax.u32 s0, $0x1  }
0xb: {  	vm0 =	vmmov $0xffff;
	v2 =	vshrl.u32 v0, $0x3;
	_ =	strace $0x80000047;
	[dreg:$0x5] =	wrdreg s0;
	s2 =	sadd.s32 s1, s2  }
0xc: {  	v1 =	vand.u32 $0x7, v0;
	v3 =	vor.u32 $0x8, v0;
	v2 =	vmul.u32 $0x8, v2;
	s10 =	sor.u32 $0x20, s5;
	[dreg:$0x4] =	wrdreg s2;
	s2 =	simm.s32 $0x6  }
.LBB2_1:
0xd: {  	[dreg:$0x6] =	wrdreg s11  }
0xe: {  	s0 =	rddreg [dreg:$0x4];
	s14 =	simm.s32 $0x0  }
0xf: {  	[tilespmem:s6], [sflag:$0x1] =	stream.strided.gather [hbm4b:s0+s12], $0xC000, s13, s12, $0x38;
	[tilespmem:$0x1E100] =	vst v63  }
.LBB2_2:
0x10: {  	s0 =	sshll.u32 s14, $0x5  }
0x11: {  	s7 =	sor.u32 s5, s0  }
0x12: {  	s11 =	sor.u32 $0x1, s7  }
0x13: {  	v4 =	vadd.s32 s11, v0  }
0x14: {  	v5 =	vshrl.u32 v4, $0x3  }
0x15: {  	v5 =	vmul.u32 $0x30, v5  }
0x16: {  	v6 =	vand.u32 $0x7, v4  }
0x17: {  	v5 =	vor.u32 v6, v5  }
0x18: {  	v6 =	vperm.xlane v5, v1;
	_ =	sdelay $0x1  }
0x19: {  	v6 =	vadd.s32 v2, v6;
	_ =	sdelay $0x3  }
0x1a: {  	s15 =	simm.s32 $0x18000;
	s24 =	sor.u32 $0x11, s7;
	[tilespmem:$0x1E000] =	vst v4;
	v4 =	vperm.xlane v5, v3  }
0x1b: {  	v5 =	vadd.s32 s24, v0;
	[tilespmem:s15], [sflag:$0x5] =	stream.indirect_vreg.gather [hbm4b:s3+s6], $0x80, v6, vm0, $0xb8;
	[tilespmem:$0x1E100] =	vst v63  }
0x1c: {  	s25 =	simm.s32 $0x18800;
	v7 =	vshrl.u32 v5, $0x3;
	v4 =	vadd.s32 v2, v4  }
0x1d: {  	v7 =	vmul.u32 $0x30, v7;
	[tilespmem:s25], [sflag:$0x5] =	stream.indirect_vreg.gather [hbm4b:s8+s6], $0x80, v6, vm0, $0xb8;
	[tilespmem:$0x1E100] =	vst v63  }
0x1e: {  	v8 =	vand.u32 $0x7, v5;
	s15 =	simm.s32 $0x19000  }
0x1f: {  	v63 =	vor.u32 v8, v7;
	[tilespmem:s15], [sflag:$0x5] =	stream.indirect_vreg.gather [hbm4b:s9+s6], $0x80, v6, vm0, $0xb8;
	[tilespmem:$0x1E100] =	vst v63  }
0x20: {  	s16 =	simm.s32 $0x19800;
	v7 =	vperm.xlane v63, v1  }
0x21: {  	[tilespmem:s16], [sflag:$0x5] =	stream.indirect_vreg.gather [hbm4b:s3+s6], $0x80, v4, vm0, $0xb8;
	[tilespmem:$0x1E100] =	vst v63  }
0x22: {  	s17 =	simm.s32 $0x1A000;
	v7 =	vadd.s32 v2, v7  }
0x23: {  	[tilespmem:s17], [sflag:$0x5] =	stream.indirect_vreg.gather [hbm4b:s8+s6], $0x80, v4, vm0, $0xb8;
	[tilespmem:$0x1E100] =	vst v63  }
0x24: {  	s18 =	simm.s32 $0x1A800  }
0x25: {  	[tilespmem:s18], [sflag:$0x5] =	stream.indirect_vreg.gather [hbm4b:s9+s6], $0x80, v4, vm0, $0xb8;
	[tilespmem:$0x1E100] =	vst v63  }
0x26: {  	s19 =	simm.s32 $0x1B000;
	v4 =	vperm.xlane v63, v3;
	[tilespmem:$0x1E080] =	vst v5  }
0x27: {  	[tilespmem:s19], [sflag:$0x6] =	stream.indirect_vreg.gather [hbm4b:s3+s6], $0x80, v7, vm0, $0xb8;
	[tilespmem:$0x1E100] =	vst v63  }
0x28: {  	s20 =	simm.s32 $0x1B800;
	v4 =	vadd.s32 v2, v4  }
0x29: {  	[tilespmem:s20], [sflag:$0x6] =	stream.indirect_vreg.gather [hbm4b:s8+s6], $0x80, v7, vm0, $0xb8;
	[tilespmem:$0x1E100] =	vst v63  }
0x2a: {  	s21 =	simm.s32 $0x1C000  }
0x2b: {  	[tilespmem:s21], [sflag:$0x6] =	stream.indirect_vreg.gather [hbm4b:s9+s6], $0x80, v7, vm0, $0xb8;
	[tilespmem:$0x1E100] =	vst v63  }
0x2c: {  	s22 =	simm.s32 $0x1C800  }
0x2d: {  	[tilespmem:s22], [sflag:$0x6] =	stream.indirect_vreg.gather [hbm4b:s3+s6], $0x80, v4, vm0, $0xb8;
	[tilespmem:$0x1E100] =	vst v63  }
0x2e: {  	s23 =	simm.s32 $0x1D000  }
0x2f: {  	[tilespmem:s23], [sflag:$0x6] =	stream.indirect_vreg.gather [hbm4b:s8+s6], $0x80, v4, vm0, $0xb8;
	[tilespmem:$0x1E100] =	vst v63  }
0x30: {  	s24 =	simm.s32 $0x1D800  }
0x31: {  	[tilespmem:s24], [sflag:$0x6] =	stream.indirect_vreg.gather [hbm4b:s9+s6], $0x80, v4, vm0, $0xb8;
	[tilespmem:$0x1E100] =	vst v63  }
0x32: {  	_ =	swait.ge [sflag:s26], $0xC000  }
0x33: {  	p0 =	seq.s32 s14, $0x0;
	s7 =	sshrl.u32 s7, $0x3;
	[sflag:s26] =	ssyncset.done $0x0  }
0x34: {  	s7 =	smul.u32 $0x300, s7;
	s15 =	simm.s32 @!p0 $0x4;
	[sflag:s26] =	ssyncadd.s32 $0xFFFF4000  }
0x35: {  	_ =	swait.ge @!p0 [sflag:s15], $0xC000  }
0x36: {  	s11 =	sadd.s32 $0x600, s7;
	[sflag:s15] =	ssyncset.done @!p0 $0x0  }
0x37: {  	s25 =	sadd.s32 s1, s11;
	[sflag:s15] =	ssyncadd.s32 @!p0 $0xFFFF4000  }
0x38: {  	[tilespmem:s28], [sflag:$0x2] =	stream.strided.gather [hbm4b:s25+s12], $0xC000, s13, s12, $0x38;
	[tilespmem:$0x1E100] =	vst v63  }
0x39: {  	_ =	swait.ge [sflag:s29], $0x3000  }
0x3a: {  	[sflag:s29] =	ssyncset.done $0x0  }
0x3b: {  	s16 =	simm.s32 $0x0;
	s15 =	simm.s32 $0x0;
	[sflag:s29] =	ssyncadd.s32 $0xFFFFD000  }
.LBB2_3:
0x3c: {  	s17 =	sshrl.u32 s16, $0x3  }
0x3d: {  	s18 =	smul.u32 $0x1800, s17  }
0x3e: {  	s22 =	sand.u32 $0x380, s15  }
0x3f: {  	s17 =	sor.u32 s22, s18  }
0x40: {  	v4 =	vld [tilespmem:s17+$0x18000];
	_ =	sdelay $0x3  }
0x41: {  	v5 =	vld [tilespmem:s17+$0x18010]  }
0x42: {  	[tilespmem:s17+$0x0] =	vst.add.f32.msk $0xffff, v4  }
0x43: {  	[tilespmem:s17+$0x3000] =	vst.add.f32.msk $0xffff, v4  }
0x44: {  	[tilespmem:s17+$0x6000] =	vst.add.f32.msk $0xffff, v4  }
0x45: {  	s19 =	sor.u32 $0x10, s17;
	[tilespmem:s17+$0x9000] =	vst.add.f32.msk $0xffff, v4  }
0x46: {  	[tilespmem:s19+$0x0] =	vst.add.f32.msk $0xffff, v5  }
0x47: {  	v4 =	vld [tilespmem:s17+$0x18020];
	_ =	sdelay $0x1  }
0x48: {  	[tilespmem:s17+$0x3010] =	vst.add.f32.msk $0xffff, v5  }
0x49: {  	[tilespmem:s17+$0x6010] =	vst.add.f32.msk $0xffff, v5  }
0x4a: {  	s23 =	sor.u32 $0x20, s17;
	[tilespmem:s17+$0x9010] =	vst.add.f32.msk $0xffff, v5  }
0x4b: {  	[tilespmem:s23+$0x0] =	vst.add.f32.msk $0xffff, v4  }
0x4c: {  	v5 =	vld [tilespmem:s17+$0x18030];
	_ =	sdelay $0x1  }
0x4d: {  	[tilespmem:s17+$0x3020] =	vst.add.f32.msk $0xffff, v4  }
0x4e: {  	[tilespmem:s17+$0x6020] =	vst.add.f32.msk $0xffff, v4  }
0x4f: {  	s24 =	sor.u32 $0x30, s17;
	[tilespmem:s17+$0x9020] =	vst.add.f32.msk $0xffff, v4  }
0x50: {  	[tilespmem:s24+$0x0] =	vst.add.f32.msk $0xffff, v5  }
0x51: {  	v4 =	vld [tilespmem:s17+$0x18040];
	_ =	sdelay $0x1  }
0x52: {  	[tilespmem:s17+$0x3030] =	vst.add.f32.msk $0xffff, v5  }
0x53: {  	[tilespmem:s17+$0x6030] =	vst.add.f32.msk $0xffff, v5  }
0x54: {  	s25 =	sor.u32 $0x40, s17;
	[tilespmem:s17+$0x9030] =	vst.add.f32.msk $0xffff, v5  }
0x55: {  	[tilespmem:s25+$0x0] =	vst.add.f32.msk $0xffff, v4  }
0x56: {  	v5 =	vld [tilespmem:s17+$0x18050];
	_ =	sdelay $0x1  }
0x57: {  	[tilespmem:s17+$0x3040] =	vst.add.f32.msk $0xffff, v4  }
0x58: {  	[tilespmem:s17+$0x6040] =	vst.add.f32.msk $0xffff, v4  }
0x59: {  	s20 =	sor.u32 $0x50, s17;
	[tilespmem:s17+$0x9040] =	vst.add.f32.msk $0xffff, v4  }
0x5a: {  	[tilespmem:s20+$0x0] =	vst.add.f32.msk $0xffff, v5  }
0x5b: {  	v4 =	vld [tilespmem:s17+$0x18060];
	_ =	sdelay $0x1  }
0x5c: {  	[tilespmem:s17+$0x3050] =	vst.add.f32.msk $0xffff, v5  }
0x5d: {  	[tilespmem:s17+$0x6050] =	vst.add.f32.msk $0xffff, v5  }
0x5e: {  	s21 =	sor.u32 $0x60, s17;
	[tilespmem:s17+$0x9050] =	vst.add.f32.msk $0xffff, v5  }
0x5f: {  	[tilespmem:s21+$0x0] =	vst.add.f32.msk $0xffff, v4  }
0x60: {  	v5 =	vld [tilespmem:s17+$0x18070];
	_ =	sdelay $0x1  }
0x61: {  	[tilespmem:s17+$0x3060] =	vst.add.f32.msk $0xffff, v4  }
0x62: {  	[tilespmem:s17+$0x6060] =	vst.add.f32.msk $0xffff, v4  }
0x63: {  	s22 =	sor.u32 $0x70, s17;
	[tilespmem:s17+$0x9060] =	vst.add.f32.msk $0xffff, v4  }
0x64: {  	[tilespmem:s22+$0x0] =	vst.add.f32.msk $0xffff, v5  }
0x65: {  	v4 =	vld [tilespmem:s17+$0x18400];
	_ =	sdelay $0x1  }
0x66: {  	[tilespmem:s17+$0x3070] =	vst.add.f32.msk $0xffff, v5  }
0x67: {  	[tilespmem:s17+$0x6070] =	vst.add.f32.msk $0xffff, v5  }
0x68: {  	s23 =	sor.u32 $0x400, s17;
	[tilespmem:s17+$0x9070] =	vst.add.f32.msk $0xffff, v5  }
0x69: {  	s18 =	sadd.s32 s18, s15;
	[tilespmem:s23+$0x0] =	vst.add.f32.msk $0xffff, v4  }
0x6a: {  	s19 =	sor.u32 $0x6400, s18;
	[tilespmem:s17+$0x3400] =	vst.add.f32.msk $0xffff, v4  }
0x6b: {  	[tilespmem:s19+$0x0] =	vst.add.f32.msk $0xffff, v4  }
0x6c: {  	v5 =	vld [tilespmem:s17+$0x18410];
	_ =	sdelay $0x3  }
0x6d: {  	s20 =	sor.u32 $0x410, s17;
	[tilespmem:s17+$0x9400] =	vst.add.f32.msk $0xffff, v4  }
0x6e: {  	[tilespmem:s20+$0x0] =	vst.add.f32.msk $0xffff, v5  }
0x6f: {  	[tilespmem:s17+$0x3410] =	vst.add.f32.msk $0xffff, v5  }
0x70: {  	[tilespmem:s19+$0x10] =	vst.add.f32.msk $0xffff, v5  }
0x71: {  	v4 =	vld [tilespmem:s17+$0x18420];
	_ =	sdelay $0x3  }
0x72: {  	s24 =	sor.u32 $0x420, s17;
	[tilespmem:s17+$0x9410] =	vst.add.f32.msk $0xffff, v5  }
0x73: {  	[tilespmem:s24+$0x0] =	vst.add.f32.msk $0xffff, v4  }
0x74: {  	[tilespmem:s17+$0x3420] =	vst.add.f32.msk $0xffff, v4  }
0x75: {  	[tilespmem:s19+$0x20] =	vst.add.f32.msk $0xffff, v4  }
0x76: {  	v5 =	vld [tilespmem:s17+$0x18430];
	_ =	sdelay $0x3  }
0x77: {  	s25 =	sor.u32 $0x430, s17;
	[tilespmem:s17+$0x9420] =	vst.add.f32.msk $0xffff, v4  }
0x78: {  	[tilespmem:s25+$0x0] =	vst.add.f32.msk $0xffff, v5  }
0x79: {  	[tilespmem:s17+$0x3430] =	vst.add.f32.msk $0xffff, v5  }
0x7a: {  	[tilespmem:s19+$0x30] =	vst.add.f32.msk $0xffff, v5  }
0x7b: {  	v4 =	vld [tilespmem:s17+$0x18440];
	_ =	sdelay $0x3  }
0x7c: {  	s21 =	sor.u32 $0x440, s17;
	[tilespmem:s17+$0x9430] =	vst.add.f32.msk $0xffff, v5  }
0x7d: {  	[tilespmem:s21+$0x0] =	vst.add.f32.msk $0xffff, v4  }
0x7e: {  	[tilespmem:s17+$0x3440] =	vst.add.f32.msk $0xffff, v4  }
0x7f: {  	[tilespmem:s19+$0x40] =	vst.add.f32.msk $0xffff, v4  }
0x80: {  	v5 =	vld [tilespmem:s17+$0x18450];
	_ =	sdelay $0x3  }
0x81: {  	s22 =	sor.u32 $0x450, s17;
	[tilespmem:s17+$0x9440] =	vst.add.f32.msk $0xffff, v4  }
0x82: {  	[tilespmem:s22+$0x0] =	vst.add.f32.msk $0xffff, v5  }
0x83: {  	[tilespmem:s17+$0x3450] =	vst.add.f32.msk $0xffff, v5  }
0x84: {  	[tilespmem:s19+$0x50] =	vst.add.f32.msk $0xffff, v5  }
0x85: {  	v4 =	vld [tilespmem:s17+$0x18460];
	_ =	sdelay $0x3  }
0x86: {  	s23 =	sor.u32 $0x460, s17;
	[tilespmem:s17+$0x9450] =	vst.add.f32.msk $0xffff, v5  }
0x87: {  	[tilespmem:s23+$0x0] =	vst.add.f32.msk $0xffff, v4  }
0x88: {  	[tilespmem:s17+$0x3460] =	vst.add.f32.msk $0xffff, v4  }
0x89: {  	[tilespmem:s19+$0x60] =	vst.add.f32.msk $0xffff, v4  }
0x8a: {  	v5 =	vld [tilespmem:s17+$0x18470];
	_ =	sdelay $0x3  }
0x8b: {  	s24 =	sor.u32 $0x470, s17;
	[tilespmem:s17+$0x9460] =	vst.add.f32.msk $0xffff, v4  }
0x8c: {  	[tilespmem:s24+$0x0] =	vst.add.f32.msk $0xffff, v5  }
0x8d: {  	[tilespmem:s17+$0x3470] =	vst.add.f32.msk $0xffff, v5  }
0x8e: {  	[tilespmem:s19+$0x70] =	vst.add.f32.msk $0xffff, v5  }
0x8f: {  	v4 =	vld [tilespmem:s17+$0x18800];
	_ =	sdelay $0x2  }
0x90: {  	[tilespmem:s17+$0x9470] =	vst.add.f32.msk $0xffff, v5  }
0x91: {  	v5 =	vld [tilespmem:s17+$0x18810]  }
0x92: {  	[tilespmem:s17+$0x800] =	vst.add.f32.msk $0xffff, v4  }
0x93: {  	[tilespmem:s17+$0x3800] =	vst.add.f32.msk $0xffff, v4  }
0x94: {  	[tilespmem:s17+$0x6800] =	vst.add.f32.msk $0xffff, v4  }
0x95: {  	[tilespmem:s17+$0x9800] =	vst.add.f32.msk $0xffff, v4  }
0x96: {  	v4 =	vld [tilespmem:s17+$0x18820]  }
0x97: {  	[tilespmem:s17+$0x810] =	vst.add.f32.msk $0xffff, v5  }
0x98: {  	[tilespmem:s17+$0x3810] =	vst.add.f32.msk $0xffff, v5  }
0x99: {  	[tilespmem:s17+$0x6810] =	vst.add.f32.msk $0xffff, v5  }
0x9a: {  	[tilespmem:s17+$0x9810] =	vst.add.f32.msk $0xffff, v5  }
0x9b: {  	v5 =	vld [tilespmem:s17+$0x18830]  }
0x9c: {  	[tilespmem:s17+$0x820] =	vst.add.f32.msk $0xffff, v4  }
0x9d: {  	[tilespmem:s17+$0x3820] =	vst.add.f32.msk $0xffff, v4  }
0x9e: {  	[tilespmem:s17+$0x6820] =	vst.add.f32.msk $0xffff, v4  }
0x9f: {  	[tilespmem:s17+$0x9820] =	vst.add.f32.msk $0xffff, v4  }
0xa0: {  	v4 =	vld [tilespmem:s17+$0x18840]  }
0xa1: {  	[tilespmem:s17+$0x830] =	vst.add.f32.msk $0xffff, v5  }
0xa2: {  	[tilespmem:s17+$0x3830] =	vst.add.f32.msk $0xffff, v5  }
0xa3: {  	[tilespmem:s17+$0x6830] =	vst.add.f32.msk $0xffff, v5  }
0xa4: {  	[tilespmem:s17+$0x9830] =	vst.add.f32.msk $0xffff, v5  }
0xa5: {  	v5 =	vld [tilespmem:s17+$0x18850]  }
0xa6: {  	[tilespmem:s17+$0x840] =	vst.add.f32.msk $0xffff, v4  }
0xa7: {  	[tilespmem:s17+$0x3840] =	vst.add.f32.msk $0xffff, v4  }
0xa8: {  	[tilespmem:s17+$0x6840] =	vst.add.f32.msk $0xffff, v4  }
0xa9: {  	[tilespmem:s17+$0x9840] =	vst.add.f32.msk $0xffff, v4  }
0xaa: {  	v4 =	vld [tilespmem:s17+$0x18860]  }
0xab: {  	[tilespmem:s17+$0x850] =	vst.add.f32.msk $0xffff, v5  }
0xac: {  	[tilespmem:s17+$0x3850] =	vst.add.f32.msk $0xffff, v5  }
0xad: {  	[tilespmem:s17+$0x6850] =	vst.add.f32.msk $0xffff, v5  }
0xae: {  	[tilespmem:s17+$0x9850] =	vst.add.f32.msk $0xffff, v5  }
0xaf: {  	v5 =	vld [tilespmem:s17+$0x18870]  }
0xb0: {  	[tilespmem:s17+$0x860] =	vst.add.f32.msk $0xffff, v4  }
0xb1: {  	[tilespmem:s17+$0x3860] =	vst.add.f32.msk $0xffff, v4  }
0xb2: {  	[tilespmem:s17+$0x6860] =	vst.add.f32.msk $0xffff, v4  }
0xb3: {  	[tilespmem:s17+$0x9860] =	vst.add.f32.msk $0xffff, v4  }
0xb4: {  	v4 =	vld [tilespmem:s17+$0x18C00]  }
0xb5: {  	[tilespmem:s17+$0x870] =	vst.add.f32.msk $0xffff, v5  }
0xb6: {  	[tilespmem:s17+$0x3870] =	vst.add.f32.msk $0xffff, v5  }
0xb7: {  	[tilespmem:s17+$0x6870] =	vst.add.f32.msk $0xffff, v5  }
0xb8: {  	[tilespmem:s17+$0x9870] =	vst.add.f32.msk $0xffff, v5  }
0xb9: {  	v5 =	vld [tilespmem:s17+$0x18C10]  }
0xba: {  	[tilespmem:s17+$0xC00] =	vst.add.f32.msk $0xffff, v4  }
0xbb: {  	[tilespmem:s17+$0x3C00] =	vst.add.f32.msk $0xffff, v4  }
0xbc: {  	[tilespmem:s17+$0x6C00] =	vst.add.f32.msk $0xffff, v4  }
0xbd: {  	[tilespmem:s17+$0x9C00] =	vst.add.f32.msk $0xffff, v4  }
0xbe: {  	v4 =	vld [tilespmem:s17+$0x18C20]  }
0xbf: {  	[tilespmem:s17+$0xC10] =	vst.add.f32.msk $0xffff, v5  }
0xc0: {  	[tilespmem:s17+$0x3C10] =	vst.add.f32.msk $0xffff, v5  }
0xc1: {  	[tilespmem:s17+$0x6C10] =	vst.add.f32.msk $0xffff, v5  }
0xc2: {  	[tilespmem:s17+$0x9C10] =	vst.add.f32.msk $0xffff, v5  }
0xc3: {  	v5 =	vld [tilespmem:s17+$0x18C30]  }
0xc4: {  	[tilespmem:s17+$0xC20] =	vst.add.f32.msk $0xffff, v4  }
0xc5: {  	[tilespmem:s17+$0x3C20] =	vst.add.f32.msk $0xffff, v4  }
0xc6: {  	[tilespmem:s17+$0x6C20] =	vst.add.f32.msk $0xffff, v4  }
0xc7: {  	[tilespmem:s17+$0x9C20] =	vst.add.f32.msk $0xffff, v4  }
0xc8: {  	v4 =	vld [tilespmem:s17+$0x18C40]  }
0xc9: {  	[tilespmem:s17+$0xC30] =	vst.add.f32.msk $0xffff, v5  }
0xca: {  	[tilespmem:s17+$0x3C30] =	vst.add.f32.msk $0xffff, v5  }
0xcb: {  	[tilespmem:s17+$0x6C30] =	vst.add.f32.msk $0xffff, v5  }
0xcc: {  	[tilespmem:s17+$0x9C30] =	vst.add.f32.msk $0xffff, v5  }
0xcd: {  	v5 =	vld [tilespmem:s17+$0x18C50]  }
0xce: {  	[tilespmem:s17+$0xC40] =	vst.add.f32.msk $0xffff, v4  }
0xcf: {  	[tilespmem:s17+$0x3C40] =	vst.add.f32.msk $0xffff, v4  }
0xd0: {  	[tilespmem:s17+$0x6C40] =	vst.add.f32.msk $0xffff, v4  }
0xd1: {  	[tilespmem:s17+$0x9C40] =	vst.add.f32.msk $0xffff, v4  }
0xd2: {  	v4 =	vld [tilespmem:s17+$0x18C60]  }
0xd3: {  	[tilespmem:s17+$0xC50] =	vst.add.f32.msk $0xffff, v5  }
0xd4: {  	[tilespmem:s17+$0x3C50] =	vst.add.f32.msk $0xffff, v5  }
0xd5: {  	[tilespmem:s17+$0x6C50] =	vst.add.f32.msk $0xffff, v5  }
0xd6: {  	[tilespmem:s17+$0x9C50] =	vst.add.f32.msk $0xffff, v5  }
0xd7: {  	v5 =	vld [tilespmem:s17+$0x18C70]  }
0xd8: {  	[tilespmem:s17+$0xC60] =	vst.add.f32.msk $0xffff, v4  }
0xd9: {  	[tilespmem:s17+$0x3C60] =	vst.add.f32.msk $0xffff, v4  }
0xda: {  	[tilespmem:s17+$0x6C60] =	vst.add.f32.msk $0xffff, v4  }
0xdb: {  	[tilespmem:s17+$0x9C60] =	vst.add.f32.msk $0xffff, v4  }
0xdc: {  	v4 =	vld [tilespmem:s17+$0x19000]  }
0xdd: {  	[tilespmem:s17+$0xC70] =	vst.add.f32.msk $0xffff, v5  }
0xde: {  	[tilespmem:s17+$0x3C70] =	vst.add.f32.msk $0xffff, v5  }
0xdf: {  	[tilespmem:s17+$0x6C70] =	vst.add.f32.msk $0xffff, v5  }
0xe0: {  	[tilespmem:s17+$0x9C70] =	vst.add.f32.msk $0xffff, v5  }
0xe1: {  	v5 =	vld [tilespmem:s17+$0x19010]  }
0xe2: {  	[tilespmem:s17+$0x1000] =	vst.add.f32.msk $0xffff, v4  }
0xe3: {  	[tilespmem:s17+$0x4000] =	vst.add.f32.msk $0xffff, v4  }
0xe4: {  	[tilespmem:s17+$0x7000] =	vst.add.f32.msk $0xffff, v4  }
0xe5: {  	[tilespmem:s17+$0xA000] =	vst.add.f32.msk $0xffff, v4  }
0xe6: {  	v4 =	vld [tilespmem:s17+$0x19020]  }
0xe7: {  	[tilespmem:s17+$0x1010] =	vst.add.f32.msk $0xffff, v5  }
0xe8: {  	[tilespmem:s17+$0x4010] =	vst.add.f32.msk $0xffff, v5  }
0xe9: {  	[tilespmem:s17+$0x7010] =	vst.add.f32.msk $0xffff, v5  }
0xea: {  	[tilespmem:s17+$0xA010] =	vst.add.f32.msk $0xffff, v5  }
0xeb: {  	v5 =	vld [tilespmem:s17+$0x19030]  }
0xec: {  	[tilespmem:s17+$0x1020] =	vst.add.f32.msk $0xffff, v4  }
0xed: {  	[tilespmem:s17+$0x4020] =	vst.add.f32.msk $0xffff, v4  }
0xee: {  	[tilespmem:s17+$0x7020] =	vst.add.f32.msk $0xffff, v4  }
0xef: {  	[tilespmem:s17+$0xA020] =	vst.add.f32.msk $0xffff, v4  }
0xf0: {  	v4 =	vld [tilespmem:s17+$0x19040]  }
0xf1: {  	[tilespmem:s17+$0x1030] =	vst.add.f32.msk $0xffff, v5  }
0xf2: {  	[tilespmem:s17+$0x4030] =	vst.add.f32.msk $0xffff, v5  }
0xf3: {  	[tilespmem:s17+$0x7030] =	vst.add.f32.msk $0xffff, v5  }
0xf4: {  	[tilespmem:s17+$0xA030] =	vst.add.f32.msk $0xffff, v5  }
0xf5: {  	v5 =	vld [tilespmem:s17+$0x19050]  }
0xf6: {  	[tilespmem:s17+$0x1040] =	vst.add.f32.msk $0xffff, v4  }
0xf7: {  	[tilespmem:s17+$0x4040] =	vst.add.f32.msk $0xffff, v4  }
0xf8: {  	[tilespmem:s17+$0x7040] =	vst.add.f32.msk $0xffff, v4  }
0xf9: {  	[tilespmem:s17+$0xA040] =	vst.add.f32.msk $0xffff, v4  }
0xfa: {  	v4 =	vld [tilespmem:s17+$0x19060]  }
0xfb: {  	[tilespmem:s17+$0x1050] =	vst.add.f32.msk $0xffff, v5  }
0xfc: {  	[tilespmem:s17+$0x4050] =	vst.add.f32.msk $0xffff, v5  }
0xfd: {  	[tilespmem:s17+$0x7050] =	vst.add.f32.msk $0xffff, v5  }
0xfe: {  	[tilespmem:s17+$0xA050] =	vst.add.f32.msk $0xffff, v5  }
0xff: {  	v5 =	vld [tilespmem:s17+$0x19070]  }
0x100: {  	[tilespmem:s17+$0x1060] =	vst.add.f32.msk $0xffff, v4  }
0x101: {  	[tilespmem:s17+$0x4060] =	vst.add.f32.msk $0xffff, v4  }
0x102: {  	[tilespmem:s17+$0x7060] =	vst.add.f32.msk $0xffff, v4  }
0x103: {  	[tilespmem:s17+$0xA060] =	vst.add.f32.msk $0xffff, v4  }
0x104: {  	v4 =	vld [tilespmem:s17+$0x19400]  }
0x105: {  	[tilespmem:s17+$0x1070] =	vst.add.f32.msk $0xffff, v5  }
0x106: {  	[tilespmem:s17+$0x4070] =	vst.add.f32.msk $0xffff, v5  }
0x107: {  	[tilespmem:s17+$0x7070] =	vst.add.f32.msk $0xffff, v5  }
0x108: {  	[tilespmem:s17+$0xA070] =	vst.add.f32.msk $0xffff, v5  }
0x109: {  	s25 =	sor.u32 $0x4400, s18;
	[tilespmem:s17+$0x1400] =	vst.add.f32.msk $0xffff, v4  }
0x10a: {  	[tilespmem:s25+$0x0] =	vst.add.f32.msk $0xffff, v4  }
0x10b: {  	s18 =	sor.u32 $0xA400, s18;
	[tilespmem:s17+$0x7400] =	vst.add.f32.msk $0xffff, v4  }
0x10c: {  	[tilespmem:s18+$0x0] =	vst.add.f32.msk $0xffff, v4  }
0x10d: {  	v4 =	vld [tilespmem:s17+$0x19410];
	_ =	sdelay $0x4  }
0x10e: {  	[tilespmem:s17+$0x1410] =	vst.add.f32.msk $0xffff, v4  }
0x10f: {  	[tilespmem:s25+$0x10] =	vst.add.f32.msk $0xffff, v4  }
0x110: {  	[tilespmem:s17+$0x7410] =	vst.add.f32.msk $0xffff, v4  }
0x111: {  	[tilespmem:s18+$0x10] =	vst.add.f32.msk $0xffff, v4  }
0x112: {  	v4 =	vld [tilespmem:s17+$0x19420];
	_ =	sdelay $0x4  }
0x113: {  	[tilespmem:s17+$0x1420] =	vst.add.f32.msk $0xffff, v4  }
0x114: {  	[tilespmem:s25+$0x20] =	vst.add.f32.msk $0xffff, v4  }
0x115: {  	[tilespmem:s17+$0x7420] =	vst.add.f32.msk $0xffff, v4  }
0x116: {  	[tilespmem:s18+$0x20] =	vst.add.f32.msk $0xffff, v4  }
0x117: {  	v4 =	vld [tilespmem:s17+$0x19430];
	_ =	sdelay $0x4  }
0x118: {  	[tilespmem:s17+$0x1430] =	vst.add.f32.msk $0xffff, v4  }
0x119: {  	[tilespmem:s25+$0x30] =	vst.add.f32.msk $0xffff, v4  }
0x11a: {  	[tilespmem:s17+$0x7430] =	vst.add.f32.msk $0xffff, v4  }
0x11b: {  	[tilespmem:s18+$0x30] =	vst.add.f32.msk $0xffff, v4  }
0x11c: {  	v4 =	vld [tilespmem:s17+$0x19440];
	_ =	sdelay $0x4  }
0x11d: {  	[tilespmem:s17+$0x1440] =	vst.add.f32.msk $0xffff, v4  }
0x11e: {  	[tilespmem:s25+$0x40] =	vst.add.f32.msk $0xffff, v4  }
0x11f: {  	[tilespmem:s17+$0x7440] =	vst.add.f32.msk $0xffff, v4  }
0x120: {  	[tilespmem:s18+$0x40] =	vst.add.f32.msk $0xffff, v4  }
0x121: {  	v4 =	vld [tilespmem:s17+$0x19450];
	_ =	sdelay $0x4  }
0x122: {  	[tilespmem:s17+$0x1450] =	vst.add.f32.msk $0xffff, v4  }
0x123: {  	[tilespmem:s25+$0x50] =	vst.add.f32.msk $0xffff, v4  }
0x124: {  	[tilespmem:s17+$0x7450] =	vst.add.f32.msk $0xffff, v4  }
0x125: {  	[tilespmem:s18+$0x50] =	vst.add.f32.msk $0xffff, v4  }
0x126: {  	v4 =	vld [tilespmem:s17+$0x19460];
	_ =	sdelay $0x4  }
0x127: {  	[tilespmem:s17+$0x1460] =	vst.add.f32.msk $0xffff, v4  }
0x128: {  	[tilespmem:s25+$0x60] =	vst.add.f32.msk $0xffff, v4  }
0x129: {  	[tilespmem:s17+$0x7460] =	vst.add.f32.msk $0xffff, v4  }
0x12a: {  	[tilespmem:s18+$0x60] =	vst.add.f32.msk $0xffff, v4  }
0x12b: {  	v4 =	vld [tilespmem:s17+$0x19470];
	_ =	sdelay $0x2  }
0x12c: {  	p0 =	sne.s32 s16, $0xF  }
.Ltmp0:
0x12d: {  	_ = 	snop;
	(pc) =	sbr.rel @p0 .LBB2_3-.Ltmp0, $4  }
0x12e: {  	[tilespmem:s17+$0x1470] =	vst.add.f32.msk $0xffff, v4  }
0x12f: {  	[tilespmem:s25+$0x70] =	vst.add.f32.msk $0xffff, v4  }
0x130: {  	[tilespmem:s17+$0x7470] =	vst.add.f32.msk $0xffff, v4  }
0x131: {  	s16 =	sadd.s32 $0x1, s16;
	s15 =	sadd.s32 $0x80, s15;
	[tilespmem:s18+$0x70] =	vst.add.f32.msk $0xffff, v4  }
0x132: {  	s7 =	sadd.s32 s4, s7  }
0x133: {  	[hbm4b:s7+s12] =	stream.strided.scatter [tilespmem:s6], [sflag:$0x3], $0xC000, s13, s12, $0x38;
	[tilespmem:$0x1E100] =	vst v63  }
0x134: {  	p0 =	seq.s32 s14, $0x7;
	_ =	swait.ge [sflag:s30], $0xC000  }
0x135: {  	s0 =	sadd.s32 @!p0 s0, s10;
	[sflag:s30] =	ssyncset.done $0x0  }
0x136: {  	s0 =	sshrl.u32 @!p0 s0, $0x3;
	[sflag:s30] =	ssyncadd.s32 $0xFFFF4000  }
0x137: {  	s20 =	simm.s32 $0x0;
	s0 =	smul.u32 @!p0 $0x300, s0;
	_ =	swait.ge [sflag:s31], $0xC000  }
0x138: {  	s7 =	simm.s32 @!p0 $0x3000;
	s15 =	simm.s32 @!p0 $0x600000;
	[sflag:s31] =	ssyncset.done $0x0  }
0x139: {  	s16 =	simm.s32 @!p0 $0x0;
	s0 =	sadd.s32 @!p0 s1, s0;
	[sflag:s31] =	ssyncadd.s32 $0xFFFF4000  }
0x13a: {  	[tilespmem:s16], [sflag:$0x1] =	stream.strided.gather @!p0 [hbm4b:s0+s7], $0xC000, s15, s7, $0x38;
	[tilespmem:$0x1E100] =	vst v63  }
0x13b: {  	s21 =	smul.u32 $0x1800, s20;
	s7 =	simm.s32 $0x0;
	_ =	swait.ge [sflag:s2], $0x3000  }
0x13c: {  	s22 =	sand.u32 $0x380, s7;
	[sflag:s2] =	ssyncset.done $0x0  }
0x13d: {  	s0 =	sor.u32 s22, s21;
	[sflag:s2] =	ssyncadd.s32 $0xFFFFD000  }
0x13e: {  	v4 =	vld [tilespmem:s0+$0x1B000];
	_ =	sdelay $0x3  }
0x13f: {  	v5 =	vld [tilespmem:s0+$0x1B010]  }
0x140: {  	[tilespmem:s0+$0xC000] =	vst.add.f32.msk $0xffff, v4  }
0x141: {  	[tilespmem:s0+$0x15000] =	vst.add.f32.msk $0xffff, v4  }
0x142: {  	[tilespmem:s0+$0x12000] =	vst.add.f32.msk $0xffff, v4  }
0x143: {  	[tilespmem:s0+$0xF000] =	vst.add.f32.msk $0xffff, v4  }
0x144: {  	[tilespmem:s0+$0x12010] =	vst.add.f32.msk $0xffff, v5  }
0x145: {  	s23 =	sadd.s32 $0x15000, s0;
	[tilespmem:s0+$0xC010] =	vst.add.f32.msk $0xffff, v5  }
0x146: {  	s17 =	sor.u32 $0x10, s23;
	[tilespmem:s0+$0xF010] =	vst.add.f32.msk $0xffff, v5  }
0x147: {  	[tilespmem:s17+$0x0] =	vst.add.f32.msk $0xffff, v5  }
0x148: {  	v4 =	vld [tilespmem:s0+$0x1B020];
	_ =	sdelay $0x4  }
0x149: {  	[tilespmem:s0+$0xC020] =	vst.add.f32.msk $0xffff, v4  }
0x14a: {  	[tilespmem:s0+$0xF020] =	vst.add.f32.msk $0xffff, v4  }
0x14b: {  	s24 =	sor.u32 $0x20, s23;
	[tilespmem:s0+$0x12020] =	vst.add.f32.msk $0xffff, v4  }
0x14c: {  	[tilespmem:s24+$0x0] =	vst.add.f32.msk $0xffff, v4  }
0x14d: {  	v4 =	vld [tilespmem:s0+$0x1B030];
	_ =	sdelay $0x4  }
0x14e: {  	[tilespmem:s0+$0xF030] =	vst.add.f32.msk $0xffff, v4  }
0x14f: {  	[tilespmem:s0+$0xC030] =	vst.add.f32.msk $0xffff, v4  }
0x150: {  	s25 =	sor.u32 $0x30, s23;
	[tilespmem:s0+$0x12030] =	vst.add.f32.msk $0xffff, v4  }
0x151: {  	[tilespmem:s25+$0x0] =	vst.add.f32.msk $0xffff, v4  }
0x152: {  	v4 =	vld [tilespmem:s0+$0x1B040];
	_ =	sdelay $0x4  }
0x153: {  	[tilespmem:s0+$0xF040] =	vst.add.f32.msk $0xffff, v4  }
0x154: {  	[tilespmem:s0+$0xC040] =	vst.add.f32.msk $0xffff, v4  }
0x155: {  	s18 =	sor.u32 $0x40, s23;
	[tilespmem:s0+$0x12040] =	vst.add.f32.msk $0xffff, v4  }
0x156: {  	[tilespmem:s18+$0x0] =	vst.add.f32.msk $0xffff, v4  }
0x157: {  	v4 =	vld [tilespmem:s0+$0x1B050];
	_ =	sdelay $0x4  }
0x158: {  	[tilespmem:s0+$0xF050] =	vst.add.f32.msk $0xffff, v4  }
0x159: {  	[tilespmem:s0+$0xC050] =	vst.add.f32.msk $0xffff, v4  }
0x15a: {  	s19 =	sor.u32 $0x50, s23;
	[tilespmem:s0+$0x12050] =	vst.add.f32.msk $0xffff, v4  }
0x15b: {  	[tilespmem:s19+$0x0] =	vst.add.f32.msk $0xffff, v4  }
0x15c: {  	v4 =	vld [tilespmem:s0+$0x1B060];
	_ =	sdelay $0x4  }
0x15d: {  	[tilespmem:s0+$0xF060] =	vst.add.f32.msk $0xffff, v4  }
0x15e: {  	[tilespmem:s0+$0xC060] =	vst.add.f32.msk $0xffff, v4  }
0x15f: {  	s20 =	sor.u32 $0x60, s23;
	[tilespmem:s0+$0x12060] =	vst.add.f32.msk $0xffff, v4  }
0x160: {  	[tilespmem:s20+$0x0] =	vst.add.f32.msk $0xffff, v4  }
0x161: {  	v4 =	vld [tilespmem:s0+$0x1B070];
	_ =	sdelay $0x4  }
0x162: {  	[tilespmem:s0+$0xF070] =	vst.add.f32.msk $0xffff, v4  }
0x163: {  	[tilespmem:s0+$0xC070] =	vst.add.f32.msk $0xffff, v4  }
0x164: {  	s16 =	sor.u32 $0x70, s23;
	[tilespmem:s0+$0x12070] =	vst.add.f32.msk $0xffff, v4  }
0x165: {  	[tilespmem:s16+$0x0] =	vst.add.f32.msk $0xffff, v4  }
0x166: {  	v4 =	vld [tilespmem:s0+$0x1B400];
	_ =	sdelay $0x4  }
0x167: {  	s15 =	sadd.s32 $0x0, s21;
	[tilespmem:s0+$0xC400] =	vst.add.f32.msk $0xffff, v4  }
0x168: {  	s21 =	sor.u32 $0x6400, s15;
	[tilespmem:s0+$0xF400] =	vst.add.f32.msk $0xffff, v4  }
0x169: {  	[tilespmem:s21+$0xC000] =	vst.add.f32.msk $0xffff, v4  }
0x16a: {  	v5 =	vld [tilespmem:s0+$0x1B410];
	_ =	sdelay $0x3  }
0x16b: {  	[tilespmem:s0+$0x15400] =	vst.add.f32.msk $0xffff, v4  }
0x16c: {  	[tilespmem:s0+$0xC410] =	vst.add.f32.msk $0xffff, v5  }
0x16d: {  	s22 =	sadd.s32 $0x15400, s0;
	[tilespmem:s0+$0xF410] =	vst.add.f32.msk $0xffff, v5  }
0x16e: {  	s18 =	sor.u32 $0x10, s22;
	[tilespmem:s21+$0xC010] =	vst.add.f32.msk $0xffff, v5  }
0x16f: {  	[tilespmem:s18+$0x0] =	vst.add.f32.msk $0xffff, v5  }
0x170: {  	v4 =	vld [tilespmem:s0+$0x1B420];
	_ =	sdelay $0x4  }
0x171: {  	[tilespmem:s0+$0xC420] =	vst.add.f32.msk $0xffff, v4  }
0x172: {  	[tilespmem:s0+$0xF420] =	vst.add.f32.msk $0xffff, v4  }
0x173: {  	s23 =	sor.u32 $0x20, s22;
	[tilespmem:s21+$0xC020] =	vst.add.f32.msk $0xffff, v4  }
0x174: {  	[tilespmem:s23+$0x0] =	vst.add.f32.msk $0xffff, v4  }
0x175: {  	v4 =	vld [tilespmem:s0+$0x1B430];
	_ =	sdelay $0x4  }
0x176: {  	[tilespmem:s0+$0xC430] =	vst.add.f32.msk $0xffff, v4  }
0x177: {  	[tilespmem:s0+$0xF430] =	vst.add.f32.msk $0xffff, v4  }
0x178: {  	s24 =	sor.u32 $0x30, s22;
	[tilespmem:s21+$0xC030] =	vst.add.f32.msk $0xffff, v4  }
0x179: {  	[tilespmem:s24+$0x0] =	vst.add.f32.msk $0xffff, v4  }
0x17a: {  	v4 =	vld [tilespmem:s0+$0x1B440];
	_ =	sdelay $0x4  }
0x17b: {  	[tilespmem:s0+$0xC440] =	vst.add.f32.msk $0xffff, v4  }
0x17c: {  	[tilespmem:s0+$0xF440] =	vst.add.f32.msk $0xffff, v4  }
0x17d: {  	s25 =	sor.u32 $0x40, s22;
	[tilespmem:s21+$0xC040] =	vst.add.f32.msk $0xffff, v4  }
0x17e: {  	[tilespmem:s25+$0x0] =	vst.add.f32.msk $0xffff, v4  }
0x17f: {  	v4 =	vld [tilespmem:s0+$0x1B450];
	_ =	sdelay $0x4  }
0x180: {  	[tilespmem:s0+$0xC450] =	vst.add.f32.msk $0xffff, v4  }
0x181: {  	[tilespmem:s0+$0xF450] =	vst.add.f32.msk $0xffff, v4  }
0x182: {  	s19 =	sor.u32 $0x50, s22;
	[tilespmem:s21+$0xC050] =	vst.add.f32.msk $0xffff, v4  }
0x183: {  	[tilespmem:s19+$0x0] =	vst.add.f32.msk $0xffff, v4  }
0x184: {  	v4 =	vld [tilespmem:s0+$0x1B460];
	_ =	sdelay $0x4  }
0x185: {  	[tilespmem:s0+$0xC460] =	vst.add.f32.msk $0xffff, v4  }
0x186: {  	[tilespmem:s0+$0xF460] =	vst.add.f32.msk $0xffff, v4  }
0x187: {  	s20 =	sor.u32 $0x60, s22;
	[tilespmem:s21+$0xC060] =	vst.add.f32.msk $0xffff, v4  }
0x188: {  	[tilespmem:s20+$0x0] =	vst.add.f32.msk $0xffff, v4  }
0x189: {  	v4 =	vld [tilespmem:s0+$0x1B470];
	_ =	sdelay $0x4  }
0x18a: {  	[tilespmem:s0+$0xC470] =	vst.add.f32.msk $0xffff, v4  }
0x18b: {  	[tilespmem:s0+$0xF470] =	vst.add.f32.msk $0xffff, v4  }
0x18c: {  	[tilespmem:s21+$0xC070] =	vst.add.f32.msk $0xffff, v4;
	s21 =	sor.u32 $0x70, s22  }
0x18d: {  	[tilespmem:s21+$0x0] =	vst.add.f32.msk $0xffff, v4  }
0x18e: {  	v4 =	vld [tilespmem:s0+$0x1B800];
	_ =	sdelay $0x2  }
0x18f: {  	v5 =	vld [tilespmem:s0+$0x1B810];
	_ =	sdelay $0x1  }
0x190: {  	[tilespmem:s0+$0x15800] =	vst.add.f32.msk $0xffff, v4  }
0x191: {  	[tilespmem:s0+$0x12800] =	vst.add.f32.msk $0xffff, v4  }
0x192: {  	[tilespmem:s0+$0xC800] =	vst.add.f32.msk $0xffff, v4  }
0x193: {  	[tilespmem:s0+$0xF810] =	vst.add.f32.msk $0xffff, v5  }
0x194: {  	s16 =	sadd.s32 $0x12800, s0;
	[tilespmem:s0+$0xC810] =	vst.add.f32.msk $0xffff, v5  }
0x195: {  	s17 =	sadd.s32 $0x15800, s0;
	s22 =	sor.u32 $0x10, s16;
	[tilespmem:s0+$0xF800] =	vst.add.f32.msk $0xffff, v4  }
0x196: {  	s23 =	sor.u32 $0x10, s17;
	[tilespmem:s22+$0x0] =	vst.add.f32.msk $0xffff, v5  }
0x197: {  	[tilespmem:s23+$0x0] =	vst.add.f32.msk $0xffff, v5  }
0x198: {  	v4 =	vld [tilespmem:s0+$0x1B820];
	_ =	sdelay $0x4  }
0x199: {  	[tilespmem:s0+$0xC820] =	vst.add.f32.msk $0xffff, v4  }
0x19a: {  	s24 =	sor.u32 $0x20, s16;
	[tilespmem:s0+$0xF820] =	vst.add.f32.msk $0xffff, v4  }
0x19b: {  	s25 =	sor.u32 $0x20, s17;
	[tilespmem:s24+$0x0] =	vst.add.f32.msk $0xffff, v4  }
0x19c: {  	[tilespmem:s25+$0x0] =	vst.add.f32.msk $0xffff, v4  }
0x19d: {  	v4 =	vld [tilespmem:s0+$0x1B830];
	_ =	sdelay $0x4  }
0x19e: {  	[tilespmem:s0+$0xC830] =	vst.add.f32.msk $0xffff, v4  }
0x19f: {  	s19 =	sor.u32 $0x30, s16;
	[tilespmem:s0+$0xF830] =	vst.add.f32.msk $0xffff, v4  }
0x1a0: {  	s20 =	sor.u32 $0x30, s17;
	[tilespmem:s19+$0x0] =	vst.add.f32.msk $0xffff, v4  }
0x1a1: {  	[tilespmem:s20+$0x0] =	vst.add.f32.msk $0xffff, v4  }
0x1a2: {  	v4 =	vld [tilespmem:s0+$0x1B840];
	_ =	sdelay $0x4  }
0x1a3: {  	[tilespmem:s0+$0xC840] =	vst.add.f32.msk $0xffff, v4  }
0x1a4: {  	s21 =	sor.u32 $0x40, s16;
	[tilespmem:s0+$0xF840] =	vst.add.f32.msk $0xffff, v4  }
0x1a5: {  	s22 =	sor.u32 $0x40, s17;
	[tilespmem:s21+$0x0] =	vst.add.f32.msk $0xffff, v4  }
0x1a6: {  	[tilespmem:s22+$0x0] =	vst.add.f32.msk $0xffff, v4  }
0x1a7: {  	v4 =	vld [tilespmem:s0+$0x1B850];
	_ =	sdelay $0x4  }
0x1a8: {  	[tilespmem:s0+$0xC850] =	vst.add.f32.msk $0xffff, v4  }
0x1a9: {  	s23 =	sor.u32 $0x50, s16;
	[tilespmem:s0+$0xF850] =	vst.add.f32.msk $0xffff, v4  }
0x1aa: {  	s24 =	sor.u32 $0x50, s17;
	[tilespmem:s23+$0x0] =	vst.add.f32.msk $0xffff, v4  }
0x1ab: {  	[tilespmem:s24+$0x0] =	vst.add.f32.msk $0xffff, v4  }
0x1ac: {  	v4 =	vld [tilespmem:s0+$0x1B860];
	_ =	sdelay $0x4  }
0x1ad: {  	[tilespmem:s0+$0xC860] =	vst.add.f32.msk $0xffff, v4  }
0x1ae: {  	s25 =	sor.u32 $0x60, s16;
	[tilespmem:s0+$0xF860] =	vst.add.f32.msk $0xffff, v4  }
0x1af: {  	s19 =	sor.u32 $0x60, s17;
	[tilespmem:s25+$0x0] =	vst.add.f32.msk $0xffff, v4  }
0x1b0: {  	[tilespmem:s19+$0x0] =	vst.add.f32.msk $0xffff, v4  }
0x1b1: {  	v4 =	vld [tilespmem:s0+$0x1B870];
	_ =	sdelay $0x4  }
0x1b2: {  	[tilespmem:s0+$0xC870] =	vst.add.f32.msk $0xffff, v4  }
0x1b3: {  	s16 =	sor.u32 $0x70, s16;
	[tilespmem:s0+$0xF870] =	vst.add.f32.msk $0xffff, v4  }
0x1b4: {  	s20 =	sor.u32 $0x70, s17;
	[tilespmem:s16+$0x0] =	vst.add.f32.msk $0xffff, v4  }
0x1b5: {  	[tilespmem:s20+$0x0] =	vst.add.f32.msk $0xffff, v4  }
0x1b6: {  	v4 =	vld [tilespmem:s0+$0x1BC00];
	_ =	sdelay $0x1  }
0x1b7: {  	v5 =	vld [tilespmem:s0+$0x1BC10];
	_ =	sdelay $0x2  }
0x1b8: {  	[tilespmem:s0+$0x15C00] =	vst.add.f32.msk $0xffff, v4  }
0x1b9: {  	[tilespmem:s0+$0xCC00] =	vst.add.f32.msk $0xffff, v4  }
0x1ba: {  	[tilespmem:s0+$0xCC10] =	vst.add.f32.msk $0xffff, v5  }
0x1bb: {  	[tilespmem:s0+$0xFC00] =	vst.add.f32.msk $0xffff, v4  }
0x1bc: {  	s16 =	sadd.s32 $0x12C00, s0;
	[tilespmem:s0+$0x12C00] =	vst.add.f32.msk $0xffff, v4  }
0x1bd: {  	s17 =	sadd.s32 $0x15C00, s0;
	s21 =	sor.u32 $0x10, s16;
	[tilespmem:s0+$0xFC10] =	vst.add.f32.msk $0xffff, v5  }
0x1be: {  	s22 =	sor.u32 $0x10, s17;
	[tilespmem:s21+$0x0] =	vst.add.f32.msk $0xffff, v5  }
0x1bf: {  	[tilespmem:s22+$0x0] =	vst.add.f32.msk $0xffff, v5  }
0x1c0: {  	v4 =	vld [tilespmem:s0+$0x1BC20];
	_ =	sdelay $0x4  }
0x1c1: {  	[tilespmem:s0+$0xCC20] =	vst.add.f32.msk $0xffff, v4  }
0x1c2: {  	s23 =	sor.u32 $0x20, s16;
	[tilespmem:s0+$0xFC20] =	vst.add.f32.msk $0xffff, v4  }
0x1c3: {  	s24 =	sor.u32 $0x20, s17;
	[tilespmem:s23+$0x0] =	vst.add.f32.msk $0xffff, v4  }
0x1c4: {  	[tilespmem:s24+$0x0] =	vst.add.f32.msk $0xffff, v4  }
0x1c5: {  	v4 =	vld [tilespmem:s0+$0x1BC30];
	_ =	sdelay $0x4  }
0x1c6: {  	[tilespmem:s0+$0xCC30] =	vst.add.f32.msk $0xffff, v4  }
0x1c7: {  	s25 =	sor.u32 $0x30, s16;
	[tilespmem:s0+$0xFC30] =	vst.add.f32.msk $0xffff, v4  }
0x1c8: {  	s19 =	sor.u32 $0x30, s17;
	[tilespmem:s25+$0x0] =	vst.add.f32.msk $0xffff, v4  }
0x1c9: {  	[tilespmem:s19+$0x0] =	vst.add.f32.msk $0xffff, v4  }
0x1ca: {  	v4 =	vld [tilespmem:s0+$0x1BC40];
	_ =	sdelay $0x4  }
0x1cb: {  	[tilespmem:s0+$0xCC40] =	vst.add.f32.msk $0xffff, v4  }
0x1cc: {  	s20 =	sor.u32 $0x40, s16;
	[tilespmem:s0+$0xFC40] =	vst.add.f32.msk $0xffff, v4  }
0x1cd: {  	s21 =	sor.u32 $0x40, s17;
	[tilespmem:s20+$0x0] =	vst.add.f32.msk $0xffff, v4  }
0x1ce: {  	[tilespmem:s21+$0x0] =	vst.add.f32.msk $0xffff, v4  }
0x1cf: {  	v4 =	vld [tilespmem:s0+$0x1BC50];
	_ =	sdelay $0x4  }
0x1d0: {  	[tilespmem:s0+$0xCC50] =	vst.add.f32.msk $0xffff, v4  }
0x1d1: {  	s22 =	sor.u32 $0x50, s16;
	[tilespmem:s0+$0xFC50] =	vst.add.f32.msk $0xffff, v4  }
0x1d2: {  	s23 =	sor.u32 $0x50, s17;
	[tilespmem:s22+$0x0] =	vst.add.f32.msk $0xffff, v4  }
0x1d3: {  	[tilespmem:s23+$0x0] =	vst.add.f32.msk $0xffff, v4  }
0x1d4: {  	v4 =	vld [tilespmem:s0+$0x1BC60];
	_ =	sdelay $0x4  }
0x1d5: {  	[tilespmem:s0+$0xCC60] =	vst.add.f32.msk $0xffff, v4  }
0x1d6: {  	s24 =	sor.u32 $0x60, s16;
	[tilespmem:s0+$0xFC60] =	vst.add.f32.msk $0xffff, v4  }
0x1d7: {  	s25 =	sor.u32 $0x60, s17;
	[tilespmem:s24+$0x0] =	vst.add.f32.msk $0xffff, v4  }
0x1d8: {  	[tilespmem:s25+$0x0] =	vst.add.f32.msk $0xffff, v4  }
0x1d9: {  	v4 =	vld [tilespmem:s0+$0x1BC70];
	_ =	sdelay $0x4  }
0x1da: {  	[tilespmem:s0+$0xCC70] =	vst.add.f32.msk $0xffff, v4  }
0x1db: {  	s16 =	sor.u32 $0x70, s16;
	[tilespmem:s0+$0xFC70] =	vst.add.f32.msk $0xffff, v4  }
0x1dc: {  	s18 =	sor.u32 $0x70, s17;
	[tilespmem:s16+$0x0] =	vst.add.f32.msk $0xffff, v4  }
0x1dd: {  	[tilespmem:s18+$0x0] =	vst.add.f32.msk $0xffff, v4  }
0x1de: {  	v4 =	vld [tilespmem:s0+$0x1C000];
	_ =	sdelay $0x3  }
0x1df: {  	v5 =	vld [tilespmem:s0+$0x1C010]  }
0x1e0: {  	[tilespmem:s0+$0x16000] =	vst.add.f32.msk $0xffff, v4  }
0x1e1: {  	[tilespmem:s0+$0x13000] =	vst.add.f32.msk $0xffff, v4  }
0x1e2: {  	[tilespmem:s0+$0xD000] =	vst.add.f32.msk $0xffff, v4  }
0x1e3: {  	[tilespmem:s0+$0x10000] =	vst.add.f32.msk $0xffff, v4  }
0x1e4: {  	s19 =	sadd.s32 $0x13000, s0;
	[tilespmem:s0+$0xD010] =	vst.add.f32.msk $0xffff, v5  }
0x1e5: {  	s20 =	sor.u32 $0x10, s19;
	[tilespmem:s0+$0x10010] =	vst.add.f32.msk $0xffff, v5  }
0x1e6: {  	[tilespmem:s20+$0x0] =	vst.add.f32.msk $0xffff, v5  }
0x1e7: {  	v4 =	vld [tilespmem:s0+$0x1C020];
	_ =	sdelay $0x3  }
0x1e8: {  	[tilespmem:s0+$0x16010] =	vst.add.f32.msk $0xffff, v5  }
0x1e9: {  	[tilespmem:s0+$0xD020] =	vst.add.f32.msk $0xffff, v4  }
0x1ea: {  	s21 =	sor.u32 $0x20, s19;
	[tilespmem:s0+$0x10020] =	vst.add.f32.msk $0xffff, v4  }
0x1eb: {  	[tilespmem:s21+$0x0] =	vst.add.f32.msk $0xffff, v4  }
0x1ec: {  	v5 =	vld [tilespmem:s0+$0x1C030];
	_ =	sdelay $0x3  }
0x1ed: {  	[tilespmem:s0+$0x16020] =	vst.add.f32.msk $0xffff, v4  }
0x1ee: {  	[tilespmem:s0+$0xD030] =	vst.add.f32.msk $0xffff, v5  }
0x1ef: {  	s22 =	sor.u32 $0x30, s19;
	[tilespmem:s0+$0x10030] =	vst.add.f32.msk $0xffff, v5  }
0x1f0: {  	[tilespmem:s22+$0x0] =	vst.add.f32.msk $0xffff, v5  }
0x1f1: {  	v4 =	vld [tilespmem:s0+$0x1C040];
	_ =	sdelay $0x3  }
0x1f2: {  	[tilespmem:s0+$0x16030] =	vst.add.f32.msk $0xffff, v5  }
0x1f3: {  	[tilespmem:s0+$0xD040] =	vst.add.f32.msk $0xffff, v4  }
0x1f4: {  	s23 =	sor.u32 $0x40, s19;
	[tilespmem:s0+$0x10040] =	vst.add.f32.msk $0xffff, v4  }
0x1f5: {  	[tilespmem:s23+$0x0] =	vst.add.f32.msk $0xffff, v4  }
0x1f6: {  	v5 =	vld [tilespmem:s0+$0x1C050];
	_ =	sdelay $0x3  }
0x1f7: {  	[tilespmem:s0+$0x16040] =	vst.add.f32.msk $0xffff, v4  }
0x1f8: {  	[tilespmem:s0+$0xD050] =	vst.add.f32.msk $0xffff, v5  }
0x1f9: {  	s24 =	sor.u32 $0x50, s19;
	[tilespmem:s0+$0x10050] =	vst.add.f32.msk $0xffff, v5  }
0x1fa: {  	[tilespmem:s24+$0x0] =	vst.add.f32.msk $0xffff, v5  }
0x1fb: {  	v4 =	vld [tilespmem:s0+$0x1C060];
	_ =	sdelay $0x3  }
0x1fc: {  	[tilespmem:s0+$0x16050] =	vst.add.f32.msk $0xffff, v5  }
0x1fd: {  	[tilespmem:s0+$0xD060] =	vst.add.f32.msk $0xffff, v4  }
0x1fe: {  	s25 =	sor.u32 $0x60, s19;
	[tilespmem:s0+$0x10060] =	vst.add.f32.msk $0xffff, v4  }
0x1ff: {  	[tilespmem:s25+$0x0] =	vst.add.f32.msk $0xffff, v4  }
0x200: {  	v5 =	vld [tilespmem:s0+$0x1C070];
	_ =	sdelay $0x3  }
0x201: {  	[tilespmem:s0+$0x16060] =	vst.add.f32.msk $0xffff, v4  }
0x202: {  	[tilespmem:s0+$0xD070] =	vst.add.f32.msk $0xffff, v5  }
0x203: {  	s16 =	sor.u32 $0x70, s19;
	[tilespmem:s0+$0x10070] =	vst.add.f32.msk $0xffff, v5  }
0x204: {  	[tilespmem:s16+$0x0] =	vst.add.f32.msk $0xffff, v5  }
0x205: {  	v4 =	vld [tilespmem:s0+$0x1C400];
	_ =	sdelay $0x3  }
0x206: {  	[tilespmem:s0+$0x16070] =	vst.add.f32.msk $0xffff, v5  }
0x207: {  	s19 =	sor.u32 $0x4400, s15;
	[tilespmem:s0+$0xD400] =	vst.add.f32.msk $0xffff, v4  }
0x208: {  	[tilespmem:s19+$0xC000] =	vst.add.f32.msk $0xffff, v4  }
0x209: {  	s18 =	sor.u32 $0xA400, s15;
	[tilespmem:s0+$0x13400] =	vst.add.f32.msk $0xffff, v4  }
0x20a: {  	[tilespmem:s18+$0xC000] =	vst.add.f32.msk $0xffff, v4  }
0x20b: {  	s14 =	sadd.s32 $0x1, s14;
	s15 =	sadd.s32 $0x13400, s0;
	s16 =	simm.s32 $0x1;
	v4 =	vld [tilespmem:s0+$0x1C410]  }
.LBB2_5:
0x20c: {  	_ = 	snop  }
0x20d: {  	p0 =	sne.s32 s16, $0xF  }
0x20e: {  	s7 =	sadd.s32 $0x80, s7;
	s17 =	smov.u32 s16;
	s16 =	sadd.s32 $0x1, s16  }
0x20f: {  	_ = 	snop  }
0x210: {  	s20 =	sor.u32 $0x10, s15;
	[tilespmem:s0+$0xD410] =	vst.add.f32.msk $0xffff, v4  }
0x211: {  	[tilespmem:s19+$0xC010] =	vst.add.f32.msk $0xffff, v4  }
0x212: {  	[tilespmem:s20+$0x0] =	vst.add.f32.msk $0xffff, v4  }
0x213: {  	[tilespmem:s18+$0xC010] =	vst.add.f32.msk $0xffff, v4  }
0x214: {  	v4 =	vld [tilespmem:s0+$0x1C420];
	_ =	sdelay $0x4  }
0x215: {  	s20 =	sor.u32 $0x20, s15;
	[tilespmem:s0+$0xD420] =	vst.add.f32.msk $0xffff, v4  }
0x216: {  	[tilespmem:s19+$0xC020] =	vst.add.f32.msk $0xffff, v4  }
0x217: {  	[tilespmem:s20+$0x0] =	vst.add.f32.msk $0xffff, v4  }
0x218: {  	[tilespmem:s18+$0xC020] =	vst.add.f32.msk $0xffff, v4  }
0x219: {  	v4 =	vld [tilespmem:s0+$0x1C430];
	_ =	sdelay $0x4  }
0x21a: {  	s20 =	sor.u32 $0x30, s15;
	[tilespmem:s0+$0xD430] =	vst.add.f32.msk $0xffff, v4  }
0x21b: {  	[tilespmem:s19+$0xC030] =	vst.add.f32.msk $0xffff, v4  }
0x21c: {  	[tilespmem:s20+$0x0] =	vst.add.f32.msk $0xffff, v4  }
0x21d: {  	[tilespmem:s18+$0xC030] =	vst.add.f32.msk $0xffff, v4  }
0x21e: {  	v4 =	vld [tilespmem:s0+$0x1C440];
	_ =	sdelay $0x4  }
0x21f: {  	s20 =	sor.u32 $0x40, s15;
	[tilespmem:s0+$0xD440] =	vst.add.f32.msk $0xffff, v4  }
0x220: {  	[tilespmem:s19+$0xC040] =	vst.add.f32.msk $0xffff, v4  }
0x221: {  	[tilespmem:s20+$0x0] =	vst.add.f32.msk $0xffff, v4  }
0x222: {  	[tilespmem:s18+$0xC040] =	vst.add.f32.msk $0xffff, v4  }
0x223: {  	v4 =	vld [tilespmem:s0+$0x1C450];
	_ =	sdelay $0x4  }
0x224: {  	s20 =	sor.u32 $0x50, s15;
	[tilespmem:s0+$0xD450] =	vst.add.f32.msk $0xffff, v4  }
0x225: {  	[tilespmem:s19+$0xC050] =	vst.add.f32.msk $0xffff, v4  }
0x226: {  	[tilespmem:s20+$0x0] =	vst.add.f32.msk $0xffff, v4  }
0x227: {  	[tilespmem:s18+$0xC050] =	vst.add.f32.msk $0xffff, v4  }
0x228: {  	v4 =	vld [tilespmem:s0+$0x1C460];
	_ =	sdelay $0x4  }
0x229: {  	s20 =	sor.u32 $0x60, s15;
	[tilespmem:s0+$0xD460] =	vst.add.f32.msk $0xffff, v4  }
0x22a: {  	[tilespmem:s19+$0xC060] =	vst.add.f32.msk $0xffff, v4  }
0x22b: {  	[tilespmem:s20+$0x0] =	vst.add.f32.msk $0xffff, v4  }
0x22c: {  	[tilespmem:s18+$0xC060] =	vst.add.f32.msk $0xffff, v4  }
0x22d: {  	v4 =	vld [tilespmem:s0+$0x1C470];
	_ =	sdelay $0x4  }
0x22e: {  	s17 =	sshrl.u32 s17, $0x3;
	[tilespmem:s0+$0xD470] =	vst.add.f32.msk $0xffff, v4;
	s0 =	sor.u32 $0x70, s15  }
0x22f: {  	s15 =	smul.u32 $0x1800, s17;
	[tilespmem:s19+$0xC070] =	vst.add.f32.msk $0xffff, v4  }
0x230: {  	s19 =	sand.u32 $0x380, s7;
	[tilespmem:s0+$0x0] =	vst.add.f32.msk $0xffff, v4  }
0x231: {  	s17 =	sadd.s32 s15, s7;
	s0 =	sor.u32 s19, s15;
	[tilespmem:s18+$0xC070] =	vst.add.f32.msk $0xffff, v4  }
0x232: {  	s24 =	sadd.s32 $0x15000, s0;
	s23 =	sadd.s32 $0x15400, s0;
	s21 =	sadd.s32 $0x12800, s0;
	v4 =	vld [tilespmem:s0+$0x1B000]  }
0x233: {  	s22 =	sadd.s32 $0x15800, s0;
	s20 =	sadd.s32 $0x12C00, s0;
	s19 =	sadd.s32 $0x15C00, s0;
	v5 =	vld [tilespmem:s0+$0x1B010]  }
0x234: {  	s18 =	sadd.s32 $0x13000, s0;
	s15 =	sadd.s32 $0x13400, s0;
	_ =	sdelay $0x2  }
0x235: {  	[tilespmem:s0+$0xC000] =	vst.add.f32.msk $0xffff, v4  }
0x236: {  	[tilespmem:s0+$0x15000] =	vst.add.f32.msk $0xffff, v4  }
0x237: {  	[tilespmem:s0+$0x12000] =	vst.add.f32.msk $0xffff, v4  }
0x238: {  	[tilespmem:s0+$0xF000] =	vst.add.f32.msk $0xffff, v4  }
0x239: {  	[tilespmem:s0+$0x12010] =	vst.add.f32.msk $0xffff, v5  }
0x23a: {  	[tilespmem:s0+$0xC010] =	vst.add.f32.msk $0xffff, v5  }
0x23b: {  	s25 =	sor.u32 $0x10, s24;
	[tilespmem:s0+$0xF010] =	vst.add.f32.msk $0xffff, v5  }
0x23c: {  	[tilespmem:s25+$0x0] =	vst.add.f32.msk $0xffff, v5  }
0x23d: {  	v4 =	vld [tilespmem:s0+$0x1B020];
	_ =	sdelay $0x4  }
0x23e: {  	[tilespmem:s0+$0xC020] =	vst.add.f32.msk $0xffff, v4  }
0x23f: {  	[tilespmem:s0+$0xF020] =	vst.add.f32.msk $0xffff, v4  }
0x240: {  	s25 =	sor.u32 $0x20, s24;
	[tilespmem:s0+$0x12020] =	vst.add.f32.msk $0xffff, v4  }
0x241: {  	[tilespmem:s25+$0x0] =	vst.add.f32.msk $0xffff, v4  }
0x242: {  	v4 =	vld [tilespmem:s0+$0x1B030];
	_ =	sdelay $0x4  }
0x243: {  	[tilespmem:s0+$0xF030] =	vst.add.f32.msk $0xffff, v4  }
0x244: {  	[tilespmem:s0+$0xC030] =	vst.add.f32.msk $0xffff, v4  }
0x245: {  	s25 =	sor.u32 $0x30, s24;
	[tilespmem:s0+$0x12030] =	vst.add.f32.msk $0xffff, v4  }
0x246: {  	[tilespmem:s25+$0x0] =	vst.add.f32.msk $0xffff, v4  }
0x247: {  	v4 =	vld [tilespmem:s0+$0x1B040];
	_ =	sdelay $0x4  }
0x248: {  	[tilespmem:s0+$0xF040] =	vst.add.f32.msk $0xffff, v4  }
0x249: {  	[tilespmem:s0+$0xC040] =	vst.add.f32.msk $0xffff, v4  }
0x24a: {  	s25 =	sor.u32 $0x40, s24;
	[tilespmem:s0+$0x12040] =	vst.add.f32.msk $0xffff, v4  }
0x24b: {  	[tilespmem:s25+$0x0] =	vst.add.f32.msk $0xffff, v4  }
0x24c: {  	v4 =	vld [tilespmem:s0+$0x1B050];
	_ =	sdelay $0x4  }
0x24d: {  	[tilespmem:s0+$0xF050] =	vst.add.f32.msk $0xffff, v4  }
0x24e: {  	[tilespmem:s0+$0xC050] =	vst.add.f32.msk $0xffff, v4  }
0x24f: {  	s25 =	sor.u32 $0x50, s24;
	[tilespmem:s0+$0x12050] =	vst.add.f32.msk $0xffff, v4  }
0x250: {  	[tilespmem:s25+$0x0] =	vst.add.f32.msk $0xffff, v4  }
0x251: {  	v4 =	vld [tilespmem:s0+$0x1B060];
	_ =	sdelay $0x4  }
0x252: {  	[tilespmem:s0+$0xF060] =	vst.add.f32.msk $0xffff, v4  }
0x253: {  	[tilespmem:s0+$0xC060] =	vst.add.f32.msk $0xffff, v4  }
0x254: {  	s25 =	sor.u32 $0x60, s24;
	[tilespmem:s0+$0x12060] =	vst.add.f32.msk $0xffff, v4  }
0x255: {  	[tilespmem:s25+$0x0] =	vst.add.f32.msk $0xffff, v4  }
0x256: {  	v4 =	vld [tilespmem:s0+$0x1B070];
	_ =	sdelay $0x4  }
0x257: {  	[tilespmem:s0+$0xF070] =	vst.add.f32.msk $0xffff, v4  }
0x258: {  	[tilespmem:s0+$0xC070] =	vst.add.f32.msk $0xffff, v4  }
0x259: {  	s24 =	sor.u32 $0x70, s24;
	[tilespmem:s0+$0x12070] =	vst.add.f32.msk $0xffff, v4  }
0x25a: {  	[tilespmem:s24+$0x0] =	vst.add.f32.msk $0xffff, v4  }
0x25b: {  	v4 =	vld [tilespmem:s0+$0x1B400];
	_ =	sdelay $0x4  }
0x25c: {  	[tilespmem:s0+$0xC400] =	vst.add.f32.msk $0xffff, v4  }
0x25d: {  	s24 =	sor.u32 $0x6400, s17;
	[tilespmem:s0+$0xF400] =	vst.add.f32.msk $0xffff, v4  }
0x25e: {  	[tilespmem:s24+$0xC000] =	vst.add.f32.msk $0xffff, v4  }
0x25f: {  	v5 =	vld [tilespmem:s0+$0x1B410]  }
0x260: {  	[tilespmem:s0+$0x15400] =	vst.add.f32.msk $0xffff, v4;
	_ =	sdelay $0x3  }
0x261: {  	[tilespmem:s0+$0xC410] =	vst.add.f32.msk $0xffff, v5  }
0x262: {  	[tilespmem:s0+$0xF410] =	vst.add.f32.msk $0xffff, v5  }
0x263: {  	s25 =	sor.u32 $0x10, s23;
	[tilespmem:s24+$0xC010] =	vst.add.f32.msk $0xffff, v5  }
0x264: {  	[tilespmem:s25+$0x0] =	vst.add.f32.msk $0xffff, v5  }
0x265: {  	v4 =	vld [tilespmem:s0+$0x1B420];
	_ =	sdelay $0x4  }
0x266: {  	[tilespmem:s0+$0xC420] =	vst.add.f32.msk $0xffff, v4  }
0x267: {  	[tilespmem:s0+$0xF420] =	vst.add.f32.msk $0xffff, v4  }
0x268: {  	s25 =	sor.u32 $0x20, s23;
	[tilespmem:s24+$0xC020] =	vst.add.f32.msk $0xffff, v4  }
0x269: {  	[tilespmem:s25+$0x0] =	vst.add.f32.msk $0xffff, v4  }
0x26a: {  	v4 =	vld [tilespmem:s0+$0x1B430];
	_ =	sdelay $0x4  }
0x26b: {  	[tilespmem:s0+$0xC430] =	vst.add.f32.msk $0xffff, v4  }
0x26c: {  	[tilespmem:s0+$0xF430] =	vst.add.f32.msk $0xffff, v4  }
0x26d: {  	s25 =	sor.u32 $0x30, s23;
	[tilespmem:s24+$0xC030] =	vst.add.f32.msk $0xffff, v4  }
0x26e: {  	[tilespmem:s25+$0x0] =	vst.add.f32.msk $0xffff, v4  }
0x26f: {  	v4 =	vld [tilespmem:s0+$0x1B440];
	_ =	sdelay $0x4  }
0x270: {  	[tilespmem:s0+$0xC440] =	vst.add.f32.msk $0xffff, v4  }
0x271: {  	[tilespmem:s0+$0xF440] =	vst.add.f32.msk $0xffff, v4  }
0x272: {  	s25 =	sor.u32 $0x40, s23;
	[tilespmem:s24+$0xC040] =	vst.add.f32.msk $0xffff, v4  }
0x273: {  	[tilespmem:s25+$0x0] =	vst.add.f32.msk $0xffff, v4  }
0x274: {  	v4 =	vld [tilespmem:s0+$0x1B450];
	_ =	sdelay $0x4  }
0x275: {  	[tilespmem:s0+$0xC450] =	vst.add.f32.msk $0xffff, v4  }
0x276: {  	[tilespmem:s0+$0xF450] =	vst.add.f32.msk $0xffff, v4  }
0x277: {  	s25 =	sor.u32 $0x50, s23;
	[tilespmem:s24+$0xC050] =	vst.add.f32.msk $0xffff, v4  }
0x278: {  	[tilespmem:s25+$0x0] =	vst.add.f32.msk $0xffff, v4  }
0x279: {  	v4 =	vld [tilespmem:s0+$0x1B460];
	_ =	sdelay $0x4  }
0x27a: {  	[tilespmem:s0+$0xC460] =	vst.add.f32.msk $0xffff, v4  }
0x27b: {  	[tilespmem:s0+$0xF460] =	vst.add.f32.msk $0xffff, v4  }
0x27c: {  	s25 =	sor.u32 $0x60, s23;
	[tilespmem:s24+$0xC060] =	vst.add.f32.msk $0xffff, v4  }
0x27d: {  	[tilespmem:s25+$0x0] =	vst.add.f32.msk $0xffff, v4  }
0x27e: {  	v4 =	vld [tilespmem:s0+$0x1B470];
	_ =	sdelay $0x4  }
0x27f: {  	[tilespmem:s0+$0xC470] =	vst.add.f32.msk $0xffff, v4  }
0x280: {  	[tilespmem:s0+$0xF470] =	vst.add.f32.msk $0xffff, v4  }
0x281: {  	s23 =	sor.u32 $0x70, s23;
	[tilespmem:s24+$0xC070] =	vst.add.f32.msk $0xffff, v4  }
0x282: {  	[tilespmem:s23+$0x0] =	vst.add.f32.msk $0xffff, v4  }
0x283: {  	v4 =	vld [tilespmem:s0+$0x1B800]  }
0x284: {  	v5 =	vld [tilespmem:s0+$0x1B810];
	_ =	sdelay $0x3  }
0x285: {  	[tilespmem:s0+$0x15800] =	vst.add.f32.msk $0xffff, v4  }
0x286: {  	[tilespmem:s0+$0x12800] =	vst.add.f32.msk $0xffff, v4  }
0x287: {  	[tilespmem:s0+$0xC800] =	vst.add.f32.msk $0xffff, v4  }
0x288: {  	[tilespmem:s0+$0xF810] =	vst.add.f32.msk $0xffff, v5  }
0x289: {  	[tilespmem:s0+$0xC810] =	vst.add.f32.msk $0xffff, v5  }
0x28a: {  	s23 =	sor.u32 $0x10, s21;
	[tilespmem:s0+$0xF800] =	vst.add.f32.msk $0xffff, v4  }
0x28b: {  	[tilespmem:s23+$0x0] =	vst.add.f32.msk $0xffff, v5;
	s23 =	sor.u32 $0x10, s22  }
0x28c: {  	[tilespmem:s23+$0x0] =	vst.add.f32.msk $0xffff, v5  }
0x28d: {  	v4 =	vld [tilespmem:s0+$0x1B820];
	_ =	sdelay $0x4  }
0x28e: {  	[tilespmem:s0+$0xC820] =	vst.add.f32.msk $0xffff, v4  }
0x28f: {  	s23 =	sor.u32 $0x20, s21;
	[tilespmem:s0+$0xF820] =	vst.add.f32.msk $0xffff, v4  }
0x290: {  	[tilespmem:s23+$0x0] =	vst.add.f32.msk $0xffff, v4;
	s23 =	sor.u32 $0x20, s22  }
0x291: {  	[tilespmem:s23+$0x0] =	vst.add.f32.msk $0xffff, v4  }
0x292: {  	v4 =	vld [tilespmem:s0+$0x1B830];
	_ =	sdelay $0x4  }
0x293: {  	[tilespmem:s0+$0xC830] =	vst.add.f32.msk $0xffff, v4  }
0x294: {  	s23 =	sor.u32 $0x30, s21;
	[tilespmem:s0+$0xF830] =	vst.add.f32.msk $0xffff, v4  }
0x295: {  	[tilespmem:s23+$0x0] =	vst.add.f32.msk $0xffff, v4;
	s23 =	sor.u32 $0x30, s22  }
0x296: {  	[tilespmem:s23+$0x0] =	vst.add.f32.msk $0xffff, v4  }
0x297: {  	v4 =	vld [tilespmem:s0+$0x1B840];
	_ =	sdelay $0x4  }
0x298: {  	[tilespmem:s0+$0xC840] =	vst.add.f32.msk $0xffff, v4  }
0x299: {  	s23 =	sor.u32 $0x40, s21;
	[tilespmem:s0+$0xF840] =	vst.add.f32.msk $0xffff, v4  }
0x29a: {  	[tilespmem:s23+$0x0] =	vst.add.f32.msk $0xffff, v4;
	s23 =	sor.u32 $0x40, s22  }
0x29b: {  	[tilespmem:s23+$0x0] =	vst.add.f32.msk $0xffff, v4  }
0x29c: {  	v4 =	vld [tilespmem:s0+$0x1B850];
	_ =	sdelay $0x4  }
0x29d: {  	[tilespmem:s0+$0xC850] =	vst.add.f32.msk $0xffff, v4  }
0x29e: {  	s23 =	sor.u32 $0x50, s21;
	[tilespmem:s0+$0xF850] =	vst.add.f32.msk $0xffff, v4  }
0x29f: {  	[tilespmem:s23+$0x0] =	vst.add.f32.msk $0xffff, v4;
	s23 =	sor.u32 $0x50, s22  }
0x2a0: {  	[tilespmem:s23+$0x0] =	vst.add.f32.msk $0xffff, v4  }
0x2a1: {  	v4 =	vld [tilespmem:s0+$0x1B860];
	_ =	sdelay $0x4  }
0x2a2: {  	[tilespmem:s0+$0xC860] =	vst.add.f32.msk $0xffff, v4  }
0x2a3: {  	s23 =	sor.u32 $0x60, s21;
	[tilespmem:s0+$0xF860] =	vst.add.f32.msk $0xffff, v4  }
0x2a4: {  	[tilespmem:s23+$0x0] =	vst.add.f32.msk $0xffff, v4;
	s23 =	sor.u32 $0x60, s22  }
0x2a5: {  	[tilespmem:s23+$0x0] =	vst.add.f32.msk $0xffff, v4  }
0x2a6: {  	v4 =	vld [tilespmem:s0+$0x1B870];
	_ =	sdelay $0x4  }
0x2a7: {  	[tilespmem:s0+$0xC870] =	vst.add.f32.msk $0xffff, v4  }
0x2a8: {  	s21 =	sor.u32 $0x70, s21;
	[tilespmem:s0+$0xF870] =	vst.add.f32.msk $0xffff, v4  }
0x2a9: {  	[tilespmem:s21+$0x0] =	vst.add.f32.msk $0xffff, v4;
	s21 =	sor.u32 $0x70, s22  }
0x2aa: {  	[tilespmem:s21+$0x0] =	vst.add.f32.msk $0xffff, v4  }
0x2ab: {  	v4 =	vld [tilespmem:s0+$0x1BC00]  }
0x2ac: {  	v5 =	vld [tilespmem:s0+$0x1BC10];
	_ =	sdelay $0x3  }
0x2ad: {  	[tilespmem:s0+$0x15C00] =	vst.add.f32.msk $0xffff, v4  }
0x2ae: {  	[tilespmem:s0+$0xCC00] =	vst.add.f32.msk $0xffff, v4  }
0x2af: {  	[tilespmem:s0+$0xCC10] =	vst.add.f32.msk $0xffff, v5  }
0x2b0: {  	[tilespmem:s0+$0xFC00] =	vst.add.f32.msk $0xffff, v4  }
0x2b1: {  	[tilespmem:s0+$0x12C00] =	vst.add.f32.msk $0xffff, v4  }
0x2b2: {  	s21 =	sor.u32 $0x10, s20;
	[tilespmem:s0+$0xFC10] =	vst.add.f32.msk $0xffff, v5  }
0x2b3: {  	[tilespmem:s21+$0x0] =	vst.add.f32.msk $0xffff, v5;
	s21 =	sor.u32 $0x10, s19  }
0x2b4: {  	[tilespmem:s21+$0x0] =	vst.add.f32.msk $0xffff, v5  }
0x2b5: {  	v4 =	vld [tilespmem:s0+$0x1BC20];
	_ =	sdelay $0x4  }
0x2b6: {  	[tilespmem:s0+$0xCC20] =	vst.add.f32.msk $0xffff, v4  }
0x2b7: {  	s21 =	sor.u32 $0x20, s20;
	[tilespmem:s0+$0xFC20] =	vst.add.f32.msk $0xffff, v4  }
0x2b8: {  	[tilespmem:s21+$0x0] =	vst.add.f32.msk $0xffff, v4;
	s21 =	sor.u32 $0x20, s19  }
0x2b9: {  	[tilespmem:s21+$0x0] =	vst.add.f32.msk $0xffff, v4  }
0x2ba: {  	v4 =	vld [tilespmem:s0+$0x1BC30];
	_ =	sdelay $0x4  }
0x2bb: {  	[tilespmem:s0+$0xCC30] =	vst.add.f32.msk $0xffff, v4  }
0x2bc: {  	s21 =	sor.u32 $0x30, s20;
	[tilespmem:s0+$0xFC30] =	vst.add.f32.msk $0xffff, v4  }
0x2bd: {  	[tilespmem:s21+$0x0] =	vst.add.f32.msk $0xffff, v4;
	s21 =	sor.u32 $0x30, s19  }
0x2be: {  	[tilespmem:s21+$0x0] =	vst.add.f32.msk $0xffff, v4  }
0x2bf: {  	v4 =	vld [tilespmem:s0+$0x1BC40];
	_ =	sdelay $0x4  }
0x2c0: {  	[tilespmem:s0+$0xCC40] =	vst.add.f32.msk $0xffff, v4  }
0x2c1: {  	s21 =	sor.u32 $0x40, s20;
	[tilespmem:s0+$0xFC40] =	vst.add.f32.msk $0xffff, v4  }
0x2c2: {  	[tilespmem:s21+$0x0] =	vst.add.f32.msk $0xffff, v4;
	s21 =	sor.u32 $0x40, s19  }
0x2c3: {  	[tilespmem:s21+$0x0] =	vst.add.f32.msk $0xffff, v4  }
0x2c4: {  	v4 =	vld [tilespmem:s0+$0x1BC50];
	_ =	sdelay $0x4  }
0x2c5: {  	[tilespmem:s0+$0xCC50] =	vst.add.f32.msk $0xffff, v4  }
0x2c6: {  	s21 =	sor.u32 $0x50, s20;
	[tilespmem:s0+$0xFC50] =	vst.add.f32.msk $0xffff, v4  }
0x2c7: {  	[tilespmem:s21+$0x0] =	vst.add.f32.msk $0xffff, v4;
	s21 =	sor.u32 $0x50, s19  }
0x2c8: {  	[tilespmem:s21+$0x0] =	vst.add.f32.msk $0xffff, v4  }
0x2c9: {  	v4 =	vld [tilespmem:s0+$0x1BC60];
	_ =	sdelay $0x4  }
0x2ca: {  	[tilespmem:s0+$0xCC60] =	vst.add.f32.msk $0xffff, v4  }
0x2cb: {  	s21 =	sor.u32 $0x60, s20;
	[tilespmem:s0+$0xFC60] =	vst.add.f32.msk $0xffff, v4  }
0x2cc: {  	[tilespmem:s21+$0x0] =	vst.add.f32.msk $0xffff, v4;
	s21 =	sor.u32 $0x60, s19  }
0x2cd: {  	[tilespmem:s21+$0x0] =	vst.add.f32.msk $0xffff, v4  }
0x2ce: {  	v4 =	vld [tilespmem:s0+$0x1BC70];
	_ =	sdelay $0x4  }
0x2cf: {  	[tilespmem:s0+$0xCC70] =	vst.add.f32.msk $0xffff, v4  }
0x2d0: {  	s20 =	sor.u32 $0x70, s20;
	[tilespmem:s0+$0xFC70] =	vst.add.f32.msk $0xffff, v4  }
0x2d1: {  	s19 =	sor.u32 $0x70, s19;
	[tilespmem:s20+$0x0] =	vst.add.f32.msk $0xffff, v4  }
0x2d2: {  	[tilespmem:s19+$0x0] =	vst.add.f32.msk $0xffff, v4  }
0x2d3: {  	v4 =	vld [tilespmem:s0+$0x1C000]  }
0x2d4: {  	v5 =	vld [tilespmem:s0+$0x1C010];
	_ =	sdelay $0x3  }
0x2d5: {  	[tilespmem:s0+$0x16000] =	vst.add.f32.msk $0xffff, v4  }
0x2d6: {  	[tilespmem:s0+$0x13000] =	vst.add.f32.msk $0xffff, v4  }
0x2d7: {  	[tilespmem:s0+$0xD000] =	vst.add.f32.msk $0xffff, v4  }
0x2d8: {  	[tilespmem:s0+$0x10000] =	vst.add.f32.msk $0xffff, v4  }
0x2d9: {  	[tilespmem:s0+$0xD010] =	vst.add.f32.msk $0xffff, v5  }
0x2da: {  	s19 =	sor.u32 $0x10, s18;
	[tilespmem:s0+$0x10010] =	vst.add.f32.msk $0xffff, v5  }
0x2db: {  	[tilespmem:s19+$0x0] =	vst.add.f32.msk $0xffff, v5  }
0x2dc: {  	v4 =	vld [tilespmem:s0+$0x1C020]  }
0x2dd: {  	[tilespmem:s0+$0x16010] =	vst.add.f32.msk $0xffff, v5;
	_ =	sdelay $0x3  }
0x2de: {  	[tilespmem:s0+$0xD020] =	vst.add.f32.msk $0xffff, v4  }
0x2df: {  	s19 =	sor.u32 $0x20, s18;
	[tilespmem:s0+$0x10020] =	vst.add.f32.msk $0xffff, v4  }
0x2e0: {  	[tilespmem:s19+$0x0] =	vst.add.f32.msk $0xffff, v4  }
0x2e1: {  	v5 =	vld [tilespmem:s0+$0x1C030]  }
0x2e2: {  	[tilespmem:s0+$0x16020] =	vst.add.f32.msk $0xffff, v4;
	_ =	sdelay $0x3  }
0x2e3: {  	[tilespmem:s0+$0xD030] =	vst.add.f32.msk $0xffff, v5  }
0x2e4: {  	s19 =	sor.u32 $0x30, s18;
	[tilespmem:s0+$0x10030] =	vst.add.f32.msk $0xffff, v5  }
0x2e5: {  	[tilespmem:s19+$0x0] =	vst.add.f32.msk $0xffff, v5  }
0x2e6: {  	v4 =	vld [tilespmem:s0+$0x1C040]  }
0x2e7: {  	[tilespmem:s0+$0x16030] =	vst.add.f32.msk $0xffff, v5;
	_ =	sdelay $0x3  }
0x2e8: {  	[tilespmem:s0+$0xD040] =	vst.add.f32.msk $0xffff, v4  }
0x2e9: {  	s19 =	sor.u32 $0x40, s18;
	[tilespmem:s0+$0x10040] =	vst.add.f32.msk $0xffff, v4  }
0x2ea: {  	[tilespmem:s19+$0x0] =	vst.add.f32.msk $0xffff, v4  }
0x2eb: {  	v5 =	vld [tilespmem:s0+$0x1C050]  }
0x2ec: {  	[tilespmem:s0+$0x16040] =	vst.add.f32.msk $0xffff, v4;
	_ =	sdelay $0x3  }
0x2ed: {  	[tilespmem:s0+$0xD050] =	vst.add.f32.msk $0xffff, v5  }
0x2ee: {  	s19 =	sor.u32 $0x50, s18;
	[tilespmem:s0+$0x10050] =	vst.add.f32.msk $0xffff, v5  }
0x2ef: {  	[tilespmem:s19+$0x0] =	vst.add.f32.msk $0xffff, v5  }
0x2f0: {  	v4 =	vld [tilespmem:s0+$0x1C060]  }
0x2f1: {  	[tilespmem:s0+$0x16050] =	vst.add.f32.msk $0xffff, v5;
	_ =	sdelay $0x3  }
0x2f2: {  	[tilespmem:s0+$0xD060] =	vst.add.f32.msk $0xffff, v4  }
0x2f3: {  	s19 =	sor.u32 $0x60, s18;
	[tilespmem:s0+$0x10060] =	vst.add.f32.msk $0xffff, v4  }
0x2f4: {  	[tilespmem:s19+$0x0] =	vst.add.f32.msk $0xffff, v4  }
0x2f5: {  	v5 =	vld [tilespmem:s0+$0x1C070]  }
0x2f6: {  	[tilespmem:s0+$0x16060] =	vst.add.f32.msk $0xffff, v4;
	_ =	sdelay $0x3  }
0x2f7: {  	s18 =	sor.u32 $0x70, s18;
	[tilespmem:s0+$0xD070] =	vst.add.f32.msk $0xffff, v5  }
0x2f8: {  	[tilespmem:s0+$0x10070] =	vst.add.f32.msk $0xffff, v5  }
0x2f9: {  	[tilespmem:s18+$0x0] =	vst.add.f32.msk $0xffff, v5  }
0x2fa: {  	v4 =	vld [tilespmem:s0+$0x1C400]  }
0x2fb: {  	[tilespmem:s0+$0x16070] =	vst.add.f32.msk $0xffff, v5;
	_ =	sdelay $0x2  }
0x2fc: {  	s19 =	sor.u32 $0x4400, s17  }
.Ltmp1:
0x2fd: {  	[tilespmem:s0+$0xD400] =	vst.add.f32.msk $0xffff, v4;
	(pc) =	sbr.rel @p0 .LBB2_5-.Ltmp1, $4  }
0x2fe: {  	s18 =	sor.u32 $0xA400, s17;
	[tilespmem:s19+$0xC000] =	vst.add.f32.msk $0xffff, v4  }
0x2ff: {  	[tilespmem:s0+$0x13400] =	vst.add.f32.msk $0xffff, v4  }
0x300: {  	[tilespmem:s18+$0xC000] =	vst.add.f32.msk $0xffff, v4  }
0x301: {  	v4 =	vld [tilespmem:s0+$0x1C410]  }
0x302: {  	_ =	sdelay $0x3  }
0x303: {  	[tilespmem:s0+$0xD410] =	vst.add.f32.msk $0xffff, v4  }
0x304: {  	s7 =	sor.u32 $0x10, s15;
	[tilespmem:s19+$0xC010] =	vst.add.f32.msk $0xffff, v4  }
0x305: {  	[tilespmem:s7+$0x0] =	vst.add.f32.msk $0xffff, v4  }
0x306: {  	[tilespmem:s18+$0xC010] =	vst.add.f32.msk $0xffff, v4  }
0x307: {  	v4 =	vld [tilespmem:s0+$0x1C420];
	_ =	sdelay $0x4  }
0x308: {  	[tilespmem:s0+$0xD420] =	vst.add.f32.msk $0xffff, v4  }
0x309: {  	s17 =	sor.u32 $0x20, s15;
	[tilespmem:s19+$0xC020] =	vst.add.f32.msk $0xffff, v4  }
0x30a: {  	[tilespmem:s17+$0x0] =	vst.add.f32.msk $0xffff, v4  }
0x30b: {  	[tilespmem:s18+$0xC020] =	vst.add.f32.msk $0xffff, v4  }
0x30c: {  	v4 =	vld [tilespmem:s0+$0x1C430];
	_ =	sdelay $0x4  }
0x30d: {  	[tilespmem:s0+$0xD430] =	vst.add.f32.msk $0xffff, v4  }
0x30e: {  	s20 =	sor.u32 $0x30, s15;
	[tilespmem:s19+$0xC030] =	vst.add.f32.msk $0xffff, v4  }
0x30f: {  	[tilespmem:s20+$0x0] =	vst.add.f32.msk $0xffff, v4  }
0x310: {  	[tilespmem:s18+$0xC030] =	vst.add.f32.msk $0xffff, v4  }
0x311: {  	v4 =	vld [tilespmem:s0+$0x1C440];
	_ =	sdelay $0x4  }
0x312: {  	[tilespmem:s0+$0xD440] =	vst.add.f32.msk $0xffff, v4  }
0x313: {  	s21 =	sor.u32 $0x40, s15;
	[tilespmem:s19+$0xC040] =	vst.add.f32.msk $0xffff, v4  }
0x314: {  	[tilespmem:s21+$0x0] =	vst.add.f32.msk $0xffff, v4  }
0x315: {  	[tilespmem:s18+$0xC040] =	vst.add.f32.msk $0xffff, v4  }
0x316: {  	v4 =	vld [tilespmem:s0+$0x1C450];
	_ =	sdelay $0x4  }
0x317: {  	[tilespmem:s0+$0xD450] =	vst.add.f32.msk $0xffff, v4  }
0x318: {  	s22 =	sor.u32 $0x50, s15;
	[tilespmem:s19+$0xC050] =	vst.add.f32.msk $0xffff, v4  }
0x319: {  	[tilespmem:s22+$0x0] =	vst.add.f32.msk $0xffff, v4  }
0x31a: {  	[tilespmem:s18+$0xC050] =	vst.add.f32.msk $0xffff, v4  }
0x31b: {  	v4 =	vld [tilespmem:s0+$0x1C460];
	_ =	sdelay $0x4  }
0x31c: {  	[tilespmem:s0+$0xD460] =	vst.add.f32.msk $0xffff, v4  }
0x31d: {  	s23 =	sor.u32 $0x60, s15;
	[tilespmem:s19+$0xC060] =	vst.add.f32.msk $0xffff, v4  }
0x31e: {  	[tilespmem:s23+$0x0] =	vst.add.f32.msk $0xffff, v4  }
0x31f: {  	[tilespmem:s18+$0xC060] =	vst.add.f32.msk $0xffff, v4  }
0x320: {  	v4 =	vld [tilespmem:s0+$0x1C470];
	_ =	sdelay $0x3  }
0x321: {  	p0 =	sne.s32 s14, $0x8  }
.Ltmp2:
0x322: {  	[tilespmem:s0+$0xD470] =	vst.add.f32.msk $0xffff, v4;
	(pc) =	sbr.rel @p0 .LBB2_2-.Ltmp2, $4  }
0x323: {  	s24 =	sor.u32 $0x70, s15;
	[tilespmem:s19+$0xC070] =	vst.add.f32.msk $0xffff, v4  }
0x324: {  	[tilespmem:s24+$0x0] =	vst.add.f32.msk $0xffff, v4  }
0x325: {  	s25 =	sadd.s32 s4, s11;
	[tilespmem:s18+$0xC070] =	vst.add.f32.msk $0xffff, v4  }
0x326: {  	[hbm4b:s25+s12] =	stream.strided.scatter [tilespmem:s28], [sflag:$0x4], $0xC000, s13, s12, $0x38;
	[tilespmem:$0x1E100] =	vst v63  }
0x327: {  	s7 =	simm.s32 $0x4  }
0x328: {  	_ =	swait.ge [sflag:s7], $0xC000  }
0x329: {  	s11 =	rddreg [dreg:$0x6]  }
0x32a: {  	s0 =	rddreg [dreg:$0x5];
	s11 =	sadd.s32 $0x1, s11  }
0x32b: {  	p0 =	sne.s32 s11, s0  }
.Ltmp3:
0x32c: {  	_ = 	snop;
	(pc) =	sbr.rel @p0 .LBB2_1-.Ltmp3, $3  }
0x32d: {  	_ =	sdelay $0x1  }
0x32e: {  	[sflag:s7] =	ssyncset.done $0x0  }
0x32f: {  	[sflag:s7] =	ssyncadd.s32 $0xFFFF4000  }
0x330: {  	_ =	sfence.sel $0x180000  }
0x331: {  	[bflag:$0x0] =	sbarrier.arrive $0xFFFF  }
0x332: {  	_ =	strace $0x90000047  }
0x333: {  	s0 =	stileid.u32;
	[bflag:$0x2] =	sbarrier.arrive $0xFFFF  }
0x334: {  	p0 =	sne.s32 s0, $0x0;
	s0 =	rddreg [dreg:$0x3]  }
0x335: {  	s0 =	sadd.s32 @!p0 $0x100000, s0  }
0x336: {  	[sflag:s0] =	ssyncadd.tile.s32 @!p0 $0x1;
	_ =	shalt  }
.Lfunc_end2:
_tile_overlayer_lowered:
.L_overlay_start_2:
0x337: {  	(tag) =	ssettag $0x2  }
0x338: {  	s0 =	rddreg [dreg:$0x0];
	s2 =	stileid.u32  }
0x339: {  	s1 =	rddreg [dreg:$0x1];
	p0 =	sne.s32 s2, $0x0  }
0x33a: {  	s3 =	rddreg [dreg:$0x2];
	[bflag:$0x3] =	sbarrier.arrive $0xFFFF;
	s2 =	simm.s32 @!p0 $0x1C07  }
0x33b: {  	[timem:s3], [sflag:s2] =	dma.local @!p0 [hbm:s0], s1  }
0x33c: {  	s0 =	simm.s32 @!p0 $0x7  }
0x33d: {  	_ =	swait.ge @!p0 [sflag:s0], s1  }
0x33e: {  	s1 =	ssub.s32 @!p0 $0x0, s1;
	[sflag:s0] =	ssyncset.done @!p0 $0x0  }
0x33f: {  	[sflag:s0] =	ssyncadd.s32 @!p0 s1  }
0x340: {  	[bflag:$0x3] =	sbarrier.arrive $0xFFFF  }
0x341: {  	_ =	shalt  }

</sc_bundles>
